<compile_context>
chip_gen: v7x
topology: tpu7x:2x2x1
jax: 0.10.2.dev20260603
libtpu: 0.0.44.dev20260713+nightly
codegen_flags: <defaults>
</compile_context>

<pallas_src>
import functools

import jax
import jax.numpy as jnp
from jax import lax
from jax.experimental import pallas as pl
from jax.experimental.pallas import tpu as pltpu
from jax.experimental.pallas import tpu_sc as plsc

N = 10000
E = 320000
D = 128
NUM_REL = 16
B = 65536

NP = 10240
NC, NS, L = 2, 16, 16
NW = NC * NS
EW = E // NW
K = 80
NCHUNK = EW // K
NG = K // L
ROWS_PT = NP // NS
BW = B // NW
KD = 128
NCH_D = BW // KD
BBLK = 4096

_f32 = jnp.float32
_i32 = jnp.int32



def _prep_from_h(h2d, a_src, a_dst):
  as_row = lax.dot_general(a_src, h2d, (((1,), (1,)), ((), ())),
                           preferred_element_type=_f32)
  ad_row = lax.dot_general(a_dst, h2d, (((1,), (1,)), ((), ())),
                           preferred_element_type=_f32)
  gmax_row = jnp.full((1, L), jnp.max(as_row), _f32)
  return as_row, ad_row, gmax_row


def _prep1_body(x_ref, w_ref, asrc_ref, adst_ref,
                h_ref, as_ref, ad_ref, gm_ref):
  h2d = lax.dot_general(x_ref[...], w_ref[...], (((1,), (0,)), ((), ())),
                        preferred_element_type=_f32)
  as_row, ad_row, gmax_row = _prep_from_h(h2d, asrc_ref[...], adst_ref[...])
  h_ref[...] = h2d
  as_ref[...] = as_row
  ad_ref[...] = ad_row
  gm_ref[...] = gmax_row


def _combine(feat, den):
  s = feat[:NP] + feat[NP:]
  den_row = den[0:1, :] + den[1:2, :]
  dcol = den_row.reshape(NP, 1)
  return jnp.where(dcol != 0.0, s / dcol, 0.0)


def _mid_body(feat_ref, den_ref, w_ref, asrc_ref, adst_ref,
              h_ref, as_ref, ad_ref, gm_ref):
  out = _combine(feat_ref[...], den_ref[...])
  h1 = out * jax.nn.sigmoid(out)
  h2 = lax.dot_general(h1, w_ref[...], (((1,), (0,)), ((), ())),
                       preferred_element_type=_f32)
  as_row, ad_row, gmax_row = _prep_from_h(h2, asrc_ref[...], adst_ref[...])
  h_ref[...] = h2
  as_ref[...] = as_row
  ad_ref[...] = ad_row
  gm_ref[...] = gmax_row


def _final_body(feat_ref, den_ref, ne_ref):
  ne_ref[...] = _combine(feat_ref[...], den_ref[...])


def _decode_tc_body(h_ref, t_ref, rt_ref, rel_ref, out_ref):
  nb = BBLK // D
  prod = (h_ref[...] * t_ref[...]).reshape(nb, D, D)
  rt = rt_ref[...]
  score = jnp.zeros((nb, D), _f32)
  for r in range(NUM_REL):
    pr = jnp.sum(prod * rel_ref[r, :][None, None, :], axis=-1)
    score = score + jnp.where(rt == r, pr, 0.0)
  out_ref[...] = jax.nn.sigmoid(score)



_mesh = plsc.VectorSubcoreMesh(core_axis_name="c", subcore_axis_name="s")
_sc_params = pltpu.CompilerParams(needs_layout_passes=False,
                                  use_tc_tiling_on_sc=False)


@functools.partial(
    pl.kernel,
    out_type=(jax.ShapeDtypeStruct((2 * NP, D), _f32),
              jax.ShapeDtypeStruct((2 * NP,), _f32)),
    mesh=_mesh,
    compiler_params=_sc_params,
    scratch_types=[
        pltpu.VMEM((K,), _i32),
        pltpu.VMEM((K,), _i32),
        pltpu.VMEM((K,), _i32),
        pltpu.VMEM((K,), _i32),
        pltpu.VMEM((K, D), _f32),
        pltpu.VMEM((K, D), _f32),
        pltpu.VMEM((K,), _f32),
        pltpu.VMEM((NP,), _f32),
        pltpu.VMEM((NP,), _f32),
        pltpu.VMEM((L,), _f32),
        pltpu.VMEM_SHARED((NP, D), _f32),
        pltpu.VMEM_SHARED((NP,), _f32),
        pltpu.SemaphoreType.DMA,
        pltpu.SemaphoreType.DMA,
        pltpu.SemaphoreType.DMA,
        pltpu.SemaphoreType.DMA,
        pltpu.SemaphoreType.DMA,
        pltpu.SemaphoreType.DMA,
    ],
)
def _gat_sc(h_hbm, as_hbm, ad_hbm, gm_hbm, src_hbm, dst_hbm,
            feat_hbm, den_hbm,
            srcb0, srcb1, dstb0, dstb1, rows0, rows1, eeb, asb, adb, gmaxb,
            acc, dacc, semr0, semr1, si0, si1, di0, di1):
  cid = lax.axis_index("c")
  sid = lax.axis_index("s")
  wid = cid * NS + sid

  pltpu.sync_copy(as_hbm.at[0], asb)
  pltpu.sync_copy(ad_hbm.at[0], adb)
  pltpu.sync_copy(gm_hbm.at[0], gmaxb)

  zeros16 = jnp.zeros((L,), _f32)

  def _zero_row(j, carry):
    for q in range(D // L):
      rows0[j, pl.ds(q * L, L)] = zeros16
    return carry

  lax.fori_loop(0, K, _zero_row, 0)
  for g in range(K // L):
    eeb[pl.ds(g * L, L)] = zeros16
  for t in range(ROWS_PT // K):
    pltpu.sync_copy(rows0, acc.at[pl.ds(sid * ROWS_PT + t * K, K)])
    pltpu.sync_copy(eeb, dacc.at[pl.ds(sid * ROWS_PT + t * K, K)])

  pltpu.async_copy(src_hbm.at[wid, 0], srcb0, si0)
  pltpu.async_copy(dst_hbm.at[wid, 0], dstb0, di0)
  pltpu.async_copy(src_hbm.at[wid, 1], srcb1, si1)
  pltpu.async_copy(dst_hbm.at[wid, 1], dstb1, di1)
  pltpu.make_async_copy(src_hbm.at[wid, 0], srcb0, si0).wait()
  pltpu.async_copy(h_hbm.at[srcb0], rows0, semr0)
  gv = gmaxb[...]
  plsc.subcore_barrier()

  def _step(ch, rows_c, semr_c, srcb_c, dstb_c, si_c, di_c,
            rows_n, semr_n, srcb_n, dstb_n, si_n, di_n):
    pltpu.make_async_copy(h_hbm.at[srcb_c], rows_c, semr_c).wait()

    @pl.when(ch + 1 < NCHUNK)
    def _issue_next():
      pltpu.make_async_copy(src_hbm.at[wid, ch + 1], srcb_n, si_n).wait()
      pltpu.async_copy(h_hbm.at[srcb_n], rows_n, semr_n)

    pltpu.make_async_copy(dst_hbm.at[wid, ch], dstb_c, di_c).wait()

    @plsc.parallel_loop(0, K // L)
    def _ee_loop(g):
      sv = srcb_c[pl.ds(g * L, L)]
      dv = dstb_c[pl.ds(g * L, L)]
      asv = plsc.load_gather(asb, [sv])
      adv = plsc.load_gather(adb, [dv])
      cv = adv + gv
      cv = jnp.where(cv > 0, cv, 0.2 * cv)
      e = asv + adv
      e = jnp.where(e > 0, e, 0.2 * e)
      eeb[pl.ds(g * L, L)] = jnp.exp(e - cv)

    @plsc.parallel_loop(0, K)
    def _scale_loop(k):
      s = plsc.load_gather(eeb, [jnp.full((L,), 0, _i32) + k])
      for q in range(D // L):
        rows_c[k, pl.ds(q * L, L)] = rows_c[k, pl.ds(q * L, L)] * s

    pltpu.sync_copy(rows_c, acc.at[dstb_c], add=True)
    pltpu.sync_copy(eeb, dacc.at[dstb_c], add=True)

    @pl.when(ch + 2 < NCHUNK)
    def _prefetch_idx():
      pltpu.async_copy(src_hbm.at[wid, ch + 2], srcb_c, si_c)
      pltpu.async_copy(dst_hbm.at[wid, ch + 2], dstb_c, di_c)

  def _pair(i, carry):
    _step(2 * i, rows0, semr0, srcb0, dstb0, si0, di0,
          rows1, semr1, srcb1, dstb1, si1, di1)

    @pl.when(2 * i + 1 < NCHUNK)
    def _odd():
      _step(2 * i + 1, rows1, semr1, srcb1, dstb1, si1, di1,
            rows0, semr0, srcb0, dstb0, si0, di0)

    return carry

  lax.fori_loop(0, (NCHUNK + 1) // 2, _pair, 0)
  plsc.subcore_barrier()

  nwr = ROWS_PT // K
  for t in range(nwr):
    sl = sid * ROWS_PT + t * K
    rows_t = rows0 if t % 2 == 0 else rows1
    sem_t = semr0 if t % 2 == 0 else semr1
    if t >= 2:
      slp = sid * ROWS_PT + (t - 2) * K
      pltpu.make_async_copy(rows_t, feat_hbm.at[pl.ds(cid * NP + slp, K)],
                            sem_t).wait()
    pltpu.sync_copy(acc.at[pl.ds(sl, K)], rows_t)
    pltpu.async_copy(rows_t, feat_hbm.at[pl.ds(cid * NP + sl, K)], sem_t)
    pltpu.sync_copy(dacc.at[pl.ds(sl, K)], eeb)
    pltpu.sync_copy(eeb, den_hbm.at[pl.ds(cid * NP + sl, K)])
  for t in (nwr - 2, nwr - 1):
    sl = sid * ROWS_PT + t * K
    rows_t = rows0 if t % 2 == 0 else rows1
    sem_t = semr0 if t % 2 == 0 else semr1
    pltpu.make_async_copy(rows_t, feat_hbm.at[pl.ds(cid * NP + sl, K)],
                          sem_t).wait()


@functools.partial(
    pl.kernel,
    out_type=(jax.ShapeDtypeStruct((B, D), _f32),
              jax.ShapeDtypeStruct((B, D), _f32)),
    mesh=_mesh,
    compiler_params=_sc_params,
    scratch_types=[
        pltpu.VMEM((NCH_D, KD), _i32),
        pltpu.VMEM((NCH_D, KD), _i32),
        pltpu.VMEM((KD, D), _f32),
        pltpu.VMEM((KD, D), _f32),
        pltpu.VMEM((KD, D), _f32),
        pltpu.VMEM((KD, D), _f32),
        pltpu.SemaphoreType.DMA,
        pltpu.SemaphoreType.DMA,
        pltpu.SemaphoreType.DMA,
        pltpu.SemaphoreType.DMA,
        pltpu.SemaphoreType.DMA,
        pltpu.SemaphoreType.DMA,
        pltpu.SemaphoreType.DMA,
        pltpu.SemaphoreType.DMA,
    ],
)
def _gather_sc(ne_hbm, hidx_hbm, tidx_hbm, hout_hbm, tout_hbm,
               hb_all, tb_all, hr0, hr1, tr0, tr1,
               semh0, semh1, semt0, semt1, wh0, wh1, wt0, wt1):
  cid = lax.axis_index("c")
  sid = lax.axis_index("s")
  wid = cid * NS + sid

  pltpu.sync_copy(hidx_hbm.at[wid], hb_all)
  pltpu.sync_copy(tidx_hbm.at[wid], tb_all)
  pltpu.async_copy(ne_hbm.at[hb_all.at[0]], hr0, semh0)
  pltpu.async_copy(ne_hbm.at[tb_all.at[0]], tr0, semt0)

  def _wait_writes(ch, hr, tr, wh, wt):
    base = wid * BW + ch * KD
    pltpu.make_async_copy(hr, hout_hbm.at[pl.ds(base, KD)], wh).wait()
    pltpu.make_async_copy(tr, tout_hbm.at[pl.ds(base, KD)], wt).wait()

  def _step(ch, hr, tr, semh, semt, wh, wt,
            hrn, trn, semhn, semtn, whn, wtn):
    pltpu.make_async_copy(ne_hbm.at[hb_all.at[ch]], hr, semh).wait()
    pltpu.make_async_copy(ne_hbm.at[tb_all.at[ch]], tr, semt).wait()

    @pl.when(ch + 1 < NCH_D)
    def _issue_next():
      @pl.when(ch > 0)
      def _drain_prev_writes():
        _wait_writes(ch - 1, hrn, trn, whn, wtn)

      pltpu.async_copy(ne_hbm.at[hb_all.at[ch + 1]], hrn, semhn)
      pltpu.async_copy(ne_hbm.at[tb_all.at[ch + 1]], trn, semtn)

    base = wid * BW + ch * KD
    pltpu.async_copy(hr, hout_hbm.at[pl.ds(base, KD)], wh)
    pltpu.async_copy(tr, tout_hbm.at[pl.ds(base, KD)], wt)

  def _pair(i, carry):
    _step(2 * i, hr0, tr0, semh0, semt0, wh0, wt0,
          hr1, tr1, semh1, semt1, wh1, wt1)
    _step(2 * i + 1, hr1, tr1, semh1, semt1, wh1, wt1,
          hr0, tr0, semh0, semt0, wh0, wt0)
    return carry

  lax.fori_loop(0, NCH_D // 2, _pair, 0)
  _wait_writes(NCH_D - 2, hr0, tr0, wh0, wt0)
  _wait_writes(NCH_D - 1, hr1, tr1, wh1, wt1)



def _tc_call(body, out_shapes, *args):
  return pl.pallas_call(
      body,
      out_shape=[jax.ShapeDtypeStruct(s, _f32) for s in out_shapes],
  )(*args)


def kernel(x, W1, a1_src, a1_dst, W2, a2_src, a2_dst, rel_emb,
           edge_index, head_indices, rel_types, tail_indices):
  x_pad = jnp.pad(x, ((0, NP - N), (0, 0)))
  src = edge_index[0].reshape(NW, NCHUNK, K)
  dst = edge_index[1].reshape(NW, NCHUNK, K)

  h1, as1, ad1, gm1 = _tc_call(
      _prep1_body,
      [(NP, D), (1, NP), (1, NP), (1, L)],
      x_pad, W1, a1_src.reshape(1, D), a1_dst.reshape(1, D))

  feat1, den1 = _gat_sc(h1, as1, ad1, gm1, src, dst)

  h2, as2, ad2, gm2 = _tc_call(
      _mid_body,
      [(NP, D), (1, NP), (1, NP), (1, L)],
      feat1, den1.reshape(2, NP), W2, a2_src.reshape(1, D),
      a2_dst.reshape(1, D))

  feat2, den2 = _gat_sc(h2, as2, ad2, gm2, src, dst)

  (node_emb,) = _tc_call(_final_body, [(NP, D)],
                         feat2, den2.reshape(2, NP))

  hrows, trows = _gather_sc(node_emb,
                            head_indices.reshape(NW, NCH_D, KD),
                            tail_indices.reshape(NW, NCH_D, KD))

  nblk = B // BBLK
  scores = pl.pallas_call(
      _decode_tc_body,
      grid=(nblk,),
      in_specs=[
          pl.BlockSpec((BBLK, D), lambda i: (i, 0)),
          pl.BlockSpec((BBLK, D), lambda i: (i, 0)),
          pl.BlockSpec((BBLK // D, D), lambda i: (i, 0)),
          pl.BlockSpec((NUM_REL, D), lambda i: (0, 0)),
      ],
      out_specs=pl.BlockSpec((BBLK // D, D), lambda i: (i, 0)),
      out_shape=jax.ShapeDtypeStruct((B // D, D), _f32),
  )(hrows, trows, rel_types.reshape(B // D, D), rel_emb)

  return scores.reshape(B)

# --- scband reference (transcript-rebuilt; emitter-appended) ---
"""Pipeline reference for scband-kglink-predictor-58660663329127 (READ-ONLY COPY).

The authoritative reference and input builder live on the scoring server;
editing this copy changes nothing except your own understanding.
"""

import jax, jax.numpy as jnp
import numpy as np

N = 10000
E = 320000
D_IN = 128
D_HID = 128
NUM_REL = 16
B = 65536


def setup_inputs(seed: int = 0) -> dict:
    key = jax.random.key(seed)
    ks = jax.random.split(key, 12)
    x = jax.random.normal(ks[0], (N, D_IN), dtype=jnp.float32)
    edge_index = jax.random.randint(ks[1], (2, E), 0, N, dtype=jnp.int32)
    s1 = float(np.sqrt(6.0 / (D_IN + D_HID)))
    W1 = jax.random.uniform(ks[2], (D_IN, D_HID), minval=-s1, maxval=s1, dtype=jnp.float32)
    a1_src = jax.random.uniform(ks[3], (D_HID,), minval=-s1, maxval=s1, dtype=jnp.float32)
    a1_dst = jax.random.uniform(ks[4], (D_HID,), minval=-s1, maxval=s1, dtype=jnp.float32)
    s2 = float(np.sqrt(6.0 / (D_HID + D_HID)))
    W2 = jax.random.uniform(ks[5], (D_HID, D_HID), minval=-s2, maxval=s2, dtype=jnp.float32)
    a2_src = jax.random.uniform(ks[6], (D_HID,), minval=-s2, maxval=s2, dtype=jnp.float32)
    a2_dst = jax.random.uniform(ks[7], (D_HID,), minval=-s2, maxval=s2, dtype=jnp.float32)
    sr = float(np.sqrt(6.0 / (NUM_REL + D_HID)))
    rel_emb = jax.random.uniform(ks[8], (NUM_REL, D_HID), minval=-sr, maxval=sr, dtype=jnp.float32)
    head_indices = jax.random.randint(ks[9], (B,), 0, N, dtype=jnp.int32)
    rel_types = jax.random.randint(ks[10], (B,), 0, NUM_REL, dtype=jnp.int32)
    tail_indices = jax.random.randint(ks[11], (B,), 0, N, dtype=jnp.int32)
    return {
        'x': x,
        'W1': W1, 'a1_src': a1_src, 'a1_dst': a1_dst,
        'W2': W2, 'a2_src': a2_src, 'a2_dst': a2_dst,
        'rel_emb': rel_emb,
        'edge_index': edge_index,
        'head_indices': head_indices,
        'rel_types': rel_types,
        'tail_indices': tail_indices,
    }


def _gat_layer(x, edge_index, W, a_src, a_dst):
    src = edge_index[0]
    dst = edge_index[1]
    h = x @ W
    alpha_s = h @ a_src
    alpha_d = h @ a_dst
    e = alpha_s[src] + alpha_d[dst]
    e = jnp.where(e > 0, e, 0.2 * e)  # LeakyReLU(0.2), GAT default
    emax = jax.ops.segment_max(e, dst, num_segments=N)
    emax = jnp.where(jnp.isfinite(emax), emax, 0.0)
    ee = jnp.exp(e - jax.lax.stop_gradient(emax)[dst])
    denom = jax.ops.segment_sum(ee, dst, num_segments=N)
    alpha = ee / (denom[dst] + 1e-16)
    out = jax.ops.segment_sum(h[src] * alpha[:, None], dst, num_segments=N)
    return out


def reference(x, W1, a1_src, a1_dst, W2, a2_src, a2_dst, rel_emb,
              edge_index, head_indices, rel_types, tail_indices):
    # Encoder: 2-layer GAT (add_self_loops=False) with SiLU in between
    h1 = jax.nn.silu(_gat_layer(x, edge_index, W1, a1_src, a1_dst))
    node_emb = _gat_layer(h1, edge_index, W2, a2_src, a2_dst)
    # DistMult decoder: (head * rel * tail).sum(-1), then sigmoid
    head = jnp.take(node_emb, head_indices, axis=0)
    tail = jnp.take(node_emb, tail_indices, axis=0)
    rel = jnp.take(rel_emb, rel_types, axis=0)
    score = jnp.sum(head * rel * tail, axis=-1)
    return jax.nn.sigmoid(score)

if __name__ == "__main__":
    import jax
    _d = setup_inputs()
    print(jax.jit(kernel)(*tuple(_d.values())))

</pallas_src>

<mosaic_0001>
#map = affine_map<(d0, d1) -> (0, 0)>
#map1 = affine_map<(d0, d1) -> (0, 0, 0)>
#map2 = affine_map<(d0, d1) -> (0)>
module attributes {stable_mosaic.version = 14 : i64} {
  func.func @_gat_sc(%arg0: i32, %arg1: i32, %arg2: memref<10240x128xf32, #tpu.memory_space<hbm>>, %arg3: memref<1x10240xf32, #tpu.memory_space<hbm>>, %arg4: memref<1x10240xf32, #tpu.memory_space<hbm>>, %arg5: memref<1x16xf32, #tpu.memory_space<hbm>>, %arg6: memref<32x125x80xi32, #tpu.memory_space<hbm>>, %arg7: memref<32x125x80xi32, #tpu.memory_space<hbm>>, %arg8: memref<20480x128xf32, #tpu.memory_space<hbm>>, %arg9: memref<20480xf32, #tpu.memory_space<hbm>>, %arg10: memref<80xi32, #tpu.memory_space<vmem>>, %arg11: memref<80xi32, #tpu.memory_space<vmem>>, %arg12: memref<80xi32, #tpu.memory_space<vmem>>, %arg13: memref<80xi32, #tpu.memory_space<vmem>>, %arg14: memref<80x128xf32, #tpu.memory_space<vmem>>, %arg15: memref<80x128xf32, #tpu.memory_space<vmem>>, %arg16: memref<80xf32, #tpu.memory_space<vmem>>, %arg17: memref<10240xf32, #tpu.memory_space<vmem>>, %arg18: memref<10240xf32, #tpu.memory_space<vmem>>, %arg19: memref<16xf32, #tpu.memory_space<vmem>>, %arg20: memref<10240x128xf32, #tpu.memory_space<vmem_shared>>, %arg21: memref<10240xf32, #tpu.memory_space<vmem_shared>>, %arg22: memref<!tpu.dma_semaphore, #tpu.memory_space<semaphore_mem>>, %arg23: memref<!tpu.dma_semaphore, #tpu.memory_space<semaphore_mem>>, %arg24: memref<!tpu.dma_semaphore, #tpu.memory_space<semaphore_mem>>, %arg25: memref<!tpu.dma_semaphore, #tpu.memory_space<semaphore_mem>>, %arg26: memref<!tpu.dma_semaphore, #tpu.memory_space<semaphore_mem>>, %arg27: memref<!tpu.dma_semaphore, #tpu.memory_space<semaphore_mem>>) attributes {dimension_semantics = [#tpu.dimension_semantics<core_parallel>, #tpu.dimension_semantics<subcore_parallel>], iteration_bounds = array<i64: 2, 16>, scalar_prefetch = 0 : i64, scratch_operands = 18 : i64, tpu.core_type = #tpu.core_type<sc_vector_subcore>, window_params = [{transform_indices = #map}, {transform_indices = #map}, {transform_indices = #map}, {transform_indices = #map}, {transform_indices = #map1}, {transform_indices = #map1}, {transform_indices = #map}, {transform_indices = #map2}]} {
    %mul3A = arith.constant 16 : i32
    %mul3A_0 = arith.muli %arg0, %mul3A : i32
    %add3A = arith.addi %mul3A_0, %arg1 : i32
    %run_scoped3A = arith.constant 0 : i32
    "tpu.region"() ({
      %run_scoped3A_326 = tpu.sem_alloc : memref<!tpu.dma_semaphore, #tpu.memory_space<semaphore_mem>>
      %dma_start3A_327 = arith.constant 0 : i32
      %dma_start3A_328 = tpu.memref_slice %arg3[%run_scoped3A, %dma_start3A_327] : memref<1x10240xf32, #tpu.memory_space<hbm>> -> memref<1x10240xf32, #tpu.memory_space<hbm>>
      %dma_start3A_329 = tpu.memref_squeeze %dma_start3A_328 : memref<1x10240xf32, #tpu.memory_space<hbm>> -> memref<10240xf32, #tpu.memory_space<hbm>>
      %dma_start3A_330 = arith.constant 0 : i32
      %dma_start3A_331 = tpu.memref_slice %arg3[%run_scoped3A, %dma_start3A_330] : memref<1x10240xf32, #tpu.memory_space<hbm>> -> memref<1x10240xf32, #tpu.memory_space<hbm>>
      %dma_start3A_332 = tpu.memref_squeeze %dma_start3A_331 : memref<1x10240xf32, #tpu.memory_space<hbm>> -> memref<10240xf32, #tpu.memory_space<hbm>>
      tpu.enqueue_dma source(%dma_start3A_332 : memref<10240xf32, #tpu.memory_space<hbm>>) target(%arg17 : memref<10240xf32, #tpu.memory_space<vmem>>) target_semaphore(%run_scoped3A_326 : memref<!tpu.dma_semaphore, #tpu.memory_space<semaphore_mem>>)
      %dma_wait3A_333 = arith.constant 0 : i32
      %dma_wait3A_334 = tpu.memref_slice %arg3[%run_scoped3A, %dma_wait3A_333] : memref<1x10240xf32, #tpu.memory_space<hbm>> -> memref<1x10240xf32, #tpu.memory_space<hbm>>
      %dma_wait3A_335 = tpu.memref_squeeze %dma_wait3A_334 : memref<1x10240xf32, #tpu.memory_space<hbm>> -> memref<10240xf32, #tpu.memory_space<hbm>>
      %dma_wait3A_336 = arith.constant 0 : i32
      %dma_wait3A_337 = tpu.memref_slice %arg3[%run_scoped3A, %dma_wait3A_336] : memref<1x10240xf32, #tpu.memory_space<hbm>> -> memref<1x10240xf32, #tpu.memory_space<hbm>>
      %dma_wait3A_338 = tpu.memref_squeeze %dma_wait3A_337 : memref<1x10240xf32, #tpu.memory_space<hbm>> -> memref<10240xf32, #tpu.memory_space<hbm>>
      tpu.wait_dma2 semaphore(%run_scoped3A_326 : memref<!tpu.dma_semaphore, #tpu.memory_space<semaphore_mem>>) src(%dma_wait3A_338 : memref<10240xf32, #tpu.memory_space<hbm>>) dst(%arg17 : memref<10240xf32, #tpu.memory_space<vmem>>)
      tpu.yield
    }) : () -> ()
    %run_scoped3A_1 = arith.constant 0 : i32
    "tpu.region"() ({
      %run_scoped3A_326 = tpu.sem_alloc : memref<!tpu.dma_semaphore, #tpu.memory_space<semaphore_mem>>
      %dma_start3A_327 = arith.constant 0 : i32
      %dma_start3A_328 = tpu.memref_slice %arg4[%run_scoped3A_1, %dma_start3A_327] : memref<1x10240xf32, #tpu.memory_space<hbm>> -> memref<1x10240xf32, #tpu.memory_space<hbm>>
      %dma_start3A_329 = tpu.memref_squeeze %dma_start3A_328 : memref<1x10240xf32, #tpu.memory_space<hbm>> -> memref<10240xf32, #tpu.memory_space<hbm>>
      %dma_start3A_330 = arith.constant 0 : i32
      %dma_start3A_331 = tpu.memref_slice %arg4[%run_scoped3A_1, %dma_start3A_330] : memref<1x10240xf32, #tpu.memory_space<hbm>> -> memref<1x10240xf32, #tpu.memory_space<hbm>>
      %dma_start3A_332 = tpu.memref_squeeze %dma_start3A_331 : memref<1x10240xf32, #tpu.memory_space<hbm>> -> memref<10240xf32, #tpu.memory_space<hbm>>
      tpu.enqueue_dma source(%dma_start3A_332 : memref<10240xf32, #tpu.memory_space<hbm>>) target(%arg18 : memref<10240xf32, #tpu.memory_space<vmem>>) target_semaphore(%run_scoped3A_326 : memref<!tpu.dma_semaphore, #tpu.memory_space<semaphore_mem>>)
      %dma_wait3A_333 = arith.constant 0 : i32
      %dma_wait3A_334 = tpu.memref_slice %arg4[%run_scoped3A_1, %dma_wait3A_333] : memref<1x10240xf32, #tpu.memory_space<hbm>> -> memref<1x10240xf32, #tpu.memory_space<hbm>>
      %dma_wait3A_335 = tpu.memref_squeeze %dma_wait3A_334 : memref<1x10240xf32, #tpu.memory_space<hbm>> -> memref<10240xf32, #tpu.memory_space<hbm>>
      %dma_wait3A_336 = arith.constant 0 : i32
      %dma_wait3A_337 = tpu.memref_slice %arg4[%run_scoped3A_1, %dma_wait3A_336] : memref<1x10240xf32, #tpu.memory_space<hbm>> -> memref<1x10240xf32, #tpu.memory_space<hbm>>
      %dma_wait3A_338 = tpu.memref_squeeze %dma_wait3A_337 : memref<1x10240xf32, #tpu.memory_space<hbm>> -> memref<10240xf32, #tpu.memory_space<hbm>>
      tpu.wait_dma2 semaphore(%run_scoped3A_326 : memref<!tpu.dma_semaphore, #tpu.memory_space<semaphore_mem>>) src(%dma_wait3A_338 : memref<10240xf32, #tpu.memory_space<hbm>>) dst(%arg18 : memref<10240xf32, #tpu.memory_space<vmem>>)
      tpu.yield
    }) : () -> ()
    %run_scoped3A_2 = arith.constant 0 : i32
    "tpu.region"() ({
      %run_scoped3A_326 = tpu.sem_alloc : memref<!tpu.dma_semaphore, #tpu.memory_space<semaphore_mem>>
      %dma_start3A_327 = arith.constant 0 : i32
      %dma_start3A_328 = tpu.memref_slice %arg5[%run_scoped3A_2, %dma_start3A_327] : memref<1x16xf32, #tpu.memory_space<hbm>> -> memref<1x16xf32, #tpu.memory_space<hbm>>
      %dma_start3A_329 = tpu.memref_squeeze %dma_start3A_328 : memref<1x16xf32, #tpu.memory_space<hbm>> -> memref<16xf32, #tpu.memory_space<hbm>>
      %dma_start3A_330 = arith.constant 0 : i32
      %dma_start3A_331 = tpu.memref_slice %arg5[%run_scoped3A_2, %dma_start3A_330] : memref<1x16xf32, #tpu.memory_space<hbm>> -> memref<1x16xf32, #tpu.memory_space<hbm>>
      %dma_start3A_332 = tpu.memref_squeeze %dma_start3A_331 : memref<1x16xf32, #tpu.memory_space<hbm>> -> memref<16xf32, #tpu.memory_space<hbm>>
      tpu.enqueue_dma source(%dma_start3A_332 : memref<16xf32, #tpu.memory_space<hbm>>) target(%arg19 : memref<16xf32, #tpu.memory_space<vmem>>) target_semaphore(%run_scoped3A_326 : memref<!tpu.dma_semaphore, #tpu.memory_space<semaphore_mem>>)
      %dma_wait3A_333 = arith.constant 0 : i32
      %dma_wait3A_334 = tpu.memref_slice %arg5[%run_scoped3A_2, %dma_wait3A_333] : memref<1x16xf32, #tpu.memory_space<hbm>> -> memref<1x16xf32, #tpu.memory_space<hbm>>
      %dma_wait3A_335 = tpu.memref_squeeze %dma_wait3A_334 : memref<1x16xf32, #tpu.memory_space<hbm>> -> memref<16xf32, #tpu.memory_space<hbm>>
      %dma_wait3A_336 = arith.constant 0 : i32
      %dma_wait3A_337 = tpu.memref_slice %arg5[%run_scoped3A_2, %dma_wait3A_336] : memref<1x16xf32, #tpu.memory_space<hbm>> -> memref<1x16xf32, #tpu.memory_space<hbm>>
      %dma_wait3A_338 = tpu.memref_squeeze %dma_wait3A_337 : memref<1x16xf32, #tpu.memory_space<hbm>> -> memref<16xf32, #tpu.memory_space<hbm>>
      tpu.wait_dma2 semaphore(%run_scoped3A_326 : memref<!tpu.dma_semaphore, #tpu.memory_space<semaphore_mem>>) src(%dma_wait3A_338 : memref<16xf32, #tpu.memory_space<hbm>>) dst(%arg19 : memref<16xf32, #tpu.memory_space<vmem>>)
      tpu.yield
    }) : () -> ()
    %broadcast_in_dim3A = arith.constant 0.000000e+00 : f32
    %broadcast_in_dim3A_3 = vector.broadcast %broadcast_in_dim3A : f32 to vector<16xf32>
    %scan3A = arith.constant 0 : i32
    %scan3A_4 = arith.constant 0 : i32
    %scan3A_5 = arith.constant 80 : i32
    %scan3A_6 = arith.addi %scan3A_4, %scan3A_5 : i32
    %scan3A_7 = arith.constant 1 : i32
    scf.for %scan3A_326 = %scan3A_4 to %scan3A_6 step %scan3A_7  : i32 {
      %swap3A_327 = arith.index_cast %scan3A_326 : i32 to index
      %swap3A_328 = arith.constant 0 : index
      %swap3A_329 = tpu.vector_load %arg14[%swap3A_327, %swap3A_328] {strides = array<i32>} : memref<80x128xf32, #tpu.memory_space<vmem>>, vector<16xf32>,
      tpu.vector_store %arg14[%swap3A_327, %swap3A_328], %broadcast_in_dim3A_3 {strides = array<i32>} : memref<80x128xf32, #tpu.memory_space<vmem>>, vector<16xf32>,
      %swap3A_330 = arith.index_cast %scan3A_326 : i32 to index
      %swap3A_331 = arith.constant 16 : index
      %swap3A_332 = tpu.vector_load %arg14[%swap3A_330, %swap3A_331] {strides = array<i32>} : memref<80x128xf32, #tpu.memory_space<vmem>>, vector<16xf32>,
      tpu.vector_store %arg14[%swap3A_330, %swap3A_331], %broadcast_in_dim3A_3 {strides = array<i32>} : memref<80x128xf32, #tpu.memory_space<vmem>>, vector<16xf32>,
      %swap3A_333 = arith.index_cast %scan3A_326 : i32 to index
      %swap3A_334 = arith.constant 32 : index
      %swap3A_335 = tpu.vector_load %arg14[%swap3A_333, %swap3A_334] {strides = array<i32>} : memref<80x128xf32, #tpu.memory_space<vmem>>, vector<16xf32>,
      tpu.vector_store %arg14[%swap3A_333, %swap3A_334], %broadcast_in_dim3A_3 {strides = array<i32>} : memref<80x128xf32, #tpu.memory_space<vmem>>, vector<16xf32>,
      %swap3A_336 = arith.index_cast %scan3A_326 : i32 to index
      %swap3A_337 = arith.constant 48 : index
      %swap3A_338 = tpu.vector_load %arg14[%swap3A_336, %swap3A_337] {strides = array<i32>} : memref<80x128xf32, #tpu.memory_space<vmem>>, vector<16xf32>,
      tpu.vector_store %arg14[%swap3A_336, %swap3A_337], %broadcast_in_dim3A_3 {strides = array<i32>} : memref<80x128xf32, #tpu.memory_space<vmem>>, vector<16xf32>,
      %swap3A_339 = arith.index_cast %scan3A_326 : i32 to index
      %swap3A_340 = arith.constant 64 : index
      %swap3A_341 = tpu.vector_load %arg14[%swap3A_339, %swap3A_340] {strides = array<i32>} : memref<80x128xf32, #tpu.memory_space<vmem>>, vector<16xf32>,
      tpu.vector_store %arg14[%swap3A_339, %swap3A_340], %broadcast_in_dim3A_3 {strides = array<i32>} : memref<80x128xf32, #tpu.memory_space<vmem>>, vector<16xf32>,
      %swap3A_342 = arith.index_cast %scan3A_326 : i32 to index
      %swap3A_343 = arith.constant 80 : index
      %swap3A_344 = tpu.vector_load %arg14[%swap3A_342, %swap3A_343] {strides = array<i32>} : memref<80x128xf32, #tpu.memory_space<vmem>>, vector<16xf32>,
      tpu.vector_store %arg14[%swap3A_342, %swap3A_343], %broadcast_in_dim3A_3 {strides = array<i32>} : memref<80x128xf32, #tpu.memory_space<vmem>>, vector<16xf32>,
      %swap3A_345 = arith.index_cast %scan3A_326 : i32 to index
      %swap3A_346 = arith.constant 96 : index
      %swap3A_347 = tpu.vector_load %arg14[%swap3A_345, %swap3A_346] {strides = array<i32>} : memref<80x128xf32, #tpu.memory_space<vmem>>, vector<16xf32>,
      tpu.vector_store %arg14[%swap3A_345, %swap3A_346], %broadcast_in_dim3A_3 {strides = array<i32>} : memref<80x128xf32, #tpu.memory_space<vmem>>, vector<16xf32>,
      %swap3A_348 = arith.index_cast %scan3A_326 : i32 to index
      %swap3A_349 = arith.constant 112 : index
      %swap3A_350 = tpu.vector_load %arg14[%swap3A_348, %swap3A_349] {strides = array<i32>} : memref<80x128xf32, #tpu.memory_space<vmem>>, vector<16xf32>,
      tpu.vector_store %arg14[%swap3A_348, %swap3A_349], %broadcast_in_dim3A_3 {strides = array<i32>} : memref<80x128xf32, #tpu.memory_space<vmem>>, vector<16xf32>,
    }
    %scan3A_8 = arith.constant 80 : i32
    %swap3A = arith.constant 0 : index
    %swap3A_9 = tpu.vector_load %arg16[%swap3A] {strides = array<i32>} : memref<80xf32, #tpu.memory_space<vmem>>, vector<16xf32>,
    tpu.vector_store %arg16[%swap3A], %broadcast_in_dim3A_3 {strides = array<i32>} : memref<80xf32, #tpu.memory_space<vmem>>, vector<16xf32>,
    %swap3A_10 = arith.constant 16 : index
    %swap3A_11 = tpu.vector_load %arg16[%swap3A_10] {strides = array<i32>} : memref<80xf32, #tpu.memory_space<vmem>>, vector<16xf32>,
    tpu.vector_store %arg16[%swap3A_10], %broadcast_in_dim3A_3 {strides = array<i32>} : memref<80xf32, #tpu.memory_space<vmem>>, vector<16xf32>,
    %swap3A_12 = arith.constant 32 : index
    %swap3A_13 = tpu.vector_load %arg16[%swap3A_12] {strides = array<i32>} : memref<80xf32, #tpu.memory_space<vmem>>, vector<16xf32>,
    tpu.vector_store %arg16[%swap3A_12], %broadcast_in_dim3A_3 {strides = array<i32>} : memref<80xf32, #tpu.memory_space<vmem>>, vector<16xf32>,
    %swap3A_14 = arith.constant 48 : index
    %swap3A_15 = tpu.vector_load %arg16[%swap3A_14] {strides = array<i32>} : memref<80xf32, #tpu.memory_space<vmem>>, vector<16xf32>,
    tpu.vector_store %arg16[%swap3A_14], %broadcast_in_dim3A_3 {strides = array<i32>} : memref<80xf32, #tpu.memory_space<vmem>>, vector<16xf32>,
    %swap3A_16 = arith.constant 64 : index
    %swap3A_17 = tpu.vector_load %arg16[%swap3A_16] {strides = array<i32>} : memref<80xf32, #tpu.memory_space<vmem>>, vector<16xf32>,
    tpu.vector_store %arg16[%swap3A_16], %broadcast_in_dim3A_3 {strides = array<i32>} : memref<80xf32, #tpu.memory_space<vmem>>, vector<16xf32>,
    %mul3A_18 = arith.constant 640 : i32
    %mul3A_19 = arith.muli %arg1, %mul3A_18 : i32
    %add3A_20 = arith.constant 0 : i32
    %add3A_21 = arith.addi %mul3A_19, %add3A_20 : i32
    "tpu.region"() ({
      %run_scoped3A_326 = tpu.sem_alloc : memref<!tpu.dma_semaphore, #tpu.memory_space<semaphore_mem>>
      %dma_start3A_327 = arith.constant 0 : i32
      %dma_start3A_328 = tpu.memref_slice %arg20[%add3A_21, %dma_start3A_327] : memref<10240x128xf32, #tpu.memory_space<vmem_shared>> -> memref<80x128xf32, #tpu.memory_space<vmem_shared>>
      %dma_start3A_329 = arith.constant 0 : i32
      %dma_start3A_330 = tpu.memref_slice %arg20[%add3A_21, %dma_start3A_329] : memref<10240x128xf32, #tpu.memory_space<vmem_shared>> -> memref<80x128xf32, #tpu.memory_space<vmem_shared>>
      tpu.enqueue_dma source(%arg14 : memref<80x128xf32, #tpu.memory_space<vmem>>) target(%dma_start3A_330 : memref<80x128xf32, #tpu.memory_space<vmem_shared>>) target_semaphore(%run_scoped3A_326 : memref<!tpu.dma_semaphore, #tpu.memory_space<semaphore_mem>>)
      %dma_wait3A_331 = arith.constant 0 : i32
      %dma_wait3A_332 = tpu.memref_slice %arg20[%add3A_21, %dma_wait3A_331] : memref<10240x128xf32, #tpu.memory_space<vmem_shared>> -> memref<80x128xf32, #tpu.memory_space<vmem_shared>>
      %dma_wait3A_333 = arith.constant 0 : i32
      %dma_wait3A_334 = tpu.memref_slice %arg20[%add3A_21, %dma_wait3A_333] : memref<10240x128xf32, #tpu.memory_space<vmem_shared>> -> memref<80x128xf32, #tpu.memory_space<vmem_shared>>
      tpu.wait_dma2 semaphore(%run_scoped3A_326 : memref<!tpu.dma_semaphore, #tpu.memory_space<semaphore_mem>>) src(%arg14 : memref<80x128xf32, #tpu.memory_space<vmem>>) dst(%dma_wait3A_334 : memref<80x128xf32, #tpu.memory_space<vmem_shared>>)
      tpu.yield
    }) : () -> ()
    %mul3A_22 = arith.constant 640 : i32
    %mul3A_23 = arith.muli %arg1, %mul3A_22 : i32
    %add3A_24 = arith.constant 0 : i32
    %add3A_25 = arith.addi %mul3A_23, %add3A_24 : i32
    "tpu.region"() ({
      %run_scoped3A_326 = tpu.sem_alloc : memref<!tpu.dma_semaphore, #tpu.memory_space<semaphore_mem>>
      %dma_start3A_327 = tpu.memref_slice %arg21[%add3A_25] : memref<10240xf32, #tpu.memory_space<vmem_shared>> -> memref<80xf32, #tpu.memory_space<vmem_shared>>
      %dma_start3A_328 = tpu.memref_slice %arg21[%add3A_25] : memref<10240xf32, #tpu.memory_space<vmem_shared>> -> memref<80xf32, #tpu.memory_space<vmem_shared>>
      tpu.enqueue_dma source(%arg16 : memref<80xf32, #tpu.memory_space<vmem>>) target(%dma_start3A_328 : memref<80xf32, #tpu.memory_space<vmem_shared>>) target_semaphore(%run_scoped3A_326 : memref<!tpu.dma_semaphore, #tpu.memory_space<semaphore_mem>>)
      %dma_wait3A_329 = tpu.memref_slice %arg21[%add3A_25] : memref<10240xf32, #tpu.memory_space<vmem_shared>> -> memref<80xf32, #tpu.memory_space<vmem_shared>>
      %dma_wait3A_330 = tpu.memref_slice %arg21[%add3A_25] : memref<10240xf32, #tpu.memory_space<vmem_shared>> -> memref<80xf32, #tpu.memory_space<vmem_shared>>
      tpu.wait_dma2 semaphore(%run_scoped3A_326 : memref<!tpu.dma_semaphore, #tpu.memory_space<semaphore_mem>>) src(%arg16 : memref<80xf32, #tpu.memory_space<vmem>>) dst(%dma_wait3A_330 : memref<80xf32, #tpu.memory_space<vmem_shared>>)
      tpu.yield
    }) : () -> ()
    %mul3A_26 = arith.constant 640 : i32
    %mul3A_27 = arith.muli %arg1, %mul3A_26 : i32
    %add3A_28 = arith.constant 80 : i32
    %add3A_29 = arith.addi %mul3A_27, %add3A_28 : i32
    "tpu.region"() ({
      %run_scoped3A_326 = tpu.sem_alloc : memref<!tpu.dma_semaphore, #tpu.memory_space<semaphore_mem>>
      %dma_start3A_327 = arith.constant 0 : i32
      %dma_start3A_328 = tpu.memref_slice %arg20[%add3A_29, %dma_start3A_327] : memref<10240x128xf32, #tpu.memory_space<vmem_shared>> -> memref<80x128xf32, #tpu.memory_space<vmem_shared>>
      %dma_start3A_329 = arith.constant 0 : i32
      %dma_start3A_330 = tpu.memref_slice %arg20[%add3A_29, %dma_start3A_329] : memref<10240x128xf32, #tpu.memory_space<vmem_shared>> -> memref<80x128xf32, #tpu.memory_space<vmem_shared>>
      tpu.enqueue_dma source(%arg14 : memref<80x128xf32, #tpu.memory_space<vmem>>) target(%dma_start3A_330 : memref<80x128xf32, #tpu.memory_space<vmem_shared>>) target_semaphore(%run_scoped3A_326 : memref<!tpu.dma_semaphore, #tpu.memory_space<semaphore_mem>>)
      %dma_wait3A_331 = arith.constant 0 : i32
      %dma_wait3A_332 = tpu.memref_slice %arg20[%add3A_29, %dma_wait3A_331] : memref<10240x128xf32, #tpu.memory_space<vmem_shared>> -> memref<80x128xf32, #tpu.memory_space<vmem_shared>>
      %dma_wait3A_333 = arith.constant 0 : i32
      %dma_wait3A_334 = tpu.memref_slice %arg20[%add3A_29, %dma_wait3A_333] : memref<10240x128xf32, #tpu.memory_space<vmem_shared>> -> memref<80x128xf32, #tpu.memory_space<vmem_shared>>
      tpu.wait_dma2 semaphore(%run_scoped3A_326 : memref<!tpu.dma_semaphore, #tpu.memory_space<semaphore_mem>>) src(%arg14 : memref<80x128xf32, #tpu.memory_space<vmem>>) dst(%dma_wait3A_334 : memref<80x128xf32, #tpu.memory_space<vmem_shared>>)
      tpu.yield
    }) : () -> ()
    %mul3A_30 = arith.constant 640 : i32
    %mul3A_31 = arith.muli %arg1, %mul3A_30 : i32
    %add3A_32 = arith.constant 80 : i32
    %add3A_33 = arith.addi %mul3A_31, %add3A_32 : i32
    "tpu.region"() ({
      %run_scoped3A_326 = tpu.sem_alloc : memref<!tpu.dma_semaphore, #tpu.memory_space<semaphore_mem>>
      %dma_start3A_327 = tpu.memref_slice %arg21[%add3A_33] : memref<10240xf32, #tpu.memory_space<vmem_shared>> -> memref<80xf32, #tpu.memory_space<vmem_shared>>
      %dma_start3A_328 = tpu.memref_slice %arg21[%add3A_33] : memref<10240xf32, #tpu.memory_space<vmem_shared>> -> memref<80xf32, #tpu.memory_space<vmem_shared>>
      tpu.enqueue_dma source(%arg16 : memref<80xf32, #tpu.memory_space<vmem>>) target(%dma_start3A_328 : memref<80xf32, #tpu.memory_space<vmem_shared>>) target_semaphore(%run_scoped3A_326 : memref<!tpu.dma_semaphore, #tpu.memory_space<semaphore_mem>>)
      %dma_wait3A_329 = tpu.memref_slice %arg21[%add3A_33] : memref<10240xf32, #tpu.memory_space<vmem_shared>> -> memref<80xf32, #tpu.memory_space<vmem_shared>>
      %dma_wait3A_330 = tpu.memref_slice %arg21[%add3A_33] : memref<10240xf32, #tpu.memory_space<vmem_shared>> -> memref<80xf32, #tpu.memory_space<vmem_shared>>
      tpu.wait_dma2 semaphore(%run_scoped3A_326 : memref<!tpu.dma_semaphore, #tpu.memory_space<semaphore_mem>>) src(%arg16 : memref<80xf32, #tpu.memory_space<vmem>>) dst(%dma_wait3A_330 : memref<80xf32, #tpu.memory_space<vmem_shared>>)
      tpu.yield
    }) : () -> ()
    %mul3A_34 = arith.constant 640 : i32
    %mul3A_35 = arith.muli %arg1, %mul3A_34 : i32
    %add3A_36 = arith.constant 160 : i32
    %add3A_37 = arith.addi %mul3A_35, %add3A_36 : i32
    "tpu.region"() ({
      %run_scoped3A_326 = tpu.sem_alloc : memref<!tpu.dma_semaphore, #tpu.memory_space<semaphore_mem>>
      %dma_start3A_327 = arith.constant 0 : i32
      %dma_start3A_328 = tpu.memref_slice %arg20[%add3A_37, %dma_start3A_327] : memref<10240x128xf32, #tpu.memory_space<vmem_shared>> -> memref<80x128xf32, #tpu.memory_space<vmem_shared>>
      %dma_start3A_329 = arith.constant 0 : i32
      %dma_start3A_330 = tpu.memref_slice %arg20[%add3A_37, %dma_start3A_329] : memref<10240x128xf32, #tpu.memory_space<vmem_shared>> -> memref<80x128xf32, #tpu.memory_space<vmem_shared>>
      tpu.enqueue_dma source(%arg14 : memref<80x128xf32, #tpu.memory_space<vmem>>) target(%dma_start3A_330 : memref<80x128xf32, #tpu.memory_space<vmem_shared>>) target_semaphore(%run_scoped3A_326 : memref<!tpu.dma_semaphore, #tpu.memory_space<semaphore_mem>>)
      %dma_wait3A_331 = arith.constant 0 : i32
      %dma_wait3A_332 = tpu.memref_slice %arg20[%add3A_37, %dma_wait3A_331] : memref<10240x128xf32, #tpu.memory_space<vmem_shared>> -> memref<80x128xf32, #tpu.memory_space<vmem_shared>>
      %dma_wait3A_333 = arith.constant 0 : i32
      %dma_wait3A_334 = tpu.memref_slice %arg20[%add3A_37, %dma_wait3A_333] : memref<10240x128xf32, #tpu.memory_space<vmem_shared>> -> memref<80x128xf32, #tpu.memory_space<vmem_shared>>
      tpu.wait_dma2 semaphore(%run_scoped3A_326 : memref<!tpu.dma_semaphore, #tpu.memory_space<semaphore_mem>>) src(%arg14 : memref<80x128xf32, #tpu.memory_space<vmem>>) dst(%dma_wait3A_334 : memref<80x128xf32, #tpu.memory_space<vmem_shared>>)
      tpu.yield
    }) : () -> ()
    %mul3A_38 = arith.constant 640 : i32
    %mul3A_39 = arith.muli %arg1, %mul3A_38 : i32
    %add3A_40 = arith.constant 160 : i32
    %add3A_41 = arith.addi %mul3A_39, %add3A_40 : i32
    "tpu.region"() ({
      %run_scoped3A_326 = tpu.sem_alloc : memref<!tpu.dma_semaphore, #tpu.memory_space<semaphore_mem>>
      %dma_start3A_327 = tpu.memref_slice %arg21[%add3A_41] : memref<10240xf32, #tpu.memory_space<vmem_shared>> -> memref<80xf32, #tpu.memory_space<vmem_shared>>
      %dma_start3A_328 = tpu.memref_slice %arg21[%add3A_41] : memref<10240xf32, #tpu.memory_space<vmem_shared>> -> memref<80xf32, #tpu.memory_space<vmem_shared>>
      tpu.enqueue_dma source(%arg16 : memref<80xf32, #tpu.memory_space<vmem>>) target(%dma_start3A_328 : memref<80xf32, #tpu.memory_space<vmem_shared>>) target_semaphore(%run_scoped3A_326 : memref<!tpu.dma_semaphore, #tpu.memory_space<semaphore_mem>>)
      %dma_wait3A_329 = tpu.memref_slice %arg21[%add3A_41] : memref<10240xf32, #tpu.memory_space<vmem_shared>> -> memref<80xf32, #tpu.memory_space<vmem_shared>>
      %dma_wait3A_330 = tpu.memref_slice %arg21[%add3A_41] : memref<10240xf32, #tpu.memory_space<vmem_shared>> -> memref<80xf32, #tpu.memory_space<vmem_shared>>
      tpu.wait_dma2 semaphore(%run_scoped3A_326 : memref<!tpu.dma_semaphore, #tpu.memory_space<semaphore_mem>>) src(%arg16 : memref<80xf32, #tpu.memory_space<vmem>>) dst(%dma_wait3A_330 : memref<80xf32, #tpu.memory_space<vmem_shared>>)
      tpu.yield
    }) : () -> ()
    %mul3A_42 = arith.constant 640 : i32
    %mul3A_43 = arith.muli %arg1, %mul3A_42 : i32
    %add3A_44 = arith.constant 240 : i32
    %add3A_45 = arith.addi %mul3A_43, %add3A_44 : i32
    "tpu.region"() ({
      %run_scoped3A_326 = tpu.sem_alloc : memref<!tpu.dma_semaphore, #tpu.memory_space<semaphore_mem>>
      %dma_start3A_327 = arith.constant 0 : i32
      %dma_start3A_328 = tpu.memref_slice %arg20[%add3A_45, %dma_start3A_327] : memref<10240x128xf32, #tpu.memory_space<vmem_shared>> -> memref<80x128xf32, #tpu.memory_space<vmem_shared>>
      %dma_start3A_329 = arith.constant 0 : i32
      %dma_start3A_330 = tpu.memref_slice %arg20[%add3A_45, %dma_start3A_329] : memref<10240x128xf32, #tpu.memory_space<vmem_shared>> -> memref<80x128xf32, #tpu.memory_space<vmem_shared>>
      tpu.enqueue_dma source(%arg14 : memref<80x128xf32, #tpu.memory_space<vmem>>) target(%dma_start3A_330 : memref<80x128xf32, #tpu.memory_space<vmem_shared>>) target_semaphore(%run_scoped3A_326 : memref<!tpu.dma_semaphore, #tpu.memory_space<semaphore_mem>>)
      %dma_wait3A_331 = arith.constant 0 : i32
      %dma_wait3A_332 = tpu.memref_slice %arg20[%add3A_45, %dma_wait3A_331] : memref<10240x128xf32, #tpu.memory_space<vmem_shared>> -> memref<80x128xf32, #tpu.memory_space<vmem_shared>>
      %dma_wait3A_333 = arith.constant 0 : i32
      %dma_wait3A_334 = tpu.memref_slice %arg20[%add3A_45, %dma_wait3A_333] : memref<10240x128xf32, #tpu.memory_space<vmem_shared>> -> memref<80x128xf32, #tpu.memory_space<vmem_shared>>
      tpu.wait_dma2 semaphore(%run_scoped3A_326 : memref<!tpu.dma_semaphore, #tpu.memory_space<semaphore_mem>>) src(%arg14 : memref<80x128xf32, #tpu.memory_space<vmem>>) dst(%dma_wait3A_334 : memref<80x128xf32, #tpu.memory_space<vmem_shared>>)
      tpu.yield
    }) : () -> ()
    %mul3A_46 = arith.constant 640 : i32
    %mul3A_47 = arith.muli %arg1, %mul3A_46 : i32
    %add3A_48 = arith.constant 240 : i32
    %add3A_49 = arith.addi %mul3A_47, %add3A_48 : i32
    "tpu.region"() ({
      %run_scoped3A_326 = tpu.sem_alloc : memref<!tpu.dma_semaphore, #tpu.memory_space<semaphore_mem>>
      %dma_start3A_327 = tpu.memref_slice %arg21[%add3A_49] : memref<10240xf32, #tpu.memory_space<vmem_shared>> -> memref<80xf32, #tpu.memory_space<vmem_shared>>
      %dma_start3A_328 = tpu.memref_slice %arg21[%add3A_49] : memref<10240xf32, #tpu.memory_space<vmem_shared>> -> memref<80xf32, #tpu.memory_space<vmem_shared>>
      tpu.enqueue_dma source(%arg16 : memref<80xf32, #tpu.memory_space<vmem>>) target(%dma_start3A_328 : memref<80xf32, #tpu.memory_space<vmem_shared>>) target_semaphore(%run_scoped3A_326 : memref<!tpu.dma_semaphore, #tpu.memory_space<semaphore_mem>>)
      %dma_wait3A_329 = tpu.memref_slice %arg21[%add3A_49] : memref<10240xf32, #tpu.memory_space<vmem_shared>> -> memref<80xf32, #tpu.memory_space<vmem_shared>>
      %dma_wait3A_330 = tpu.memref_slice %arg21[%add3A_49] : memref<10240xf32, #tpu.memory_space<vmem_shared>> -> memref<80xf32, #tpu.memory_space<vmem_shared>>
      tpu.wait_dma2 semaphore(%run_scoped3A_326 : memref<!tpu.dma_semaphore, #tpu.memory_space<semaphore_mem>>) src(%arg16 : memref<80xf32, #tpu.memory_space<vmem>>) dst(%dma_wait3A_330 : memref<80xf32, #tpu.memory_space<vmem_shared>>)
      tpu.yield
    }) : () -> ()
    %mul3A_50 = arith.constant 640 : i32
    %mul3A_51 = arith.muli %arg1, %mul3A_50 : i32
    %add3A_52 = arith.constant 320 : i32
    %add3A_53 = arith.addi %mul3A_51, %add3A_52 : i32
    "tpu.region"() ({
      %run_scoped3A_326 = tpu.sem_alloc : memref<!tpu.dma_semaphore, #tpu.memory_space<semaphore_mem>>
      %dma_start3A_327 = arith.constant 0 : i32
      %dma_start3A_328 = tpu.memref_slice %arg20[%add3A_53, %dma_start3A_327] : memref<10240x128xf32, #tpu.memory_space<vmem_shared>> -> memref<80x128xf32, #tpu.memory_space<vmem_shared>>
      %dma_start3A_329 = arith.constant 0 : i32
      %dma_start3A_330 = tpu.memref_slice %arg20[%add3A_53, %dma_start3A_329] : memref<10240x128xf32, #tpu.memory_space<vmem_shared>> -> memref<80x128xf32, #tpu.memory_space<vmem_shared>>
      tpu.enqueue_dma source(%arg14 : memref<80x128xf32, #tpu.memory_space<vmem>>) target(%dma_start3A_330 : memref<80x128xf32, #tpu.memory_space<vmem_shared>>) target_semaphore(%run_scoped3A_326 : memref<!tpu.dma_semaphore, #tpu.memory_space<semaphore_mem>>)
      %dma_wait3A_331 = arith.constant 0 : i32
      %dma_wait3A_332 = tpu.memref_slice %arg20[%add3A_53, %dma_wait3A_331] : memref<10240x128xf32, #tpu.memory_space<vmem_shared>> -> memref<80x128xf32, #tpu.memory_space<vmem_shared>>
      %dma_wait3A_333 = arith.constant 0 : i32
      %dma_wait3A_334 = tpu.memref_slice %arg20[%add3A_53, %dma_wait3A_333] : memref<10240x128xf32, #tpu.memory_space<vmem_shared>> -> memref<80x128xf32, #tpu.memory_space<vmem_shared>>
      tpu.wait_dma2 semaphore(%run_scoped3A_326 : memref<!tpu.dma_semaphore, #tpu.memory_space<semaphore_mem>>) src(%arg14 : memref<80x128xf32, #tpu.memory_space<vmem>>) dst(%dma_wait3A_334 : memref<80x128xf32, #tpu.memory_space<vmem_shared>>)
      tpu.yield
    }) : () -> ()
    %mul3A_54 = arith.constant 640 : i32
    %mul3A_55 = arith.muli %arg1, %mul3A_54 : i32
    %add3A_56 = arith.constant 320 : i32
    %add3A_57 = arith.addi %mul3A_55, %add3A_56 : i32
    "tpu.region"() ({
      %run_scoped3A_326 = tpu.sem_alloc : memref<!tpu.dma_semaphore, #tpu.memory_space<semaphore_mem>>
      %dma_start3A_327 = tpu.memref_slice %arg21[%add3A_57] : memref<10240xf32, #tpu.memory_space<vmem_shared>> -> memref<80xf32, #tpu.memory_space<vmem_shared>>
      %dma_start3A_328 = tpu.memref_slice %arg21[%add3A_57] : memref<10240xf32, #tpu.memory_space<vmem_shared>> -> memref<80xf32, #tpu.memory_space<vmem_shared>>
      tpu.enqueue_dma source(%arg16 : memref<80xf32, #tpu.memory_space<vmem>>) target(%dma_start3A_328 : memref<80xf32, #tpu.memory_space<vmem_shared>>) target_semaphore(%run_scoped3A_326 : memref<!tpu.dma_semaphore, #tpu.memory_space<semaphore_mem>>)
      %dma_wait3A_329 = tpu.memref_slice %arg21[%add3A_57] : memref<10240xf32, #tpu.memory_space<vmem_shared>> -> memref<80xf32, #tpu.memory_space<vmem_shared>>
      %dma_wait3A_330 = tpu.memref_slice %arg21[%add3A_57] : memref<10240xf32, #tpu.memory_space<vmem_shared>> -> memref<80xf32, #tpu.memory_space<vmem_shared>>
      tpu.wait_dma2 semaphore(%run_scoped3A_326 : memref<!tpu.dma_semaphore, #tpu.memory_space<semaphore_mem>>) src(%arg16 : memref<80xf32, #tpu.memory_space<vmem>>) dst(%dma_wait3A_330 : memref<80xf32, #tpu.memory_space<vmem_shared>>)
      tpu.yield
    }) : () -> ()
    %mul3A_58 = arith.constant 640 : i32
    %mul3A_59 = arith.muli %arg1, %mul3A_58 : i32
    %add3A_60 = arith.constant 400 : i32
    %add3A_61 = arith.addi %mul3A_59, %add3A_60 : i32
    "tpu.region"() ({
      %run_scoped3A_326 = tpu.sem_alloc : memref<!tpu.dma_semaphore, #tpu.memory_space<semaphore_mem>>
      %dma_start3A_327 = arith.constant 0 : i32
      %dma_start3A_328 = tpu.memref_slice %arg20[%add3A_61, %dma_start3A_327] : memref<10240x128xf32, #tpu.memory_space<vmem_shared>> -> memref<80x128xf32, #tpu.memory_space<vmem_shared>>
      %dma_start3A_329 = arith.constant 0 : i32
      %dma_start3A_330 = tpu.memref_slice %arg20[%add3A_61, %dma_start3A_329] : memref<10240x128xf32, #tpu.memory_space<vmem_shared>> -> memref<80x128xf32, #tpu.memory_space<vmem_shared>>
      tpu.enqueue_dma source(%arg14 : memref<80x128xf32, #tpu.memory_space<vmem>>) target(%dma_start3A_330 : memref<80x128xf32, #tpu.memory_space<vmem_shared>>) target_semaphore(%run_scoped3A_326 : memref<!tpu.dma_semaphore, #tpu.memory_space<semaphore_mem>>)
      %dma_wait3A_331 = arith.constant 0 : i32
      %dma_wait3A_332 = tpu.memref_slice %arg20[%add3A_61, %dma_wait3A_331] : memref<10240x128xf32, #tpu.memory_space<vmem_shared>> -> memref<80x128xf32, #tpu.memory_space<vmem_shared>>
      %dma_wait3A_333 = arith.constant 0 : i32
      %dma_wait3A_334 = tpu.memref_slice %arg20[%add3A_61, %dma_wait3A_333] : memref<10240x128xf32, #tpu.memory_space<vmem_shared>> -> memref<80x128xf32, #tpu.memory_space<vmem_shared>>
      tpu.wait_dma2 semaphore(%run_scoped3A_326 : memref<!tpu.dma_semaphore, #tpu.memory_space<semaphore_mem>>) src(%arg14 : memref<80x128xf32, #tpu.memory_space<vmem>>) dst(%dma_wait3A_334 : memref<80x128xf32, #tpu.memory_space<vmem_shared>>)
      tpu.yield
    }) : () -> ()
    %mul3A_62 = arith.constant 640 : i32
    %mul3A_63 = arith.muli %arg1, %mul3A_62 : i32
    %add3A_64 = arith.constant 400 : i32
    %add3A_65 = arith.addi %mul3A_63, %add3A_64 : i32
    "tpu.region"() ({
      %run_scoped3A_326 = tpu.sem_alloc : memref<!tpu.dma_semaphore, #tpu.memory_space<semaphore_mem>>
      %dma_start3A_327 = tpu.memref_slice %arg21[%add3A_65] : memref<10240xf32, #tpu.memory_space<vmem_shared>> -> memref<80xf32, #tpu.memory_space<vmem_shared>>
      %dma_start3A_328 = tpu.memref_slice %arg21[%add3A_65] : memref<10240xf32, #tpu.memory_space<vmem_shared>> -> memref<80xf32, #tpu.memory_space<vmem_shared>>
      tpu.enqueue_dma source(%arg16 : memref<80xf32, #tpu.memory_space<vmem>>) target(%dma_start3A_328 : memref<80xf32, #tpu.memory_space<vmem_shared>>) target_semaphore(%run_scoped3A_326 : memref<!tpu.dma_semaphore, #tpu.memory_space<semaphore_mem>>)
      %dma_wait3A_329 = tpu.memref_slice %arg21[%add3A_65] : memref<10240xf32, #tpu.memory_space<vmem_shared>> -> memref<80xf32, #tpu.memory_space<vmem_shared>>
      %dma_wait3A_330 = tpu.memref_slice %arg21[%add3A_65] : memref<10240xf32, #tpu.memory_space<vmem_shared>> -> memref<80xf32, #tpu.memory_space<vmem_shared>>
      tpu.wait_dma2 semaphore(%run_scoped3A_326 : memref<!tpu.dma_semaphore, #tpu.memory_space<semaphore_mem>>) src(%arg16 : memref<80xf32, #tpu.memory_space<vmem>>) dst(%dma_wait3A_330 : memref<80xf32, #tpu.memory_space<vmem_shared>>)
      tpu.yield
    }) : () -> ()
    %mul3A_66 = arith.constant 640 : i32
    %mul3A_67 = arith.muli %arg1, %mul3A_66 : i32
    %add3A_68 = arith.constant 480 : i32
    %add3A_69 = arith.addi %mul3A_67, %add3A_68 : i32
    "tpu.region"() ({
      %run_scoped3A_326 = tpu.sem_alloc : memref<!tpu.dma_semaphore, #tpu.memory_space<semaphore_mem>>
      %dma_start3A_327 = arith.constant 0 : i32
      %dma_start3A_328 = tpu.memref_slice %arg20[%add3A_69, %dma_start3A_327] : memref<10240x128xf32, #tpu.memory_space<vmem_shared>> -> memref<80x128xf32, #tpu.memory_space<vmem_shared>>
      %dma_start3A_329 = arith.constant 0 : i32
      %dma_start3A_330 = tpu.memref_slice %arg20[%add3A_69, %dma_start3A_329] : memref<10240x128xf32, #tpu.memory_space<vmem_shared>> -> memref<80x128xf32, #tpu.memory_space<vmem_shared>>
      tpu.enqueue_dma source(%arg14 : memref<80x128xf32, #tpu.memory_space<vmem>>) target(%dma_start3A_330 : memref<80x128xf32, #tpu.memory_space<vmem_shared>>) target_semaphore(%run_scoped3A_326 : memref<!tpu.dma_semaphore, #tpu.memory_space<semaphore_mem>>)
      %dma_wait3A_331 = arith.constant 0 : i32
      %dma_wait3A_332 = tpu.memref_slice %arg20[%add3A_69, %dma_wait3A_331] : memref<10240x128xf32, #tpu.memory_space<vmem_shared>> -> memref<80x128xf32, #tpu.memory_space<vmem_shared>>
      %dma_wait3A_333 = arith.constant 0 : i32
      %dma_wait3A_334 = tpu.memref_slice %arg20[%add3A_69, %dma_wait3A_333] : memref<10240x128xf32, #tpu.memory_space<vmem_shared>> -> memref<80x128xf32, #tpu.memory_space<vmem_shared>>
      tpu.wait_dma2 semaphore(%run_scoped3A_326 : memref<!tpu.dma_semaphore, #tpu.memory_space<semaphore_mem>>) src(%arg14 : memref<80x128xf32, #tpu.memory_space<vmem>>) dst(%dma_wait3A_334 : memref<80x128xf32, #tpu.memory_space<vmem_shared>>)
      tpu.yield
    }) : () -> ()
    %mul3A_70 = arith.constant 640 : i32
    %mul3A_71 = arith.muli %arg1, %mul3A_70 : i32
    %add3A_72 = arith.constant 480 : i32
    %add3A_73 = arith.addi %mul3A_71, %add3A_72 : i32
    "tpu.region"() ({
      %run_scoped3A_326 = tpu.sem_alloc : memref<!tpu.dma_semaphore, #tpu.memory_space<semaphore_mem>>
      %dma_start3A_327 = tpu.memref_slice %arg21[%add3A_73] : memref<10240xf32, #tpu.memory_space<vmem_shared>> -> memref<80xf32, #tpu.memory_space<vmem_shared>>
      %dma_start3A_328 = tpu.memref_slice %arg21[%add3A_73] : memref<10240xf32, #tpu.memory_space<vmem_shared>> -> memref<80xf32, #tpu.memory_space<vmem_shared>>
      tpu.enqueue_dma source(%arg16 : memref<80xf32, #tpu.memory_space<vmem>>) target(%dma_start3A_328 : memref<80xf32, #tpu.memory_space<vmem_shared>>) target_semaphore(%run_scoped3A_326 : memref<!tpu.dma_semaphore, #tpu.memory_space<semaphore_mem>>)
      %dma_wait3A_329 = tpu.memref_slice %arg21[%add3A_73] : memref<10240xf32, #tpu.memory_space<vmem_shared>> -> memref<80xf32, #tpu.memory_space<vmem_shared>>
      %dma_wait3A_330 = tpu.memref_slice %arg21[%add3A_73] : memref<10240xf32, #tpu.memory_space<vmem_shared>> -> memref<80xf32, #tpu.memory_space<vmem_shared>>
      tpu.wait_dma2 semaphore(%run_scoped3A_326 : memref<!tpu.dma_semaphore, #tpu.memory_space<semaphore_mem>>) src(%arg16 : memref<80xf32, #tpu.memory_space<vmem>>) dst(%dma_wait3A_330 : memref<80xf32, #tpu.memory_space<vmem_shared>>)
      tpu.yield
    }) : () -> ()
    %mul3A_74 = arith.constant 640 : i32
    %mul3A_75 = arith.muli %arg1, %mul3A_74 : i32
    %add3A_76 = arith.constant 560 : i32
    %add3A_77 = arith.addi %mul3A_75, %add3A_76 : i32
    "tpu.region"() ({
      %run_scoped3A_326 = tpu.sem_alloc : memref<!tpu.dma_semaphore, #tpu.memory_space<semaphore_mem>>
      %dma_start3A_327 = arith.constant 0 : i32
      %dma_start3A_328 = tpu.memref_slice %arg20[%add3A_77, %dma_start3A_327] : memref<10240x128xf32, #tpu.memory_space<vmem_shared>> -> memref<80x128xf32, #tpu.memory_space<vmem_shared>>
      %dma_start3A_329 = arith.constant 0 : i32
      %dma_start3A_330 = tpu.memref_slice %arg20[%add3A_77, %dma_start3A_329] : memref<10240x128xf32, #tpu.memory_space<vmem_shared>> -> memref<80x128xf32, #tpu.memory_space<vmem_shared>>
      tpu.enqueue_dma source(%arg14 : memref<80x128xf32, #tpu.memory_space<vmem>>) target(%dma_start3A_330 : memref<80x128xf32, #tpu.memory_space<vmem_shared>>) target_semaphore(%run_scoped3A_326 : memref<!tpu.dma_semaphore, #tpu.memory_space<semaphore_mem>>)
      %dma_wait3A_331 = arith.constant 0 : i32
      %dma_wait3A_332 = tpu.memref_slice %arg20[%add3A_77, %dma_wait3A_331] : memref<10240x128xf32, #tpu.memory_space<vmem_shared>> -> memref<80x128xf32, #tpu.memory_space<vmem_shared>>
      %dma_wait3A_333 = arith.constant 0 : i32
      %dma_wait3A_334 = tpu.memref_slice %arg20[%add3A_77, %dma_wait3A_333] : memref<10240x128xf32, #tpu.memory_space<vmem_shared>> -> memref<80x128xf32, #tpu.memory_space<vmem_shared>>
      tpu.wait_dma2 semaphore(%run_scoped3A_326 : memref<!tpu.dma_semaphore, #tpu.memory_space<semaphore_mem>>) src(%arg14 : memref<80x128xf32, #tpu.memory_space<vmem>>) dst(%dma_wait3A_334 : memref<80x128xf32, #tpu.memory_space<vmem_shared>>)
      tpu.yield
    }) : () -> ()
    %mul3A_78 = arith.constant 640 : i32
    %mul3A_79 = arith.muli %arg1, %mul3A_78 : i32
    %add3A_80 = arith.constant 560 : i32
    %add3A_81 = arith.addi %mul3A_79, %add3A_80 : i32
    "tpu.region"() ({
      %run_scoped3A_326 = tpu.sem_alloc : memref<!tpu.dma_semaphore, #tpu.memory_space<semaphore_mem>>
      %dma_start3A_327 = tpu.memref_slice %arg21[%add3A_81] : memref<10240xf32, #tpu.memory_space<vmem_shared>> -> memref<80xf32, #tpu.memory_space<vmem_shared>>
      %dma_start3A_328 = tpu.memref_slice %arg21[%add3A_81] : memref<10240xf32, #tpu.memory_space<vmem_shared>> -> memref<80xf32, #tpu.memory_space<vmem_shared>>
      tpu.enqueue_dma source(%arg16 : memref<80xf32, #tpu.memory_space<vmem>>) target(%dma_start3A_328 : memref<80xf32, #tpu.memory_space<vmem_shared>>) target_semaphore(%run_scoped3A_326 : memref<!tpu.dma_semaphore, #tpu.memory_space<semaphore_mem>>)
      %dma_wait3A_329 = tpu.memref_slice %arg21[%add3A_81] : memref<10240xf32, #tpu.memory_space<vmem_shared>> -> memref<80xf32, #tpu.memory_space<vmem_shared>>
      %dma_wait3A_330 = tpu.memref_slice %arg21[%add3A_81] : memref<10240xf32, #tpu.memory_space<vmem_shared>> -> memref<80xf32, #tpu.memory_space<vmem_shared>>
      tpu.wait_dma2 semaphore(%run_scoped3A_326 : memref<!tpu.dma_semaphore, #tpu.memory_space<semaphore_mem>>) src(%arg16 : memref<80xf32, #tpu.memory_space<vmem>>) dst(%dma_wait3A_330 : memref<80xf32, #tpu.memory_space<vmem_shared>>)
      tpu.yield
    }) : () -> ()
    %dma_start3A = arith.constant 0 : i32
    %dma_start3A_82 = arith.constant 0 : i32
    %dma_start3A_83 = tpu.memref_slice %arg6[%add3A, %dma_start3A, %dma_start3A_82] : memref<32x125x80xi32, #tpu.memory_space<hbm>> -> memref<1x1x80xi32, #tpu.memory_space<hbm>>
    %dma_start3A_84 = tpu.memref_squeeze %dma_start3A_83 : memref<1x1x80xi32, #tpu.memory_space<hbm>> -> memref<80xi32, #tpu.memory_space<hbm>>
    %dma_start3A_85 = arith.constant 0 : i32
    %dma_start3A_86 = tpu.memref_slice %arg6[%add3A, %dma_start3A, %dma_start3A_85] : memref<32x125x80xi32, #tpu.memory_space<hbm>> -> memref<1x1x80xi32, #tpu.memory_space<hbm>>
    %dma_start3A_87 = tpu.memref_squeeze %dma_start3A_86 : memref<1x1x80xi32, #tpu.memory_space<hbm>> -> memref<80xi32, #tpu.memory_space<hbm>>
    tpu.enqueue_dma source(%dma_start3A_87 : memref<80xi32, #tpu.memory_space<hbm>>) target(%arg10 : memref<80xi32, #tpu.memory_space<vmem>>) target_semaphore(%arg24 : memref<!tpu.dma_semaphore, #tpu.memory_space<semaphore_mem>>)
    %dma_start3A_88 = arith.constant 0 : i32
    %dma_start3A_89 = arith.constant 0 : i32
    %dma_start3A_90 = tpu.memref_slice %arg7[%add3A, %dma_start3A_88, %dma_start3A_89] : memref<32x125x80xi32, #tpu.memory_space<hbm>> -> memref<1x1x80xi32, #tpu.memory_space<hbm>>
    %dma_start3A_91 = tpu.memref_squeeze %dma_start3A_90 : memref<1x1x80xi32, #tpu.memory_space<hbm>> -> memref<80xi32, #tpu.memory_space<hbm>>
    %dma_start3A_92 = arith.constant 0 : i32
    %dma_start3A_93 = tpu.memref_slice %arg7[%add3A, %dma_start3A_88, %dma_start3A_92] : memref<32x125x80xi32, #tpu.memory_space<hbm>> -> memref<1x1x80xi32, #tpu.memory_space<hbm>>
    %dma_start3A_94 = tpu.memref_squeeze %dma_start3A_93 : memref<1x1x80xi32, #tpu.memory_space<hbm>> -> memref<80xi32, #tpu.memory_space<hbm>>
    tpu.enqueue_dma source(%dma_start3A_94 : memref<80xi32, #tpu.memory_space<hbm>>) target(%arg12 : memref<80xi32, #tpu.memory_space<vmem>>) target_semaphore(%arg26 : memref<!tpu.dma_semaphore, #tpu.memory_space<semaphore_mem>>)
    %dma_start3A_95 = arith.constant 1 : i32
    %dma_start3A_96 = arith.constant 0 : i32
    %dma_start3A_97 = tpu.memref_slice %arg6[%add3A, %dma_start3A_95, %dma_start3A_96] : memref<32x125x80xi32, #tpu.memory_space<hbm>> -> memref<1x1x80xi32, #tpu.memory_space<hbm>>
    %dma_start3A_98 = tpu.memref_squeeze %dma_start3A_97 : memref<1x1x80xi32, #tpu.memory_space<hbm>> -> memref<80xi32, #tpu.memory_space<hbm>>
    %dma_start3A_99 = arith.constant 0 : i32
    %dma_start3A_100 = tpu.memref_slice %arg6[%add3A, %dma_start3A_95, %dma_start3A_99] : memref<32x125x80xi32, #tpu.memory_space<hbm>> -> memref<1x1x80xi32, #tpu.memory_space<hbm>>
    %dma_start3A_101 = tpu.memref_squeeze %dma_start3A_100 : memref<1x1x80xi32, #tpu.memory_space<hbm>> -> memref<80xi32, #tpu.memory_space<hbm>>
    tpu.enqueue_dma source(%dma_start3A_101 : memref<80xi32, #tpu.memory_space<hbm>>) target(%arg11 : memref<80xi32, #tpu.memory_space<vmem>>) target_semaphore(%arg25 : memref<!tpu.dma_semaphore, #tpu.memory_space<semaphore_mem>>)
    %dma_start3A_102 = arith.constant 1 : i32
    %dma_start3A_103 = arith.constant 0 : i32
    %dma_start3A_104 = tpu.memref_slice %arg7[%add3A, %dma_start3A_102, %dma_start3A_103] : memref<32x125x80xi32, #tpu.memory_space<hbm>> -> memref<1x1x80xi32, #tpu.memory_space<hbm>>
    %dma_start3A_105 = tpu.memref_squeeze %dma_start3A_104 : memref<1x1x80xi32, #tpu.memory_space<hbm>> -> memref<80xi32, #tpu.memory_space<hbm>>
    %dma_start3A_106 = arith.constant 0 : i32
    %dma_start3A_107 = tpu.memref_slice %arg7[%add3A, %dma_start3A_102, %dma_start3A_106] : memref<32x125x80xi32, #tpu.memory_space<hbm>> -> memref<1x1x80xi32, #tpu.memory_space<hbm>>
    %dma_start3A_108 = tpu.memref_squeeze %dma_start3A_107 : memref<1x1x80xi32, #tpu.memory_space<hbm>> -> memref<80xi32, #tpu.memory_space<hbm>>
    tpu.enqueue_dma source(%dma_start3A_108 : memref<80xi32, #tpu.memory_space<hbm>>) target(%arg13 : memref<80xi32, #tpu.memory_space<vmem>>) target_semaphore(%arg27 : memref<!tpu.dma_semaphore, #tpu.memory_space<semaphore_mem>>)
    %dma_wait3A = arith.constant 0 : i32
    %dma_wait3A_109 = arith.constant 0 : i32
    %dma_wait3A_110 = tpu.memref_slice %arg6[%add3A, %dma_wait3A, %dma_wait3A_109] : memref<32x125x80xi32, #tpu.memory_space<hbm>> -> memref<1x1x80xi32, #tpu.memory_space<hbm>>
    %dma_wait3A_111 = tpu.memref_squeeze %dma_wait3A_110 : memref<1x1x80xi32, #tpu.memory_space<hbm>> -> memref<80xi32, #tpu.memory_space<hbm>>
    %dma_wait3A_112 = arith.constant 0 : i32
    %dma_wait3A_113 = tpu.memref_slice %arg6[%add3A, %dma_wait3A, %dma_wait3A_112] : memref<32x125x80xi32, #tpu.memory_space<hbm>> -> memref<1x1x80xi32, #tpu.memory_space<hbm>>
    %dma_wait3A_114 = tpu.memref_squeeze %dma_wait3A_113 : memref<1x1x80xi32, #tpu.memory_space<hbm>> -> memref<80xi32, #tpu.memory_space<hbm>>
    tpu.wait_dma2 semaphore(%arg24 : memref<!tpu.dma_semaphore, #tpu.memory_space<semaphore_mem>>) src(%dma_wait3A_114 : memref<80xi32, #tpu.memory_space<hbm>>) dst(%arg10 : memref<80xi32, #tpu.memory_space<vmem>>)
    %dma_start3A_115 = arith.constant 0 : i32
    %dma_start3A_116 = arith.constant 0 : i32
    %dma_start3A_117 = tpu.memref_slice %arg2[%dma_start3A_115, %dma_start3A_116] : memref<10240x128xf32, #tpu.memory_space<hbm>> -> memref<10240x128xf32, #tpu.memory_space<hbm>>
    tpu.enqueue_indirect_dma source(%dma_start3A_117 : memref<10240x128xf32, #tpu.memory_space<hbm>>) target(%arg14 : memref<80x128xf32, #tpu.memory_space<vmem>>) offsets(%arg10 : memref<80xi32, #tpu.memory_space<vmem>>) semaphore(%arg22 : memref<!tpu.dma_semaphore, #tpu.memory_space<semaphore_mem>>)
    %get3A = arith.constant 0 : index
    %get3A_118 = tpu.vector_load %arg19[%get3A] {strides = array<i32>} : memref<16xf32, #tpu.memory_space<vmem>>, vector<16xf32>,
    %barrier3A = arith.constant 0 : index
    tpu.barrier barrier_id(%barrier3A)
    %scan3A_119 = arith.constant 0 : i32
    %scan3A_120 = arith.constant 0 : i32
    %scan3A_121 = arith.constant 63 : i32
    %scan3A_122 = arith.addi %scan3A_120, %scan3A_121 : i32
    %scan3A_123 = arith.constant 1 : i32
    scf.for %scan3A_326 = %scan3A_120 to %scan3A_122 step %scan3A_123  : i32 {
      %mul3A_327 = arith.constant 2 : i32
      %mul3A_328 = arith.muli %mul3A_327, %scan3A_326 : i32
      %dma_wait3A_329 = arith.constant 0 : i32
      %dma_wait3A_330 = arith.constant 0 : i32
      %dma_wait3A_331 = tpu.memref_slice %arg2[%dma_wait3A_329, %dma_wait3A_330] : memref<10240x128xf32, #tpu.memory_space<hbm>> -> memref<10240x128xf32, #tpu.memory_space<hbm>>
      tpu.wait_indirect_dma semaphore(%arg22 : memref<!tpu.dma_semaphore, #tpu.memory_space<semaphore_mem>>) src(%dma_wait3A_331 : memref<10240x128xf32, #tpu.memory_space<hbm>>) dst(%arg14 : memref<80x128xf32, #tpu.memory_space<vmem>>)
      %add3A_332 = arith.constant 1 : i32
      %add3A_333 = arith.addi %mul3A_328, %add3A_332 : i32
      %lt3A = arith.constant 125 : i32
      %lt3A_334 = arith.cmpi slt, %add3A_333, %lt3A : i32
      %convert_element_type3A = arith.extui %lt3A_334 : i1 to i32
      %cond3A = arith.constant 0 : i32
      %cond3A_335 = arith.cmpi ne, %convert_element_type3A, %cond3A : i32
      scf.if %cond3A_335 {
        %add3A_363 = arith.constant 1 : i32
        %add3A_364 = arith.addi %mul3A_328, %add3A_363 : i32
        %dma_wait3A_365 = arith.constant 0 : i32
        %dma_wait3A_366 = tpu.memref_slice %arg6[%add3A, %add3A_364, %dma_wait3A_365] : memref<32x125x80xi32, #tpu.memory_space<hbm>> -> memref<1x1x80xi32, #tpu.memory_space<hbm>>
        %dma_wait3A_367 = tpu.memref_squeeze %dma_wait3A_366 : memref<1x1x80xi32, #tpu.memory_space<hbm>> -> memref<80xi32, #tpu.memory_space<hbm>>
        %dma_wait3A_368 = arith.constant 0 : i32
        %dma_wait3A_369 = tpu.memref_slice %arg6[%add3A, %add3A_364, %dma_wait3A_368] : memref<32x125x80xi32, #tpu.memory_space<hbm>> -> memref<1x1x80xi32, #tpu.memory_space<hbm>>
        %dma_wait3A_370 = tpu.memref_squeeze %dma_wait3A_369 : memref<1x1x80xi32, #tpu.memory_space<hbm>> -> memref<80xi32, #tpu.memory_space<hbm>>
        tpu.wait_dma2 semaphore(%arg25 : memref<!tpu.dma_semaphore, #tpu.memory_space<semaphore_mem>>) src(%dma_wait3A_370 : memref<80xi32, #tpu.memory_space<hbm>>) dst(%arg11 : memref<80xi32, #tpu.memory_space<vmem>>)
        %dma_start3A_371 = arith.constant 0 : i32
        %dma_start3A_372 = arith.constant 0 : i32
        %dma_start3A_373 = tpu.memref_slice %arg2[%dma_start3A_371, %dma_start3A_372] : memref<10240x128xf32, #tpu.memory_space<hbm>> -> memref<10240x128xf32, #tpu.memory_space<hbm>>
        tpu.enqueue_indirect_dma source(%dma_start3A_373 : memref<10240x128xf32, #tpu.memory_space<hbm>>) target(%arg15 : memref<80x128xf32, #tpu.memory_space<vmem>>) offsets(%arg11 : memref<80xi32, #tpu.memory_space<vmem>>) semaphore(%arg23 : memref<!tpu.dma_semaphore, #tpu.memory_space<semaphore_mem>>)
      } else {
      }
      %dma_wait3A_336 = arith.constant 0 : i32
      %dma_wait3A_337 = tpu.memref_slice %arg7[%add3A, %mul3A_328, %dma_wait3A_336] : memref<32x125x80xi32, #tpu.memory_space<hbm>> -> memref<1x1x80xi32, #tpu.memory_space<hbm>>
      %dma_wait3A_338 = tpu.memref_squeeze %dma_wait3A_337 : memref<1x1x80xi32, #tpu.memory_space<hbm>> -> memref<80xi32, #tpu.memory_space<hbm>>
      %dma_wait3A_339 = arith.constant 0 : i32
      %dma_wait3A_340 = tpu.memref_slice %arg7[%add3A, %mul3A_328, %dma_wait3A_339] : memref<32x125x80xi32, #tpu.memory_space<hbm>> -> memref<1x1x80xi32, #tpu.memory_space<hbm>>
      %dma_wait3A_341 = tpu.memref_squeeze %dma_wait3A_340 : memref<1x1x80xi32, #tpu.memory_space<hbm>> -> memref<80xi32, #tpu.memory_space<hbm>>
      tpu.wait_dma2 semaphore(%arg26 : memref<!tpu.dma_semaphore, #tpu.memory_space<semaphore_mem>>) src(%dma_wait3A_341 : memref<80xi32, #tpu.memory_space<hbm>>) dst(%arg12 : memref<80xi32, #tpu.memory_space<vmem>>)
      %parallel_loop3A = arith.constant 0 : i32
      %parallel_loop3A_342 = arith.constant 5 : i32
      %parallel_loop3A_343 = arith.constant 1 : i32
      scf.for %parallel_loop3A_363 = %parallel_loop3A to %parallel_loop3A_342 step %parallel_loop3A_343  : i32 {
        %parallel_loop3A_364 = arith.constant 16 : i32
        %parallel_loop3A_365 = arith.muli %parallel_loop3A_363, %parallel_loop3A_364 : i32
        %parallel_loop3A_366 = arith.index_cast %parallel_loop3A_365 : i32 to index
        %parallel_loop3A_367 = tpu.vector_load %arg10[%parallel_loop3A_366] {strides = array<i32>} : memref<80xi32, #tpu.memory_space<vmem>>, vector<16xi32>,
        %parallel_loop3A_368 = arith.constant 16 : i32
        %parallel_loop3A_369 = arith.muli %parallel_loop3A_363, %parallel_loop3A_368 : i32
        %parallel_loop3A_370 = arith.index_cast %parallel_loop3A_369 : i32 to index
        %parallel_loop3A_371 = tpu.vector_load %arg12[%parallel_loop3A_370] {strides = array<i32>} : memref<80xi32, #tpu.memory_space<vmem>>, vector<16xi32>,
        %parallel_loop3A_372 = tpu.vector_load_idx %arg17[%parallel_loop3A_367] : memref<10240xf32, #tpu.memory_space<vmem>>[vector<16xi32>], vector<16xf32>,
        %parallel_loop3A_373 = tpu.vector_load_idx %arg18[%parallel_loop3A_371] : memref<10240xf32, #tpu.memory_space<vmem>>[vector<16xi32>], vector<16xf32>,
        %parallel_loop3A_374 = arith.addf %parallel_loop3A_373, %get3A_118 : vector<16xf32>
        %parallel_loop3A_375 = arith.constant 0.000000e+00 : f32
        %parallel_loop3A_376 = vector.broadcast %parallel_loop3A_375 : f32 to vector<16xf32>
        %parallel_loop3A_377 = arith.cmpf ogt, %parallel_loop3A_374, %parallel_loop3A_376 : vector<16xf32>
        %parallel_loop3A_378 = arith.constant 2.000000e-01 : f32
        %parallel_loop3A_379 = vector.broadcast %parallel_loop3A_378 : f32 to vector<16xf32>
        %parallel_loop3A_380 = arith.mulf %parallel_loop3A_379, %parallel_loop3A_374 : vector<16xf32>
        %parallel_loop3A_381 = arith.select %parallel_loop3A_377, %parallel_loop3A_374, %parallel_loop3A_380 : vector<16xi1>, vector<16xf32>
        %parallel_loop3A_382 = arith.addf %parallel_loop3A_372, %parallel_loop3A_373 : vector<16xf32>
        %parallel_loop3A_383 = arith.constant 0.000000e+00 : f32
        %parallel_loop3A_384 = vector.broadcast %parallel_loop3A_383 : f32 to vector<16xf32>
        %parallel_loop3A_385 = arith.cmpf ogt, %parallel_loop3A_382, %parallel_loop3A_384 : vector<16xf32>
        %parallel_loop3A_386 = arith.constant 2.000000e-01 : f32
        %parallel_loop3A_387 = vector.broadcast %parallel_loop3A_386 : f32 to vector<16xf32>
        %parallel_loop3A_388 = arith.mulf %parallel_loop3A_387, %parallel_loop3A_382 : vector<16xf32>
        %parallel_loop3A_389 = arith.select %parallel_loop3A_385, %parallel_loop3A_382, %parallel_loop3A_388 : vector<16xi1>, vector<16xf32>
        %parallel_loop3A_390 = arith.subf %parallel_loop3A_389, %parallel_loop3A_381 : vector<16xf32>
        %parallel_loop3A_391 = math.exp %parallel_loop3A_390 : vector<16xf32>
        %parallel_loop3A_392 = arith.constant 16 : i32
        %parallel_loop3A_393 = arith.muli %parallel_loop3A_363, %parallel_loop3A_392 : i32
        %parallel_loop3A_394 = arith.index_cast %parallel_loop3A_393 : i32 to index
        %parallel_loop3A_395 = tpu.vector_load %arg16[%parallel_loop3A_394] {strides = array<i32>} : memref<80xf32, #tpu.memory_space<vmem>>, vector<16xf32>,
        tpu.vector_store %arg16[%parallel_loop3A_394], %parallel_loop3A_391 {strides = array<i32>} : memref<80xf32, #tpu.memory_space<vmem>>, vector<16xf32>,
      } {sc.loop_unroll_factor = 1 : i64, sc.parallel_access}
      %parallel_loop3A_344 = arith.constant 0 : i32
      %parallel_loop3A_345 = arith.constant 80 : i32
      %parallel_loop3A_346 = arith.constant 1 : i32
      scf.for %parallel_loop3A_363 = %parallel_loop3A_344 to %parallel_loop3A_345 step %parallel_loop3A_346  : i32 {
        %parallel_loop3A_364 = arith.constant 0 : i32
        %parallel_loop3A_365 = vector.broadcast %parallel_loop3A_364 : i32 to vector<16xi32>
        %parallel_loop3A_366 = vector.broadcast %parallel_loop3A_363 : i32 to vector<16xi32>
        %parallel_loop3A_367 = arith.addi %parallel_loop3A_365, %parallel_loop3A_366 : vector<16xi32>
        %parallel_loop3A_368 = tpu.vector_load_idx %arg16[%parallel_loop3A_367] : memref<80xf32, #tpu.memory_space<vmem>>[vector<16xi32>], vector<16xf32>,
        %parallel_loop3A_369 = arith.index_cast %parallel_loop3A_363 : i32 to index
        %parallel_loop3A_370 = arith.constant 0 : index
        %parallel_loop3A_371 = tpu.vector_load %arg14[%parallel_loop3A_369, %parallel_loop3A_370] {strides = array<i32>} : memref<80x128xf32, #tpu.memory_space<vmem>>, vector<16xf32>,
        %parallel_loop3A_372 = arith.mulf %parallel_loop3A_371, %parallel_loop3A_368 : vector<16xf32>
        %parallel_loop3A_373 = arith.index_cast %parallel_loop3A_363 : i32 to index
        %parallel_loop3A_374 = arith.constant 0 : index
        %parallel_loop3A_375 = tpu.vector_load %arg14[%parallel_loop3A_373, %parallel_loop3A_374] {strides = array<i32>} : memref<80x128xf32, #tpu.memory_space<vmem>>, vector<16xf32>,
        tpu.vector_store %arg14[%parallel_loop3A_373, %parallel_loop3A_374], %parallel_loop3A_372 {strides = array<i32>} : memref<80x128xf32, #tpu.memory_space<vmem>>, vector<16xf32>,
        %parallel_loop3A_376 = arith.index_cast %parallel_loop3A_363 : i32 to index
        %parallel_loop3A_377 = arith.constant 16 : index
        %parallel_loop3A_378 = tpu.vector_load %arg14[%parallel_loop3A_376, %parallel_loop3A_377] {strides = array<i32>} : memref<80x128xf32, #tpu.memory_space<vmem>>, vector<16xf32>,
        %parallel_loop3A_379 = arith.mulf %parallel_loop3A_378, %parallel_loop3A_368 : vector<16xf32>
        %parallel_loop3A_380 = arith.index_cast %parallel_loop3A_363 : i32 to index
        %parallel_loop3A_381 = arith.constant 16 : index
        %parallel_loop3A_382 = tpu.vector_load %arg14[%parallel_loop3A_380, %parallel_loop3A_381] {strides = array<i32>} : memref<80x128xf32, #tpu.memory_space<vmem>>, vector<16xf32>,
        tpu.vector_store %arg14[%parallel_loop3A_380, %parallel_loop3A_381], %parallel_loop3A_379 {strides = array<i32>} : memref<80x128xf32, #tpu.memory_space<vmem>>, vector<16xf32>,
        %parallel_loop3A_383 = arith.index_cast %parallel_loop3A_363 : i32 to index
        %parallel_loop3A_384 = arith.constant 32 : index
        %parallel_loop3A_385 = tpu.vector_load %arg14[%parallel_loop3A_383, %parallel_loop3A_384] {strides = array<i32>} : memref<80x128xf32, #tpu.memory_space<vmem>>, vector<16xf32>,
        %parallel_loop3A_386 = arith.mulf %parallel_loop3A_385, %parallel_loop3A_368 : vector<16xf32>
        %parallel_loop3A_387 = arith.index_cast %parallel_loop3A_363 : i32 to index
        %parallel_loop3A_388 = arith.constant 32 : index
        %parallel_loop3A_389 = tpu.vector_load %arg14[%parallel_loop3A_387, %parallel_loop3A_388] {strides = array<i32>} : memref<80x128xf32, #tpu.memory_space<vmem>>, vector<16xf32>,
        tpu.vector_store %arg14[%parallel_loop3A_387, %parallel_loop3A_388], %parallel_loop3A_386 {strides = array<i32>} : memref<80x128xf32, #tpu.memory_space<vmem>>, vector<16xf32>,
        %parallel_loop3A_390 = arith.index_cast %parallel_loop3A_363 : i32 to index
        %parallel_loop3A_391 = arith.constant 48 : index
        %parallel_loop3A_392 = tpu.vector_load %arg14[%parallel_loop3A_390, %parallel_loop3A_391] {strides = array<i32>} : memref<80x128xf32, #tpu.memory_space<vmem>>, vector<16xf32>,
        %parallel_loop3A_393 = arith.mulf %parallel_loop3A_392, %parallel_loop3A_368 : vector<16xf32>
        %parallel_loop3A_394 = arith.index_cast %parallel_loop3A_363 : i32 to index
        %parallel_loop3A_395 = arith.constant 48 : index
        %parallel_loop3A_396 = tpu.vector_load %arg14[%parallel_loop3A_394, %parallel_loop3A_395] {strides = array<i32>} : memref<80x128xf32, #tpu.memory_space<vmem>>, vector<16xf32>,
        tpu.vector_store %arg14[%parallel_loop3A_394, %parallel_loop3A_395], %parallel_loop3A_393 {strides = array<i32>} : memref<80x128xf32, #tpu.memory_space<vmem>>, vector<16xf32>,
        %parallel_loop3A_397 = arith.index_cast %parallel_loop3A_363 : i32 to index
        %parallel_loop3A_398 = arith.constant 64 : index
        %parallel_loop3A_399 = tpu.vector_load %arg14[%parallel_loop3A_397, %parallel_loop3A_398] {strides = array<i32>} : memref<80x128xf32, #tpu.memory_space<vmem>>, vector<16xf32>,
        %parallel_loop3A_400 = arith.mulf %parallel_loop3A_399, %parallel_loop3A_368 : vector<16xf32>
        %parallel_loop3A_401 = arith.index_cast %parallel_loop3A_363 : i32 to index
        %parallel_loop3A_402 = arith.constant 64 : index
        %parallel_loop3A_403 = tpu.vector_load %arg14[%parallel_loop3A_401, %parallel_loop3A_402] {strides = array<i32>} : memref<80x128xf32, #tpu.memory_space<vmem>>, vector<16xf32>,
        tpu.vector_store %arg14[%parallel_loop3A_401, %parallel_loop3A_402], %parallel_loop3A_400 {strides = array<i32>} : memref<80x128xf32, #tpu.memory_space<vmem>>, vector<16xf32>,
        %parallel_loop3A_404 = arith.index_cast %parallel_loop3A_363 : i32 to index
        %parallel_loop3A_405 = arith.constant 80 : index
        %parallel_loop3A_406 = tpu.vector_load %arg14[%parallel_loop3A_404, %parallel_loop3A_405] {strides = array<i32>} : memref<80x128xf32, #tpu.memory_space<vmem>>, vector<16xf32>,
        %parallel_loop3A_407 = arith.mulf %parallel_loop3A_406, %parallel_loop3A_368 : vector<16xf32>
        %parallel_loop3A_408 = arith.index_cast %parallel_loop3A_363 : i32 to index
        %parallel_loop3A_409 = arith.constant 80 : index
        %parallel_loop3A_410 = tpu.vector_load %arg14[%parallel_loop3A_408, %parallel_loop3A_409] {strides = array<i32>} : memref<80x128xf32, #tpu.memory_space<vmem>>, vector<16xf32>,
        tpu.vector_store %arg14[%parallel_loop3A_408, %parallel_loop3A_409], %parallel_loop3A_407 {strides = array<i32>} : memref<80x128xf32, #tpu.memory_space<vmem>>, vector<16xf32>,
        %parallel_loop3A_411 = arith.index_cast %parallel_loop3A_363 : i32 to index
        %parallel_loop3A_412 = arith.constant 96 : index
        %parallel_loop3A_413 = tpu.vector_load %arg14[%parallel_loop3A_411, %parallel_loop3A_412] {strides = array<i32>} : memref<80x128xf32, #tpu.memory_space<vmem>>, vector<16xf32>,
        %parallel_loop3A_414 = arith.mulf %parallel_loop3A_413, %parallel_loop3A_368 : vector<16xf32>
        %parallel_loop3A_415 = arith.index_cast %parallel_loop3A_363 : i32 to index
        %parallel_loop3A_416 = arith.constant 96 : index
        %parallel_loop3A_417 = tpu.vector_load %arg14[%parallel_loop3A_415, %parallel_loop3A_416] {strides = array<i32>} : memref<80x128xf32, #tpu.memory_space<vmem>>, vector<16xf32>,
        tpu.vector_store %arg14[%parallel_loop3A_415, %parallel_loop3A_416], %parallel_loop3A_414 {strides = array<i32>} : memref<80x128xf32, #tpu.memory_space<vmem>>, vector<16xf32>,
        %parallel_loop3A_418 = arith.index_cast %parallel_loop3A_363 : i32 to index
        %parallel_loop3A_419 = arith.constant 112 : index
        %parallel_loop3A_420 = tpu.vector_load %arg14[%parallel_loop3A_418, %parallel_loop3A_419] {strides = array<i32>} : memref<80x128xf32, #tpu.memory_space<vmem>>, vector<16xf32>,
        %parallel_loop3A_421 = arith.mulf %parallel_loop3A_420, %parallel_loop3A_368 : vector<16xf32>
        %parallel_loop3A_422 = arith.index_cast %parallel_loop3A_363 : i32 to index
        %parallel_loop3A_423 = arith.constant 112 : index
        %parallel_loop3A_424 = tpu.vector_load %arg14[%parallel_loop3A_422, %parallel_loop3A_423] {strides = array<i32>} : memref<80x128xf32, #tpu.memory_space<vmem>>, vector<16xf32>,
        tpu.vector_store %arg14[%parallel_loop3A_422, %parallel_loop3A_423], %parallel_loop3A_421 {strides = array<i32>} : memref<80x128xf32, #tpu.memory_space<vmem>>, vector<16xf32>,
      } {sc.loop_unroll_factor = 1 : i64, sc.parallel_access}
      "tpu.region"() ({
        %run_scoped3A_363 = tpu.sem_alloc : memref<!tpu.dma_semaphore, #tpu.memory_space<semaphore_mem>>
        %dma_start3A_364 = arith.constant 0 : i32
        %dma_start3A_365 = arith.constant 0 : i32
        %dma_start3A_366 = tpu.memref_slice %arg20[%dma_start3A_364, %dma_start3A_365] : memref<10240x128xf32, #tpu.memory_space<vmem_shared>> -> memref<10240x128xf32, #tpu.memory_space<vmem_shared>>
        tpu.enqueue_indirect_dma source(%arg14 : memref<80x128xf32, #tpu.memory_space<vmem>>) target(%dma_start3A_366 : memref<10240x128xf32, #tpu.memory_space<vmem_shared>>) offsets(%arg12 : memref<80xi32, #tpu.memory_space<vmem>>) semaphore(%run_scoped3A_363 : memref<!tpu.dma_semaphore, #tpu.memory_space<semaphore_mem>>) {add = true}
        %dma_wait3A_367 = arith.constant 0 : i32
        %dma_wait3A_368 = arith.constant 0 : i32
        %dma_wait3A_369 = tpu.memref_slice %arg20[%dma_wait3A_367, %dma_wait3A_368] : memref<10240x128xf32, #tpu.memory_space<vmem_shared>> -> memref<10240x128xf32, #tpu.memory_space<vmem_shared>>
        tpu.wait_indirect_dma semaphore(%run_scoped3A_363 : memref<!tpu.dma_semaphore, #tpu.memory_space<semaphore_mem>>) src(%arg14 : memref<80x128xf32, #tpu.memory_space<vmem>>) dst(%dma_wait3A_369 : memref<10240x128xf32, #tpu.memory_space<vmem_shared>>)
        tpu.yield
      }) : () -> ()
      "tpu.region"() ({
        %run_scoped3A_363 = tpu.sem_alloc : memref<!tpu.dma_semaphore, #tpu.memory_space<semaphore_mem>>
        %dma_start3A_364 = arith.constant 0 : i32
        %dma_start3A_365 = tpu.memref_slice %arg21[%dma_start3A_364] : memref<10240xf32, #tpu.memory_space<vmem_shared>> -> memref<10240xf32, #tpu.memory_space<vmem_shared>>
        tpu.enqueue_indirect_dma source(%arg16 : memref<80xf32, #tpu.memory_space<vmem>>) target(%dma_start3A_365 : memref<10240xf32, #tpu.memory_space<vmem_shared>>) offsets(%arg12 : memref<80xi32, #tpu.memory_space<vmem>>) semaphore(%run_scoped3A_363 : memref<!tpu.dma_semaphore, #tpu.memory_space<semaphore_mem>>) {add = true}
        %dma_wait3A_366 = arith.constant 0 : i32
        %dma_wait3A_367 = tpu.memref_slice %arg21[%dma_wait3A_366] : memref<10240xf32, #tpu.memory_space<vmem_shared>> -> memref<10240xf32, #tpu.memory_space<vmem_shared>>
        tpu.wait_indirect_dma semaphore(%run_scoped3A_363 : memref<!tpu.dma_semaphore, #tpu.memory_space<semaphore_mem>>) src(%arg16 : memref<80xf32, #tpu.memory_space<vmem>>) dst(%dma_wait3A_367 : memref<10240xf32, #tpu.memory_space<vmem_shared>>)
        tpu.yield
      }) : () -> ()
      %add3A_347 = arith.constant 2 : i32
      %add3A_348 = arith.addi %mul3A_328, %add3A_347 : i32
      %lt3A_349 = arith.constant 125 : i32
      %lt3A_350 = arith.cmpi slt, %add3A_348, %lt3A_349 : i32
      %convert_element_type3A_351 = arith.extui %lt3A_350 : i1 to i32
      %cond3A_352 = arith.constant 0 : i32
      %cond3A_353 = arith.cmpi ne, %convert_element_type3A_351, %cond3A_352 : i32
      scf.if %cond3A_353 {
        %add3A_363 = arith.constant 2 : i32
        %add3A_364 = arith.addi %mul3A_328, %add3A_363 : i32
        %dma_start3A_365 = arith.constant 0 : i32
        %dma_start3A_366 = tpu.memref_slice %arg6[%add3A, %add3A_364, %dma_start3A_365] : memref<32x125x80xi32, #tpu.memory_space<hbm>> -> memref<1x1x80xi32, #tpu.memory_space<hbm>>
        %dma_start3A_367 = tpu.memref_squeeze %dma_start3A_366 : memref<1x1x80xi32, #tpu.memory_space<hbm>> -> memref<80xi32, #tpu.memory_space<hbm>>
        %dma_start3A_368 = arith.constant 0 : i32
        %dma_start3A_369 = tpu.memref_slice %arg6[%add3A, %add3A_364, %dma_start3A_368] : memref<32x125x80xi32, #tpu.memory_space<hbm>> -> memref<1x1x80xi32, #tpu.memory_space<hbm>>
        %dma_start3A_370 = tpu.memref_squeeze %dma_start3A_369 : memref<1x1x80xi32, #tpu.memory_space<hbm>> -> memref<80xi32, #tpu.memory_space<hbm>>
        tpu.enqueue_dma source(%dma_start3A_370 : memref<80xi32, #tpu.memory_space<hbm>>) target(%arg10 : memref<80xi32, #tpu.memory_space<vmem>>) target_semaphore(%arg24 : memref<!tpu.dma_semaphore, #tpu.memory_space<semaphore_mem>>)
        %add3A_371 = arith.constant 2 : i32
        %add3A_372 = arith.addi %mul3A_328, %add3A_371 : i32
        %dma_start3A_373 = arith.constant 0 : i32
        %dma_start3A_374 = tpu.memref_slice %arg7[%add3A, %add3A_372, %dma_start3A_373] : memref<32x125x80xi32, #tpu.memory_space<hbm>> -> memref<1x1x80xi32, #tpu.memory_space<hbm>>
        %dma_start3A_375 = tpu.memref_squeeze %dma_start3A_374 : memref<1x1x80xi32, #tpu.memory_space<hbm>> -> memref<80xi32, #tpu.memory_space<hbm>>
        %dma_start3A_376 = arith.constant 0 : i32
        %dma_start3A_377 = tpu.memref_slice %arg7[%add3A, %add3A_372, %dma_start3A_376] : memref<32x125x80xi32, #tpu.memory_space<hbm>> -> memref<1x1x80xi32, #tpu.memory_space<hbm>>
        %dma_start3A_378 = tpu.memref_squeeze %dma_start3A_377 : memref<1x1x80xi32, #tpu.memory_space<hbm>> -> memref<80xi32, #tpu.memory_space<hbm>>
        tpu.enqueue_dma source(%dma_start3A_378 : memref<80xi32, #tpu.memory_space<hbm>>) target(%arg12 : memref<80xi32, #tpu.memory_space<vmem>>) target_semaphore(%arg26 : memref<!tpu.dma_semaphore, #tpu.memory_space<semaphore_mem>>)
      } else {
      }
      %mul3A_354 = arith.constant 2 : i32
      %mul3A_355 = arith.muli %mul3A_354, %scan3A_326 : i32
      %add3A_356 = arith.constant 1 : i32
      %add3A_357 = arith.addi %mul3A_355, %add3A_356 : i32
      %lt3A_358 = arith.constant 125 : i32
      %lt3A_359 = arith.cmpi slt, %add3A_357, %lt3A_358 : i32
      %convert_element_type3A_360 = arith.extui %lt3A_359 : i1 to i32
      %cond3A_361 = arith.constant 0 : i32
      %cond3A_362 = arith.cmpi ne, %convert_element_type3A_360, %cond3A_361 : i32
      scf.if %cond3A_362 {
        %mul3A_363 = arith.constant 2 : i32
        %mul3A_364 = arith.muli %mul3A_363, %scan3A_326 : i32
        %add3A_365 = arith.constant 1 : i32
        %add3A_366 = arith.addi %mul3A_364, %add3A_365 : i32
        %dma_wait3A_367 = arith.constant 0 : i32
        %dma_wait3A_368 = arith.constant 0 : i32
        %dma_wait3A_369 = tpu.memref_slice %arg2[%dma_wait3A_367, %dma_wait3A_368] : memref<10240x128xf32, #tpu.memory_space<hbm>> -> memref<10240x128xf32, #tpu.memory_space<hbm>>
        tpu.wait_indirect_dma semaphore(%arg23 : memref<!tpu.dma_semaphore, #tpu.memory_space<semaphore_mem>>) src(%dma_wait3A_369 : memref<10240x128xf32, #tpu.memory_space<hbm>>) dst(%arg15 : memref<80x128xf32, #tpu.memory_space<vmem>>)
        %add3A_370 = arith.constant 1 : i32
        %add3A_371 = arith.addi %add3A_366, %add3A_370 : i32
        %lt3A_372 = arith.constant 125 : i32
        %lt3A_373 = arith.cmpi slt, %add3A_371, %lt3A_372 : i32
        %convert_element_type3A_374 = arith.extui %lt3A_373 : i1 to i32
        %cond3A_375 = arith.constant 0 : i32
        %cond3A_376 = arith.cmpi ne, %convert_element_type3A_374, %cond3A_375 : i32
        scf.if %cond3A_376 {
          %add3A_396 = arith.constant 1 : i32
          %add3A_397 = arith.addi %add3A_366, %add3A_396 : i32
          %dma_wait3A_398 = arith.constant 0 : i32
          %dma_wait3A_399 = tpu.memref_slice %arg6[%add3A, %add3A_397, %dma_wait3A_398] : memref<32x125x80xi32, #tpu.memory_space<hbm>> -> memref<1x1x80xi32, #tpu.memory_space<hbm>>
          %dma_wait3A_400 = tpu.memref_squeeze %dma_wait3A_399 : memref<1x1x80xi32, #tpu.memory_space<hbm>> -> memref<80xi32, #tpu.memory_space<hbm>>
          %dma_wait3A_401 = arith.constant 0 : i32
          %dma_wait3A_402 = tpu.memref_slice %arg6[%add3A, %add3A_397, %dma_wait3A_401] : memref<32x125x80xi32, #tpu.memory_space<hbm>> -> memref<1x1x80xi32, #tpu.memory_space<hbm>>
          %dma_wait3A_403 = tpu.memref_squeeze %dma_wait3A_402 : memref<1x1x80xi32, #tpu.memory_space<hbm>> -> memref<80xi32, #tpu.memory_space<hbm>>
          tpu.wait_dma2 semaphore(%arg24 : memref<!tpu.dma_semaphore, #tpu.memory_space<semaphore_mem>>) src(%dma_wait3A_403 : memref<80xi32, #tpu.memory_space<hbm>>) dst(%arg10 : memref<80xi32, #tpu.memory_space<vmem>>)
          %dma_start3A_404 = arith.constant 0 : i32
          %dma_start3A_405 = arith.constant 0 : i32
          %dma_start3A_406 = tpu.memref_slice %arg2[%dma_start3A_404, %dma_start3A_405] : memref<10240x128xf32, #tpu.memory_space<hbm>> -> memref<10240x128xf32, #tpu.memory_space<hbm>>
          tpu.enqueue_indirect_dma source(%dma_start3A_406 : memref<10240x128xf32, #tpu.memory_space<hbm>>) target(%arg14 : memref<80x128xf32, #tpu.memory_space<vmem>>) offsets(%arg10 : memref<80xi32, #tpu.memory_space<vmem>>) semaphore(%arg22 : memref<!tpu.dma_semaphore, #tpu.memory_space<semaphore_mem>>)
        } else {
        }
        %dma_wait3A_377 = arith.constant 0 : i32
        %dma_wait3A_378 = tpu.memref_slice %arg7[%add3A, %add3A_366, %dma_wait3A_377] : memref<32x125x80xi32, #tpu.memory_space<hbm>> -> memref<1x1x80xi32, #tpu.memory_space<hbm>>
        %dma_wait3A_379 = tpu.memref_squeeze %dma_wait3A_378 : memref<1x1x80xi32, #tpu.memory_space<hbm>> -> memref<80xi32, #tpu.memory_space<hbm>>
        %dma_wait3A_380 = arith.constant 0 : i32
        %dma_wait3A_381 = tpu.memref_slice %arg7[%add3A, %add3A_366, %dma_wait3A_380] : memref<32x125x80xi32, #tpu.memory_space<hbm>> -> memref<1x1x80xi32, #tpu.memory_space<hbm>>
        %dma_wait3A_382 = tpu.memref_squeeze %dma_wait3A_381 : memref<1x1x80xi32, #tpu.memory_space<hbm>> -> memref<80xi32, #tpu.memory_space<hbm>>
        tpu.wait_dma2 semaphore(%arg27 : memref<!tpu.dma_semaphore, #tpu.memory_space<semaphore_mem>>) src(%dma_wait3A_382 : memref<80xi32, #tpu.memory_space<hbm>>) dst(%arg13 : memref<80xi32, #tpu.memory_space<vmem>>)
        %parallel_loop3A_383 = arith.constant 0 : i32
        %parallel_loop3A_384 = arith.constant 5 : i32
        %parallel_loop3A_385 = arith.constant 1 : i32
        scf.for %parallel_loop3A_396 = %parallel_loop3A_383 to %parallel_loop3A_384 step %parallel_loop3A_385  : i32 {
          %parallel_loop3A_397 = arith.constant 16 : i32
          %parallel_loop3A_398 = arith.muli %parallel_loop3A_396, %parallel_loop3A_397 : i32
          %parallel_loop3A_399 = arith.index_cast %parallel_loop3A_398 : i32 to index
          %parallel_loop3A_400 = tpu.vector_load %arg11[%parallel_loop3A_399] {strides = array<i32>} : memref<80xi32, #tpu.memory_space<vmem>>, vector<16xi32>,
          %parallel_loop3A_401 = arith.constant 16 : i32
          %parallel_loop3A_402 = arith.muli %parallel_loop3A_396, %parallel_loop3A_401 : i32
          %parallel_loop3A_403 = arith.index_cast %parallel_loop3A_402 : i32 to index
          %parallel_loop3A_404 = tpu.vector_load %arg13[%parallel_loop3A_403] {strides = array<i32>} : memref<80xi32, #tpu.memory_space<vmem>>, vector<16xi32>,
          %parallel_loop3A_405 = tpu.vector_load_idx %arg17[%parallel_loop3A_400] : memref<10240xf32, #tpu.memory_space<vmem>>[vector<16xi32>], vector<16xf32>,
          %parallel_loop3A_406 = tpu.vector_load_idx %arg18[%parallel_loop3A_404] : memref<10240xf32, #tpu.memory_space<vmem>>[vector<16xi32>], vector<16xf32>,
          %parallel_loop3A_407 = arith.addf %parallel_loop3A_406, %get3A_118 : vector<16xf32>
          %parallel_loop3A_408 = arith.constant 0.000000e+00 : f32
          %parallel_loop3A_409 = vector.broadcast %parallel_loop3A_408 : f32 to vector<16xf32>
          %parallel_loop3A_410 = arith.cmpf ogt, %parallel_loop3A_407, %parallel_loop3A_409 : vector<16xf32>
          %parallel_loop3A_411 = arith.constant 2.000000e-01 : f32
          %parallel_loop3A_412 = vector.broadcast %parallel_loop3A_411 : f32 to vector<16xf32>
          %parallel_loop3A_413 = arith.mulf %parallel_loop3A_412, %parallel_loop3A_407 : vector<16xf32>
          %parallel_loop3A_414 = arith.select %parallel_loop3A_410, %parallel_loop3A_407, %parallel_loop3A_413 : vector<16xi1>, vector<16xf32>
          %parallel_loop3A_415 = arith.addf %parallel_loop3A_405, %parallel_loop3A_406 : vector<16xf32>
          %parallel_loop3A_416 = arith.constant 0.000000e+00 : f32
          %parallel_loop3A_417 = vector.broadcast %parallel_loop3A_416 : f32 to vector<16xf32>
          %parallel_loop3A_418 = arith.cmpf ogt, %parallel_loop3A_415, %parallel_loop3A_417 : vector<16xf32>
          %parallel_loop3A_419 = arith.constant 2.000000e-01 : f32
          %parallel_loop3A_420 = vector.broadcast %parallel_loop3A_419 : f32 to vector<16xf32>
          %parallel_loop3A_421 = arith.mulf %parallel_loop3A_420, %parallel_loop3A_415 : vector<16xf32>
          %parallel_loop3A_422 = arith.select %parallel_loop3A_418, %parallel_loop3A_415, %parallel_loop3A_421 : vector<16xi1>, vector<16xf32>
          %parallel_loop3A_423 = arith.subf %parallel_loop3A_422, %parallel_loop3A_414 : vector<16xf32>
          %parallel_loop3A_424 = math.exp %parallel_loop3A_423 : vector<16xf32>
          %parallel_loop3A_425 = arith.constant 16 : i32
          %parallel_loop3A_426 = arith.muli %parallel_loop3A_396, %parallel_loop3A_425 : i32
          %parallel_loop3A_427 = arith.index_cast %parallel_loop3A_426 : i32 to index
          %parallel_loop3A_428 = tpu.vector_load %arg16[%parallel_loop3A_427] {strides = array<i32>} : memref<80xf32, #tpu.memory_space<vmem>>, vector<16xf32>,
          tpu.vector_store %arg16[%parallel_loop3A_427], %parallel_loop3A_424 {strides = array<i32>} : memref<80xf32, #tpu.memory_space<vmem>>, vector<16xf32>,
        } {sc.loop_unroll_factor = 1 : i64, sc.parallel_access}
        %parallel_loop3A_386 = arith.constant 0 : i32
        %parallel_loop3A_387 = arith.constant 80 : i32
        %parallel_loop3A_388 = arith.constant 1 : i32
        scf.for %parallel_loop3A_396 = %parallel_loop3A_386 to %parallel_loop3A_387 step %parallel_loop3A_388  : i32 {
          %parallel_loop3A_397 = arith.constant 0 : i32
          %parallel_loop3A_398 = vector.broadcast %parallel_loop3A_397 : i32 to vector<16xi32>
          %parallel_loop3A_399 = vector.broadcast %parallel_loop3A_396 : i32 to vector<16xi32>
          %parallel_loop3A_400 = arith.addi %parallel_loop3A_398, %parallel_loop3A_399 : vector<16xi32>
          %parallel_loop3A_401 = tpu.vector_load_idx %arg16[%parallel_loop3A_400] : memref<80xf32, #tpu.memory_space<vmem>>[vector<16xi32>], vector<16xf32>,
          %parallel_loop3A_402 = arith.index_cast %parallel_loop3A_396 : i32 to index
          %parallel_loop3A_403 = arith.constant 0 : index
          %parallel_loop3A_404 = tpu.vector_load %arg15[%parallel_loop3A_402, %parallel_loop3A_403] {strides = array<i32>} : memref<80x128xf32, #tpu.memory_space<vmem>>, vector<16xf32>,
          %parallel_loop3A_405 = arith.mulf %parallel_loop3A_404, %parallel_loop3A_401 : vector<16xf32>
          %parallel_loop3A_406 = arith.index_cast %parallel_loop3A_396 : i32 to index
          %parallel_loop3A_407 = arith.constant 0 : index
          %parallel_loop3A_408 = tpu.vector_load %arg15[%parallel_loop3A_406, %parallel_loop3A_407] {strides = array<i32>} : memref<80x128xf32, #tpu.memory_space<vmem>>, vector<16xf32>,
          tpu.vector_store %arg15[%parallel_loop3A_406, %parallel_loop3A_407], %parallel_loop3A_405 {strides = array<i32>} : memref<80x128xf32, #tpu.memory_space<vmem>>, vector<16xf32>,
          %parallel_loop3A_409 = arith.index_cast %parallel_loop3A_396 : i32 to index
          %parallel_loop3A_410 = arith.constant 16 : index
          %parallel_loop3A_411 = tpu.vector_load %arg15[%parallel_loop3A_409, %parallel_loop3A_410] {strides = array<i32>} : memref<80x128xf32, #tpu.memory_space<vmem>>, vector<16xf32>,
          %parallel_loop3A_412 = arith.mulf %parallel_loop3A_411, %parallel_loop3A_401 : vector<16xf32>
          %parallel_loop3A_413 = arith.index_cast %parallel_loop3A_396 : i32 to index
          %parallel_loop3A_414 = arith.constant 16 : index
          %parallel_loop3A_415 = tpu.vector_load %arg15[%parallel_loop3A_413, %parallel_loop3A_414] {strides = array<i32>} : memref<80x128xf32, #tpu.memory_space<vmem>>, vector<16xf32>,
          tpu.vector_store %arg15[%parallel_loop3A_413, %parallel_loop3A_414], %parallel_loop3A_412 {strides = array<i32>} : memref<80x128xf32, #tpu.memory_space<vmem>>, vector<16xf32>,
          %parallel_loop3A_416 = arith.index_cast %parallel_loop3A_396 : i32 to index
          %parallel_loop3A_417 = arith.constant 32 : index
          %parallel_loop3A_418 = tpu.vector_load %arg15[%parallel_loop3A_416, %parallel_loop3A_417] {strides = array<i32>} : memref<80x128xf32, #tpu.memory_space<vmem>>, vector<16xf32>,
          %parallel_loop3A_419 = arith.mulf %parallel_loop3A_418, %parallel_loop3A_401 : vector<16xf32>
          %parallel_loop3A_420 = arith.index_cast %parallel_loop3A_396 : i32 to index
          %parallel_loop3A_421 = arith.constant 32 : index
          %parallel_loop3A_422 = tpu.vector_load %arg15[%parallel_loop3A_420, %parallel_loop3A_421] {strides = array<i32>} : memref<80x128xf32, #tpu.memory_space<vmem>>, vector<16xf32>,
          tpu.vector_store %arg15[%parallel_loop3A_420, %parallel_loop3A_421], %parallel_loop3A_419 {strides = array<i32>} : memref<80x128xf32, #tpu.memory_space<vmem>>, vector<16xf32>,
          %parallel_loop3A_423 = arith.index_cast %parallel_loop3A_396 : i32 to index
          %parallel_loop3A_424 = arith.constant 48 : index
          %parallel_loop3A_425 = tpu.vector_load %arg15[%parallel_loop3A_423, %parallel_loop3A_424] {strides = array<i32>} : memref<80x128xf32, #tpu.memory_space<vmem>>, vector<16xf32>,
          %parallel_loop3A_426 = arith.mulf %parallel_loop3A_425, %parallel_loop3A_401 : vector<16xf32>
          %parallel_loop3A_427 = arith.index_cast %parallel_loop3A_396 : i32 to index
          %parallel_loop3A_428 = arith.constant 48 : index
          %parallel_loop3A_429 = tpu.vector_load %arg15[%parallel_loop3A_427, %parallel_loop3A_428] {strides = array<i32>} : memref<80x128xf32, #tpu.memory_space<vmem>>, vector<16xf32>,
          tpu.vector_store %arg15[%parallel_loop3A_427, %parallel_loop3A_428], %parallel_loop3A_426 {strides = array<i32>} : memref<80x128xf32, #tpu.memory_space<vmem>>, vector<16xf32>,
          %parallel_loop3A_430 = arith.index_cast %parallel_loop3A_396 : i32 to index
          %parallel_loop3A_431 = arith.constant 64 : index
          %parallel_loop3A_432 = tpu.vector_load %arg15[%parallel_loop3A_430, %parallel_loop3A_431] {strides = array<i32>} : memref<80x128xf32, #tpu.memory_space<vmem>>, vector<16xf32>,
          %parallel_loop3A_433 = arith.mulf %parallel_loop3A_432, %parallel_loop3A_401 : vector<16xf32>
          %parallel_loop3A_434 = arith.index_cast %parallel_loop3A_396 : i32 to index
          %parallel_loop3A_435 = arith.constant 64 : index
          %parallel_loop3A_436 = tpu.vector_load %arg15[%parallel_loop3A_434, %parallel_loop3A_435] {strides = array<i32>} : memref<80x128xf32, #tpu.memory_space<vmem>>, vector<16xf32>,
          tpu.vector_store %arg15[%parallel_loop3A_434, %parallel_loop3A_435], %parallel_loop3A_433 {strides = array<i32>} : memref<80x128xf32, #tpu.memory_space<vmem>>, vector<16xf32>,
          %parallel_loop3A_437 = arith.index_cast %parallel_loop3A_396 : i32 to index
          %parallel_loop3A_438 = arith.constant 80 : index
          %parallel_loop3A_439 = tpu.vector_load %arg15[%parallel_loop3A_437, %parallel_loop3A_438] {strides = array<i32>} : memref<80x128xf32, #tpu.memory_space<vmem>>, vector<16xf32>,
          %parallel_loop3A_440 = arith.mulf %parallel_loop3A_439, %parallel_loop3A_401 : vector<16xf32>
          %parallel_loop3A_441 = arith.index_cast %parallel_loop3A_396 : i32 to index
          %parallel_loop3A_442 = arith.constant 80 : index
          %parallel_loop3A_443 = tpu.vector_load %arg15[%parallel_loop3A_441, %parallel_loop3A_442] {strides = array<i32>} : memref<80x128xf32, #tpu.memory_space<vmem>>, vector<16xf32>,
          tpu.vector_store %arg15[%parallel_loop3A_441, %parallel_loop3A_442], %parallel_loop3A_440 {strides = array<i32>} : memref<80x128xf32, #tpu.memory_space<vmem>>, vector<16xf32>,
          %parallel_loop3A_444 = arith.index_cast %parallel_loop3A_396 : i32 to index
          %parallel_loop3A_445 = arith.constant 96 : index
          %parallel_loop3A_446 = tpu.vector_load %arg15[%parallel_loop3A_444, %parallel_loop3A_445] {strides = array<i32>} : memref<80x128xf32, #tpu.memory_space<vmem>>, vector<16xf32>,
          %parallel_loop3A_447 = arith.mulf %parallel_loop3A_446, %parallel_loop3A_401 : vector<16xf32>
          %parallel_loop3A_448 = arith.index_cast %parallel_loop3A_396 : i32 to index
          %parallel_loop3A_449 = arith.constant 96 : index
          %parallel_loop3A_450 = tpu.vector_load %arg15[%parallel_loop3A_448, %parallel_loop3A_449] {strides = array<i32>} : memref<80x128xf32, #tpu.memory_space<vmem>>, vector<16xf32>,
          tpu.vector_store %arg15[%parallel_loop3A_448, %parallel_loop3A_449], %parallel_loop3A_447 {strides = array<i32>} : memref<80x128xf32, #tpu.memory_space<vmem>>, vector<16xf32>,
          %parallel_loop3A_451 = arith.index_cast %parallel_loop3A_396 : i32 to index
          %parallel_loop3A_452 = arith.constant 112 : index
          %parallel_loop3A_453 = tpu.vector_load %arg15[%parallel_loop3A_451, %parallel_loop3A_452] {strides = array<i32>} : memref<80x128xf32, #tpu.memory_space<vmem>>, vector<16xf32>,
          %parallel_loop3A_454 = arith.mulf %parallel_loop3A_453, %parallel_loop3A_401 : vector<16xf32>
          %parallel_loop3A_455 = arith.index_cast %parallel_loop3A_396 : i32 to index
          %parallel_loop3A_456 = arith.constant 112 : index
          %parallel_loop3A_457 = tpu.vector_load %arg15[%parallel_loop3A_455, %parallel_loop3A_456] {strides = array<i32>} : memref<80x128xf32, #tpu.memory_space<vmem>>, vector<16xf32>,
          tpu.vector_store %arg15[%parallel_loop3A_455, %parallel_loop3A_456], %parallel_loop3A_454 {strides = array<i32>} : memref<80x128xf32, #tpu.memory_space<vmem>>, vector<16xf32>,
        } {sc.loop_unroll_factor = 1 : i64, sc.parallel_access}
        "tpu.region"() ({
          %run_scoped3A_396 = tpu.sem_alloc : memref<!tpu.dma_semaphore, #tpu.memory_space<semaphore_mem>>
          %dma_start3A_397 = arith.constant 0 : i32
          %dma_start3A_398 = arith.constant 0 : i32
          %dma_start3A_399 = tpu.memref_slice %arg20[%dma_start3A_397, %dma_start3A_398] : memref<10240x128xf32, #tpu.memory_space<vmem_shared>> -> memref<10240x128xf32, #tpu.memory_space<vmem_shared>>
          tpu.enqueue_indirect_dma source(%arg15 : memref<80x128xf32, #tpu.memory_space<vmem>>) target(%dma_start3A_399 : memref<10240x128xf32, #tpu.memory_space<vmem_shared>>) offsets(%arg13 : memref<80xi32, #tpu.memory_space<vmem>>) semaphore(%run_scoped3A_396 : memref<!tpu.dma_semaphore, #tpu.memory_space<semaphore_mem>>) {add = true}
          %dma_wait3A_400 = arith.constant 0 : i32
          %dma_wait3A_401 = arith.constant 0 : i32
          %dma_wait3A_402 = tpu.memref_slice %arg20[%dma_wait3A_400, %dma_wait3A_401] : memref<10240x128xf32, #tpu.memory_space<vmem_shared>> -> memref<10240x128xf32, #tpu.memory_space<vmem_shared>>
          tpu.wait_indirect_dma semaphore(%run_scoped3A_396 : memref<!tpu.dma_semaphore, #tpu.memory_space<semaphore_mem>>) src(%arg15 : memref<80x128xf32, #tpu.memory_space<vmem>>) dst(%dma_wait3A_402 : memref<10240x128xf32, #tpu.memory_space<vmem_shared>>)
          tpu.yield
        }) : () -> ()
        "tpu.region"() ({
          %run_scoped3A_396 = tpu.sem_alloc : memref<!tpu.dma_semaphore, #tpu.memory_space<semaphore_mem>>
          %dma_start3A_397 = arith.constant 0 : i32
          %dma_start3A_398 = tpu.memref_slice %arg21[%dma_start3A_397] : memref<10240xf32, #tpu.memory_space<vmem_shared>> -> memref<10240xf32, #tpu.memory_space<vmem_shared>>
          tpu.enqueue_indirect_dma source(%arg16 : memref<80xf32, #tpu.memory_space<vmem>>) target(%dma_start3A_398 : memref<10240xf32, #tpu.memory_space<vmem_shared>>) offsets(%arg13 : memref<80xi32, #tpu.memory_space<vmem>>) semaphore(%run_scoped3A_396 : memref<!tpu.dma_semaphore, #tpu.memory_space<semaphore_mem>>) {add = true}
          %dma_wait3A_399 = arith.constant 0 : i32
          %dma_wait3A_400 = tpu.memref_slice %arg21[%dma_wait3A_399] : memref<10240xf32, #tpu.memory_space<vmem_shared>> -> memref<10240xf32, #tpu.memory_space<vmem_shared>>
          tpu.wait_indirect_dma semaphore(%run_scoped3A_396 : memref<!tpu.dma_semaphore, #tpu.memory_space<semaphore_mem>>) src(%arg16 : memref<80xf32, #tpu.memory_space<vmem>>) dst(%dma_wait3A_400 : memref<10240xf32, #tpu.memory_space<vmem_shared>>)
          tpu.yield
        }) : () -> ()
        %add3A_389 = arith.constant 2 : i32
        %add3A_390 = arith.addi %add3A_366, %add3A_389 : i32
        %lt3A_391 = arith.constant 125 : i32
        %lt3A_392 = arith.cmpi slt, %add3A_390, %lt3A_391 : i32
        %convert_element_type3A_393 = arith.extui %lt3A_392 : i1 to i32
        %cond3A_394 = arith.constant 0 : i32
        %cond3A_395 = arith.cmpi ne, %convert_element_type3A_393, %cond3A_394 : i32
        scf.if %cond3A_395 {
          %add3A_396 = arith.constant 2 : i32
          %add3A_397 = arith.addi %add3A_366, %add3A_396 : i32
          %dma_start3A_398 = arith.constant 0 : i32
          %dma_start3A_399 = tpu.memref_slice %arg6[%add3A, %add3A_397, %dma_start3A_398] : memref<32x125x80xi32, #tpu.memory_space<hbm>> -> memref<1x1x80xi32, #tpu.memory_space<hbm>>
          %dma_start3A_400 = tpu.memref_squeeze %dma_start3A_399 : memref<1x1x80xi32, #tpu.memory_space<hbm>> -> memref<80xi32, #tpu.memory_space<hbm>>
          %dma_start3A_401 = arith.constant 0 : i32
          %dma_start3A_402 = tpu.memref_slice %arg6[%add3A, %add3A_397, %dma_start3A_401] : memref<32x125x80xi32, #tpu.memory_space<hbm>> -> memref<1x1x80xi32, #tpu.memory_space<hbm>>
          %dma_start3A_403 = tpu.memref_squeeze %dma_start3A_402 : memref<1x1x80xi32, #tpu.memory_space<hbm>> -> memref<80xi32, #tpu.memory_space<hbm>>
          tpu.enqueue_dma source(%dma_start3A_403 : memref<80xi32, #tpu.memory_space<hbm>>) target(%arg11 : memref<80xi32, #tpu.memory_space<vmem>>) target_semaphore(%arg25 : memref<!tpu.dma_semaphore, #tpu.memory_space<semaphore_mem>>)
          %add3A_404 = arith.constant 2 : i32
          %add3A_405 = arith.addi %add3A_366, %add3A_404 : i32
          %dma_start3A_406 = arith.constant 0 : i32
          %dma_start3A_407 = tpu.memref_slice %arg7[%add3A, %add3A_405, %dma_start3A_406] : memref<32x125x80xi32, #tpu.memory_space<hbm>> -> memref<1x1x80xi32, #tpu.memory_space<hbm>>
          %dma_start3A_408 = tpu.memref_squeeze %dma_start3A_407 : memref<1x1x80xi32, #tpu.memory_space<hbm>> -> memref<80xi32, #tpu.memory_space<hbm>>
          %dma_start3A_409 = arith.constant 0 : i32
          %dma_start3A_410 = tpu.memref_slice %arg7[%add3A, %add3A_405, %dma_start3A_409] : memref<32x125x80xi32, #tpu.memory_space<hbm>> -> memref<1x1x80xi32, #tpu.memory_space<hbm>>
          %dma_start3A_411 = tpu.memref_squeeze %dma_start3A_410 : memref<1x1x80xi32, #tpu.memory_space<hbm>> -> memref<80xi32, #tpu.memory_space<hbm>>
          tpu.enqueue_dma source(%dma_start3A_411 : memref<80xi32, #tpu.memory_space<hbm>>) target(%arg13 : memref<80xi32, #tpu.memory_space<vmem>>) target_semaphore(%arg27 : memref<!tpu.dma_semaphore, #tpu.memory_space<semaphore_mem>>)
        } else {
        }
      } else {
      }
    }
    %scan3A_124 = arith.constant 63 : i32
    %barrier3A_125 = arith.constant 0 : index
    tpu.barrier barrier_id(%barrier3A_125)
    %mul3A_126 = arith.constant 640 : i32
    %mul3A_127 = arith.muli %arg1, %mul3A_126 : i32
    %add3A_128 = arith.constant 0 : i32
    %add3A_129 = arith.addi %mul3A_127, %add3A_128 : i32
    "tpu.region"() ({
      %run_scoped3A_326 = tpu.sem_alloc : memref<!tpu.dma_semaphore, #tpu.memory_space<semaphore_mem>>
      %dma_start3A_327 = arith.constant 0 : i32
      %dma_start3A_328 = tpu.memref_slice %arg20[%add3A_129, %dma_start3A_327] : memref<10240x128xf32, #tpu.memory_space<vmem_shared>> -> memref<80x128xf32, #tpu.memory_space<vmem_shared>>
      %dma_start3A_329 = arith.constant 0 : i32
      %dma_start3A_330 = tpu.memref_slice %arg20[%add3A_129, %dma_start3A_329] : memref<10240x128xf32, #tpu.memory_space<vmem_shared>> -> memref<80x128xf32, #tpu.memory_space<vmem_shared>>
      tpu.enqueue_dma source(%dma_start3A_330 : memref<80x128xf32, #tpu.memory_space<vmem_shared>>) target(%arg14 : memref<80x128xf32, #tpu.memory_space<vmem>>) target_semaphore(%run_scoped3A_326 : memref<!tpu.dma_semaphore, #tpu.memory_space<semaphore_mem>>)
      %dma_wait3A_331 = arith.constant 0 : i32
      %dma_wait3A_332 = tpu.memref_slice %arg20[%add3A_129, %dma_wait3A_331] : memref<10240x128xf32, #tpu.memory_space<vmem_shared>> -> memref<80x128xf32, #tpu.memory_space<vmem_shared>>
      %dma_wait3A_333 = arith.constant 0 : i32
      %dma_wait3A_334 = tpu.memref_slice %arg20[%add3A_129, %dma_wait3A_333] : memref<10240x128xf32, #tpu.memory_space<vmem_shared>> -> memref<80x128xf32, #tpu.memory_space<vmem_shared>>
      tpu.wait_dma2 semaphore(%run_scoped3A_326 : memref<!tpu.dma_semaphore, #tpu.memory_space<semaphore_mem>>) src(%dma_wait3A_334 : memref<80x128xf32, #tpu.memory_space<vmem_shared>>) dst(%arg14 : memref<80x128xf32, #tpu.memory_space<vmem>>)
      tpu.yield
    }) : () -> ()
    %mul3A_130 = arith.constant 10240 : i32
    %mul3A_131 = arith.muli %arg0, %mul3A_130 : i32
    %add3A_132 = arith.addi %mul3A_131, %add3A_129 : i32
    %dma_start3A_133 = arith.constant 0 : i32
    %dma_start3A_134 = tpu.memref_slice %arg8[%add3A_132, %dma_start3A_133] : memref<20480x128xf32, #tpu.memory_space<hbm>> -> memref<80x128xf32, #tpu.memory_space<hbm>>
    %dma_start3A_135 = arith.constant 0 : i32
    %dma_start3A_136 = tpu.memref_slice %arg8[%add3A_132, %dma_start3A_135] : memref<20480x128xf32, #tpu.memory_space<hbm>> -> memref<80x128xf32, #tpu.memory_space<hbm>>
    tpu.enqueue_dma source(%arg14 : memref<80x128xf32, #tpu.memory_space<vmem>>) target(%dma_start3A_136 : memref<80x128xf32, #tpu.memory_space<hbm>>) target_semaphore(%arg22 : memref<!tpu.dma_semaphore, #tpu.memory_space<semaphore_mem>>)
    "tpu.region"() ({
      %run_scoped3A_326 = tpu.sem_alloc : memref<!tpu.dma_semaphore, #tpu.memory_space<semaphore_mem>>
      %dma_start3A_327 = tpu.memref_slice %arg21[%add3A_129] : memref<10240xf32, #tpu.memory_space<vmem_shared>> -> memref<80xf32, #tpu.memory_space<vmem_shared>>
      %dma_start3A_328 = tpu.memref_slice %arg21[%add3A_129] : memref<10240xf32, #tpu.memory_space<vmem_shared>> -> memref<80xf32, #tpu.memory_space<vmem_shared>>
      tpu.enqueue_dma source(%dma_start3A_328 : memref<80xf32, #tpu.memory_space<vmem_shared>>) target(%arg16 : memref<80xf32, #tpu.memory_space<vmem>>) target_semaphore(%run_scoped3A_326 : memref<!tpu.dma_semaphore, #tpu.memory_space<semaphore_mem>>)
      %dma_wait3A_329 = tpu.memref_slice %arg21[%add3A_129] : memref<10240xf32, #tpu.memory_space<vmem_shared>> -> memref<80xf32, #tpu.memory_space<vmem_shared>>
      %dma_wait3A_330 = tpu.memref_slice %arg21[%add3A_129] : memref<10240xf32, #tpu.memory_space<vmem_shared>> -> memref<80xf32, #tpu.memory_space<vmem_shared>>
      tpu.wait_dma2 semaphore(%run_scoped3A_326 : memref<!tpu.dma_semaphore, #tpu.memory_space<semaphore_mem>>) src(%dma_wait3A_330 : memref<80xf32, #tpu.memory_space<vmem_shared>>) dst(%arg16 : memref<80xf32, #tpu.memory_space<vmem>>)
      tpu.yield
    }) : () -> ()
    %mul3A_137 = arith.constant 10240 : i32
    %mul3A_138 = arith.muli %arg0, %mul3A_137 : i32
    %add3A_139 = arith.addi %mul3A_138, %add3A_129 : i32
    "tpu.region"() ({
      %run_scoped3A_326 = tpu.sem_alloc : memref<!tpu.dma_semaphore, #tpu.memory_space<semaphore_mem>>
      %dma_start3A_327 = tpu.memref_slice %arg9[%add3A_139] : memref<20480xf32, #tpu.memory_space<hbm>> -> memref<80xf32, #tpu.memory_space<hbm>>
      %dma_start3A_328 = tpu.memref_slice %arg9[%add3A_139] : memref<20480xf32, #tpu.memory_space<hbm>> -> memref<80xf32, #tpu.memory_space<hbm>>
      tpu.enqueue_dma source(%arg16 : memref<80xf32, #tpu.memory_space<vmem>>) target(%dma_start3A_328 : memref<80xf32, #tpu.memory_space<hbm>>) target_semaphore(%run_scoped3A_326 : memref<!tpu.dma_semaphore, #tpu.memory_space<semaphore_mem>>)
      %dma_wait3A_329 = tpu.memref_slice %arg9[%add3A_139] : memref<20480xf32, #tpu.memory_space<hbm>> -> memref<80xf32, #tpu.memory_space<hbm>>
      %dma_wait3A_330 = tpu.memref_slice %arg9[%add3A_139] : memref<20480xf32, #tpu.memory_space<hbm>> -> memref<80xf32, #tpu.memory_space<hbm>>
      tpu.wait_dma2 semaphore(%run_scoped3A_326 : memref<!tpu.dma_semaphore, #tpu.memory_space<semaphore_mem>>) src(%arg16 : memref<80xf32, #tpu.memory_space<vmem>>) dst(%dma_wait3A_330 : memref<80xf32, #tpu.memory_space<hbm>>)
      tpu.yield
    }) : () -> ()
    %mul3A_140 = arith.constant 640 : i32
    %mul3A_141 = arith.muli %arg1, %mul3A_140 : i32
    %add3A_142 = arith.constant 80 : i32
    %add3A_143 = arith.addi %mul3A_141, %add3A_142 : i32
    "tpu.region"() ({
      %run_scoped3A_326 = tpu.sem_alloc : memref<!tpu.dma_semaphore, #tpu.memory_space<semaphore_mem>>
      %dma_start3A_327 = arith.constant 0 : i32
      %dma_start3A_328 = tpu.memref_slice %arg20[%add3A_143, %dma_start3A_327] : memref<10240x128xf32, #tpu.memory_space<vmem_shared>> -> memref<80x128xf32, #tpu.memory_space<vmem_shared>>
      %dma_start3A_329 = arith.constant 0 : i32
      %dma_start3A_330 = tpu.memref_slice %arg20[%add3A_143, %dma_start3A_329] : memref<10240x128xf32, #tpu.memory_space<vmem_shared>> -> memref<80x128xf32, #tpu.memory_space<vmem_shared>>
      tpu.enqueue_dma source(%dma_start3A_330 : memref<80x128xf32, #tpu.memory_space<vmem_shared>>) target(%arg15 : memref<80x128xf32, #tpu.memory_space<vmem>>) target_semaphore(%run_scoped3A_326 : memref<!tpu.dma_semaphore, #tpu.memory_space<semaphore_mem>>)
      %dma_wait3A_331 = arith.constant 0 : i32
      %dma_wait3A_332 = tpu.memref_slice %arg20[%add3A_143, %dma_wait3A_331] : memref<10240x128xf32, #tpu.memory_space<vmem_shared>> -> memref<80x128xf32, #tpu.memory_space<vmem_shared>>
      %dma_wait3A_333 = arith.constant 0 : i32
      %dma_wait3A_334 = tpu.memref_slice %arg20[%add3A_143, %dma_wait3A_333] : memref<10240x128xf32, #tpu.memory_space<vmem_shared>> -> memref<80x128xf32, #tpu.memory_space<vmem_shared>>
      tpu.wait_dma2 semaphore(%run_scoped3A_326 : memref<!tpu.dma_semaphore, #tpu.memory_space<semaphore_mem>>) src(%dma_wait3A_334 : memref<80x128xf32, #tpu.memory_space<vmem_shared>>) dst(%arg15 : memref<80x128xf32, #tpu.memory_space<vmem>>)
      tpu.yield
    }) : () -> ()
    %mul3A_144 = arith.constant 10240 : i32
    %mul3A_145 = arith.muli %arg0, %mul3A_144 : i32
    %add3A_146 = arith.addi %mul3A_145, %add3A_143 : i32
    %dma_start3A_147 = arith.constant 0 : i32
    %dma_start3A_148 = tpu.memref_slice %arg8[%add3A_146, %dma_start3A_147] : memref<20480x128xf32, #tpu.memory_space<hbm>> -> memref<80x128xf32, #tpu.memory_space<hbm>>
    %dma_start3A_149 = arith.constant 0 : i32
    %dma_start3A_150 = tpu.memref_slice %arg8[%add3A_146, %dma_start3A_149] : memref<20480x128xf32, #tpu.memory_space<hbm>> -> memref<80x128xf32, #tpu.memory_space<hbm>>
    tpu.enqueue_dma source(%arg15 : memref<80x128xf32, #tpu.memory_space<vmem>>) target(%dma_start3A_150 : memref<80x128xf32, #tpu.memory_space<hbm>>) target_semaphore(%arg23 : memref<!tpu.dma_semaphore, #tpu.memory_space<semaphore_mem>>)
    "tpu.region"() ({
      %run_scoped3A_326 = tpu.sem_alloc : memref<!tpu.dma_semaphore, #tpu.memory_space<semaphore_mem>>
      %dma_start3A_327 = tpu.memref_slice %arg21[%add3A_143] : memref<10240xf32, #tpu.memory_space<vmem_shared>> -> memref<80xf32, #tpu.memory_space<vmem_shared>>
      %dma_start3A_328 = tpu.memref_slice %arg21[%add3A_143] : memref<10240xf32, #tpu.memory_space<vmem_shared>> -> memref<80xf32, #tpu.memory_space<vmem_shared>>
      tpu.enqueue_dma source(%dma_start3A_328 : memref<80xf32, #tpu.memory_space<vmem_shared>>) target(%arg16 : memref<80xf32, #tpu.memory_space<vmem>>) target_semaphore(%run_scoped3A_326 : memref<!tpu.dma_semaphore, #tpu.memory_space<semaphore_mem>>)
      %dma_wait3A_329 = tpu.memref_slice %arg21[%add3A_143] : memref<10240xf32, #tpu.memory_space<vmem_shared>> -> memref<80xf32, #tpu.memory_space<vmem_shared>>
      %dma_wait3A_330 = tpu.memref_slice %arg21[%add3A_143] : memref<10240xf32, #tpu.memory_space<vmem_shared>> -> memref<80xf32, #tpu.memory_space<vmem_shared>>
      tpu.wait_dma2 semaphore(%run_scoped3A_326 : memref<!tpu.dma_semaphore, #tpu.memory_space<semaphore_mem>>) src(%dma_wait3A_330 : memref<80xf32, #tpu.memory_space<vmem_shared>>) dst(%arg16 : memref<80xf32, #tpu.memory_space<vmem>>)
      tpu.yield
    }) : () -> ()
    %mul3A_151 = arith.constant 10240 : i32
    %mul3A_152 = arith.muli %arg0, %mul3A_151 : i32
    %add3A_153 = arith.addi %mul3A_152, %add3A_143 : i32
    "tpu.region"() ({
      %run_scoped3A_326 = tpu.sem_alloc : memref<!tpu.dma_semaphore, #tpu.memory_space<semaphore_mem>>
      %dma_start3A_327 = tpu.memref_slice %arg9[%add3A_153] : memref<20480xf32, #tpu.memory_space<hbm>> -> memref<80xf32, #tpu.memory_space<hbm>>
      %dma_start3A_328 = tpu.memref_slice %arg9[%add3A_153] : memref<20480xf32, #tpu.memory_space<hbm>> -> memref<80xf32, #tpu.memory_space<hbm>>
      tpu.enqueue_dma source(%arg16 : memref<80xf32, #tpu.memory_space<vmem>>) target(%dma_start3A_328 : memref<80xf32, #tpu.memory_space<hbm>>) target_semaphore(%run_scoped3A_326 : memref<!tpu.dma_semaphore, #tpu.memory_space<semaphore_mem>>)
      %dma_wait3A_329 = tpu.memref_slice %arg9[%add3A_153] : memref<20480xf32, #tpu.memory_space<hbm>> -> memref<80xf32, #tpu.memory_space<hbm>>
      %dma_wait3A_330 = tpu.memref_slice %arg9[%add3A_153] : memref<20480xf32, #tpu.memory_space<hbm>> -> memref<80xf32, #tpu.memory_space<hbm>>
      tpu.wait_dma2 semaphore(%run_scoped3A_326 : memref<!tpu.dma_semaphore, #tpu.memory_space<semaphore_mem>>) src(%arg16 : memref<80xf32, #tpu.memory_space<vmem>>) dst(%dma_wait3A_330 : memref<80xf32, #tpu.memory_space<hbm>>)
      tpu.yield
    }) : () -> ()
    %mul3A_154 = arith.constant 640 : i32
    %mul3A_155 = arith.muli %arg1, %mul3A_154 : i32
    %add3A_156 = arith.constant 160 : i32
    %add3A_157 = arith.addi %mul3A_155, %add3A_156 : i32
    %mul3A_158 = arith.constant 640 : i32
    %mul3A_159 = arith.muli %arg1, %mul3A_158 : i32
    %add3A_160 = arith.constant 0 : i32
    %add3A_161 = arith.addi %mul3A_159, %add3A_160 : i32
    %mul3A_162 = arith.constant 10240 : i32
    %mul3A_163 = arith.muli %arg0, %mul3A_162 : i32
    %add3A_164 = arith.addi %mul3A_163, %add3A_161 : i32
    %dma_wait3A_165 = arith.constant 0 : i32
    %dma_wait3A_166 = tpu.memref_slice %arg8[%add3A_164, %dma_wait3A_165] : memref<20480x128xf32, #tpu.memory_space<hbm>> -> memref<80x128xf32, #tpu.memory_space<hbm>>
    %dma_wait3A_167 = arith.constant 0 : i32
    %dma_wait3A_168 = tpu.memref_slice %arg8[%add3A_164, %dma_wait3A_167] : memref<20480x128xf32, #tpu.memory_space<hbm>> -> memref<80x128xf32, #tpu.memory_space<hbm>>
    tpu.wait_dma2 semaphore(%arg22 : memref<!tpu.dma_semaphore, #tpu.memory_space<semaphore_mem>>) src(%arg14 : memref<80x128xf32, #tpu.memory_space<vmem>>) dst(%dma_wait3A_168 : memref<80x128xf32, #tpu.memory_space<hbm>>)
    "tpu.region"() ({
      %run_scoped3A_326 = tpu.sem_alloc : memref<!tpu.dma_semaphore, #tpu.memory_space<semaphore_mem>>
      %dma_start3A_327 = arith.constant 0 : i32
      %dma_start3A_328 = tpu.memref_slice %arg20[%add3A_157, %dma_start3A_327] : memref<10240x128xf32, #tpu.memory_space<vmem_shared>> -> memref<80x128xf32, #tpu.memory_space<vmem_shared>>
      %dma_start3A_329 = arith.constant 0 : i32
      %dma_start3A_330 = tpu.memref_slice %arg20[%add3A_157, %dma_start3A_329] : memref<10240x128xf32, #tpu.memory_space<vmem_shared>> -> memref<80x128xf32, #tpu.memory_space<vmem_shared>>
      tpu.enqueue_dma source(%dma_start3A_330 : memref<80x128xf32, #tpu.memory_space<vmem_shared>>) target(%arg14 : memref<80x128xf32, #tpu.memory_space<vmem>>) target_semaphore(%run_scoped3A_326 : memref<!tpu.dma_semaphore, #tpu.memory_space<semaphore_mem>>)
      %dma_wait3A_331 = arith.constant 0 : i32
      %dma_wait3A_332 = tpu.memref_slice %arg20[%add3A_157, %dma_wait3A_331] : memref<10240x128xf32, #tpu.memory_space<vmem_shared>> -> memref<80x128xf32, #tpu.memory_space<vmem_shared>>
      %dma_wait3A_333 = arith.constant 0 : i32
      %dma_wait3A_334 = tpu.memref_slice %arg20[%add3A_157, %dma_wait3A_333] : memref<10240x128xf32, #tpu.memory_space<vmem_shared>> -> memref<80x128xf32, #tpu.memory_space<vmem_shared>>
      tpu.wait_dma2 semaphore(%run_scoped3A_326 : memref<!tpu.dma_semaphore, #tpu.memory_space<semaphore_mem>>) src(%dma_wait3A_334 : memref<80x128xf32, #tpu.memory_space<vmem_shared>>) dst(%arg14 : memref<80x128xf32, #tpu.memory_space<vmem>>)
      tpu.yield
    }) : () -> ()
    %mul3A_169 = arith.constant 10240 : i32
    %mul3A_170 = arith.muli %arg0, %mul3A_169 : i32
    %add3A_171 = arith.addi %mul3A_170, %add3A_157 : i32
    %dma_start3A_172 = arith.constant 0 : i32
    %dma_start3A_173 = tpu.memref_slice %arg8[%add3A_171, %dma_start3A_172] : memref<20480x128xf32, #tpu.memory_space<hbm>> -> memref<80x128xf32, #tpu.memory_space<hbm>>
    %dma_start3A_174 = arith.constant 0 : i32
    %dma_start3A_175 = tpu.memref_slice %arg8[%add3A_171, %dma_start3A_174] : memref<20480x128xf32, #tpu.memory_space<hbm>> -> memref<80x128xf32, #tpu.memory_space<hbm>>
    tpu.enqueue_dma source(%arg14 : memref<80x128xf32, #tpu.memory_space<vmem>>) target(%dma_start3A_175 : memref<80x128xf32, #tpu.memory_space<hbm>>) target_semaphore(%arg22 : memref<!tpu.dma_semaphore, #tpu.memory_space<semaphore_mem>>)
    "tpu.region"() ({
      %run_scoped3A_326 = tpu.sem_alloc : memref<!tpu.dma_semaphore, #tpu.memory_space<semaphore_mem>>
      %dma_start3A_327 = tpu.memref_slice %arg21[%add3A_157] : memref<10240xf32, #tpu.memory_space<vmem_shared>> -> memref<80xf32, #tpu.memory_space<vmem_shared>>
      %dma_start3A_328 = tpu.memref_slice %arg21[%add3A_157] : memref<10240xf32, #tpu.memory_space<vmem_shared>> -> memref<80xf32, #tpu.memory_space<vmem_shared>>
      tpu.enqueue_dma source(%dma_start3A_328 : memref<80xf32, #tpu.memory_space<vmem_shared>>) target(%arg16 : memref<80xf32, #tpu.memory_space<vmem>>) target_semaphore(%run_scoped3A_326 : memref<!tpu.dma_semaphore, #tpu.memory_space<semaphore_mem>>)
      %dma_wait3A_329 = tpu.memref_slice %arg21[%add3A_157] : memref<10240xf32, #tpu.memory_space<vmem_shared>> -> memref<80xf32, #tpu.memory_space<vmem_shared>>
      %dma_wait3A_330 = tpu.memref_slice %arg21[%add3A_157] : memref<10240xf32, #tpu.memory_space<vmem_shared>> -> memref<80xf32, #tpu.memory_space<vmem_shared>>
      tpu.wait_dma2 semaphore(%run_scoped3A_326 : memref<!tpu.dma_semaphore, #tpu.memory_space<semaphore_mem>>) src(%dma_wait3A_330 : memref<80xf32, #tpu.memory_space<vmem_shared>>) dst(%arg16 : memref<80xf32, #tpu.memory_space<vmem>>)
      tpu.yield
    }) : () -> ()
    %mul3A_176 = arith.constant 10240 : i32
    %mul3A_177 = arith.muli %arg0, %mul3A_176 : i32
    %add3A_178 = arith.addi %mul3A_177, %add3A_157 : i32
    "tpu.region"() ({
      %run_scoped3A_326 = tpu.sem_alloc : memref<!tpu.dma_semaphore, #tpu.memory_space<semaphore_mem>>
      %dma_start3A_327 = tpu.memref_slice %arg9[%add3A_178] : memref<20480xf32, #tpu.memory_space<hbm>> -> memref<80xf32, #tpu.memory_space<hbm>>
      %dma_start3A_328 = tpu.memref_slice %arg9[%add3A_178] : memref<20480xf32, #tpu.memory_space<hbm>> -> memref<80xf32, #tpu.memory_space<hbm>>
      tpu.enqueue_dma source(%arg16 : memref<80xf32, #tpu.memory_space<vmem>>) target(%dma_start3A_328 : memref<80xf32, #tpu.memory_space<hbm>>) target_semaphore(%run_scoped3A_326 : memref<!tpu.dma_semaphore, #tpu.memory_space<semaphore_mem>>)
      %dma_wait3A_329 = tpu.memref_slice %arg9[%add3A_178] : memref<20480xf32, #tpu.memory_space<hbm>> -> memref<80xf32, #tpu.memory_space<hbm>>
      %dma_wait3A_330 = tpu.memref_slice %arg9[%add3A_178] : memref<20480xf32, #tpu.memory_space<hbm>> -> memref<80xf32, #tpu.memory_space<hbm>>
      tpu.wait_dma2 semaphore(%run_scoped3A_326 : memref<!tpu.dma_semaphore, #tpu.memory_space<semaphore_mem>>) src(%arg16 : memref<80xf32, #tpu.memory_space<vmem>>) dst(%dma_wait3A_330 : memref<80xf32, #tpu.memory_space<hbm>>)
      tpu.yield
    }) : () -> ()
    %mul3A_179 = arith.constant 640 : i32
    %mul3A_180 = arith.muli %arg1, %mul3A_179 : i32
    %add3A_181 = arith.constant 240 : i32
    %add3A_182 = arith.addi %mul3A_180, %add3A_181 : i32
    %mul3A_183 = arith.constant 640 : i32
    %mul3A_184 = arith.muli %arg1, %mul3A_183 : i32
    %add3A_185 = arith.constant 80 : i32
    %add3A_186 = arith.addi %mul3A_184, %add3A_185 : i32
    %mul3A_187 = arith.constant 10240 : i32
    %mul3A_188 = arith.muli %arg0, %mul3A_187 : i32
    %add3A_189 = arith.addi %mul3A_188, %add3A_186 : i32
    %dma_wait3A_190 = arith.constant 0 : i32
    %dma_wait3A_191 = tpu.memref_slice %arg8[%add3A_189, %dma_wait3A_190] : memref<20480x128xf32, #tpu.memory_space<hbm>> -> memref<80x128xf32, #tpu.memory_space<hbm>>
    %dma_wait3A_192 = arith.constant 0 : i32
    %dma_wait3A_193 = tpu.memref_slice %arg8[%add3A_189, %dma_wait3A_192] : memref<20480x128xf32, #tpu.memory_space<hbm>> -> memref<80x128xf32, #tpu.memory_space<hbm>>
    tpu.wait_dma2 semaphore(%arg23 : memref<!tpu.dma_semaphore, #tpu.memory_space<semaphore_mem>>) src(%arg15 : memref<80x128xf32, #tpu.memory_space<vmem>>) dst(%dma_wait3A_193 : memref<80x128xf32, #tpu.memory_space<hbm>>)
    "tpu.region"() ({
      %run_scoped3A_326 = tpu.sem_alloc : memref<!tpu.dma_semaphore, #tpu.memory_space<semaphore_mem>>
      %dma_start3A_327 = arith.constant 0 : i32
      %dma_start3A_328 = tpu.memref_slice %arg20[%add3A_182, %dma_start3A_327] : memref<10240x128xf32, #tpu.memory_space<vmem_shared>> -> memref<80x128xf32, #tpu.memory_space<vmem_shared>>
      %dma_start3A_329 = arith.constant 0 : i32
      %dma_start3A_330 = tpu.memref_slice %arg20[%add3A_182, %dma_start3A_329] : memref<10240x128xf32, #tpu.memory_space<vmem_shared>> -> memref<80x128xf32, #tpu.memory_space<vmem_shared>>
      tpu.enqueue_dma source(%dma_start3A_330 : memref<80x128xf32, #tpu.memory_space<vmem_shared>>) target(%arg15 : memref<80x128xf32, #tpu.memory_space<vmem>>) target_semaphore(%run_scoped3A_326 : memref<!tpu.dma_semaphore, #tpu.memory_space<semaphore_mem>>)
      %dma_wait3A_331 = arith.constant 0 : i32
      %dma_wait3A_332 = tpu.memref_slice %arg20[%add3A_182, %dma_wait3A_331] : memref<10240x128xf32, #tpu.memory_space<vmem_shared>> -> memref<80x128xf32, #tpu.memory_space<vmem_shared>>
      %dma_wait3A_333 = arith.constant 0 : i32
      %dma_wait3A_334 = tpu.memref_slice %arg20[%add3A_182, %dma_wait3A_333] : memref<10240x128xf32, #tpu.memory_space<vmem_shared>> -> memref<80x128xf32, #tpu.memory_space<vmem_shared>>
      tpu.wait_dma2 semaphore(%run_scoped3A_326 : memref<!tpu.dma_semaphore, #tpu.memory_space<semaphore_mem>>) src(%dma_wait3A_334 : memref<80x128xf32, #tpu.memory_space<vmem_shared>>) dst(%arg15 : memref<80x128xf32, #tpu.memory_space<vmem>>)
      tpu.yield
    }) : () -> ()
    %mul3A_194 = arith.constant 10240 : i32
    %mul3A_195 = arith.muli %arg0, %mul3A_194 : i32
    %add3A_196 = arith.addi %mul3A_195, %add3A_182 : i32
    %dma_start3A_197 = arith.constant 0 : i32
    %dma_start3A_198 = tpu.memref_slice %arg8[%add3A_196, %dma_start3A_197] : memref<20480x128xf32, #tpu.memory_space<hbm>> -> memref<80x128xf32, #tpu.memory_space<hbm>>
    %dma_start3A_199 = arith.constant 0 : i32
    %dma_start3A_200 = tpu.memref_slice %arg8[%add3A_196, %dma_start3A_199] : memref<20480x128xf32, #tpu.memory_space<hbm>> -> memref<80x128xf32, #tpu.memory_space<hbm>>
    tpu.enqueue_dma source(%arg15 : memref<80x128xf32, #tpu.memory_space<vmem>>) target(%dma_start3A_200 : memref<80x128xf32, #tpu.memory_space<hbm>>) target_semaphore(%arg23 : memref<!tpu.dma_semaphore, #tpu.memory_space<semaphore_mem>>)
    "tpu.region"() ({
      %run_scoped3A_326 = tpu.sem_alloc : memref<!tpu.dma_semaphore, #tpu.memory_space<semaphore_mem>>
      %dma_start3A_327 = tpu.memref_slice %arg21[%add3A_182] : memref<10240xf32, #tpu.memory_space<vmem_shared>> -> memref<80xf32, #tpu.memory_space<vmem_shared>>
      %dma_start3A_328 = tpu.memref_slice %arg21[%add3A_182] : memref<10240xf32, #tpu.memory_space<vmem_shared>> -> memref<80xf32, #tpu.memory_space<vmem_shared>>
      tpu.enqueue_dma source(%dma_start3A_328 : memref<80xf32, #tpu.memory_space<vmem_shared>>) target(%arg16 : memref<80xf32, #tpu.memory_space<vmem>>) target_semaphore(%run_scoped3A_326 : memref<!tpu.dma_semaphore, #tpu.memory_space<semaphore_mem>>)
      %dma_wait3A_329 = tpu.memref_slice %arg21[%add3A_182] : memref<10240xf32, #tpu.memory_space<vmem_shared>> -> memref<80xf32, #tpu.memory_space<vmem_shared>>
      %dma_wait3A_330 = tpu.memref_slice %arg21[%add3A_182] : memref<10240xf32, #tpu.memory_space<vmem_shared>> -> memref<80xf32, #tpu.memory_space<vmem_shared>>
      tpu.wait_dma2 semaphore(%run_scoped3A_326 : memref<!tpu.dma_semaphore, #tpu.memory_space<semaphore_mem>>) src(%dma_wait3A_330 : memref<80xf32, #tpu.memory_space<vmem_shared>>) dst(%arg16 : memref<80xf32, #tpu.memory_space<vmem>>)
      tpu.yield
    }) : () -> ()
    %mul3A_201 = arith.constant 10240 : i32
    %mul3A_202 = arith.muli %arg0, %mul3A_201 : i32
    %add3A_203 = arith.addi %mul3A_202, %add3A_182 : i32
    "tpu.region"() ({
      %run_scoped3A_326 = tpu.sem_alloc : memref<!tpu.dma_semaphore, #tpu.memory_space<semaphore_mem>>
      %dma_start3A_327 = tpu.memref_slice %arg9[%add3A_203] : memref<20480xf32, #tpu.memory_space<hbm>> -> memref<80xf32, #tpu.memory_space<hbm>>
      %dma_start3A_328 = tpu.memref_slice %arg9[%add3A_203] : memref<20480xf32, #tpu.memory_space<hbm>> -> memref<80xf32, #tpu.memory_space<hbm>>
      tpu.enqueue_dma source(%arg16 : memref<80xf32, #tpu.memory_space<vmem>>) target(%dma_start3A_328 : memref<80xf32, #tpu.memory_space<hbm>>) target_semaphore(%run_scoped3A_326 : memref<!tpu.dma_semaphore, #tpu.memory_space<semaphore_mem>>)
      %dma_wait3A_329 = tpu.memref_slice %arg9[%add3A_203] : memref<20480xf32, #tpu.memory_space<hbm>> -> memref<80xf32, #tpu.memory_space<hbm>>
      %dma_wait3A_330 = tpu.memref_slice %arg9[%add3A_203] : memref<20480xf32, #tpu.memory_space<hbm>> -> memref<80xf32, #tpu.memory_space<hbm>>
      tpu.wait_dma2 semaphore(%run_scoped3A_326 : memref<!tpu.dma_semaphore, #tpu.memory_space<semaphore_mem>>) src(%arg16 : memref<80xf32, #tpu.memory_space<vmem>>) dst(%dma_wait3A_330 : memref<80xf32, #tpu.memory_space<hbm>>)
      tpu.yield
    }) : () -> ()
    %mul3A_204 = arith.constant 640 : i32
    %mul3A_205 = arith.muli %arg1, %mul3A_204 : i32
    %add3A_206 = arith.constant 320 : i32
    %add3A_207 = arith.addi %mul3A_205, %add3A_206 : i32
    %mul3A_208 = arith.constant 640 : i32
    %mul3A_209 = arith.muli %arg1, %mul3A_208 : i32
    %add3A_210 = arith.constant 160 : i32
    %add3A_211 = arith.addi %mul3A_209, %add3A_210 : i32
    %mul3A_212 = arith.constant 10240 : i32
    %mul3A_213 = arith.muli %arg0, %mul3A_212 : i32
    %add3A_214 = arith.addi %mul3A_213, %add3A_211 : i32
    %dma_wait3A_215 = arith.constant 0 : i32
    %dma_wait3A_216 = tpu.memref_slice %arg8[%add3A_214, %dma_wait3A_215] : memref<20480x128xf32, #tpu.memory_space<hbm>> -> memref<80x128xf32, #tpu.memory_space<hbm>>
    %dma_wait3A_217 = arith.constant 0 : i32
    %dma_wait3A_218 = tpu.memref_slice %arg8[%add3A_214, %dma_wait3A_217] : memref<20480x128xf32, #tpu.memory_space<hbm>> -> memref<80x128xf32, #tpu.memory_space<hbm>>
    tpu.wait_dma2 semaphore(%arg22 : memref<!tpu.dma_semaphore, #tpu.memory_space<semaphore_mem>>) src(%arg14 : memref<80x128xf32, #tpu.memory_space<vmem>>) dst(%dma_wait3A_218 : memref<80x128xf32, #tpu.memory_space<hbm>>)
    "tpu.region"() ({
      %run_scoped3A_326 = tpu.sem_alloc : memref<!tpu.dma_semaphore, #tpu.memory_space<semaphore_mem>>
      %dma_start3A_327 = arith.constant 0 : i32
      %dma_start3A_328 = tpu.memref_slice %arg20[%add3A_207, %dma_start3A_327] : memref<10240x128xf32, #tpu.memory_space<vmem_shared>> -> memref<80x128xf32, #tpu.memory_space<vmem_shared>>
      %dma_start3A_329 = arith.constant 0 : i32
      %dma_start3A_330 = tpu.memref_slice %arg20[%add3A_207, %dma_start3A_329] : memref<10240x128xf32, #tpu.memory_space<vmem_shared>> -> memref<80x128xf32, #tpu.memory_space<vmem_shared>>
      tpu.enqueue_dma source(%dma_start3A_330 : memref<80x128xf32, #tpu.memory_space<vmem_shared>>) target(%arg14 : memref<80x128xf32, #tpu.memory_space<vmem>>) target_semaphore(%run_scoped3A_326 : memref<!tpu.dma_semaphore, #tpu.memory_space<semaphore_mem>>)
      %dma_wait3A_331 = arith.constant 0 : i32
      %dma_wait3A_332 = tpu.memref_slice %arg20[%add3A_207, %dma_wait3A_331] : memref<10240x128xf32, #tpu.memory_space<vmem_shared>> -> memref<80x128xf32, #tpu.memory_space<vmem_shared>>
      %dma_wait3A_333 = arith.constant 0 : i32
      %dma_wait3A_334 = tpu.memref_slice %arg20[%add3A_207, %dma_wait3A_333] : memref<10240x128xf32, #tpu.memory_space<vmem_shared>> -> memref<80x128xf32, #tpu.memory_space<vmem_shared>>
      tpu.wait_dma2 semaphore(%run_scoped3A_326 : memref<!tpu.dma_semaphore, #tpu.memory_space<semaphore_mem>>) src(%dma_wait3A_334 : memref<80x128xf32, #tpu.memory_space<vmem_shared>>) dst(%arg14 : memref<80x128xf32, #tpu.memory_space<vmem>>)
      tpu.yield
    }) : () -> ()
    %mul3A_219 = arith.constant 10240 : i32
    %mul3A_220 = arith.muli %arg0, %mul3A_219 : i32
    %add3A_221 = arith.addi %mul3A_220, %add3A_207 : i32
    %dma_start3A_222 = arith.constant 0 : i32
    %dma_start3A_223 = tpu.memref_slice %arg8[%add3A_221, %dma_start3A_222] : memref<20480x128xf32, #tpu.memory_space<hbm>> -> memref<80x128xf32, #tpu.memory_space<hbm>>
    %dma_start3A_224 = arith.constant 0 : i32
    %dma_start3A_225 = tpu.memref_slice %arg8[%add3A_221, %dma_start3A_224] : memref<20480x128xf32, #tpu.memory_space<hbm>> -> memref<80x128xf32, #tpu.memory_space<hbm>>
    tpu.enqueue_dma source(%arg14 : memref<80x128xf32, #tpu.memory_space<vmem>>) target(%dma_start3A_225 : memref<80x128xf32, #tpu.memory_space<hbm>>) target_semaphore(%arg22 : memref<!tpu.dma_semaphore, #tpu.memory_space<semaphore_mem>>)
    "tpu.region"() ({
      %run_scoped3A_326 = tpu.sem_alloc : memref<!tpu.dma_semaphore, #tpu.memory_space<semaphore_mem>>
      %dma_start3A_327 = tpu.memref_slice %arg21[%add3A_207] : memref<10240xf32, #tpu.memory_space<vmem_shared>> -> memref<80xf32, #tpu.memory_space<vmem_shared>>
      %dma_start3A_328 = tpu.memref_slice %arg21[%add3A_207] : memref<10240xf32, #tpu.memory_space<vmem_shared>> -> memref<80xf32, #tpu.memory_space<vmem_shared>>
      tpu.enqueue_dma source(%dma_start3A_328 : memref<80xf32, #tpu.memory_space<vmem_shared>>) target(%arg16 : memref<80xf32, #tpu.memory_space<vmem>>) target_semaphore(%run_scoped3A_326 : memref<!tpu.dma_semaphore, #tpu.memory_space<semaphore_mem>>)
      %dma_wait3A_329 = tpu.memref_slice %arg21[%add3A_207] : memref<10240xf32, #tpu.memory_space<vmem_shared>> -> memref<80xf32, #tpu.memory_space<vmem_shared>>
      %dma_wait3A_330 = tpu.memref_slice %arg21[%add3A_207] : memref<10240xf32, #tpu.memory_space<vmem_shared>> -> memref<80xf32, #tpu.memory_space<vmem_shared>>
      tpu.wait_dma2 semaphore(%run_scoped3A_326 : memref<!tpu.dma_semaphore, #tpu.memory_space<semaphore_mem>>) src(%dma_wait3A_330 : memref<80xf32, #tpu.memory_space<vmem_shared>>) dst(%arg16 : memref<80xf32, #tpu.memory_space<vmem>>)
      tpu.yield
    }) : () -> ()
    %mul3A_226 = arith.constant 10240 : i32
    %mul3A_227 = arith.muli %arg0, %mul3A_226 : i32
    %add3A_228 = arith.addi %mul3A_227, %add3A_207 : i32
    "tpu.region"() ({
      %run_scoped3A_326 = tpu.sem_alloc : memref<!tpu.dma_semaphore, #tpu.memory_space<semaphore_mem>>
      %dma_start3A_327 = tpu.memref_slice %arg9[%add3A_228] : memref<20480xf32, #tpu.memory_space<hbm>> -> memref<80xf32, #tpu.memory_space<hbm>>
      %dma_start3A_328 = tpu.memref_slice %arg9[%add3A_228] : memref<20480xf32, #tpu.memory_space<hbm>> -> memref<80xf32, #tpu.memory_space<hbm>>
      tpu.enqueue_dma source(%arg16 : memref<80xf32, #tpu.memory_space<vmem>>) target(%dma_start3A_328 : memref<80xf32, #tpu.memory_space<hbm>>) target_semaphore(%run_scoped3A_326 : memref<!tpu.dma_semaphore, #tpu.memory_space<semaphore_mem>>)
      %dma_wait3A_329 = tpu.memref_slice %arg9[%add3A_228] : memref<20480xf32, #tpu.memory_space<hbm>> -> memref<80xf32, #tpu.memory_space<hbm>>
      %dma_wait3A_330 = tpu.memref_slice %arg9[%add3A_228] : memref<20480xf32, #tpu.memory_space<hbm>> -> memref<80xf32, #tpu.memory_space<hbm>>
      tpu.wait_dma2 semaphore(%run_scoped3A_326 : memref<!tpu.dma_semaphore, #tpu.memory_space<semaphore_mem>>) src(%arg16 : memref<80xf32, #tpu.memory_space<vmem>>) dst(%dma_wait3A_330 : memref<80xf32, #tpu.memory_space<hbm>>)
      tpu.yield
    }) : () -> ()
    %mul3A_229 = arith.constant 640 : i32
    %mul3A_230 = arith.muli %arg1, %mul3A_229 : i32
    %add3A_231 = arith.constant 400 : i32
    %add3A_232 = arith.addi %mul3A_230, %add3A_231 : i32
    %mul3A_233 = arith.constant 640 : i32
    %mul3A_234 = arith.muli %arg1, %mul3A_233 : i32
    %add3A_235 = arith.constant 240 : i32
    %add3A_236 = arith.addi %mul3A_234, %add3A_235 : i32
    %mul3A_237 = arith.constant 10240 : i32
    %mul3A_238 = arith.muli %arg0, %mul3A_237 : i32
    %add3A_239 = arith.addi %mul3A_238, %add3A_236 : i32
    %dma_wait3A_240 = arith.constant 0 : i32
    %dma_wait3A_241 = tpu.memref_slice %arg8[%add3A_239, %dma_wait3A_240] : memref<20480x128xf32, #tpu.memory_space<hbm>> -> memref<80x128xf32, #tpu.memory_space<hbm>>
    %dma_wait3A_242 = arith.constant 0 : i32
    %dma_wait3A_243 = tpu.memref_slice %arg8[%add3A_239, %dma_wait3A_242] : memref<20480x128xf32, #tpu.memory_space<hbm>> -> memref<80x128xf32, #tpu.memory_space<hbm>>
    tpu.wait_dma2 semaphore(%arg23 : memref<!tpu.dma_semaphore, #tpu.memory_space<semaphore_mem>>) src(%arg15 : memref<80x128xf32, #tpu.memory_space<vmem>>) dst(%dma_wait3A_243 : memref<80x128xf32, #tpu.memory_space<hbm>>)
    "tpu.region"() ({
      %run_scoped3A_326 = tpu.sem_alloc : memref<!tpu.dma_semaphore, #tpu.memory_space<semaphore_mem>>
      %dma_start3A_327 = arith.constant 0 : i32
      %dma_start3A_328 = tpu.memref_slice %arg20[%add3A_232, %dma_start3A_327] : memref<10240x128xf32, #tpu.memory_space<vmem_shared>> -> memref<80x128xf32, #tpu.memory_space<vmem_shared>>
      %dma_start3A_329 = arith.constant 0 : i32
      %dma_start3A_330 = tpu.memref_slice %arg20[%add3A_232, %dma_start3A_329] : memref<10240x128xf32, #tpu.memory_space<vmem_shared>> -> memref<80x128xf32, #tpu.memory_space<vmem_shared>>
      tpu.enqueue_dma source(%dma_start3A_330 : memref<80x128xf32, #tpu.memory_space<vmem_shared>>) target(%arg15 : memref<80x128xf32, #tpu.memory_space<vmem>>) target_semaphore(%run_scoped3A_326 : memref<!tpu.dma_semaphore, #tpu.memory_space<semaphore_mem>>)
      %dma_wait3A_331 = arith.constant 0 : i32
      %dma_wait3A_332 = tpu.memref_slice %arg20[%add3A_232, %dma_wait3A_331] : memref<10240x128xf32, #tpu.memory_space<vmem_shared>> -> memref<80x128xf32, #tpu.memory_space<vmem_shared>>
      %dma_wait3A_333 = arith.constant 0 : i32
      %dma_wait3A_334 = tpu.memref_slice %arg20[%add3A_232, %dma_wait3A_333] : memref<10240x128xf32, #tpu.memory_space<vmem_shared>> -> memref<80x128xf32, #tpu.memory_space<vmem_shared>>
      tpu.wait_dma2 semaphore(%run_scoped3A_326 : memref<!tpu.dma_semaphore, #tpu.memory_space<semaphore_mem>>) src(%dma_wait3A_334 : memref<80x128xf32, #tpu.memory_space<vmem_shared>>) dst(%arg15 : memref<80x128xf32, #tpu.memory_space<vmem>>)
      tpu.yield
    }) : () -> ()
    %mul3A_244 = arith.constant 10240 : i32
    %mul3A_245 = arith.muli %arg0, %mul3A_244 : i32
    %add3A_246 = arith.addi %mul3A_245, %add3A_232 : i32
    %dma_start3A_247 = arith.constant 0 : i32
    %dma_start3A_248 = tpu.memref_slice %arg8[%add3A_246, %dma_start3A_247] : memref<20480x128xf32, #tpu.memory_space<hbm>> -> memref<80x128xf32, #tpu.memory_space<hbm>>
    %dma_start3A_249 = arith.constant 0 : i32
    %dma_start3A_250 = tpu.memref_slice %arg8[%add3A_246, %dma_start3A_249] : memref<20480x128xf32, #tpu.memory_space<hbm>> -> memref<80x128xf32, #tpu.memory_space<hbm>>
    tpu.enqueue_dma source(%arg15 : memref<80x128xf32, #tpu.memory_space<vmem>>) target(%dma_start3A_250 : memref<80x128xf32, #tpu.memory_space<hbm>>) target_semaphore(%arg23 : memref<!tpu.dma_semaphore, #tpu.memory_space<semaphore_mem>>)
    "tpu.region"() ({
      %run_scoped3A_326 = tpu.sem_alloc : memref<!tpu.dma_semaphore, #tpu.memory_space<semaphore_mem>>
      %dma_start3A_327 = tpu.memref_slice %arg21[%add3A_232] : memref<10240xf32, #tpu.memory_space<vmem_shared>> -> memref<80xf32, #tpu.memory_space<vmem_shared>>
      %dma_start3A_328 = tpu.memref_slice %arg21[%add3A_232] : memref<10240xf32, #tpu.memory_space<vmem_shared>> -> memref<80xf32, #tpu.memory_space<vmem_shared>>
      tpu.enqueue_dma source(%dma_start3A_328 : memref<80xf32, #tpu.memory_space<vmem_shared>>) target(%arg16 : memref<80xf32, #tpu.memory_space<vmem>>) target_semaphore(%run_scoped3A_326 : memref<!tpu.dma_semaphore, #tpu.memory_space<semaphore_mem>>)
      %dma_wait3A_329 = tpu.memref_slice %arg21[%add3A_232] : memref<10240xf32, #tpu.memory_space<vmem_shared>> -> memref<80xf32, #tpu.memory_space<vmem_shared>>
      %dma_wait3A_330 = tpu.memref_slice %arg21[%add3A_232] : memref<10240xf32, #tpu.memory_space<vmem_shared>> -> memref<80xf32, #tpu.memory_space<vmem_shared>>
      tpu.wait_dma2 semaphore(%run_scoped3A_326 : memref<!tpu.dma_semaphore, #tpu.memory_space<semaphore_mem>>) src(%dma_wait3A_330 : memref<80xf32, #tpu.memory_space<vmem_shared>>) dst(%arg16 : memref<80xf32, #tpu.memory_space<vmem>>)
      tpu.yield
    }) : () -> ()
    %mul3A_251 = arith.constant 10240 : i32
    %mul3A_252 = arith.muli %arg0, %mul3A_251 : i32
    %add3A_253 = arith.addi %mul3A_252, %add3A_232 : i32
    "tpu.region"() ({
      %run_scoped3A_326 = tpu.sem_alloc : memref<!tpu.dma_semaphore, #tpu.memory_space<semaphore_mem>>
      %dma_start3A_327 = tpu.memref_slice %arg9[%add3A_253] : memref<20480xf32, #tpu.memory_space<hbm>> -> memref<80xf32, #tpu.memory_space<hbm>>
      %dma_start3A_328 = tpu.memref_slice %arg9[%add3A_253] : memref<20480xf32, #tpu.memory_space<hbm>> -> memref<80xf32, #tpu.memory_space<hbm>>
      tpu.enqueue_dma source(%arg16 : memref<80xf32, #tpu.memory_space<vmem>>) target(%dma_start3A_328 : memref<80xf32, #tpu.memory_space<hbm>>) target_semaphore(%run_scoped3A_326 : memref<!tpu.dma_semaphore, #tpu.memory_space<semaphore_mem>>)
      %dma_wait3A_329 = tpu.memref_slice %arg9[%add3A_253] : memref<20480xf32, #tpu.memory_space<hbm>> -> memref<80xf32, #tpu.memory_space<hbm>>
      %dma_wait3A_330 = tpu.memref_slice %arg9[%add3A_253] : memref<20480xf32, #tpu.memory_space<hbm>> -> memref<80xf32, #tpu.memory_space<hbm>>
      tpu.wait_dma2 semaphore(%run_scoped3A_326 : memref<!tpu.dma_semaphore, #tpu.memory_space<semaphore_mem>>) src(%arg16 : memref<80xf32, #tpu.memory_space<vmem>>) dst(%dma_wait3A_330 : memref<80xf32, #tpu.memory_space<hbm>>)
      tpu.yield
    }) : () -> ()
    %mul3A_254 = arith.constant 640 : i32
    %mul3A_255 = arith.muli %arg1, %mul3A_254 : i32
    %add3A_256 = arith.constant 480 : i32
    %add3A_257 = arith.addi %mul3A_255, %add3A_256 : i32
    %mul3A_258 = arith.constant 640 : i32
    %mul3A_259 = arith.muli %arg1, %mul3A_258 : i32
    %add3A_260 = arith.constant 320 : i32
    %add3A_261 = arith.addi %mul3A_259, %add3A_260 : i32
    %mul3A_262 = arith.constant 10240 : i32
    %mul3A_263 = arith.muli %arg0, %mul3A_262 : i32
    %add3A_264 = arith.addi %mul3A_263, %add3A_261 : i32
    %dma_wait3A_265 = arith.constant 0 : i32
    %dma_wait3A_266 = tpu.memref_slice %arg8[%add3A_264, %dma_wait3A_265] : memref<20480x128xf32, #tpu.memory_space<hbm>> -> memref<80x128xf32, #tpu.memory_space<hbm>>
    %dma_wait3A_267 = arith.constant 0 : i32
    %dma_wait3A_268 = tpu.memref_slice %arg8[%add3A_264, %dma_wait3A_267] : memref<20480x128xf32, #tpu.memory_space<hbm>> -> memref<80x128xf32, #tpu.memory_space<hbm>>
    tpu.wait_dma2 semaphore(%arg22 : memref<!tpu.dma_semaphore, #tpu.memory_space<semaphore_mem>>) src(%arg14 : memref<80x128xf32, #tpu.memory_space<vmem>>) dst(%dma_wait3A_268 : memref<80x128xf32, #tpu.memory_space<hbm>>)
    "tpu.region"() ({
      %run_scoped3A_326 = tpu.sem_alloc : memref<!tpu.dma_semaphore, #tpu.memory_space<semaphore_mem>>
      %dma_start3A_327 = arith.constant 0 : i32
      %dma_start3A_328 = tpu.memref_slice %arg20[%add3A_257, %dma_start3A_327] : memref<10240x128xf32, #tpu.memory_space<vmem_shared>> -> memref<80x128xf32, #tpu.memory_space<vmem_shared>>
      %dma_start3A_329 = arith.constant 0 : i32
      %dma_start3A_330 = tpu.memref_slice %arg20[%add3A_257, %dma_start3A_329] : memref<10240x128xf32, #tpu.memory_space<vmem_shared>> -> memref<80x128xf32, #tpu.memory_space<vmem_shared>>
      tpu.enqueue_dma source(%dma_start3A_330 : memref<80x128xf32, #tpu.memory_space<vmem_shared>>) target(%arg14 : memref<80x128xf32, #tpu.memory_space<vmem>>) target_semaphore(%run_scoped3A_326 : memref<!tpu.dma_semaphore, #tpu.memory_space<semaphore_mem>>)
      %dma_wait3A_331 = arith.constant 0 : i32
      %dma_wait3A_332 = tpu.memref_slice %arg20[%add3A_257, %dma_wait3A_331] : memref<10240x128xf32, #tpu.memory_space<vmem_shared>> -> memref<80x128xf32, #tpu.memory_space<vmem_shared>>
      %dma_wait3A_333 = arith.constant 0 : i32
      %dma_wait3A_334 = tpu.memref_slice %arg20[%add3A_257, %dma_wait3A_333] : memref<10240x128xf32, #tpu.memory_space<vmem_shared>> -> memref<80x128xf32, #tpu.memory_space<vmem_shared>>
      tpu.wait_dma2 semaphore(%run_scoped3A_326 : memref<!tpu.dma_semaphore, #tpu.memory_space<semaphore_mem>>) src(%dma_wait3A_334 : memref<80x128xf32, #tpu.memory_space<vmem_shared>>) dst(%arg14 : memref<80x128xf32, #tpu.memory_space<vmem>>)
      tpu.yield
    }) : () -> ()
    %mul3A_269 = arith.constant 10240 : i32
    %mul3A_270 = arith.muli %arg0, %mul3A_269 : i32
    %add3A_271 = arith.addi %mul3A_270, %add3A_257 : i32
    %dma_start3A_272 = arith.constant 0 : i32
    %dma_start3A_273 = tpu.memref_slice %arg8[%add3A_271, %dma_start3A_272] : memref<20480x128xf32, #tpu.memory_space<hbm>> -> memref<80x128xf32, #tpu.memory_space<hbm>>
    %dma_start3A_274 = arith.constant 0 : i32
    %dma_start3A_275 = tpu.memref_slice %arg8[%add3A_271, %dma_start3A_274] : memref<20480x128xf32, #tpu.memory_space<hbm>> -> memref<80x128xf32, #tpu.memory_space<hbm>>
    tpu.enqueue_dma source(%arg14 : memref<80x128xf32, #tpu.memory_space<vmem>>) target(%dma_start3A_275 : memref<80x128xf32, #tpu.memory_space<hbm>>) target_semaphore(%arg22 : memref<!tpu.dma_semaphore, #tpu.memory_space<semaphore_mem>>)
    "tpu.region"() ({
      %run_scoped3A_326 = tpu.sem_alloc : memref<!tpu.dma_semaphore, #tpu.memory_space<semaphore_mem>>
      %dma_start3A_327 = tpu.memref_slice %arg21[%add3A_257] : memref<10240xf32, #tpu.memory_space<vmem_shared>> -> memref<80xf32, #tpu.memory_space<vmem_shared>>
      %dma_start3A_328 = tpu.memref_slice %arg21[%add3A_257] : memref<10240xf32, #tpu.memory_space<vmem_shared>> -> memref<80xf32, #tpu.memory_space<vmem_shared>>
      tpu.enqueue_dma source(%dma_start3A_328 : memref<80xf32, #tpu.memory_space<vmem_shared>>) target(%arg16 : memref<80xf32, #tpu.memory_space<vmem>>) target_semaphore(%run_scoped3A_326 : memref<!tpu.dma_semaphore, #tpu.memory_space<semaphore_mem>>)
      %dma_wait3A_329 = tpu.memref_slice %arg21[%add3A_257] : memref<10240xf32, #tpu.memory_space<vmem_shared>> -> memref<80xf32, #tpu.memory_space<vmem_shared>>
      %dma_wait3A_330 = tpu.memref_slice %arg21[%add3A_257] : memref<10240xf32, #tpu.memory_space<vmem_shared>> -> memref<80xf32, #tpu.memory_space<vmem_shared>>
      tpu.wait_dma2 semaphore(%run_scoped3A_326 : memref<!tpu.dma_semaphore, #tpu.memory_space<semaphore_mem>>) src(%dma_wait3A_330 : memref<80xf32, #tpu.memory_space<vmem_shared>>) dst(%arg16 : memref<80xf32, #tpu.memory_space<vmem>>)
      tpu.yield
    }) : () -> ()
    %mul3A_276 = arith.constant 10240 : i32
    %mul3A_277 = arith.muli %arg0, %mul3A_276 : i32
    %add3A_278 = arith.addi %mul3A_277, %add3A_257 : i32
    "tpu.region"() ({
      %run_scoped3A_326 = tpu.sem_alloc : memref<!tpu.dma_semaphore, #tpu.memory_space<semaphore_mem>>
      %dma_start3A_327 = tpu.memref_slice %arg9[%add3A_278] : memref<20480xf32, #tpu.memory_space<hbm>> -> memref<80xf32, #tpu.memory_space<hbm>>
      %dma_start3A_328 = tpu.memref_slice %arg9[%add3A_278] : memref<20480xf32, #tpu.memory_space<hbm>> -> memref<80xf32, #tpu.memory_space<hbm>>
      tpu.enqueue_dma source(%arg16 : memref<80xf32, #tpu.memory_space<vmem>>) target(%dma_start3A_328 : memref<80xf32, #tpu.memory_space<hbm>>) target_semaphore(%run_scoped3A_326 : memref<!tpu.dma_semaphore, #tpu.memory_space<semaphore_mem>>)
      %dma_wait3A_329 = tpu.memref_slice %arg9[%add3A_278] : memref<20480xf32, #tpu.memory_space<hbm>> -> memref<80xf32, #tpu.memory_space<hbm>>
      %dma_wait3A_330 = tpu.memref_slice %arg9[%add3A_278] : memref<20480xf32, #tpu.memory_space<hbm>> -> memref<80xf32, #tpu.memory_space<hbm>>
      tpu.wait_dma2 semaphore(%run_scoped3A_326 : memref<!tpu.dma_semaphore, #tpu.memory_space<semaphore_mem>>) src(%arg16 : memref<80xf32, #tpu.memory_space<vmem>>) dst(%dma_wait3A_330 : memref<80xf32, #tpu.memory_space<hbm>>)
      tpu.yield
    }) : () -> ()
    %mul3A_279 = arith.constant 640 : i32
    %mul3A_280 = arith.muli %arg1, %mul3A_279 : i32
    %add3A_281 = arith.constant 560 : i32
    %add3A_282 = arith.addi %mul3A_280, %add3A_281 : i32
    %mul3A_283 = arith.constant 640 : i32
    %mul3A_284 = arith.muli %arg1, %mul3A_283 : i32
    %add3A_285 = arith.constant 400 : i32
    %add3A_286 = arith.addi %mul3A_284, %add3A_285 : i32
    %mul3A_287 = arith.constant 10240 : i32
    %mul3A_288 = arith.muli %arg0, %mul3A_287 : i32
    %add3A_289 = arith.addi %mul3A_288, %add3A_286 : i32
    %dma_wait3A_290 = arith.constant 0 : i32
    %dma_wait3A_291 = tpu.memref_slice %arg8[%add3A_289, %dma_wait3A_290] : memref<20480x128xf32, #tpu.memory_space<hbm>> -> memref<80x128xf32, #tpu.memory_space<hbm>>
    %dma_wait3A_292 = arith.constant 0 : i32
    %dma_wait3A_293 = tpu.memref_slice %arg8[%add3A_289, %dma_wait3A_292] : memref<20480x128xf32, #tpu.memory_space<hbm>> -> memref<80x128xf32, #tpu.memory_space<hbm>>
    tpu.wait_dma2 semaphore(%arg23 : memref<!tpu.dma_semaphore, #tpu.memory_space<semaphore_mem>>) src(%arg15 : memref<80x128xf32, #tpu.memory_space<vmem>>) dst(%dma_wait3A_293 : memref<80x128xf32, #tpu.memory_space<hbm>>)
    "tpu.region"() ({
      %run_scoped3A_326 = tpu.sem_alloc : memref<!tpu.dma_semaphore, #tpu.memory_space<semaphore_mem>>
      %dma_start3A_327 = arith.constant 0 : i32
      %dma_start3A_328 = tpu.memref_slice %arg20[%add3A_282, %dma_start3A_327] : memref<10240x128xf32, #tpu.memory_space<vmem_shared>> -> memref<80x128xf32, #tpu.memory_space<vmem_shared>>
      %dma_start3A_329 = arith.constant 0 : i32
      %dma_start3A_330 = tpu.memref_slice %arg20[%add3A_282, %dma_start3A_329] : memref<10240x128xf32, #tpu.memory_space<vmem_shared>> -> memref<80x128xf32, #tpu.memory_space<vmem_shared>>
      tpu.enqueue_dma source(%dma_start3A_330 : memref<80x128xf32, #tpu.memory_space<vmem_shared>>) target(%arg15 : memref<80x128xf32, #tpu.memory_space<vmem>>) target_semaphore(%run_scoped3A_326 : memref<!tpu.dma_semaphore, #tpu.memory_space<semaphore_mem>>)
      %dma_wait3A_331 = arith.constant 0 : i32
      %dma_wait3A_332 = tpu.memref_slice %arg20[%add3A_282, %dma_wait3A_331] : memref<10240x128xf32, #tpu.memory_space<vmem_shared>> -> memref<80x128xf32, #tpu.memory_space<vmem_shared>>
      %dma_wait3A_333 = arith.constant 0 : i32
      %dma_wait3A_334 = tpu.memref_slice %arg20[%add3A_282, %dma_wait3A_333] : memref<10240x128xf32, #tpu.memory_space<vmem_shared>> -> memref<80x128xf32, #tpu.memory_space<vmem_shared>>
      tpu.wait_dma2 semaphore(%run_scoped3A_326 : memref<!tpu.dma_semaphore, #tpu.memory_space<semaphore_mem>>) src(%dma_wait3A_334 : memref<80x128xf32, #tpu.memory_space<vmem_shared>>) dst(%arg15 : memref<80x128xf32, #tpu.memory_space<vmem>>)
      tpu.yield
    }) : () -> ()
    %mul3A_294 = arith.constant 10240 : i32
    %mul3A_295 = arith.muli %arg0, %mul3A_294 : i32
    %add3A_296 = arith.addi %mul3A_295, %add3A_282 : i32
    %dma_start3A_297 = arith.constant 0 : i32
    %dma_start3A_298 = tpu.memref_slice %arg8[%add3A_296, %dma_start3A_297] : memref<20480x128xf32, #tpu.memory_space<hbm>> -> memref<80x128xf32, #tpu.memory_space<hbm>>
    %dma_start3A_299 = arith.constant 0 : i32
    %dma_start3A_300 = tpu.memref_slice %arg8[%add3A_296, %dma_start3A_299] : memref<20480x128xf32, #tpu.memory_space<hbm>> -> memref<80x128xf32, #tpu.memory_space<hbm>>
    tpu.enqueue_dma source(%arg15 : memref<80x128xf32, #tpu.memory_space<vmem>>) target(%dma_start3A_300 : memref<80x128xf32, #tpu.memory_space<hbm>>) target_semaphore(%arg23 : memref<!tpu.dma_semaphore, #tpu.memory_space<semaphore_mem>>)
    "tpu.region"() ({
      %run_scoped3A_326 = tpu.sem_alloc : memref<!tpu.dma_semaphore, #tpu.memory_space<semaphore_mem>>
      %dma_start3A_327 = tpu.memref_slice %arg21[%add3A_282] : memref<10240xf32, #tpu.memory_space<vmem_shared>> -> memref<80xf32, #tpu.memory_space<vmem_shared>>
      %dma_start3A_328 = tpu.memref_slice %arg21[%add3A_282] : memref<10240xf32, #tpu.memory_space<vmem_shared>> -> memref<80xf32, #tpu.memory_space<vmem_shared>>
      tpu.enqueue_dma source(%dma_start3A_328 : memref<80xf32, #tpu.memory_space<vmem_shared>>) target(%arg16 : memref<80xf32, #tpu.memory_space<vmem>>) target_semaphore(%run_scoped3A_326 : memref<!tpu.dma_semaphore, #tpu.memory_space<semaphore_mem>>)
      %dma_wait3A_329 = tpu.memref_slice %arg21[%add3A_282] : memref<10240xf32, #tpu.memory_space<vmem_shared>> -> memref<80xf32, #tpu.memory_space<vmem_shared>>
      %dma_wait3A_330 = tpu.memref_slice %arg21[%add3A_282] : memref<10240xf32, #tpu.memory_space<vmem_shared>> -> memref<80xf32, #tpu.memory_space<vmem_shared>>
      tpu.wait_dma2 semaphore(%run_scoped3A_326 : memref<!tpu.dma_semaphore, #tpu.memory_space<semaphore_mem>>) src(%dma_wait3A_330 : memref<80xf32, #tpu.memory_space<vmem_shared>>) dst(%arg16 : memref<80xf32, #tpu.memory_space<vmem>>)
      tpu.yield
    }) : () -> ()
    %mul3A_301 = arith.constant 10240 : i32
    %mul3A_302 = arith.muli %arg0, %mul3A_301 : i32
    %add3A_303 = arith.addi %mul3A_302, %add3A_282 : i32
    "tpu.region"() ({
      %run_scoped3A_326 = tpu.sem_alloc : memref<!tpu.dma_semaphore, #tpu.memory_space<semaphore_mem>>
      %dma_start3A_327 = tpu.memref_slice %arg9[%add3A_303] : memref<20480xf32, #tpu.memory_space<hbm>> -> memref<80xf32, #tpu.memory_space<hbm>>
      %dma_start3A_328 = tpu.memref_slice %arg9[%add3A_303] : memref<20480xf32, #tpu.memory_space<hbm>> -> memref<80xf32, #tpu.memory_space<hbm>>
      tpu.enqueue_dma source(%arg16 : memref<80xf32, #tpu.memory_space<vmem>>) target(%dma_start3A_328 : memref<80xf32, #tpu.memory_space<hbm>>) target_semaphore(%run_scoped3A_326 : memref<!tpu.dma_semaphore, #tpu.memory_space<semaphore_mem>>)
      %dma_wait3A_329 = tpu.memref_slice %arg9[%add3A_303] : memref<20480xf32, #tpu.memory_space<hbm>> -> memref<80xf32, #tpu.memory_space<hbm>>
      %dma_wait3A_330 = tpu.memref_slice %arg9[%add3A_303] : memref<20480xf32, #tpu.memory_space<hbm>> -> memref<80xf32, #tpu.memory_space<hbm>>
      tpu.wait_dma2 semaphore(%run_scoped3A_326 : memref<!tpu.dma_semaphore, #tpu.memory_space<semaphore_mem>>) src(%arg16 : memref<80xf32, #tpu.memory_space<vmem>>) dst(%dma_wait3A_330 : memref<80xf32, #tpu.memory_space<hbm>>)
      tpu.yield
    }) : () -> ()
    %mul3A_304 = arith.constant 640 : i32
    %mul3A_305 = arith.muli %arg1, %mul3A_304 : i32
    %add3A_306 = arith.constant 480 : i32
    %add3A_307 = arith.addi %mul3A_305, %add3A_306 : i32
    %mul3A_308 = arith.constant 10240 : i32
    %mul3A_309 = arith.muli %arg0, %mul3A_308 : i32
    %add3A_310 = arith.addi %mul3A_309, %add3A_307 : i32
    %dma_wait3A_311 = arith.constant 0 : i32
    %dma_wait3A_312 = tpu.memref_slice %arg8[%add3A_310, %dma_wait3A_311] : memref<20480x128xf32, #tpu.memory_space<hbm>> -> memref<80x128xf32, #tpu.memory_space<hbm>>
    %dma_wait3A_313 = arith.constant 0 : i32
    %dma_wait3A_314 = tpu.memref_slice %arg8[%add3A_310, %dma_wait3A_313] : memref<20480x128xf32, #tpu.memory_space<hbm>> -> memref<80x128xf32, #tpu.memory_space<hbm>>
    tpu.wait_dma2 semaphore(%arg22 : memref<!tpu.dma_semaphore, #tpu.memory_space<semaphore_mem>>) src(%arg14 : memref<80x128xf32, #tpu.memory_space<vmem>>) dst(%dma_wait3A_314 : memref<80x128xf32, #tpu.memory_space<hbm>>)
    %mul3A_315 = arith.constant 640 : i32
    %mul3A_316 = arith.muli %arg1, %mul3A_315 : i32
    %add3A_317 = arith.constant 560 : i32
    %add3A_318 = arith.addi %mul3A_316, %add3A_317 : i32
    %mul3A_319 = arith.constant 10240 : i32
    %mul3A_320 = arith.muli %arg0, %mul3A_319 : i32
    %add3A_321 = arith.addi %mul3A_320, %add3A_318 : i32
    %dma_wait3A_322 = arith.constant 0 : i32
    %dma_wait3A_323 = tpu.memref_slice %arg8[%add3A_321, %dma_wait3A_322] : memref<20480x128xf32, #tpu.memory_space<hbm>> -> memref<80x128xf32, #tpu.memory_space<hbm>>
    %dma_wait3A_324 = arith.constant 0 : i32
    %dma_wait3A_325 = tpu.memref_slice %arg8[%add3A_321, %dma_wait3A_324] : memref<20480x128xf32, #tpu.memory_space<hbm>> -> memref<80x128xf32, #tpu.memory_space<hbm>>
    tpu.wait_dma2 semaphore(%arg23 : memref<!tpu.dma_semaphore, #tpu.memory_space<semaphore_mem>>) src(%arg15 : memref<80x128xf32, #tpu.memory_space<vmem>>) dst(%dma_wait3A_325 : memref<80x128xf32, #tpu.memory_space<hbm>>)
    return
  }
}

#map = affine_map<(d0, d1) -> (0, 0)>
#map1 = affine_map<(d0, d1) -> (0, 0, 0)>
#map2 = affine_map<(d0, d1) -> (0)>
module attributes {stable_mosaic.version = 14 : i64} {
  func.func @_gat_sc(%arg0: i32, %arg1: i32, %arg2: memref<10240x128xf32, #tpu.memory_space<hbm>>, %arg3: memref<1x10240xf32, #tpu.memory_space<hbm>>, %arg4: memref<1x10240xf32, #tpu.memory_space<hbm>>, %arg5: memref<1x16xf32, #tpu.memory_space<hbm>>, %arg6: memref<32x125x80xi32, #tpu.memory_space<hbm>>, %arg7: memref<32x125x80xi32, #tpu.memory_space<hbm>>, %arg8: memref<20480x128xf32, #tpu.memory_space<hbm>>, %arg9: memref<20480xf32, #tpu.memory_space<hbm>>, %arg10: memref<80xi32, #tpu.memory_space<vmem>>, %arg11: memref<80xi32, #tpu.memory_space<vmem>>, %arg12: memref<80xi32, #tpu.memory_space<vmem>>, %arg13: memref<80xi32, #tpu.memory_space<vmem>>, %arg14: memref<80x128xf32, #tpu.memory_space<vmem>>, %arg15: memref<80x128xf32, #tpu.memory_space<vmem>>, %arg16: memref<80xf32, #tpu.memory_space<vmem>>, %arg17: memref<10240xf32, #tpu.memory_space<vmem>>, %arg18: memref<10240xf32, #tpu.memory_space<vmem>>, %arg19: memref<16xf32, #tpu.memory_space<vmem>>, %arg20: memref<10240x128xf32, #tpu.memory_space<vmem_shared>>, %arg21: memref<10240xf32, #tpu.memory_space<vmem_shared>>, %arg22: memref<!tpu.dma_semaphore, #tpu.memory_space<semaphore_mem>>, %arg23: memref<!tpu.dma_semaphore, #tpu.memory_space<semaphore_mem>>, %arg24: memref<!tpu.dma_semaphore, #tpu.memory_space<semaphore_mem>>, %arg25: memref<!tpu.dma_semaphore, #tpu.memory_space<semaphore_mem>>, %arg26: memref<!tpu.dma_semaphore, #tpu.memory_space<semaphore_mem>>, %arg27: memref<!tpu.dma_semaphore, #tpu.memory_space<semaphore_mem>>) attributes {dimension_semantics = [#tpu.dimension_semantics<core_parallel>, #tpu.dimension_semantics<subcore_parallel>], iteration_bounds = array<i64: 2, 16>, scalar_prefetch = 0 : i64, scratch_operands = 18 : i64, tpu.core_type = #tpu.core_type<sc_vector_subcore>, window_params = [{transform_indices = #map}, {transform_indices = #map}, {transform_indices = #map}, {transform_indices = #map}, {transform_indices = #map1}, {transform_indices = #map1}, {transform_indices = #map}, {transform_indices = #map2}]} {
    %mul3A = arith.constant 16 : i32
    %mul3A_0 = arith.muli %arg0, %mul3A : i32
    %add3A = arith.addi %mul3A_0, %arg1 : i32
    %run_scoped3A = arith.constant 0 : i32
    "tpu.region"() ({
      %run_scoped3A_326 = tpu.sem_alloc : memref<!tpu.dma_semaphore, #tpu.memory_space<semaphore_mem>>
      %dma_start3A_327 = arith.constant 0 : i32
      %dma_start3A_328 = tpu.memref_slice %arg3[%run_scoped3A, %dma_start3A_327] : memref<1x10240xf32, #tpu.memory_space<hbm>> -> memref<1x10240xf32, #tpu.memory_space<hbm>>
      %dma_start3A_329 = tpu.memref_squeeze %dma_start3A_328 : memref<1x10240xf32, #tpu.memory_space<hbm>> -> memref<10240xf32, #tpu.memory_space<hbm>>
      %dma_start3A_330 = arith.constant 0 : i32
      %dma_start3A_331 = tpu.memref_slice %arg3[%run_scoped3A, %dma_start3A_330] : memref<1x10240xf32, #tpu.memory_space<hbm>> -> memref<1x10240xf32, #tpu.memory_space<hbm>>
      %dma_start3A_332 = tpu.memref_squeeze %dma_start3A_331 : memref<1x10240xf32, #tpu.memory_space<hbm>> -> memref<10240xf32, #tpu.memory_space<hbm>>
      tpu.enqueue_dma source(%dma_start3A_332 : memref<10240xf32, #tpu.memory_space<hbm>>) target(%arg17 : memref<10240xf32, #tpu.memory_space<vmem>>) target_semaphore(%run_scoped3A_326 : memref<!tpu.dma_semaphore, #tpu.memory_space<semaphore_mem>>)
      %dma_wait3A_333 = arith.constant 0 : i32
      %dma_wait3A_334 = tpu.memref_slice %arg3[%run_scoped3A, %dma_wait3A_333] : memref<1x10240xf32, #tpu.memory_space<hbm>> -> memref<1x10240xf32, #tpu.memory_space<hbm>>
      %dma_wait3A_335 = tpu.memref_squeeze %dma_wait3A_334 : memref<1x10240xf32, #tpu.memory_space<hbm>> -> memref<10240xf32, #tpu.memory_space<hbm>>
      %dma_wait3A_336 = arith.constant 0 : i32
      %dma_wait3A_337 = tpu.memref_slice %arg3[%run_scoped3A, %dma_wait3A_336] : memref<1x10240xf32, #tpu.memory_space<hbm>> -> memref<1x10240xf32, #tpu.memory_space<hbm>>
      %dma_wait3A_338 = tpu.memref_squeeze %dma_wait3A_337 : memref<1x10240xf32, #tpu.memory_space<hbm>> -> memref<10240xf32, #tpu.memory_space<hbm>>
      tpu.wait_dma2 semaphore(%run_scoped3A_326 : memref<!tpu.dma_semaphore, #tpu.memory_space<semaphore_mem>>) src(%dma_wait3A_338 : memref<10240xf32, #tpu.memory_space<hbm>>) dst(%arg17 : memref<10240xf32, #tpu.memory_space<vmem>>)
      tpu.yield
    }) : () -> ()
    %run_scoped3A_1 = arith.constant 0 : i32
    "tpu.region"() ({
      %run_scoped3A_326 = tpu.sem_alloc : memref<!tpu.dma_semaphore, #tpu.memory_space<semaphore_mem>>
      %dma_start3A_327 = arith.constant 0 : i32
      %dma_start3A_328 = tpu.memref_slice %arg4[%run_scoped3A_1, %dma_start3A_327] : memref<1x10240xf32, #tpu.memory_space<hbm>> -> memref<1x10240xf32, #tpu.memory_space<hbm>>
      %dma_start3A_329 = tpu.memref_squeeze %dma_start3A_328 : memref<1x10240xf32, #tpu.memory_space<hbm>> -> memref<10240xf32, #tpu.memory_space<hbm>>
      %dma_start3A_330 = arith.constant 0 : i32
      %dma_start3A_331 = tpu.memref_slice %arg4[%run_scoped3A_1, %dma_start3A_330] : memref<1x10240xf32, #tpu.memory_space<hbm>> -> memref<1x10240xf32, #tpu.memory_space<hbm>>
      %dma_start3A_332 = tpu.memref_squeeze %dma_start3A_331 : memref<1x10240xf32, #tpu.memory_space<hbm>> -> memref<10240xf32, #tpu.memory_space<hbm>>
      tpu.enqueue_dma source(%dma_start3A_332 : memref<10240xf32, #tpu.memory_space<hbm>>) target(%arg18 : memref<10240xf32, #tpu.memory_space<vmem>>) target_semaphore(%run_scoped3A_326 : memref<!tpu.dma_semaphore, #tpu.memory_space<semaphore_mem>>)
      %dma_wait3A_333 = arith.constant 0 : i32
      %dma_wait3A_334 = tpu.memref_slice %arg4[%run_scoped3A_1, %dma_wait3A_333] : memref<1x10240xf32, #tpu.memory_space<hbm>> -> memref<1x10240xf32, #tpu.memory_space<hbm>>
      %dma_wait3A_335 = tpu.memref_squeeze %dma_wait3A_334 : memref<1x10240xf32, #tpu.memory_space<hbm>> -> memref<10240xf32, #tpu.memory_space<hbm>>
      %dma_wait3A_336 = arith.constant 0 : i32
      %dma_wait3A_337 = tpu.memref_slice %arg4[%run_scoped3A_1, %dma_wait3A_336] : memref<1x10240xf32, #tpu.memory_space<hbm>> -> memref<1x10240xf32, #tpu.memory_space<hbm>>
      %dma_wait3A_338 = tpu.memref_squeeze %dma_wait3A_337 : memref<1x10240xf32, #tpu.memory_space<hbm>> -> memref<10240xf32, #tpu.memory_space<hbm>>
      tpu.wait_dma2 semaphore(%run_scoped3A_326 : memref<!tpu.dma_semaphore, #tpu.memory_space<semaphore_mem>>) src(%dma_wait3A_338 : memref<10240xf32, #tpu.memory_space<hbm>>) dst(%arg18 : memref<10240xf32, #tpu.memory_space<vmem>>)
      tpu.yield
    }) : () -> ()
    %run_scoped3A_2 = arith.constant 0 : i32
    "tpu.region"() ({
      %run_scoped3A_326 = tpu.sem_alloc : memref<!tpu.dma_semaphore, #tpu.memory_space<semaphore_mem>>
      %dma_start3A_327 = arith.constant 0 : i32
      %dma_start3A_328 = tpu.memref_slice %arg5[%run_scoped3A_2, %dma_start3A_327] : memref<1x16xf32, #tpu.memory_space<hbm>> -> memref<1x16xf32, #tpu.memory_space<hbm>>
      %dma_start3A_329 = tpu.memref_squeeze %dma_start3A_328 : memref<1x16xf32, #tpu.memory_space<hbm>> -> memref<16xf32, #tpu.memory_space<hbm>>
      %dma_start3A_330 = arith.constant 0 : i32
      %dma_start3A_331 = tpu.memref_slice %arg5[%run_scoped3A_2, %dma_start3A_330] : memref<1x16xf32, #tpu.memory_space<hbm>> -> memref<1x16xf32, #tpu.memory_space<hbm>>
      %dma_start3A_332 = tpu.memref_squeeze %dma_start3A_331 : memref<1x16xf32, #tpu.memory_space<hbm>> -> memref<16xf32, #tpu.memory_space<hbm>>
      tpu.enqueue_dma source(%dma_start3A_332 : memref<16xf32, #tpu.memory_space<hbm>>) target(%arg19 : memref<16xf32, #tpu.memory_space<vmem>>) target_semaphore(%run_scoped3A_326 : memref<!tpu.dma_semaphore, #tpu.memory_space<semaphore_mem>>)
      %dma_wait3A_333 = arith.constant 0 : i32
      %dma_wait3A_334 = tpu.memref_slice %arg5[%run_scoped3A_2, %dma_wait3A_333] : memref<1x16xf32, #tpu.memory_space<hbm>> -> memref<1x16xf32, #tpu.memory_space<hbm>>
      %dma_wait3A_335 = tpu.memref_squeeze %dma_wait3A_334 : memref<1x16xf32, #tpu.memory_space<hbm>> -> memref<16xf32, #tpu.memory_space<hbm>>
      %dma_wait3A_336 = arith.constant 0 : i32
      %dma_wait3A_337 = tpu.memref_slice %arg5[%run_scoped3A_2, %dma_wait3A_336] : memref<1x16xf32, #tpu.memory_space<hbm>> -> memref<1x16xf32, #tpu.memory_space<hbm>>
      %dma_wait3A_338 = tpu.memref_squeeze %dma_wait3A_337 : memref<1x16xf32, #tpu.memory_space<hbm>> -> memref<16xf32, #tpu.memory_space<hbm>>
      tpu.wait_dma2 semaphore(%run_scoped3A_326 : memref<!tpu.dma_semaphore, #tpu.memory_space<semaphore_mem>>) src(%dma_wait3A_338 : memref<16xf32, #tpu.memory_space<hbm>>) dst(%arg19 : memref<16xf32, #tpu.memory_space<vmem>>)
      tpu.yield
    }) : () -> ()
    %broadcast_in_dim3A = arith.constant 0.000000e+00 : f32
    %broadcast_in_dim3A_3 = vector.broadcast %broadcast_in_dim3A : f32 to vector<16xf32>
    %scan3A = arith.constant 0 : i32
    %scan3A_4 = arith.constant 0 : i32
    %scan3A_5 = arith.constant 80 : i32
    %scan3A_6 = arith.addi %scan3A_4, %scan3A_5 : i32
    %scan3A_7 = arith.constant 1 : i32
    scf.for %scan3A_326 = %scan3A_4 to %scan3A_6 step %scan3A_7  : i32 {
      %swap3A_327 = arith.index_cast %scan3A_326 : i32 to index
      %swap3A_328 = arith.constant 0 : index
      %swap3A_329 = tpu.vector_load %arg14[%swap3A_327, %swap3A_328] {strides = array<i32>} : memref<80x128xf32, #tpu.memory_space<vmem>>, vector<16xf32>,
      tpu.vector_store %arg14[%swap3A_327, %swap3A_328], %broadcast_in_dim3A_3 {strides = array<i32>} : memref<80x128xf32, #tpu.memory_space<vmem>>, vector<16xf32>,
      %swap3A_330 = arith.index_cast %scan3A_326 : i32 to index
      %swap3A_331 = arith.constant 16 : index
      %swap3A_332 = tpu.vector_load %arg14[%swap3A_330, %swap3A_331] {strides = array<i32>} : memref<80x128xf32, #tpu.memory_space<vmem>>, vector<16xf32>,
      tpu.vector_store %arg14[%swap3A_330, %swap3A_331], %broadcast_in_dim3A_3 {strides = array<i32>} : memref<80x128xf32, #tpu.memory_space<vmem>>, vector<16xf32>,
      %swap3A_333 = arith.index_cast %scan3A_326 : i32 to index
      %swap3A_334 = arith.constant 32 : index
      %swap3A_335 = tpu.vector_load %arg14[%swap3A_333, %swap3A_334] {strides = array<i32>} : memref<80x128xf32, #tpu.memory_space<vmem>>, vector<16xf32>,
      tpu.vector_store %arg14[%swap3A_333, %swap3A_334], %broadcast_in_dim3A_3 {strides = array<i32>} : memref<80x128xf32, #tpu.memory_space<vmem>>, vector<16xf32>,
      %swap3A_336 = arith.index_cast %scan3A_326 : i32 to index
      %swap3A_337 = arith.constant 48 : index
      %swap3A_338 = tpu.vector_load %arg14[%swap3A_336, %swap3A_337] {strides = array<i32>} : memref<80x128xf32, #tpu.memory_space<vmem>>, vector<16xf32>,
      tpu.vector_store %arg14[%swap3A_336, %swap3A_337], %broadcast_in_dim3A_3 {strides = array<i32>} : memref<80x128xf32, #tpu.memory_space<vmem>>, vector<16xf32>,
      %swap3A_339 = arith.index_cast %scan3A_326 : i32 to index
      %swap3A_340 = arith.constant 64 : index
      %swap3A_341 = tpu.vector_load %arg14[%swap3A_339, %swap3A_340] {strides = array<i32>} : memref<80x128xf32, #tpu.memory_space<vmem>>, vector<16xf32>,
      tpu.vector_store %arg14[%swap3A_339, %swap3A_340], %broadcast_in_dim3A_3 {strides = array<i32>} : memref<80x128xf32, #tpu.memory_space<vmem>>, vector<16xf32>,
      %swap3A_342 = arith.index_cast %scan3A_326 : i32 to index
      %swap3A_343 = arith.constant 80 : index
      %swap3A_344 = tpu.vector_load %arg14[%swap3A_342, %swap3A_343] {strides = array<i32>} : memref<80x128xf32, #tpu.memory_space<vmem>>, vector<16xf32>,
      tpu.vector_store %arg14[%swap3A_342, %swap3A_343], %broadcast_in_dim3A_3 {strides = array<i32>} : memref<80x128xf32, #tpu.memory_space<vmem>>, vector<16xf32>,
      %swap3A_345 = arith.index_cast %scan3A_326 : i32 to index
      %swap3A_346 = arith.constant 96 : index
      %swap3A_347 = tpu.vector_load %arg14[%swap3A_345, %swap3A_346] {strides = array<i32>} : memref<80x128xf32, #tpu.memory_space<vmem>>, vector<16xf32>,
      tpu.vector_store %arg14[%swap3A_345, %swap3A_346], %broadcast_in_dim3A_3 {strides = array<i32>} : memref<80x128xf32, #tpu.memory_space<vmem>>, vector<16xf32>,
      %swap3A_348 = arith.index_cast %scan3A_326 : i32 to index
      %swap3A_349 = arith.constant 112 : index
      %swap3A_350 = tpu.vector_load %arg14[%swap3A_348, %swap3A_349] {strides = array<i32>} : memref<80x128xf32, #tpu.memory_space<vmem>>, vector<16xf32>,
      tpu.vector_store %arg14[%swap3A_348, %swap3A_349], %broadcast_in_dim3A_3 {strides = array<i32>} : memref<80x128xf32, #tpu.memory_space<vmem>>, vector<16xf32>,
    }
    %scan3A_8 = arith.constant 80 : i32
    %swap3A = arith.constant 0 : index
    %swap3A_9 = tpu.vector_load %arg16[%swap3A] {strides = array<i32>} : memref<80xf32, #tpu.memory_space<vmem>>, vector<16xf32>,
    tpu.vector_store %arg16[%swap3A], %broadcast_in_dim3A_3 {strides = array<i32>} : memref<80xf32, #tpu.memory_space<vmem>>, vector<16xf32>,
    %swap3A_10 = arith.constant 16 : index
    %swap3A_11 = tpu.vector_load %arg16[%swap3A_10] {strides = array<i32>} : memref<80xf32, #tpu.memory_space<vmem>>, vector<16xf32>,
    tpu.vector_store %arg16[%swap3A_10], %broadcast_in_dim3A_3 {strides = array<i32>} : memref<80xf32, #tpu.memory_space<vmem>>, vector<16xf32>,
    %swap3A_12 = arith.constant 32 : index
    %swap3A_13 = tpu.vector_load %arg16[%swap3A_12] {strides = array<i32>} : memref<80xf32, #tpu.memory_space<vmem>>, vector<16xf32>,
    tpu.vector_store %arg16[%swap3A_12], %broadcast_in_dim3A_3 {strides = array<i32>} : memref<80xf32, #tpu.memory_space<vmem>>, vector<16xf32>,
    %swap3A_14 = arith.constant 48 : index
    %swap3A_15 = tpu.vector_load %arg16[%swap3A_14] {strides = array<i32>} : memref<80xf32, #tpu.memory_space<vmem>>, vector<16xf32>,
    tpu.vector_store %arg16[%swap3A_14], %broadcast_in_dim3A_3 {strides = array<i32>} : memref<80xf32, #tpu.memory_space<vmem>>, vector<16xf32>,
    %swap3A_16 = arith.constant 64 : index
    %swap3A_17 = tpu.vector_load %arg16[%swap3A_16] {strides = array<i32>} : memref<80xf32, #tpu.memory_space<vmem>>, vector<16xf32>,
    tpu.vector_store %arg16[%swap3A_16], %broadcast_in_dim3A_3 {strides = array<i32>} : memref<80xf32, #tpu.memory_space<vmem>>, vector<16xf32>,
    %mul3A_18 = arith.constant 640 : i32
    %mul3A_19 = arith.muli %arg1, %mul3A_18 : i32
    %add3A_20 = arith.constant 0 : i32
    %add3A_21 = arith.addi %mul3A_19, %add3A_20 : i32
    "tpu.region"() ({
      %run_scoped3A_326 = tpu.sem_alloc : memref<!tpu.dma_semaphore, #tpu.memory_space<semaphore_mem>>
      %dma_start3A_327 = arith.constant 0 : i32
      %dma_start3A_328 = tpu.memref_slice %arg20[%add3A_21, %dma_start3A_327] : memref<10240x128xf32, #tpu.memory_space<vmem_shared>> -> memref<80x128xf32, #tpu.memory_space<vmem_shared>>
      %dma_start3A_329 = arith.constant 0 : i32
      %dma_start3A_330 = tpu.memref_slice %arg20[%add3A_21, %dma_start3A_329] : memref<10240x128xf32, #tpu.memory_space<vmem_shared>> -> memref<80x128xf32, #tpu.memory_space<vmem_shared>>
      tpu.enqueue_dma source(%arg14 : memref<80x128xf32, #tpu.memory_space<vmem>>) target(%dma_start3A_330 : memref<80x128xf32, #tpu.memory_space<vmem_shared>>) target_semaphore(%run_scoped3A_326 : memref<!tpu.dma_semaphore, #tpu.memory_space<semaphore_mem>>)
      %dma_wait3A_331 = arith.constant 0 : i32
      %dma_wait3A_332 = tpu.memref_slice %arg20[%add3A_21, %dma_wait3A_331] : memref<10240x128xf32, #tpu.memory_space<vmem_shared>> -> memref<80x128xf32, #tpu.memory_space<vmem_shared>>
      %dma_wait3A_333 = arith.constant 0 : i32
      %dma_wait3A_334 = tpu.memref_slice %arg20[%add3A_21, %dma_wait3A_333] : memref<10240x128xf32, #tpu.memory_space<vmem_shared>> -> memref<80x128xf32, #tpu.memory_space<vmem_shared>>
      tpu.wait_dma2 semaphore(%run_scoped3A_326 : memref<!tpu.dma_semaphore, #tpu.memory_space<semaphore_mem>>) src(%arg14 : memref<80x128xf32, #tpu.memory_space<vmem>>) dst(%dma_wait3A_334 : memref<80x128xf32, #tpu.memory_space<vmem_shared>>)
      tpu.yield
    }) : () -> ()
    %mul3A_22 = arith.constant 640 : i32
    %mul3A_23 = arith.muli %arg1, %mul3A_22 : i32
    %add3A_24 = arith.constant 0 : i32
    %add3A_25 = arith.addi %mul3A_23, %add3A_24 : i32
    "tpu.region"() ({
      %run_scoped3A_326 = tpu.sem_alloc : memref<!tpu.dma_semaphore, #tpu.memory_space<semaphore_mem>>
      %dma_start3A_327 = tpu.memref_slice %arg21[%add3A_25] : memref<10240xf32, #tpu.memory_space<vmem_shared>> -> memref<80xf32, #tpu.memory_space<vmem_shared>>
      %dma_start3A_328 = tpu.memref_slice %arg21[%add3A_25] : memref<10240xf32, #tpu.memory_space<vmem_shared>> -> memref<80xf32, #tpu.memory_space<vmem_shared>>
      tpu.enqueue_dma source(%arg16 : memref<80xf32, #tpu.memory_space<vmem>>) target(%dma_start3A_328 : memref<80xf32, #tpu.memory_space<vmem_shared>>) target_semaphore(%run_scoped3A_326 : memref<!tpu.dma_semaphore, #tpu.memory_space<semaphore_mem>>)
      %dma_wait3A_329 = tpu.memref_slice %arg21[%add3A_25] : memref<10240xf32, #tpu.memory_space<vmem_shared>> -> memref<80xf32, #tpu.memory_space<vmem_shared>>
      %dma_wait3A_330 = tpu.memref_slice %arg21[%add3A_25] : memref<10240xf32, #tpu.memory_space<vmem_shared>> -> memref<80xf32, #tpu.memory_space<vmem_shared>>
      tpu.wait_dma2 semaphore(%run_scoped3A_326 : memref<!tpu.dma_semaphore, #tpu.memory_space<semaphore_mem>>) src(%arg16 : memref<80xf32, #tpu.memory_space<vmem>>) dst(%dma_wait3A_330 : memref<80xf32, #tpu.memory_space<vmem_shared>>)
      tpu.yield
    }) : () -> ()
    %mul3A_26 = arith.constant 640 : i32
    %mul3A_27 = arith.muli %arg1, %mul3A_26 : i32
    %add3A_28 = arith.constant 80 : i32
    %add3A_29 = arith.addi %mul3A_27, %add3A_28 : i32
    "tpu.region"() ({
      %run_scoped3A_326 = tpu.sem_alloc : memref<!tpu.dma_semaphore, #tpu.memory_space<semaphore_mem>>
      %dma_start3A_327 = arith.constant 0 : i32
      %dma_start3A_328 = tpu.memref_slice %arg20[%add3A_29, %dma_start3A_327] : memref<10240x128xf32, #tpu.memory_space<vmem_shared>> -> memref<80x128xf32, #tpu.memory_space<vmem_shared>>
      %dma_start3A_329 = arith.constant 0 : i32
      %dma_start3A_330 = tpu.memref_slice %arg20[%add3A_29, %dma_start3A_329] : memref<10240x128xf32, #tpu.memory_space<vmem_shared>> -> memref<80x128xf32, #tpu.memory_space<vmem_shared>>
      tpu.enqueue_dma source(%arg14 : memref<80x128xf32, #tpu.memory_space<vmem>>) target(%dma_start3A_330 : memref<80x128xf32, #tpu.memory_space<vmem_shared>>) target_semaphore(%run_scoped3A_326 : memref<!tpu.dma_semaphore, #tpu.memory_space<semaphore_mem>>)
      %dma_wait3A_331 = arith.constant 0 : i32
      %dma_wait3A_332 = tpu.memref_slice %arg20[%add3A_29, %dma_wait3A_331] : memref<10240x128xf32, #tpu.memory_space<vmem_shared>> -> memref<80x128xf32, #tpu.memory_space<vmem_shared>>
      %dma_wait3A_333 = arith.constant 0 : i32
      %dma_wait3A_334 = tpu.memref_slice %arg20[%add3A_29, %dma_wait3A_333] : memref<10240x128xf32, #tpu.memory_space<vmem_shared>> -> memref<80x128xf32, #tpu.memory_space<vmem_shared>>
      tpu.wait_dma2 semaphore(%run_scoped3A_326 : memref<!tpu.dma_semaphore, #tpu.memory_space<semaphore_mem>>) src(%arg14 : memref<80x128xf32, #tpu.memory_space<vmem>>) dst(%dma_wait3A_334 : memref<80x128xf32, #tpu.memory_space<vmem_shared>>)
      tpu.yield
    }) : () -> ()
    %mul3A_30 = arith.constant 640 : i32
    %mul3A_31 = arith.muli %arg1, %mul3A_30 : i32
    %add3A_32 = arith.constant 80 : i32
    %add3A_33 = arith.addi %mul3A_31, %add3A_32 : i32
    "tpu.region"() ({
      %run_scoped3A_326 = tpu.sem_alloc : memref<!tpu.dma_semaphore, #tpu.memory_space<semaphore_mem>>
      %dma_start3A_327 = tpu.memref_slice %arg21[%add3A_33] : memref<10240xf32, #tpu.memory_space<vmem_shared>> -> memref<80xf32, #tpu.memory_space<vmem_shared>>
      %dma_start3A_328 = tpu.memref_slice %arg21[%add3A_33] : memref<10240xf32, #tpu.memory_space<vmem_shared>> -> memref<80xf32, #tpu.memory_space<vmem_shared>>
      tpu.enqueue_dma source(%arg16 : memref<80xf32, #tpu.memory_space<vmem>>) target(%dma_start3A_328 : memref<80xf32, #tpu.memory_space<vmem_shared>>) target_semaphore(%run_scoped3A_326 : memref<!tpu.dma_semaphore, #tpu.memory_space<semaphore_mem>>)
      %dma_wait3A_329 = tpu.memref_slice %arg21[%add3A_33] : memref<10240xf32, #tpu.memory_space<vmem_shared>> -> memref<80xf32, #tpu.memory_space<vmem_shared>>
      %dma_wait3A_330 = tpu.memref_slice %arg21[%add3A_33] : memref<10240xf32, #tpu.memory_space<vmem_shared>> -> memref<80xf32, #tpu.memory_space<vmem_shared>>
      tpu.wait_dma2 semaphore(%run_scoped3A_326 : memref<!tpu.dma_semaphore, #tpu.memory_space<semaphore_mem>>) src(%arg16 : memref<80xf32, #tpu.memory_space<vmem>>) dst(%dma_wait3A_330 : memref<80xf32, #tpu.memory_space<vmem_shared>>)
      tpu.yield
    }) : () -> ()
    %mul3A_34 = arith.constant 640 : i32
    %mul3A_35 = arith.muli %arg1, %mul3A_34 : i32
    %add3A_36 = arith.constant 160 : i32
    %add3A_37 = arith.addi %mul3A_35, %add3A_36 : i32
    "tpu.region"() ({
      %run_scoped3A_326 = tpu.sem_alloc : memref<!tpu.dma_semaphore, #tpu.memory_space<semaphore_mem>>
      %dma_start3A_327 = arith.constant 0 : i32
      %dma_start3A_328 = tpu.memref_slice %arg20[%add3A_37, %dma_start3A_327] : memref<10240x128xf32, #tpu.memory_space<vmem_shared>> -> memref<80x128xf32, #tpu.memory_space<vmem_shared>>
      %dma_start3A_329 = arith.constant 0 : i32
      %dma_start3A_330 = tpu.memref_slice %arg20[%add3A_37, %dma_start3A_329] : memref<10240x128xf32, #tpu.memory_space<vmem_shared>> -> memref<80x128xf32, #tpu.memory_space<vmem_shared>>
      tpu.enqueue_dma source(%arg14 : memref<80x128xf32, #tpu.memory_space<vmem>>) target(%dma_start3A_330 : memref<80x128xf32, #tpu.memory_space<vmem_shared>>) target_semaphore(%run_scoped3A_326 : memref<!tpu.dma_semaphore, #tpu.memory_space<semaphore_mem>>)
      %dma_wait3A_331 = arith.constant 0 : i32
      %dma_wait3A_332 = tpu.memref_slice %arg20[%add3A_37, %dma_wait3A_331] : memref<10240x128xf32, #tpu.memory_space<vmem_shared>> -> memref<80x128xf32, #tpu.memory_space<vmem_shared>>
      %dma_wait3A_333 = arith.constant 0 : i32
      %dma_wait3A_334 = tpu.memref_slice %arg20[%add3A_37, %dma_wait3A_333] : memref<10240x128xf32, #tpu.memory_space<vmem_shared>> -> memref<80x128xf32, #tpu.memory_space<vmem_shared>>
      tpu.wait_dma2 semaphore(%run_scoped3A_326 : memref<!tpu.dma_semaphore, #tpu.memory_space<semaphore_mem>>) src(%arg14 : memref<80x128xf32, #tpu.memory_space<vmem>>) dst(%dma_wait3A_334 : memref<80x128xf32, #tpu.memory_space<vmem_shared>>)
      tpu.yield
    }) : () -> ()
    %mul3A_38 = arith.constant 640 : i32
    %mul3A_39 = arith.muli %arg1, %mul3A_38 : i32
    %add3A_40 = arith.constant 160 : i32
    %add3A_41 = arith.addi %mul3A_39, %add3A_40 : i32
    "tpu.region"() ({
      %run_scoped3A_326 = tpu.sem_alloc : memref<!tpu.dma_semaphore, #tpu.memory_space<semaphore_mem>>
      %dma_start3A_327 = tpu.memref_slice %arg21[%add3A_41] : memref<10240xf32, #tpu.memory_space<vmem_shared>> -> memref<80xf32, #tpu.memory_space<vmem_shared>>
      %dma_start3A_328 = tpu.memref_slice %arg21[%add3A_41] : memref<10240xf32, #tpu.memory_space<vmem_shared>> -> memref<80xf32, #tpu.memory_space<vmem_shared>>
      tpu.enqueue_dma source(%arg16 : memref<80xf32, #tpu.memory_space<vmem>>) target(%dma_start3A_328 : memref<80xf32, #tpu.memory_space<vmem_shared>>) target_semaphore(%run_scoped3A_326 : memref<!tpu.dma_semaphore, #tpu.memory_space<semaphore_mem>>)
      %dma_wait3A_329 = tpu.memref_slice %arg21[%add3A_41] : memref<10240xf32, #tpu.memory_space<vmem_shared>> -> memref<80xf32, #tpu.memory_space<vmem_shared>>
      %dma_wait3A_330 = tpu.memref_slice %arg21[%add3A_41] : memref<10240xf32, #tpu.memory_space<vmem_shared>> -> memref<80xf32, #tpu.memory_space<vmem_shared>>
      tpu.wait_dma2 semaphore(%run_scoped3A_326 : memref<!tpu.dma_semaphore, #tpu.memory_space<semaphore_mem>>) src(%arg16 : memref<80xf32, #tpu.memory_space<vmem>>) dst(%dma_wait3A_330 : memref<80xf32, #tpu.memory_space<vmem_shared>>)
      tpu.yield
    }) : () -> ()
    %mul3A_42 = arith.constant 640 : i32
    %mul3A_43 = arith.muli %arg1, %mul3A_42 : i32
    %add3A_44 = arith.constant 240 : i32
    %add3A_45 = arith.addi %mul3A_43, %add3A_44 : i32
    "tpu.region"() ({
      %run_scoped3A_326 = tpu.sem_alloc : memref<!tpu.dma_semaphore, #tpu.memory_space<semaphore_mem>>
      %dma_start3A_327 = arith.constant 0 : i32
      %dma_start3A_328 = tpu.memref_slice %arg20[%add3A_45, %dma_start3A_327] : memref<10240x128xf32, #tpu.memory_space<vmem_shared>> -> memref<80x128xf32, #tpu.memory_space<vmem_shared>>
      %dma_start3A_329 = arith.constant 0 : i32
      %dma_start3A_330 = tpu.memref_slice %arg20[%add3A_45, %dma_start3A_329] : memref<10240x128xf32, #tpu.memory_space<vmem_shared>> -> memref<80x128xf32, #tpu.memory_space<vmem_shared>>
      tpu.enqueue_dma source(%arg14 : memref<80x128xf32, #tpu.memory_space<vmem>>) target(%dma_start3A_330 : memref<80x128xf32, #tpu.memory_space<vmem_shared>>) target_semaphore(%run_scoped3A_326 : memref<!tpu.dma_semaphore, #tpu.memory_space<semaphore_mem>>)
      %dma_wait3A_331 = arith.constant 0 : i32
      %dma_wait3A_332 = tpu.memref_slice %arg20[%add3A_45, %dma_wait3A_331] : memref<10240x128xf32, #tpu.memory_space<vmem_shared>> -> memref<80x128xf32, #tpu.memory_space<vmem_shared>>
      %dma_wait3A_333 = arith.constant 0 : i32
      %dma_wait3A_334 = tpu.memref_slice %arg20[%add3A_45, %dma_wait3A_333] : memref<10240x128xf32, #tpu.memory_space<vmem_shared>> -> memref<80x128xf32, #tpu.memory_space<vmem_shared>>
      tpu.wait_dma2 semaphore(%run_scoped3A_326 : memref<!tpu.dma_semaphore, #tpu.memory_space<semaphore_mem>>) src(%arg14 : memref<80x128xf32, #tpu.memory_space<vmem>>) dst(%dma_wait3A_334 : memref<80x128xf32, #tpu.memory_space<vmem_shared>>)
      tpu.yield
    }) : () -> ()
    %mul3A_46 = arith.constant 640 : i32
    %mul3A_47 = arith.muli %arg1, %mul3A_46 : i32
    %add3A_48 = arith.constant 240 : i32
    %add3A_49 = arith.addi %mul3A_47, %add3A_48 : i32
    "tpu.region"() ({
      %run_scoped3A_326 = tpu.sem_alloc : memref<!tpu.dma_semaphore, #tpu.memory_space<semaphore_mem>>
      %dma_start3A_327 = tpu.memref_slice %arg21[%add3A_49] : memref<10240xf32, #tpu.memory_space<vmem_shared>> -> memref<80xf32, #tpu.memory_space<vmem_shared>>
      %dma_start3A_328 = tpu.memref_slice %arg21[%add3A_49] : memref<10240xf32, #tpu.memory_space<vmem_shared>> -> memref<80xf32, #tpu.memory_space<vmem_shared>>
      tpu.enqueue_dma source(%arg16 : memref<80xf32, #tpu.memory_space<vmem>>) target(%dma_start3A_328 : memref<80xf32, #tpu.memory_space<vmem_shared>>) target_semaphore(%run_scoped3A_326 : memref<!tpu.dma_semaphore, #tpu.memory_space<semaphore_mem>>)
      %dma_wait3A_329 = tpu.memref_slice %arg21[%add3A_49] : memref<10240xf32, #tpu.memory_space<vmem_shared>> -> memref<80xf32, #tpu.memory_space<vmem_shared>>
      %dma_wait3A_330 = tpu.memref_slice %arg21[%add3A_49] : memref<10240xf32, #tpu.memory_space<vmem_shared>> -> memref<80xf32, #tpu.memory_space<vmem_shared>>
      tpu.wait_dma2 semaphore(%run_scoped3A_326 : memref<!tpu.dma_semaphore, #tpu.memory_space<semaphore_mem>>) src(%arg16 : memref<80xf32, #tpu.memory_space<vmem>>) dst(%dma_wait3A_330 : memref<80xf32, #tpu.memory_space<vmem_shared>>)
      tpu.yield
    }) : () -> ()
    %mul3A_50 = arith.constant 640 : i32
    %mul3A_51 = arith.muli %arg1, %mul3A_50 : i32
    %add3A_52 = arith.constant 320 : i32
    %add3A_53 = arith.addi %mul3A_51, %add3A_52 : i32
    "tpu.region"() ({
      %run_scoped3A_326 = tpu.sem_alloc : memref<!tpu.dma_semaphore, #tpu.memory_space<semaphore_mem>>
      %dma_start3A_327 = arith.constant 0 : i32
      %dma_start3A_328 = tpu.memref_slice %arg20[%add3A_53, %dma_start3A_327] : memref<10240x128xf32, #tpu.memory_space<vmem_shared>> -> memref<80x128xf32, #tpu.memory_space<vmem_shared>>
      %dma_start3A_329 = arith.constant 0 : i32
      %dma_start3A_330 = tpu.memref_slice %arg20[%add3A_53, %dma_start3A_329] : memref<10240x128xf32, #tpu.memory_space<vmem_shared>> -> memref<80x128xf32, #tpu.memory_space<vmem_shared>>
      tpu.enqueue_dma source(%arg14 : memref<80x128xf32, #tpu.memory_space<vmem>>) target(%dma_start3A_330 : memref<80x128xf32, #tpu.memory_space<vmem_shared>>) target_semaphore(%run_scoped3A_326 : memref<!tpu.dma_semaphore, #tpu.memory_space<semaphore_mem>>)
      %dma_wait3A_331 = arith.constant 0 : i32
      %dma_wait3A_332 = tpu.memref_slice %arg20[%add3A_53, %dma_wait3A_331] : memref<10240x128xf32, #tpu.memory_space<vmem_shared>> -> memref<80x128xf32, #tpu.memory_space<vmem_shared>>
      %dma_wait3A_333 = arith.constant 0 : i32
      %dma_wait3A_334 = tpu.memref_slice %arg20[%add3A_53, %dma_wait3A_333] : memref<10240x128xf32, #tpu.memory_space<vmem_shared>> -> memref<80x128xf32, #tpu.memory_space<vmem_shared>>
      tpu.wait_dma2 semaphore(%run_scoped3A_326 : memref<!tpu.dma_semaphore, #tpu.memory_space<semaphore_mem>>) src(%arg14 : memref<80x128xf32, #tpu.memory_space<vmem>>) dst(%dma_wait3A_334 : memref<80x128xf32, #tpu.memory_space<vmem_shared>>)
      tpu.yield
    }) : () -> ()
    %mul3A_54 = arith.constant 640 : i32
    %mul3A_55 = arith.muli %arg1, %mul3A_54 : i32
    %add3A_56 = arith.constant 320 : i32
    %add3A_57 = arith.addi %mul3A_55, %add3A_56 : i32
    "tpu.region"() ({
      %run_scoped3A_326 = tpu.sem_alloc : memref<!tpu.dma_semaphore, #tpu.memory_space<semaphore_mem>>
      %dma_start3A_327 = tpu.memref_slice %arg21[%add3A_57] : memref<10240xf32, #tpu.memory_space<vmem_shared>> -> memref<80xf32, #tpu.memory_space<vmem_shared>>
      %dma_start3A_328 = tpu.memref_slice %arg21[%add3A_57] : memref<10240xf32, #tpu.memory_space<vmem_shared>> -> memref<80xf32, #tpu.memory_space<vmem_shared>>
      tpu.enqueue_dma source(%arg16 : memref<80xf32, #tpu.memory_space<vmem>>) target(%dma_start3A_328 : memref<80xf32, #tpu.memory_space<vmem_shared>>) target_semaphore(%run_scoped3A_326 : memref<!tpu.dma_semaphore, #tpu.memory_space<semaphore_mem>>)
      %dma_wait3A_329 = tpu.memref_slice %arg21[%add3A_57] : memref<10240xf32, #tpu.memory_space<vmem_shared>> -> memref<80xf32, #tpu.memory_space<vmem_shared>>
      %dma_wait3A_330 = tpu.memref_slice %arg21[%add3A_57] : memref<10240xf32, #tpu.memory_space<vmem_shared>> -> memref<80xf32, #tpu.memory_space<vmem_shared>>
      tpu.wait_dma2 semaphore(%run_scoped3A_326 : memref<!tpu.dma_semaphore, #tpu.memory_space<semaphore_mem>>) src(%arg16 : memref<80xf32, #tpu.memory_space<vmem>>) dst(%dma_wait3A_330 : memref<80xf32, #tpu.memory_space<vmem_shared>>)
      tpu.yield
    }) : () -> ()
    %mul3A_58 = arith.constant 640 : i32
    %mul3A_59 = arith.muli %arg1, %mul3A_58 : i32
    %add3A_60 = arith.constant 400 : i32
    %add3A_61 = arith.addi %mul3A_59, %add3A_60 : i32
    "tpu.region"() ({
      %run_scoped3A_326 = tpu.sem_alloc : memref<!tpu.dma_semaphore, #tpu.memory_space<semaphore_mem>>
      %dma_start3A_327 = arith.constant 0 : i32
      %dma_start3A_328 = tpu.memref_slice %arg20[%add3A_61, %dma_start3A_327] : memref<10240x128xf32, #tpu.memory_space<vmem_shared>> -> memref<80x128xf32, #tpu.memory_space<vmem_shared>>
      %dma_start3A_329 = arith.constant 0 : i32
      %dma_start3A_330 = tpu.memref_slice %arg20[%add3A_61, %dma_start3A_329] : memref<10240x128xf32, #tpu.memory_space<vmem_shared>> -> memref<80x128xf32, #tpu.memory_space<vmem_shared>>
      tpu.enqueue_dma source(%arg14 : memref<80x128xf32, #tpu.memory_space<vmem>>) target(%dma_start3A_330 : memref<80x128xf32, #tpu.memory_space<vmem_shared>>) target_semaphore(%run_scoped3A_326 : memref<!tpu.dma_semaphore, #tpu.memory_space<semaphore_mem>>)
      %dma_wait3A_331 = arith.constant 0 : i32
      %dma_wait3A_332 = tpu.memref_slice %arg20[%add3A_61, %dma_wait3A_331] : memref<10240x128xf32, #tpu.memory_space<vmem_shared>> -> memref<80x128xf32, #tpu.memory_space<vmem_shared>>
      %dma_wait3A_333 = arith.constant 0 : i32
      %dma_wait3A_334 = tpu.memref_slice %arg20[%add3A_61, %dma_wait3A_333] : memref<10240x128xf32, #tpu.memory_space<vmem_shared>> -> memref<80x128xf32, #tpu.memory_space<vmem_shared>>
      tpu.wait_dma2 semaphore(%run_scoped3A_326 : memref<!tpu.dma_semaphore, #tpu.memory_space<semaphore_mem>>) src(%arg14 : memref<80x128xf32, #tpu.memory_space<vmem>>) dst(%dma_wait3A_334 : memref<80x128xf32, #tpu.memory_space<vmem_shared>>)
      tpu.yield
    }) : () -> ()
    %mul3A_62 = arith.constant 640 : i32
    %mul3A_63 = arith.muli %arg1, %mul3A_62 : i32
    %add3A_64 = arith.constant 400 : i32
    %add3A_65 = arith.addi %mul3A_63, %add3A_64 : i32
    "tpu.region"() ({
      %run_scoped3A_326 = tpu.sem_alloc : memref<!tpu.dma_semaphore, #tpu.memory_space<semaphore_mem>>
      %dma_start3A_327 = tpu.memref_slice %arg21[%add3A_65] : memref<10240xf32, #tpu.memory_space<vmem_shared>> -> memref<80xf32, #tpu.memory_space<vmem_shared>>
      %dma_start3A_328 = tpu.memref_slice %arg21[%add3A_65] : memref<10240xf32, #tpu.memory_space<vmem_shared>> -> memref<80xf32, #tpu.memory_space<vmem_shared>>
      tpu.enqueue_dma source(%arg16 : memref<80xf32, #tpu.memory_space<vmem>>) target(%dma_start3A_328 : memref<80xf32, #tpu.memory_space<vmem_shared>>) target_semaphore(%run_scoped3A_326 : memref<!tpu.dma_semaphore, #tpu.memory_space<semaphore_mem>>)
      %dma_wait3A_329 = tpu.memref_slice %arg21[%add3A_65] : memref<10240xf32, #tpu.memory_space<vmem_shared>> -> memref<80xf32, #tpu.memory_space<vmem_shared>>
      %dma_wait3A_330 = tpu.memref_slice %arg21[%add3A_65] : memref<10240xf32, #tpu.memory_space<vmem_shared>> -> memref<80xf32, #tpu.memory_space<vmem_shared>>
      tpu.wait_dma2 semaphore(%run_scoped3A_326 : memref<!tpu.dma_semaphore, #tpu.memory_space<semaphore_mem>>) src(%arg16 : memref<80xf32, #tpu.memory_space<vmem>>) dst(%dma_wait3A_330 : memref<80xf32, #tpu.memory_space<vmem_shared>>)
      tpu.yield
    }) : () -> ()
    %mul3A_66 = arith.constant 640 : i32
    %mul3A_67 = arith.muli %arg1, %mul3A_66 : i32
    %add3A_68 = arith.constant 480 : i32
    %add3A_69 = arith.addi %mul3A_67, %add3A_68 : i32
    "tpu.region"() ({
      %run_scoped3A_326 = tpu.sem_alloc : memref<!tpu.dma_semaphore, #tpu.memory_space<semaphore_mem>>
      %dma_start3A_327 = arith.constant 0 : i32
      %dma_start3A_328 = tpu.memref_slice %arg20[%add3A_69, %dma_start3A_327] : memref<10240x128xf32, #tpu.memory_space<vmem_shared>> -> memref<80x128xf32, #tpu.memory_space<vmem_shared>>
      %dma_start3A_329 = arith.constant 0 : i32
      %dma_start3A_330 = tpu.memref_slice %arg20[%add3A_69, %dma_start3A_329] : memref<10240x128xf32, #tpu.memory_space<vmem_shared>> -> memref<80x128xf32, #tpu.memory_space<vmem_shared>>
      tpu.enqueue_dma source(%arg14 : memref<80x128xf32, #tpu.memory_space<vmem>>) target(%dma_start3A_330 : memref<80x128xf32, #tpu.memory_space<vmem_shared>>) target_semaphore(%run_scoped3A_326 : memref<!tpu.dma_semaphore, #tpu.memory_space<semaphore_mem>>)
      %dma_wait3A_331 = arith.constant 0 : i32
      %dma_wait3A_332 = tpu.memref_slice %arg20[%add3A_69, %dma_wait3A_331] : memref<10240x128xf32, #tpu.memory_space<vmem_shared>> -> memref<80x128xf32, #tpu.memory_space<vmem_shared>>
      %dma_wait3A_333 = arith.constant 0 : i32
      %dma_wait3A_334 = tpu.memref_slice %arg20[%add3A_69, %dma_wait3A_333] : memref<10240x128xf32, #tpu.memory_space<vmem_shared>> -> memref<80x128xf32, #tpu.memory_space<vmem_shared>>
      tpu.wait_dma2 semaphore(%run_scoped3A_326 : memref<!tpu.dma_semaphore, #tpu.memory_space<semaphore_mem>>) src(%arg14 : memref<80x128xf32, #tpu.memory_space<vmem>>) dst(%dma_wait3A_334 : memref<80x128xf32, #tpu.memory_space<vmem_shared>>)
      tpu.yield
    }) : () -> ()
    %mul3A_70 = arith.constant 640 : i32
    %mul3A_71 = arith.muli %arg1, %mul3A_70 : i32
    %add3A_72 = arith.constant 480 : i32
    %add3A_73 = arith.addi %mul3A_71, %add3A_72 : i32
    "tpu.region"() ({
      %run_scoped3A_326 = tpu.sem_alloc : memref<!tpu.dma_semaphore, #tpu.memory_space<semaphore_mem>>
      %dma_start3A_327 = tpu.memref_slice %arg21[%add3A_73] : memref<10240xf32, #tpu.memory_space<vmem_shared>> -> memref<80xf32, #tpu.memory_space<vmem_shared>>
      %dma_start3A_328 = tpu.memref_slice %arg21[%add3A_73] : memref<10240xf32, #tpu.memory_space<vmem_shared>> -> memref<80xf32, #tpu.memory_space<vmem_shared>>
      tpu.enqueue_dma source(%arg16 : memref<80xf32, #tpu.memory_space<vmem>>) target(%dma_start3A_328 : memref<80xf32, #tpu.memory_space<vmem_shared>>) target_semaphore(%run_scoped3A_326 : memref<!tpu.dma_semaphore, #tpu.memory_space<semaphore_mem>>)
      %dma_wait3A_329 = tpu.memref_slice %arg21[%add3A_73] : memref<10240xf32, #tpu.memory_space<vmem_shared>> -> memref<80xf32, #tpu.memory_space<vmem_shared>>
      %dma_wait3A_330 = tpu.memref_slice %arg21[%add3A_73] : memref<10240xf32, #tpu.memory_space<vmem_shared>> -> memref<80xf32, #tpu.memory_space<vmem_shared>>
      tpu.wait_dma2 semaphore(%run_scoped3A_326 : memref<!tpu.dma_semaphore, #tpu.memory_space<semaphore_mem>>) src(%arg16 : memref<80xf32, #tpu.memory_space<vmem>>) dst(%dma_wait3A_330 : memref<80xf32, #tpu.memory_space<vmem_shared>>)
      tpu.yield
    }) : () -> ()
    %mul3A_74 = arith.constant 640 : i32
    %mul3A_75 = arith.muli %arg1, %mul3A_74 : i32
    %add3A_76 = arith.constant 560 : i32
    %add3A_77 = arith.addi %mul3A_75, %add3A_76 : i32
    "tpu.region"() ({
      %run_scoped3A_326 = tpu.sem_alloc : memref<!tpu.dma_semaphore, #tpu.memory_space<semaphore_mem>>
      %dma_start3A_327 = arith.constant 0 : i32
      %dma_start3A_328 = tpu.memref_slice %arg20[%add3A_77, %dma_start3A_327] : memref<10240x128xf32, #tpu.memory_space<vmem_shared>> -> memref<80x128xf32, #tpu.memory_space<vmem_shared>>
      %dma_start3A_329 = arith.constant 0 : i32
      %dma_start3A_330 = tpu.memref_slice %arg20[%add3A_77, %dma_start3A_329] : memref<10240x128xf32, #tpu.memory_space<vmem_shared>> -> memref<80x128xf32, #tpu.memory_space<vmem_shared>>
      tpu.enqueue_dma source(%arg14 : memref<80x128xf32, #tpu.memory_space<vmem>>) target(%dma_start3A_330 : memref<80x128xf32, #tpu.memory_space<vmem_shared>>) target_semaphore(%run_scoped3A_326 : memref<!tpu.dma_semaphore, #tpu.memory_space<semaphore_mem>>)
      %dma_wait3A_331 = arith.constant 0 : i32
      %dma_wait3A_332 = tpu.memref_slice %arg20[%add3A_77, %dma_wait3A_331] : memref<10240x128xf32, #tpu.memory_space<vmem_shared>> -> memref<80x128xf32, #tpu.memory_space<vmem_shared>>
      %dma_wait3A_333 = arith.constant 0 : i32
      %dma_wait3A_334 = tpu.memref_slice %arg20[%add3A_77, %dma_wait3A_333] : memref<10240x128xf32, #tpu.memory_space<vmem_shared>> -> memref<80x128xf32, #tpu.memory_space<vmem_shared>>
      tpu.wait_dma2 semaphore(%run_scoped3A_326 : memref<!tpu.dma_semaphore, #tpu.memory_space<semaphore_mem>>) src(%arg14 : memref<80x128xf32, #tpu.memory_space<vmem>>) dst(%dma_wait3A_334 : memref<80x128xf32, #tpu.memory_space<vmem_shared>>)
      tpu.yield
    }) : () -> ()
    %mul3A_78 = arith.constant 640 : i32
    %mul3A_79 = arith.muli %arg1, %mul3A_78 : i32
    %add3A_80 = arith.constant 560 : i32
    %add3A_81 = arith.addi %mul3A_79, %add3A_80 : i32
    "tpu.region"() ({
      %run_scoped3A_326 = tpu.sem_alloc : memref<!tpu.dma_semaphore, #tpu.memory_space<semaphore_mem>>
      %dma_start3A_327 = tpu.memref_slice %arg21[%add3A_81] : memref<10240xf32, #tpu.memory_space<vmem_shared>> -> memref<80xf32, #tpu.memory_space<vmem_shared>>
      %dma_start3A_328 = tpu.memref_slice %arg21[%add3A_81] : memref<10240xf32, #tpu.memory_space<vmem_shared>> -> memref<80xf32, #tpu.memory_space<vmem_shared>>
      tpu.enqueue_dma source(%arg16 : memref<80xf32, #tpu.memory_space<vmem>>) target(%dma_start3A_328 : memref<80xf32, #tpu.memory_space<vmem_shared>>) target_semaphore(%run_scoped3A_326 : memref<!tpu.dma_semaphore, #tpu.memory_space<semaphore_mem>>)
      %dma_wait3A_329 = tpu.memref_slice %arg21[%add3A_81] : memref<10240xf32, #tpu.memory_space<vmem_shared>> -> memref<80xf32, #tpu.memory_space<vmem_shared>>
      %dma_wait3A_330 = tpu.memref_slice %arg21[%add3A_81] : memref<10240xf32, #tpu.memory_space<vmem_shared>> -> memref<80xf32, #tpu.memory_space<vmem_shared>>
      tpu.wait_dma2 semaphore(%run_scoped3A_326 : memref<!tpu.dma_semaphore, #tpu.memory_space<semaphore_mem>>) src(%arg16 : memref<80xf32, #tpu.memory_space<vmem>>) dst(%dma_wait3A_330 : memref<80xf32, #tpu.memory_space<vmem_shared>>)
      tpu.yield
    }) : () -> ()
    %dma_start3A = arith.constant 0 : i32
    %dma_start3A_82 = arith.constant 0 : i32
    %dma_start3A_83 = tpu.memref_slice %arg6[%add3A, %dma_start3A, %dma_start3A_82] : memref<32x125x80xi32, #tpu.memory_space<hbm>> -> memref<1x1x80xi32, #tpu.memory_space<hbm>>
    %dma_start3A_84 = tpu.memref_squeeze %dma_start3A_83 : memref<1x1x80xi32, #tpu.memory_space<hbm>> -> memref<80xi32, #tpu.memory_space<hbm>>
    %dma_start3A_85 = arith.constant 0 : i32
    %dma_start3A_86 = tpu.memref_slice %arg6[%add3A, %dma_start3A, %dma_start3A_85] : memref<32x125x80xi32, #tpu.memory_space<hbm>> -> memref<1x1x80xi32, #tpu.memory_space<hbm>>
    %dma_start3A_87 = tpu.memref_squeeze %dma_start3A_86 : memref<1x1x80xi32, #tpu.memory_space<hbm>> -> memref<80xi32, #tpu.memory_space<hbm>>
    tpu.enqueue_dma source(%dma_start3A_87 : memref<80xi32, #tpu.memory_space<hbm>>) target(%arg10 : memref<80xi32, #tpu.memory_space<vmem>>) target_semaphore(%arg24 : memref<!tpu.dma_semaphore, #tpu.memory_space<semaphore_mem>>)
    %dma_start3A_88 = arith.constant 0 : i32
    %dma_start3A_89 = arith.constant 0 : i32
    %dma_start3A_90 = tpu.memref_slice %arg7[%add3A, %dma_start3A_88, %dma_start3A_89] : memref<32x125x80xi32, #tpu.memory_space<hbm>> -> memref<1x1x80xi32, #tpu.memory_space<hbm>>
    %dma_start3A_91 = tpu.memref_squeeze %dma_start3A_90 : memref<1x1x80xi32, #tpu.memory_space<hbm>> -> memref<80xi32, #tpu.memory_space<hbm>>
    %dma_start3A_92 = arith.constant 0 : i32
    %dma_start3A_93 = tpu.memref_slice %arg7[%add3A, %dma_start3A_88, %dma_start3A_92] : memref<32x125x80xi32, #tpu.memory_space<hbm>> -> memref<1x1x80xi32, #tpu.memory_space<hbm>>
    %dma_start3A_94 = tpu.memref_squeeze %dma_start3A_93 : memref<1x1x80xi32, #tpu.memory_space<hbm>> -> memref<80xi32, #tpu.memory_space<hbm>>
    tpu.enqueue_dma source(%dma_start3A_94 : memref<80xi32, #tpu.memory_space<hbm>>) target(%arg12 : memref<80xi32, #tpu.memory_space<vmem>>) target_semaphore(%arg26 : memref<!tpu.dma_semaphore, #tpu.memory_space<semaphore_mem>>)
    %dma_start3A_95 = arith.constant 1 : i32
    %dma_start3A_96 = arith.constant 0 : i32
    %dma_start3A_97 = tpu.memref_slice %arg6[%add3A, %dma_start3A_95, %dma_start3A_96] : memref<32x125x80xi32, #tpu.memory_space<hbm>> -> memref<1x1x80xi32, #tpu.memory_space<hbm>>
    %dma_start3A_98 = tpu.memref_squeeze %dma_start3A_97 : memref<1x1x80xi32, #tpu.memory_space<hbm>> -> memref<80xi32, #tpu.memory_space<hbm>>
    %dma_start3A_99 = arith.constant 0 : i32
    %dma_start3A_100 = tpu.memref_slice %arg6[%add3A, %dma_start3A_95, %dma_start3A_99] : memref<32x125x80xi32, #tpu.memory_space<hbm>> -> memref<1x1x80xi32, #tpu.memory_space<hbm>>
    %dma_start3A_101 = tpu.memref_squeeze %dma_start3A_100 : memref<1x1x80xi32, #tpu.memory_space<hbm>> -> memref<80xi32, #tpu.memory_space<hbm>>
    tpu.enqueue_dma source(%dma_start3A_101 : memref<80xi32, #tpu.memory_space<hbm>>) target(%arg11 : memref<80xi32, #tpu.memory_space<vmem>>) target_semaphore(%arg25 : memref<!tpu.dma_semaphore, #tpu.memory_space<semaphore_mem>>)
    %dma_start3A_102 = arith.constant 1 : i32
    %dma_start3A_103 = arith.constant 0 : i32
    %dma_start3A_104 = tpu.memref_slice %arg7[%add3A, %dma_start3A_102, %dma_start3A_103] : memref<32x125x80xi32, #tpu.memory_space<hbm>> -> memref<1x1x80xi32, #tpu.memory_space<hbm>>
    %dma_start3A_105 = tpu.memref_squeeze %dma_start3A_104 : memref<1x1x80xi32, #tpu.memory_space<hbm>> -> memref<80xi32, #tpu.memory_space<hbm>>
    %dma_start3A_106 = arith.constant 0 : i32
    %dma_start3A_107 = tpu.memref_slice %arg7[%add3A, %dma_start3A_102, %dma_start3A_106] : memref<32x125x80xi32, #tpu.memory_space<hbm>> -> memref<1x1x80xi32, #tpu.memory_space<hbm>>
    %dma_start3A_108 = tpu.memref_squeeze %dma_start3A_107 : memref<1x1x80xi32, #tpu.memory_space<hbm>> -> memref<80xi32, #tpu.memory_space<hbm>>
    tpu.enqueue_dma source(%dma_start3A_108 : memref<80xi32, #tpu.memory_space<hbm>>) target(%arg13 : memref<80xi32, #tpu.memory_space<vmem>>) target_semaphore(%arg27 : memref<!tpu.dma_semaphore, #tpu.memory_space<semaphore_mem>>)
    %dma_wait3A = arith.constant 0 : i32
    %dma_wait3A_109 = arith.constant 0 : i32
    %dma_wait3A_110 = tpu.memref_slice %arg6[%add3A, %dma_wait3A, %dma_wait3A_109] : memref<32x125x80xi32, #tpu.memory_space<hbm>> -> memref<1x1x80xi32, #tpu.memory_space<hbm>>
    %dma_wait3A_111 = tpu.memref_squeeze %dma_wait3A_110 : memref<1x1x80xi32, #tpu.memory_space<hbm>> -> memref<80xi32, #tpu.memory_space<hbm>>
    %dma_wait3A_112 = arith.constant 0 : i32
    %dma_wait3A_113 = tpu.memref_slice %arg6[%add3A, %dma_wait3A, %dma_wait3A_112] : memref<32x125x80xi32, #tpu.memory_space<hbm>> -> memref<1x1x80xi32, #tpu.memory_space<hbm>>
    %dma_wait3A_114 = tpu.memref_squeeze %dma_wait3A_113 : memref<1x1x80xi32, #tpu.memory_space<hbm>> -> memref<80xi32, #tpu.memory_space<hbm>>
    tpu.wait_dma2 semaphore(%arg24 : memref<!tpu.dma_semaphore, #tpu.memory_space<semaphore_mem>>) src(%dma_wait3A_114 : memref<80xi32, #tpu.memory_space<hbm>>) dst(%arg10 : memref<80xi32, #tpu.memory_space<vmem>>)
    %dma_start3A_115 = arith.constant 0 : i32
    %dma_start3A_116 = arith.constant 0 : i32
    %dma_start3A_117 = tpu.memref_slice %arg2[%dma_start3A_115, %dma_start3A_116] : memref<10240x128xf32, #tpu.memory_space<hbm>> -> memref<10240x128xf32, #tpu.memory_space<hbm>>
    tpu.enqueue_indirect_dma source(%dma_start3A_117 : memref<10240x128xf32, #tpu.memory_space<hbm>>) target(%arg14 : memref<80x128xf32, #tpu.memory_space<vmem>>) offsets(%arg10 : memref<80xi32, #tpu.memory_space<vmem>>) semaphore(%arg22 : memref<!tpu.dma_semaphore, #tpu.memory_space<semaphore_mem>>)
    %get3A = arith.constant 0 : index
    %get3A_118 = tpu.vector_load %arg19[%get3A] {strides = array<i32>} : memref<16xf32, #tpu.memory_space<vmem>>, vector<16xf32>,
    %barrier3A = arith.constant 0 : index
    tpu.barrier barrier_id(%barrier3A)
    %scan3A_119 = arith.constant 0 : i32
    %scan3A_120 = arith.constant 0 : i32
    %scan3A_121 = arith.constant 63 : i32
    %scan3A_122 = arith.addi %scan3A_120, %scan3A_121 : i32
    %scan3A_123 = arith.constant 1 : i32
    scf.for %scan3A_326 = %scan3A_120 to %scan3A_122 step %scan3A_123  : i32 {
      %mul3A_327 = arith.constant 2 : i32
      %mul3A_328 = arith.muli %mul3A_327, %scan3A_326 : i32
      %dma_wait3A_329 = arith.constant 0 : i32
      %dma_wait3A_330 = arith.constant 0 : i32
      %dma_wait3A_331 = tpu.memref_slice %arg2[%dma_wait3A_329, %dma_wait3A_330] : memref<10240x128xf32, #tpu.memory_space<hbm>> -> memref<10240x128xf32, #tpu.memory_space<hbm>>
      tpu.wait_indirect_dma semaphore(%arg22 : memref<!tpu.dma_semaphore, #tpu.memory_space<semaphore_mem>>) src(%dma_wait3A_331 : memref<10240x128xf32, #tpu.memory_space<hbm>>) dst(%arg14 : memref<80x128xf32, #tpu.memory_space<vmem>>)
      %add3A_332 = arith.constant 1 : i32
      %add3A_333 = arith.addi %mul3A_328, %add3A_332 : i32
      %lt3A = arith.constant 125 : i32
      %lt3A_334 = arith.cmpi slt, %add3A_333, %lt3A : i32
      %convert_element_type3A = arith.extui %lt3A_334 : i1 to i32
      %cond3A = arith.constant 0 : i32
      %cond3A_335 = arith.cmpi ne, %convert_element_type3A, %cond3A : i32
      scf.if %cond3A_335 {
        %add3A_363 = arith.constant 1 : i32
        %add3A_364 = arith.addi %mul3A_328, %add3A_363 : i32
        %dma_wait3A_365 = arith.constant 0 : i32
        %dma_wait3A_366 = tpu.memref_slice %arg6[%add3A, %add3A_364, %dma_wait3A_365] : memref<32x125x80xi32, #tpu.memory_space<hbm>> -> memref<1x1x80xi32, #tpu.memory_space<hbm>>
        %dma_wait3A_367 = tpu.memref_squeeze %dma_wait3A_366 : memref<1x1x80xi32, #tpu.memory_space<hbm>> -> memref<80xi32, #tpu.memory_space<hbm>>
        %dma_wait3A_368 = arith.constant 0 : i32
        %dma_wait3A_369 = tpu.memref_slice %arg6[%add3A, %add3A_364, %dma_wait3A_368] : memref<32x125x80xi32, #tpu.memory_space<hbm>> -> memref<1x1x80xi32, #tpu.memory_space<hbm>>
        %dma_wait3A_370 = tpu.memref_squeeze %dma_wait3A_369 : memref<1x1x80xi32, #tpu.memory_space<hbm>> -> memref<80xi32, #tpu.memory_space<hbm>>
        tpu.wait_dma2 semaphore(%arg25 : memref<!tpu.dma_semaphore, #tpu.memory_space<semaphore_mem>>) src(%dma_wait3A_370 : memref<80xi32, #tpu.memory_space<hbm>>) dst(%arg11 : memref<80xi32, #tpu.memory_space<vmem>>)
        %dma_start3A_371 = arith.constant 0 : i32
        %dma_start3A_372 = arith.constant 0 : i32
        %dma_start3A_373 = tpu.memref_slice %arg2[%dma_start3A_371, %dma_start3A_372] : memref<10240x128xf32, #tpu.memory_space<hbm>> -> memref<10240x128xf32, #tpu.memory_space<hbm>>
        tpu.enqueue_indirect_dma source(%dma_start3A_373 : memref<10240x128xf32, #tpu.memory_space<hbm>>) target(%arg15 : memref<80x128xf32, #tpu.memory_space<vmem>>) offsets(%arg11 : memref<80xi32, #tpu.memory_space<vmem>>) semaphore(%arg23 : memref<!tpu.dma_semaphore, #tpu.memory_space<semaphore_mem>>)
      } else {
      }
      %dma_wait3A_336 = arith.constant 0 : i32
      %dma_wait3A_337 = tpu.memref_slice %arg7[%add3A, %mul3A_328, %dma_wait3A_336] : memref<32x125x80xi32, #tpu.memory_space<hbm>> -> memref<1x1x80xi32, #tpu.memory_space<hbm>>
      %dma_wait3A_338 = tpu.memref_squeeze %dma_wait3A_337 : memref<1x1x80xi32, #tpu.memory_space<hbm>> -> memref<80xi32, #tpu.memory_space<hbm>>
      %dma_wait3A_339 = arith.constant 0 : i32
      %dma_wait3A_340 = tpu.memref_slice %arg7[%add3A, %mul3A_328, %dma_wait3A_339] : memref<32x125x80xi32, #tpu.memory_space<hbm>> -> memref<1x1x80xi32, #tpu.memory_space<hbm>>
      %dma_wait3A_341 = tpu.memref_squeeze %dma_wait3A_340 : memref<1x1x80xi32, #tpu.memory_space<hbm>> -> memref<80xi32, #tpu.memory_space<hbm>>
      tpu.wait_dma2 semaphore(%arg26 : memref<!tpu.dma_semaphore, #tpu.memory_space<semaphore_mem>>) src(%dma_wait3A_341 : memref<80xi32, #tpu.memory_space<hbm>>) dst(%arg12 : memref<80xi32, #tpu.memory_space<vmem>>)
      %parallel_loop3A = arith.constant 0 : i32
      %parallel_loop3A_342 = arith.constant 5 : i32
      %parallel_loop3A_343 = arith.constant 1 : i32
      scf.for %parallel_loop3A_363 = %parallel_loop3A to %parallel_loop3A_342 step %parallel_loop3A_343  : i32 {
        %parallel_loop3A_364 = arith.constant 16 : i32
        %parallel_loop3A_365 = arith.muli %parallel_loop3A_363, %parallel_loop3A_364 : i32
        %parallel_loop3A_366 = arith.index_cast %parallel_loop3A_365 : i32 to index
        %parallel_loop3A_367 = tpu.vector_load %arg10[%parallel_loop3A_366] {strides = array<i32>} : memref<80xi32, #tpu.memory_space<vmem>>, vector<16xi32>,
        %parallel_loop3A_368 = arith.constant 16 : i32
        %parallel_loop3A_369 = arith.muli %parallel_loop3A_363, %parallel_loop3A_368 : i32
        %parallel_loop3A_370 = arith.index_cast %parallel_loop3A_369 : i32 to index
        %parallel_loop3A_371 = tpu.vector_load %arg12[%parallel_loop3A_370] {strides = array<i32>} : memref<80xi32, #tpu.memory_space<vmem>>, vector<16xi32>,
        %parallel_loop3A_372 = tpu.vector_load_idx %arg17[%parallel_loop3A_367] : memref<10240xf32, #tpu.memory_space<vmem>>[vector<16xi32>], vector<16xf32>,
        %parallel_loop3A_373 = tpu.vector_load_idx %arg18[%parallel_loop3A_371] : memref<10240xf32, #tpu.memory_space<vmem>>[vector<16xi32>], vector<16xf32>,
        %parallel_loop3A_374 = arith.addf %parallel_loop3A_373, %get3A_118 : vector<16xf32>
        %parallel_loop3A_375 = arith.constant 0.000000e+00 : f32
        %parallel_loop3A_376 = vector.broadcast %parallel_loop3A_375 : f32 to vector<16xf32>
        %parallel_loop3A_377 = arith.cmpf ogt, %parallel_loop3A_374, %parallel_loop3A_376 : vector<16xf32>
        %parallel_loop3A_378 = arith.constant 2.000000e-01 : f32
        %parallel_loop3A_379 = vector.broadcast %parallel_loop3A_378 : f32 to vector<16xf32>
        %parallel_loop3A_380 = arith.mulf %parallel_loop3A_379, %parallel_loop3A_374 : vector<16xf32>
        %parallel_loop3A_381 = arith.select %parallel_loop3A_377, %parallel_loop3A_374, %parallel_loop3A_380 : vector<16xi1>, vector<16xf32>
        %parallel_loop3A_382 = arith.addf %parallel_loop3A_372, %parallel_loop3A_373 : vector<16xf32>
        %parallel_loop3A_383 = arith.constant 0.000000e+00 : f32
        %parallel_loop3A_384 = vector.broadcast %parallel_loop3A_383 : f32 to vector<16xf32>
        %parallel_loop3A_385 = arith.cmpf ogt, %parallel_loop3A_382, %parallel_loop3A_384 : vector<16xf32>
        %parallel_loop3A_386 = arith.constant 2.000000e-01 : f32
        %parallel_loop3A_387 = vector.broadcast %parallel_loop3A_386 : f32 to vector<16xf32>
        %parallel_loop3A_388 = arith.mulf %parallel_loop3A_387, %parallel_loop3A_382 : vector<16xf32>
        %parallel_loop3A_389 = arith.select %parallel_loop3A_385, %parallel_loop3A_382, %parallel_loop3A_388 : vector<16xi1>, vector<16xf32>
        %parallel_loop3A_390 = arith.subf %parallel_loop3A_389, %parallel_loop3A_381 : vector<16xf32>
        %parallel_loop3A_391 = math.exp %parallel_loop3A_390 : vector<16xf32>
        %parallel_loop3A_392 = arith.constant 16 : i32
        %parallel_loop3A_393 = arith.muli %parallel_loop3A_363, %parallel_loop3A_392 : i32
        %parallel_loop3A_394 = arith.index_cast %parallel_loop3A_393 : i32 to index
        %parallel_loop3A_395 = tpu.vector_load %arg16[%parallel_loop3A_394] {strides = array<i32>} : memref<80xf32, #tpu.memory_space<vmem>>, vector<16xf32>,
        tpu.vector_store %arg16[%parallel_loop3A_394], %parallel_loop3A_391 {strides = array<i32>} : memref<80xf32, #tpu.memory_space<vmem>>, vector<16xf32>,
      } {sc.loop_unroll_factor = 1 : i64, sc.parallel_access}
      %parallel_loop3A_344 = arith.constant 0 : i32
      %parallel_loop3A_345 = arith.constant 80 : i32
      %parallel_loop3A_346 = arith.constant 1 : i32
      scf.for %parallel_loop3A_363 = %parallel_loop3A_344 to %parallel_loop3A_345 step %parallel_loop3A_346  : i32 {
        %parallel_loop3A_364 = arith.constant 0 : i32
        %parallel_loop3A_365 = vector.broadcast %parallel_loop3A_364 : i32 to vector<16xi32>
        %parallel_loop3A_366 = vector.broadcast %parallel_loop3A_363 : i32 to vector<16xi32>
        %parallel_loop3A_367 = arith.addi %parallel_loop3A_365, %parallel_loop3A_366 : vector<16xi32>
        %parallel_loop3A_368 = tpu.vector_load_idx %arg16[%parallel_loop3A_367] : memref<80xf32, #tpu.memory_space<vmem>>[vector<16xi32>], vector<16xf32>,
        %parallel_loop3A_369 = arith.index_cast %parallel_loop3A_363 : i32 to index
        %parallel_loop3A_370 = arith.constant 0 : index
        %parallel_loop3A_371 = tpu.vector_load %arg14[%parallel_loop3A_369, %parallel_loop3A_370] {strides = array<i32>} : memref<80x128xf32, #tpu.memory_space<vmem>>, vector<16xf32>,
        %parallel_loop3A_372 = arith.mulf %parallel_loop3A_371, %parallel_loop3A_368 : vector<16xf32>
        %parallel_loop3A_373 = arith.index_cast %parallel_loop3A_363 : i32 to index
        %parallel_loop3A_374 = arith.constant 0 : index
        %parallel_loop3A_375 = tpu.vector_load %arg14[%parallel_loop3A_373, %parallel_loop3A_374] {strides = array<i32>} : memref<80x128xf32, #tpu.memory_space<vmem>>, vector<16xf32>,
        tpu.vector_store %arg14[%parallel_loop3A_373, %parallel_loop3A_374], %parallel_loop3A_372 {strides = array<i32>} : memref<80x128xf32, #tpu.memory_space<vmem>>, vector<16xf32>,
        %parallel_loop3A_376 = arith.index_cast %parallel_loop3A_363 : i32 to index
        %parallel_loop3A_377 = arith.constant 16 : index
        %parallel_loop3A_378 = tpu.vector_load %arg14[%parallel_loop3A_376, %parallel_loop3A_377] {strides = array<i32>} : memref<80x128xf32, #tpu.memory_space<vmem>>, vector<16xf32>,
        %parallel_loop3A_379 = arith.mulf %parallel_loop3A_378, %parallel_loop3A_368 : vector<16xf32>
        %parallel_loop3A_380 = arith.index_cast %parallel_loop3A_363 : i32 to index
        %parallel_loop3A_381 = arith.constant 16 : index
        %parallel_loop3A_382 = tpu.vector_load %arg14[%parallel_loop3A_380, %parallel_loop3A_381] {strides = array<i32>} : memref<80x128xf32, #tpu.memory_space<vmem>>, vector<16xf32>,
        tpu.vector_store %arg14[%parallel_loop3A_380, %parallel_loop3A_381], %parallel_loop3A_379 {strides = array<i32>} : memref<80x128xf32, #tpu.memory_space<vmem>>, vector<16xf32>,
        %parallel_loop3A_383 = arith.index_cast %parallel_loop3A_363 : i32 to index
        %parallel_loop3A_384 = arith.constant 32 : index
        %parallel_loop3A_385 = tpu.vector_load %arg14[%parallel_loop3A_383, %parallel_loop3A_384] {strides = array<i32>} : memref<80x128xf32, #tpu.memory_space<vmem>>, vector<16xf32>,
        %parallel_loop3A_386 = arith.mulf %parallel_loop3A_385, %parallel_loop3A_368 : vector<16xf32>
        %parallel_loop3A_387 = arith.index_cast %parallel_loop3A_363 : i32 to index
        %parallel_loop3A_388 = arith.constant 32 : index
        %parallel_loop3A_389 = tpu.vector_load %arg14[%parallel_loop3A_387, %parallel_loop3A_388] {strides = array<i32>} : memref<80x128xf32, #tpu.memory_space<vmem>>, vector<16xf32>,
        tpu.vector_store %arg14[%parallel_loop3A_387, %parallel_loop3A_388], %parallel_loop3A_386 {strides = array<i32>} : memref<80x128xf32, #tpu.memory_space<vmem>>, vector<16xf32>,
        %parallel_loop3A_390 = arith.index_cast %parallel_loop3A_363 : i32 to index
        %parallel_loop3A_391 = arith.constant 48 : index
        %parallel_loop3A_392 = tpu.vector_load %arg14[%parallel_loop3A_390, %parallel_loop3A_391] {strides = array<i32>} : memref<80x128xf32, #tpu.memory_space<vmem>>, vector<16xf32>,
        %parallel_loop3A_393 = arith.mulf %parallel_loop3A_392, %parallel_loop3A_368 : vector<16xf32>
        %parallel_loop3A_394 = arith.index_cast %parallel_loop3A_363 : i32 to index
        %parallel_loop3A_395 = arith.constant 48 : index
        %parallel_loop3A_396 = tpu.vector_load %arg14[%parallel_loop3A_394, %parallel_loop3A_395] {strides = array<i32>} : memref<80x128xf32, #tpu.memory_space<vmem>>, vector<16xf32>,
        tpu.vector_store %arg14[%parallel_loop3A_394, %parallel_loop3A_395], %parallel_loop3A_393 {strides = array<i32>} : memref<80x128xf32, #tpu.memory_space<vmem>>, vector<16xf32>,
        %parallel_loop3A_397 = arith.index_cast %parallel_loop3A_363 : i32 to index
        %parallel_loop3A_398 = arith.constant 64 : index
        %parallel_loop3A_399 = tpu.vector_load %arg14[%parallel_loop3A_397, %parallel_loop3A_398] {strides = array<i32>} : memref<80x128xf32, #tpu.memory_space<vmem>>, vector<16xf32>,
        %parallel_loop3A_400 = arith.mulf %parallel_loop3A_399, %parallel_loop3A_368 : vector<16xf32>
        %parallel_loop3A_401 = arith.index_cast %parallel_loop3A_363 : i32 to index
        %parallel_loop3A_402 = arith.constant 64 : index
        %parallel_loop3A_403 = tpu.vector_load %arg14[%parallel_loop3A_401, %parallel_loop3A_402] {strides = array<i32>} : memref<80x128xf32, #tpu.memory_space<vmem>>, vector<16xf32>,
        tpu.vector_store %arg14[%parallel_loop3A_401, %parallel_loop3A_402], %parallel_loop3A_400 {strides = array<i32>} : memref<80x128xf32, #tpu.memory_space<vmem>>, vector<16xf32>,
        %parallel_loop3A_404 = arith.index_cast %parallel_loop3A_363 : i32 to index
        %parallel_loop3A_405 = arith.constant 80 : index
        %parallel_loop3A_406 = tpu.vector_load %arg14[%parallel_loop3A_404, %parallel_loop3A_405] {strides = array<i32>} : memref<80x128xf32, #tpu.memory_space<vmem>>, vector<16xf32>,
        %parallel_loop3A_407 = arith.mulf %parallel_loop3A_406, %parallel_loop3A_368 : vector<16xf32>
        %parallel_loop3A_408 = arith.index_cast %parallel_loop3A_363 : i32 to index
        %parallel_loop3A_409 = arith.constant 80 : index
        %parallel_loop3A_410 = tpu.vector_load %arg14[%parallel_loop3A_408, %parallel_loop3A_409] {strides = array<i32>} : memref<80x128xf32, #tpu.memory_space<vmem>>, vector<16xf32>,
        tpu.vector_store %arg14[%parallel_loop3A_408, %parallel_loop3A_409], %parallel_loop3A_407 {strides = array<i32>} : memref<80x128xf32, #tpu.memory_space<vmem>>, vector<16xf32>,
        %parallel_loop3A_411 = arith.index_cast %parallel_loop3A_363 : i32 to index
        %parallel_loop3A_412 = arith.constant 96 : index
        %parallel_loop3A_413 = tpu.vector_load %arg14[%parallel_loop3A_411, %parallel_loop3A_412] {strides = array<i32>} : memref<80x128xf32, #tpu.memory_space<vmem>>, vector<16xf32>,
        %parallel_loop3A_414 = arith.mulf %parallel_loop3A_413, %parallel_loop3A_368 : vector<16xf32>
        %parallel_loop3A_415 = arith.index_cast %parallel_loop3A_363 : i32 to index
        %parallel_loop3A_416 = arith.constant 96 : index
        %parallel_loop3A_417 = tpu.vector_load %arg14[%parallel_loop3A_415, %parallel_loop3A_416] {strides = array<i32>} : memref<80x128xf32, #tpu.memory_space<vmem>>, vector<16xf32>,
        tpu.vector_store %arg14[%parallel_loop3A_415, %parallel_loop3A_416], %parallel_loop3A_414 {strides = array<i32>} : memref<80x128xf32, #tpu.memory_space<vmem>>, vector<16xf32>,
        %parallel_loop3A_418 = arith.index_cast %parallel_loop3A_363 : i32 to index
        %parallel_loop3A_419 = arith.constant 112 : index
        %parallel_loop3A_420 = tpu.vector_load %arg14[%parallel_loop3A_418, %parallel_loop3A_419] {strides = array<i32>} : memref<80x128xf32, #tpu.memory_space<vmem>>, vector<16xf32>,
        %parallel_loop3A_421 = arith.mulf %parallel_loop3A_420, %parallel_loop3A_368 : vector<16xf32>
        %parallel_loop3A_422 = arith.index_cast %parallel_loop3A_363 : i32 to index
        %parallel_loop3A_423 = arith.constant 112 : index
        %parallel_loop3A_424 = tpu.vector_load %arg14[%parallel_loop3A_422, %parallel_loop3A_423] {strides = array<i32>} : memref<80x128xf32, #tpu.memory_space<vmem>>, vector<16xf32>,
        tpu.vector_store %arg14[%parallel_loop3A_422, %parallel_loop3A_423], %parallel_loop3A_421 {strides = array<i32>} : memref<80x128xf32, #tpu.memory_space<vmem>>, vector<16xf32>,
      } {sc.loop_unroll_factor = 1 : i64, sc.parallel_access}
      "tpu.region"() ({
        %run_scoped3A_363 = tpu.sem_alloc : memref<!tpu.dma_semaphore, #tpu.memory_space<semaphore_mem>>
        %dma_start3A_364 = arith.constant 0 : i32
        %dma_start3A_365 = arith.constant 0 : i32
        %dma_start3A_366 = tpu.memref_slice %arg20[%dma_start3A_364, %dma_start3A_365] : memref<10240x128xf32, #tpu.memory_space<vmem_shared>> -> memref<10240x128xf32, #tpu.memory_space<vmem_shared>>
        tpu.enqueue_indirect_dma source(%arg14 : memref<80x128xf32, #tpu.memory_space<vmem>>) target(%dma_start3A_366 : memref<10240x128xf32, #tpu.memory_space<vmem_shared>>) offsets(%arg12 : memref<80xi32, #tpu.memory_space<vmem>>) semaphore(%run_scoped3A_363 : memref<!tpu.dma_semaphore, #tpu.memory_space<semaphore_mem>>) {add = true}
        %dma_wait3A_367 = arith.constant 0 : i32
        %dma_wait3A_368 = arith.constant 0 : i32
        %dma_wait3A_369 = tpu.memref_slice %arg20[%dma_wait3A_367, %dma_wait3A_368] : memref<10240x128xf32, #tpu.memory_space<vmem_shared>> -> memref<10240x128xf32, #tpu.memory_space<vmem_shared>>
        tpu.wait_indirect_dma semaphore(%run_scoped3A_363 : memref<!tpu.dma_semaphore, #tpu.memory_space<semaphore_mem>>) src(%arg14 : memref<80x128xf32, #tpu.memory_space<vmem>>) dst(%dma_wait3A_369 : memref<10240x128xf32, #tpu.memory_space<vmem_shared>>)
        tpu.yield
      }) : () -> ()
      "tpu.region"() ({
        %run_scoped3A_363 = tpu.sem_alloc : memref<!tpu.dma_semaphore, #tpu.memory_space<semaphore_mem>>
        %dma_start3A_364 = arith.constant 0 : i32
        %dma_start3A_365 = tpu.memref_slice %arg21[%dma_start3A_364] : memref<10240xf32, #tpu.memory_space<vmem_shared>> -> memref<10240xf32, #tpu.memory_space<vmem_shared>>
        tpu.enqueue_indirect_dma source(%arg16 : memref<80xf32, #tpu.memory_space<vmem>>) target(%dma_start3A_365 : memref<10240xf32, #tpu.memory_space<vmem_shared>>) offsets(%arg12 : memref<80xi32, #tpu.memory_space<vmem>>) semaphore(%run_scoped3A_363 : memref<!tpu.dma_semaphore, #tpu.memory_space<semaphore_mem>>) {add = true}
        %dma_wait3A_366 = arith.constant 0 : i32
        %dma_wait3A_367 = tpu.memref_slice %arg21[%dma_wait3A_366] : memref<10240xf32, #tpu.memory_space<vmem_shared>> -> memref<10240xf32, #tpu.memory_space<vmem_shared>>
        tpu.wait_indirect_dma semaphore(%run_scoped3A_363 : memref<!tpu.dma_semaphore, #tpu.memory_space<semaphore_mem>>) src(%arg16 : memref<80xf32, #tpu.memory_space<vmem>>) dst(%dma_wait3A_367 : memref<10240xf32, #tpu.memory_space<vmem_shared>>)
        tpu.yield
      }) : () -> ()
      %add3A_347 = arith.constant 2 : i32
      %add3A_348 = arith.addi %mul3A_328, %add3A_347 : i32
      %lt3A_349 = arith.constant 125 : i32
      %lt3A_350 = arith.cmpi slt, %add3A_348, %lt3A_349 : i32
      %convert_element_type3A_351 = arith.extui %lt3A_350 : i1 to i32
      %cond3A_352 = arith.constant 0 : i32
      %cond3A_353 = arith.cmpi ne, %convert_element_type3A_351, %cond3A_352 : i32
      scf.if %cond3A_353 {
        %add3A_363 = arith.constant 2 : i32
        %add3A_364 = arith.addi %mul3A_328, %add3A_363 : i32
        %dma_start3A_365 = arith.constant 0 : i32
        %dma_start3A_366 = tpu.memref_slice %arg6[%add3A, %add3A_364, %dma_start3A_365] : memref<32x125x80xi32, #tpu.memory_space<hbm>> -> memref<1x1x80xi32, #tpu.memory_space<hbm>>
        %dma_start3A_367 = tpu.memref_squeeze %dma_start3A_366 : memref<1x1x80xi32, #tpu.memory_space<hbm>> -> memref<80xi32, #tpu.memory_space<hbm>>
        %dma_start3A_368 = arith.constant 0 : i32
        %dma_start3A_369 = tpu.memref_slice %arg6[%add3A, %add3A_364, %dma_start3A_368] : memref<32x125x80xi32, #tpu.memory_space<hbm>> -> memref<1x1x80xi32, #tpu.memory_space<hbm>>
        %dma_start3A_370 = tpu.memref_squeeze %dma_start3A_369 : memref<1x1x80xi32, #tpu.memory_space<hbm>> -> memref<80xi32, #tpu.memory_space<hbm>>
        tpu.enqueue_dma source(%dma_start3A_370 : memref<80xi32, #tpu.memory_space<hbm>>) target(%arg10 : memref<80xi32, #tpu.memory_space<vmem>>) target_semaphore(%arg24 : memref<!tpu.dma_semaphore, #tpu.memory_space<semaphore_mem>>)
        %add3A_371 = arith.constant 2 : i32
        %add3A_372 = arith.addi %mul3A_328, %add3A_371 : i32
        %dma_start3A_373 = arith.constant 0 : i32
        %dma_start3A_374 = tpu.memref_slice %arg7[%add3A, %add3A_372, %dma_start3A_373] : memref<32x125x80xi32, #tpu.memory_space<hbm>> -> memref<1x1x80xi32, #tpu.memory_space<hbm>>
        %dma_start3A_375 = tpu.memref_squeeze %dma_start3A_374 : memref<1x1x80xi32, #tpu.memory_space<hbm>> -> memref<80xi32, #tpu.memory_space<hbm>>
        %dma_start3A_376 = arith.constant 0 : i32
        %dma_start3A_377 = tpu.memref_slice %arg7[%add3A, %add3A_372, %dma_start3A_376] : memref<32x125x80xi32, #tpu.memory_space<hbm>> -> memref<1x1x80xi32, #tpu.memory_space<hbm>>
        %dma_start3A_378 = tpu.memref_squeeze %dma_start3A_377 : memref<1x1x80xi32, #tpu.memory_space<hbm>> -> memref<80xi32, #tpu.memory_space<hbm>>
        tpu.enqueue_dma source(%dma_start3A_378 : memref<80xi32, #tpu.memory_space<hbm>>) target(%arg12 : memref<80xi32, #tpu.memory_space<vmem>>) target_semaphore(%arg26 : memref<!tpu.dma_semaphore, #tpu.memory_space<semaphore_mem>>)
      } else {
      }
      %mul3A_354 = arith.constant 2 : i32
      %mul3A_355 = arith.muli %mul3A_354, %scan3A_326 : i32
      %add3A_356 = arith.constant 1 : i32
      %add3A_357 = arith.addi %mul3A_355, %add3A_356 : i32
      %lt3A_358 = arith.constant 125 : i32
      %lt3A_359 = arith.cmpi slt, %add3A_357, %lt3A_358 : i32
      %convert_element_type3A_360 = arith.extui %lt3A_359 : i1 to i32
      %cond3A_361 = arith.constant 0 : i32
      %cond3A_362 = arith.cmpi ne, %convert_element_type3A_360, %cond3A_361 : i32
      scf.if %cond3A_362 {
        %mul3A_363 = arith.constant 2 : i32
        %mul3A_364 = arith.muli %mul3A_363, %scan3A_326 : i32
        %add3A_365 = arith.constant 1 : i32
        %add3A_366 = arith.addi %mul3A_364, %add3A_365 : i32
        %dma_wait3A_367 = arith.constant 0 : i32
        %dma_wait3A_368 = arith.constant 0 : i32
        %dma_wait3A_369 = tpu.memref_slice %arg2[%dma_wait3A_367, %dma_wait3A_368] : memref<10240x128xf32, #tpu.memory_space<hbm>> -> memref<10240x128xf32, #tpu.memory_space<hbm>>
        tpu.wait_indirect_dma semaphore(%arg23 : memref<!tpu.dma_semaphore, #tpu.memory_space<semaphore_mem>>) src(%dma_wait3A_369 : memref<10240x128xf32, #tpu.memory_space<hbm>>) dst(%arg15 : memref<80x128xf32, #tpu.memory_space<vmem>>)
        %add3A_370 = arith.constant 1 : i32
        %add3A_371 = arith.addi %add3A_366, %add3A_370 : i32
        %lt3A_372 = arith.constant 125 : i32
        %lt3A_373 = arith.cmpi slt, %add3A_371, %lt3A_372 : i32
        %convert_element_type3A_374 = arith.extui %lt3A_373 : i1 to i32
        %cond3A_375 = arith.constant 0 : i32
        %cond3A_376 = arith.cmpi ne, %convert_element_type3A_374, %cond3A_375 : i32
        scf.if %cond3A_376 {
          %add3A_396 = arith.constant 1 : i32
          %add3A_397 = arith.addi %add3A_366, %add3A_396 : i32
          %dma_wait3A_398 = arith.constant 0 : i32
          %dma_wait3A_399 = tpu.memref_slice %arg6[%add3A, %add3A_397, %dma_wait3A_398] : memref<32x125x80xi32, #tpu.memory_space<hbm>> -> memref<1x1x80xi32, #tpu.memory_space<hbm>>
          %dma_wait3A_400 = tpu.memref_squeeze %dma_wait3A_399 : memref<1x1x80xi32, #tpu.memory_space<hbm>> -> memref<80xi32, #tpu.memory_space<hbm>>
          %dma_wait3A_401 = arith.constant 0 : i32
          %dma_wait3A_402 = tpu.memref_slice %arg6[%add3A, %add3A_397, %dma_wait3A_401] : memref<32x125x80xi32, #tpu.memory_space<hbm>> -> memref<1x1x80xi32, #tpu.memory_space<hbm>>
          %dma_wait3A_403 = tpu.memref_squeeze %dma_wait3A_402 : memref<1x1x80xi32, #tpu.memory_space<hbm>> -> memref<80xi32, #tpu.memory_space<hbm>>
          tpu.wait_dma2 semaphore(%arg24 : memref<!tpu.dma_semaphore, #tpu.memory_space<semaphore_mem>>) src(%dma_wait3A_403 : memref<80xi32, #tpu.memory_space<hbm>>) dst(%arg10 : memref<80xi32, #tpu.memory_space<vmem>>)
          %dma_start3A_404 = arith.constant 0 : i32
          %dma_start3A_405 = arith.constant 0 : i32
          %dma_start3A_406 = tpu.memref_slice %arg2[%dma_start3A_404, %dma_start3A_405] : memref<10240x128xf32, #tpu.memory_space<hbm>> -> memref<10240x128xf32, #tpu.memory_space<hbm>>
          tpu.enqueue_indirect_dma source(%dma_start3A_406 : memref<10240x128xf32, #tpu.memory_space<hbm>>) target(%arg14 : memref<80x128xf32, #tpu.memory_space<vmem>>) offsets(%arg10 : memref<80xi32, #tpu.memory_space<vmem>>) semaphore(%arg22 : memref<!tpu.dma_semaphore, #tpu.memory_space<semaphore_mem>>)
        } else {
        }
        %dma_wait3A_377 = arith.constant 0 : i32
        %dma_wait3A_378 = tpu.memref_slice %arg7[%add3A, %add3A_366, %dma_wait3A_377] : memref<32x125x80xi32, #tpu.memory_space<hbm>> -> memref<1x1x80xi32, #tpu.memory_space<hbm>>
        %dma_wait3A_379 = tpu.memref_squeeze %dma_wait3A_378 : memref<1x1x80xi32, #tpu.memory_space<hbm>> -> memref<80xi32, #tpu.memory_space<hbm>>
        %dma_wait3A_380 = arith.constant 0 : i32
        %dma_wait3A_381 = tpu.memref_slice %arg7[%add3A, %add3A_366, %dma_wait3A_380] : memref<32x125x80xi32, #tpu.memory_space<hbm>> -> memref<1x1x80xi32, #tpu.memory_space<hbm>>
        %dma_wait3A_382 = tpu.memref_squeeze %dma_wait3A_381 : memref<1x1x80xi32, #tpu.memory_space<hbm>> -> memref<80xi32, #tpu.memory_space<hbm>>
        tpu.wait_dma2 semaphore(%arg27 : memref<!tpu.dma_semaphore, #tpu.memory_space<semaphore_mem>>) src(%dma_wait3A_382 : memref<80xi32, #tpu.memory_space<hbm>>) dst(%arg13 : memref<80xi32, #tpu.memory_space<vmem>>)
        %parallel_loop3A_383 = arith.constant 0 : i32
        %parallel_loop3A_384 = arith.constant 5 : i32
        %parallel_loop3A_385 = arith.constant 1 : i32
        scf.for %parallel_loop3A_396 = %parallel_loop3A_383 to %parallel_loop3A_384 step %parallel_loop3A_385  : i32 {
          %parallel_loop3A_397 = arith.constant 16 : i32
          %parallel_loop3A_398 = arith.muli %parallel_loop3A_396, %parallel_loop3A_397 : i32
          %parallel_loop3A_399 = arith.index_cast %parallel_loop3A_398 : i32 to index
          %parallel_loop3A_400 = tpu.vector_load %arg11[%parallel_loop3A_399] {strides = array<i32>} : memref<80xi32, #tpu.memory_space<vmem>>, vector<16xi32>,
          %parallel_loop3A_401 = arith.constant 16 : i32
          %parallel_loop3A_402 = arith.muli %parallel_loop3A_396, %parallel_loop3A_401 : i32
          %parallel_loop3A_403 = arith.index_cast %parallel_loop3A_402 : i32 to index
          %parallel_loop3A_404 = tpu.vector_load %arg13[%parallel_loop3A_403] {strides = array<i32>} : memref<80xi32, #tpu.memory_space<vmem>>, vector<16xi32>,
          %parallel_loop3A_405 = tpu.vector_load_idx %arg17[%parallel_loop3A_400] : memref<10240xf32, #tpu.memory_space<vmem>>[vector<16xi32>], vector<16xf32>,
          %parallel_loop3A_406 = tpu.vector_load_idx %arg18[%parallel_loop3A_404] : memref<10240xf32, #tpu.memory_space<vmem>>[vector<16xi32>], vector<16xf32>,
          %parallel_loop3A_407 = arith.addf %parallel_loop3A_406, %get3A_118 : vector<16xf32>
          %parallel_loop3A_408 = arith.constant 0.000000e+00 : f32
          %parallel_loop3A_409 = vector.broadcast %parallel_loop3A_408 : f32 to vector<16xf32>
          %parallel_loop3A_410 = arith.cmpf ogt, %parallel_loop3A_407, %parallel_loop3A_409 : vector<16xf32>
          %parallel_loop3A_411 = arith.constant 2.000000e-01 : f32
          %parallel_loop3A_412 = vector.broadcast %parallel_loop3A_411 : f32 to vector<16xf32>
          %parallel_loop3A_413 = arith.mulf %parallel_loop3A_412, %parallel_loop3A_407 : vector<16xf32>
          %parallel_loop3A_414 = arith.select %parallel_loop3A_410, %parallel_loop3A_407, %parallel_loop3A_413 : vector<16xi1>, vector<16xf32>
          %parallel_loop3A_415 = arith.addf %parallel_loop3A_405, %parallel_loop3A_406 : vector<16xf32>
          %parallel_loop3A_416 = arith.constant 0.000000e+00 : f32
          %parallel_loop3A_417 = vector.broadcast %parallel_loop3A_416 : f32 to vector<16xf32>
          %parallel_loop3A_418 = arith.cmpf ogt, %parallel_loop3A_415, %parallel_loop3A_417 : vector<16xf32>
          %parallel_loop3A_419 = arith.constant 2.000000e-01 : f32
          %parallel_loop3A_420 = vector.broadcast %parallel_loop3A_419 : f32 to vector<16xf32>
          %parallel_loop3A_421 = arith.mulf %parallel_loop3A_420, %parallel_loop3A_415 : vector<16xf32>
          %parallel_loop3A_422 = arith.select %parallel_loop3A_418, %parallel_loop3A_415, %parallel_loop3A_421 : vector<16xi1>, vector<16xf32>
          %parallel_loop3A_423 = arith.subf %parallel_loop3A_422, %parallel_loop3A_414 : vector<16xf32>
          %parallel_loop3A_424 = math.exp %parallel_loop3A_423 : vector<16xf32>
          %parallel_loop3A_425 = arith.constant 16 : i32
          %parallel_loop3A_426 = arith.muli %parallel_loop3A_396, %parallel_loop3A_425 : i32
          %parallel_loop3A_427 = arith.index_cast %parallel_loop3A_426 : i32 to index
          %parallel_loop3A_428 = tpu.vector_load %arg16[%parallel_loop3A_427] {strides = array<i32>} : memref<80xf32, #tpu.memory_space<vmem>>, vector<16xf32>,
          tpu.vector_store %arg16[%parallel_loop3A_427], %parallel_loop3A_424 {strides = array<i32>} : memref<80xf32, #tpu.memory_space<vmem>>, vector<16xf32>,
        } {sc.loop_unroll_factor = 1 : i64, sc.parallel_access}
        %parallel_loop3A_386 = arith.constant 0 : i32
        %parallel_loop3A_387 = arith.constant 80 : i32
        %parallel_loop3A_388 = arith.constant 1 : i32
        scf.for %parallel_loop3A_396 = %parallel_loop3A_386 to %parallel_loop3A_387 step %parallel_loop3A_388  : i32 {
          %parallel_loop3A_397 = arith.constant 0 : i32
          %parallel_loop3A_398 = vector.broadcast %parallel_loop3A_397 : i32 to vector<16xi32>
          %parallel_loop3A_399 = vector.broadcast %parallel_loop3A_396 : i32 to vector<16xi32>
          %parallel_loop3A_400 = arith.addi %parallel_loop3A_398, %parallel_loop3A_399 : vector<16xi32>
          %parallel_loop3A_401 = tpu.vector_load_idx %arg16[%parallel_loop3A_400] : memref<80xf32, #tpu.memory_space<vmem>>[vector<16xi32>], vector<16xf32>,
          %parallel_loop3A_402 = arith.index_cast %parallel_loop3A_396 : i32 to index
          %parallel_loop3A_403 = arith.constant 0 : index
          %parallel_loop3A_404 = tpu.vector_load %arg15[%parallel_loop3A_402, %parallel_loop3A_403] {strides = array<i32>} : memref<80x128xf32, #tpu.memory_space<vmem>>, vector<16xf32>,
          %parallel_loop3A_405 = arith.mulf %parallel_loop3A_404, %parallel_loop3A_401 : vector<16xf32>
          %parallel_loop3A_406 = arith.index_cast %parallel_loop3A_396 : i32 to index
          %parallel_loop3A_407 = arith.constant 0 : index
          %parallel_loop3A_408 = tpu.vector_load %arg15[%parallel_loop3A_406, %parallel_loop3A_407] {strides = array<i32>} : memref<80x128xf32, #tpu.memory_space<vmem>>, vector<16xf32>,
          tpu.vector_store %arg15[%parallel_loop3A_406, %parallel_loop3A_407], %parallel_loop3A_405 {strides = array<i32>} : memref<80x128xf32, #tpu.memory_space<vmem>>, vector<16xf32>,
          %parallel_loop3A_409 = arith.index_cast %parallel_loop3A_396 : i32 to index
          %parallel_loop3A_410 = arith.constant 16 : index
          %parallel_loop3A_411 = tpu.vector_load %arg15[%parallel_loop3A_409, %parallel_loop3A_410] {strides = array<i32>} : memref<80x128xf32, #tpu.memory_space<vmem>>, vector<16xf32>,
          %parallel_loop3A_412 = arith.mulf %parallel_loop3A_411, %parallel_loop3A_401 : vector<16xf32>
          %parallel_loop3A_413 = arith.index_cast %parallel_loop3A_396 : i32 to index
          %parallel_loop3A_414 = arith.constant 16 : index
          %parallel_loop3A_415 = tpu.vector_load %arg15[%parallel_loop3A_413, %parallel_loop3A_414] {strides = array<i32>} : memref<80x128xf32, #tpu.memory_space<vmem>>, vector<16xf32>,
          tpu.vector_store %arg15[%parallel_loop3A_413, %parallel_loop3A_414], %parallel_loop3A_412 {strides = array<i32>} : memref<80x128xf32, #tpu.memory_space<vmem>>, vector<16xf32>,
          %parallel_loop3A_416 = arith.index_cast %parallel_loop3A_396 : i32 to index
          %parallel_loop3A_417 = arith.constant 32 : index
          %parallel_loop3A_418 = tpu.vector_load %arg15[%parallel_loop3A_416, %parallel_loop3A_417] {strides = array<i32>} : memref<80x128xf32, #tpu.memory_space<vmem>>, vector<16xf32>,
          %parallel_loop3A_419 = arith.mulf %parallel_loop3A_418, %parallel_loop3A_401 : vector<16xf32>
          %parallel_loop3A_420 = arith.index_cast %parallel_loop3A_396 : i32 to index
          %parallel_loop3A_421 = arith.constant 32 : index
          %parallel_loop3A_422 = tpu.vector_load %arg15[%parallel_loop3A_420, %parallel_loop3A_421] {strides = array<i32>} : memref<80x128xf32, #tpu.memory_space<vmem>>, vector<16xf32>,
          tpu.vector_store %arg15[%parallel_loop3A_420, %parallel_loop3A_421], %parallel_loop3A_419 {strides = array<i32>} : memref<80x128xf32, #tpu.memory_space<vmem>>, vector<16xf32>,
          %parallel_loop3A_423 = arith.index_cast %parallel_loop3A_396 : i32 to index
          %parallel_loop3A_424 = arith.constant 48 : index
          %parallel_loop3A_425 = tpu.vector_load %arg15[%parallel_loop3A_423, %parallel_loop3A_424] {strides = array<i32>} : memref<80x128xf32, #tpu.memory_space<vmem>>, vector<16xf32>,
          %parallel_loop3A_426 = arith.mulf %parallel_loop3A_425, %parallel_loop3A_401 : vector<16xf32>
          %parallel_loop3A_427 = arith.index_cast %parallel_loop3A_396 : i32 to index
          %parallel_loop3A_428 = arith.constant 48 : index
          %parallel_loop3A_429 = tpu.vector_load %arg15[%parallel_loop3A_427, %parallel_loop3A_428] {strides = array<i32>} : memref<80x128xf32, #tpu.memory_space<vmem>>, vector<16xf32>,
          tpu.vector_store %arg15[%parallel_loop3A_427, %parallel_loop3A_428], %parallel_loop3A_426 {strides = array<i32>} : memref<80x128xf32, #tpu.memory_space<vmem>>, vector<16xf32>,
          %parallel_loop3A_430 = arith.index_cast %parallel_loop3A_396 : i32 to index
          %parallel_loop3A_431 = arith.constant 64 : index
          %parallel_loop3A_432 = tpu.vector_load %arg15[%parallel_loop3A_430, %parallel_loop3A_431] {strides = array<i32>} : memref<80x128xf32, #tpu.memory_space<vmem>>, vector<16xf32>,
          %parallel_loop3A_433 = arith.mulf %parallel_loop3A_432, %parallel_loop3A_401 : vector<16xf32>
          %parallel_loop3A_434 = arith.index_cast %parallel_loop3A_396 : i32 to index
          %parallel_loop3A_435 = arith.constant 64 : index
          %parallel_loop3A_436 = tpu.vector_load %arg15[%parallel_loop3A_434, %parallel_loop3A_435] {strides = array<i32>} : memref<80x128xf32, #tpu.memory_space<vmem>>, vector<16xf32>,
          tpu.vector_store %arg15[%parallel_loop3A_434, %parallel_loop3A_435], %parallel_loop3A_433 {strides = array<i32>} : memref<80x128xf32, #tpu.memory_space<vmem>>, vector<16xf32>,
          %parallel_loop3A_437 = arith.index_cast %parallel_loop3A_396 : i32 to index
          %parallel_loop3A_438 = arith.constant 80 : index
          %parallel_loop3A_439 = tpu.vector_load %arg15[%parallel_loop3A_437, %parallel_loop3A_438] {strides = array<i32>} : memref<80x128xf32, #tpu.memory_space<vmem>>, vector<16xf32>,
          %parallel_loop3A_440 = arith.mulf %parallel_loop3A_439, %parallel_loop3A_401 : vector<16xf32>
          %parallel_loop3A_441 = arith.index_cast %parallel_loop3A_396 : i32 to index
          %parallel_loop3A_442 = arith.constant 80 : index
          %parallel_loop3A_443 = tpu.vector_load %arg15[%parallel_loop3A_441, %parallel_loop3A_442] {strides = array<i32>} : memref<80x128xf32, #tpu.memory_space<vmem>>, vector<16xf32>,
          tpu.vector_store %arg15[%parallel_loop3A_441, %parallel_loop3A_442], %parallel_loop3A_440 {strides = array<i32>} : memref<80x128xf32, #tpu.memory_space<vmem>>, vector<16xf32>,
          %parallel_loop3A_444 = arith.index_cast %parallel_loop3A_396 : i32 to index
          %parallel_loop3A_445 = arith.constant 96 : index
          %parallel_loop3A_446 = tpu.vector_load %arg15[%parallel_loop3A_444, %parallel_loop3A_445] {strides = array<i32>} : memref<80x128xf32, #tpu.memory_space<vmem>>, vector<16xf32>,
          %parallel_loop3A_447 = arith.mulf %parallel_loop3A_446, %parallel_loop3A_401 : vector<16xf32>
          %parallel_loop3A_448 = arith.index_cast %parallel_loop3A_396 : i32 to index
          %parallel_loop3A_449 = arith.constant 96 : index
          %parallel_loop3A_450 = tpu.vector_load %arg15[%parallel_loop3A_448, %parallel_loop3A_449] {strides = array<i32>} : memref<80x128xf32, #tpu.memory_space<vmem>>, vector<16xf32>,
          tpu.vector_store %arg15[%parallel_loop3A_448, %parallel_loop3A_449], %parallel_loop3A_447 {strides = array<i32>} : memref<80x128xf32, #tpu.memory_space<vmem>>, vector<16xf32>,
          %parallel_loop3A_451 = arith.index_cast %parallel_loop3A_396 : i32 to index
          %parallel_loop3A_452 = arith.constant 112 : index
          %parallel_loop3A_453 = tpu.vector_load %arg15[%parallel_loop3A_451, %parallel_loop3A_452] {strides = array<i32>} : memref<80x128xf32, #tpu.memory_space<vmem>>, vector<16xf32>,
          %parallel_loop3A_454 = arith.mulf %parallel_loop3A_453, %parallel_loop3A_401 : vector<16xf32>
          %parallel_loop3A_455 = arith.index_cast %parallel_loop3A_396 : i32 to index
          %parallel_loop3A_456 = arith.constant 112 : index
          %parallel_loop3A_457 = tpu.vector_load %arg15[%parallel_loop3A_455, %parallel_loop3A_456] {strides = array<i32>} : memref<80x128xf32, #tpu.memory_space<vmem>>, vector<16xf32>,
          tpu.vector_store %arg15[%parallel_loop3A_455, %parallel_loop3A_456], %parallel_loop3A_454 {strides = array<i32>} : memref<80x128xf32, #tpu.memory_space<vmem>>, vector<16xf32>,
        } {sc.loop_unroll_factor = 1 : i64, sc.parallel_access}
        "tpu.region"() ({
          %run_scoped3A_396 = tpu.sem_alloc : memref<!tpu.dma_semaphore, #tpu.memory_space<semaphore_mem>>
          %dma_start3A_397 = arith.constant 0 : i32
          %dma_start3A_398 = arith.constant 0 : i32
          %dma_start3A_399 = tpu.memref_slice %arg20[%dma_start3A_397, %dma_start3A_398] : memref<10240x128xf32, #tpu.memory_space<vmem_shared>> -> memref<10240x128xf32, #tpu.memory_space<vmem_shared>>
          tpu.enqueue_indirect_dma source(%arg15 : memref<80x128xf32, #tpu.memory_space<vmem>>) target(%dma_start3A_399 : memref<10240x128xf32, #tpu.memory_space<vmem_shared>>) offsets(%arg13 : memref<80xi32, #tpu.memory_space<vmem>>) semaphore(%run_scoped3A_396 : memref<!tpu.dma_semaphore, #tpu.memory_space<semaphore_mem>>) {add = true}
          %dma_wait3A_400 = arith.constant 0 : i32
          %dma_wait3A_401 = arith.constant 0 : i32
          %dma_wait3A_402 = tpu.memref_slice %arg20[%dma_wait3A_400, %dma_wait3A_401] : memref<10240x128xf32, #tpu.memory_space<vmem_shared>> -> memref<10240x128xf32, #tpu.memory_space<vmem_shared>>
          tpu.wait_indirect_dma semaphore(%run_scoped3A_396 : memref<!tpu.dma_semaphore, #tpu.memory_space<semaphore_mem>>) src(%arg15 : memref<80x128xf32, #tpu.memory_space<vmem>>) dst(%dma_wait3A_402 : memref<10240x128xf32, #tpu.memory_space<vmem_shared>>)
          tpu.yield
        }) : () -> ()
        "tpu.region"() ({
          %run_scoped3A_396 = tpu.sem_alloc : memref<!tpu.dma_semaphore, #tpu.memory_space<semaphore_mem>>
          %dma_start3A_397 = arith.constant 0 : i32
          %dma_start3A_398 = tpu.memref_slice %arg21[%dma_start3A_397] : memref<10240xf32, #tpu.memory_space<vmem_shared>> -> memref<10240xf32, #tpu.memory_space<vmem_shared>>
          tpu.enqueue_indirect_dma source(%arg16 : memref<80xf32, #tpu.memory_space<vmem>>) target(%dma_start3A_398 : memref<10240xf32, #tpu.memory_space<vmem_shared>>) offsets(%arg13 : memref<80xi32, #tpu.memory_space<vmem>>) semaphore(%run_scoped3A_396 : memref<!tpu.dma_semaphore, #tpu.memory_space<semaphore_mem>>) {add = true}
          %dma_wait3A_399 = arith.constant 0 : i32
          %dma_wait3A_400 = tpu.memref_slice %arg21[%dma_wait3A_399] : memref<10240xf32, #tpu.memory_space<vmem_shared>> -> memref<10240xf32, #tpu.memory_space<vmem_shared>>
          tpu.wait_indirect_dma semaphore(%run_scoped3A_396 : memref<!tpu.dma_semaphore, #tpu.memory_space<semaphore_mem>>) src(%arg16 : memref<80xf32, #tpu.memory_space<vmem>>) dst(%dma_wait3A_400 : memref<10240xf32, #tpu.memory_space<vmem_shared>>)
          tpu.yield
        }) : () -> ()
        %add3A_389 = arith.constant 2 : i32
        %add3A_390 = arith.addi %add3A_366, %add3A_389 : i32
        %lt3A_391 = arith.constant 125 : i32
        %lt3A_392 = arith.cmpi slt, %add3A_390, %lt3A_391 : i32
        %convert_element_type3A_393 = arith.extui %lt3A_392 : i1 to i32
        %cond3A_394 = arith.constant 0 : i32
        %cond3A_395 = arith.cmpi ne, %convert_element_type3A_393, %cond3A_394 : i32
        scf.if %cond3A_395 {
          %add3A_396 = arith.constant 2 : i32
          %add3A_397 = arith.addi %add3A_366, %add3A_396 : i32
          %dma_start3A_398 = arith.constant 0 : i32
          %dma_start3A_399 = tpu.memref_slice %arg6[%add3A, %add3A_397, %dma_start3A_398] : memref<32x125x80xi32, #tpu.memory_space<hbm>> -> memref<1x1x80xi32, #tpu.memory_space<hbm>>
          %dma_start3A_400 = tpu.memref_squeeze %dma_start3A_399 : memref<1x1x80xi32, #tpu.memory_space<hbm>> -> memref<80xi32, #tpu.memory_space<hbm>>
          %dma_start3A_401 = arith.constant 0 : i32
          %dma_start3A_402 = tpu.memref_slice %arg6[%add3A, %add3A_397, %dma_start3A_401] : memref<32x125x80xi32, #tpu.memory_space<hbm>> -> memref<1x1x80xi32, #tpu.memory_space<hbm>>
          %dma_start3A_403 = tpu.memref_squeeze %dma_start3A_402 : memref<1x1x80xi32, #tpu.memory_space<hbm>> -> memref<80xi32, #tpu.memory_space<hbm>>
          tpu.enqueue_dma source(%dma_start3A_403 : memref<80xi32, #tpu.memory_space<hbm>>) target(%arg11 : memref<80xi32, #tpu.memory_space<vmem>>) target_semaphore(%arg25 : memref<!tpu.dma_semaphore, #tpu.memory_space<semaphore_mem>>)
          %add3A_404 = arith.constant 2 : i32
          %add3A_405 = arith.addi %add3A_366, %add3A_404 : i32
          %dma_start3A_406 = arith.constant 0 : i32
          %dma_start3A_407 = tpu.memref_slice %arg7[%add3A, %add3A_405, %dma_start3A_406] : memref<32x125x80xi32, #tpu.memory_space<hbm>> -> memref<1x1x80xi32, #tpu.memory_space<hbm>>
          %dma_start3A_408 = tpu.memref_squeeze %dma_start3A_407 : memref<1x1x80xi32, #tpu.memory_space<hbm>> -> memref<80xi32, #tpu.memory_space<hbm>>
          %dma_start3A_409 = arith.constant 0 : i32
          %dma_start3A_410 = tpu.memref_slice %arg7[%add3A, %add3A_405, %dma_start3A_409] : memref<32x125x80xi32, #tpu.memory_space<hbm>> -> memref<1x1x80xi32, #tpu.memory_space<hbm>>
          %dma_start3A_411 = tpu.memref_squeeze %dma_start3A_410 : memref<1x1x80xi32, #tpu.memory_space<hbm>> -> memref<80xi32, #tpu.memory_space<hbm>>
          tpu.enqueue_dma source(%dma_start3A_411 : memref<80xi32, #tpu.memory_space<hbm>>) target(%arg13 : memref<80xi32, #tpu.memory_space<vmem>>) target_semaphore(%arg27 : memref<!tpu.dma_semaphore, #tpu.memory_space<semaphore_mem>>)
        } else {
        }
      } else {
      }
    }
    %scan3A_124 = arith.constant 63 : i32
    %barrier3A_125 = arith.constant 0 : index
    tpu.barrier barrier_id(%barrier3A_125)
    %mul3A_126 = arith.constant 640 : i32
    %mul3A_127 = arith.muli %arg1, %mul3A_126 : i32
    %add3A_128 = arith.constant 0 : i32
    %add3A_129 = arith.addi %mul3A_127, %add3A_128 : i32
    "tpu.region"() ({
      %run_scoped3A_326 = tpu.sem_alloc : memref<!tpu.dma_semaphore, #tpu.memory_space<semaphore_mem>>
      %dma_start3A_327 = arith.constant 0 : i32
      %dma_start3A_328 = tpu.memref_slice %arg20[%add3A_129, %dma_start3A_327] : memref<10240x128xf32, #tpu.memory_space<vmem_shared>> -> memref<80x128xf32, #tpu.memory_space<vmem_shared>>
      %dma_start3A_329 = arith.constant 0 : i32
      %dma_start3A_330 = tpu.memref_slice %arg20[%add3A_129, %dma_start3A_329] : memref<10240x128xf32, #tpu.memory_space<vmem_shared>> -> memref<80x128xf32, #tpu.memory_space<vmem_shared>>
      tpu.enqueue_dma source(%dma_start3A_330 : memref<80x128xf32, #tpu.memory_space<vmem_shared>>) target(%arg14 : memref<80x128xf32, #tpu.memory_space<vmem>>) target_semaphore(%run_scoped3A_326 : memref<!tpu.dma_semaphore, #tpu.memory_space<semaphore_mem>>)
      %dma_wait3A_331 = arith.constant 0 : i32
      %dma_wait3A_332 = tpu.memref_slice %arg20[%add3A_129, %dma_wait3A_331] : memref<10240x128xf32, #tpu.memory_space<vmem_shared>> -> memref<80x128xf32, #tpu.memory_space<vmem_shared>>
      %dma_wait3A_333 = arith.constant 0 : i32
      %dma_wait3A_334 = tpu.memref_slice %arg20[%add3A_129, %dma_wait3A_333] : memref<10240x128xf32, #tpu.memory_space<vmem_shared>> -> memref<80x128xf32, #tpu.memory_space<vmem_shared>>
      tpu.wait_dma2 semaphore(%run_scoped3A_326 : memref<!tpu.dma_semaphore, #tpu.memory_space<semaphore_mem>>) src(%dma_wait3A_334 : memref<80x128xf32, #tpu.memory_space<vmem_shared>>) dst(%arg14 : memref<80x128xf32, #tpu.memory_space<vmem>>)
      tpu.yield
    }) : () -> ()
    %mul3A_130 = arith.constant 10240 : i32
    %mul3A_131 = arith.muli %arg0, %mul3A_130 : i32
    %add3A_132 = arith.addi %mul3A_131, %add3A_129 : i32
    %dma_start3A_133 = arith.constant 0 : i32
    %dma_start3A_134 = tpu.memref_slice %arg8[%add3A_132, %dma_start3A_133] : memref<20480x128xf32, #tpu.memory_space<hbm>> -> memref<80x128xf32, #tpu.memory_space<hbm>>
    %dma_start3A_135 = arith.constant 0 : i32
    %dma_start3A_136 = tpu.memref_slice %arg8[%add3A_132, %dma_start3A_135] : memref<20480x128xf32, #tpu.memory_space<hbm>> -> memref<80x128xf32, #tpu.memory_space<hbm>>
    tpu.enqueue_dma source(%arg14 : memref<80x128xf32, #tpu.memory_space<vmem>>) target(%dma_start3A_136 : memref<80x128xf32, #tpu.memory_space<hbm>>) target_semaphore(%arg22 : memref<!tpu.dma_semaphore, #tpu.memory_space<semaphore_mem>>)
    "tpu.region"() ({
      %run_scoped3A_326 = tpu.sem_alloc : memref<!tpu.dma_semaphore, #tpu.memory_space<semaphore_mem>>
      %dma_start3A_327 = tpu.memref_slice %arg21[%add3A_129] : memref<10240xf32, #tpu.memory_space<vmem_shared>> -> memref<80xf32, #tpu.memory_space<vmem_shared>>
      %dma_start3A_328 = tpu.memref_slice %arg21[%add3A_129] : memref<10240xf32, #tpu.memory_space<vmem_shared>> -> memref<80xf32, #tpu.memory_space<vmem_shared>>
      tpu.enqueue_dma source(%dma_start3A_328 : memref<80xf32, #tpu.memory_space<vmem_shared>>) target(%arg16 : memref<80xf32, #tpu.memory_space<vmem>>) target_semaphore(%run_scoped3A_326 : memref<!tpu.dma_semaphore, #tpu.memory_space<semaphore_mem>>)
      %dma_wait3A_329 = tpu.memref_slice %arg21[%add3A_129] : memref<10240xf32, #tpu.memory_space<vmem_shared>> -> memref<80xf32, #tpu.memory_space<vmem_shared>>
      %dma_wait3A_330 = tpu.memref_slice %arg21[%add3A_129] : memref<10240xf32, #tpu.memory_space<vmem_shared>> -> memref<80xf32, #tpu.memory_space<vmem_shared>>
      tpu.wait_dma2 semaphore(%run_scoped3A_326 : memref<!tpu.dma_semaphore, #tpu.memory_space<semaphore_mem>>) src(%dma_wait3A_330 : memref<80xf32, #tpu.memory_space<vmem_shared>>) dst(%arg16 : memref<80xf32, #tpu.memory_space<vmem>>)
      tpu.yield
    }) : () -> ()
    %mul3A_137 = arith.constant 10240 : i32
    %mul3A_138 = arith.muli %arg0, %mul3A_137 : i32
    %add3A_139 = arith.addi %mul3A_138, %add3A_129 : i32
    "tpu.region"() ({
      %run_scoped3A_326 = tpu.sem_alloc : memref<!tpu.dma_semaphore, #tpu.memory_space<semaphore_mem>>
      %dma_start3A_327 = tpu.memref_slice %arg9[%add3A_139] : memref<20480xf32, #tpu.memory_space<hbm>> -> memref<80xf32, #tpu.memory_space<hbm>>
      %dma_start3A_328 = tpu.memref_slice %arg9[%add3A_139] : memref<20480xf32, #tpu.memory_space<hbm>> -> memref<80xf32, #tpu.memory_space<hbm>>
      tpu.enqueue_dma source(%arg16 : memref<80xf32, #tpu.memory_space<vmem>>) target(%dma_start3A_328 : memref<80xf32, #tpu.memory_space<hbm>>) target_semaphore(%run_scoped3A_326 : memref<!tpu.dma_semaphore, #tpu.memory_space<semaphore_mem>>)
      %dma_wait3A_329 = tpu.memref_slice %arg9[%add3A_139] : memref<20480xf32, #tpu.memory_space<hbm>> -> memref<80xf32, #tpu.memory_space<hbm>>
      %dma_wait3A_330 = tpu.memref_slice %arg9[%add3A_139] : memref<20480xf32, #tpu.memory_space<hbm>> -> memref<80xf32, #tpu.memory_space<hbm>>
      tpu.wait_dma2 semaphore(%run_scoped3A_326 : memref<!tpu.dma_semaphore, #tpu.memory_space<semaphore_mem>>) src(%arg16 : memref<80xf32, #tpu.memory_space<vmem>>) dst(%dma_wait3A_330 : memref<80xf32, #tpu.memory_space<hbm>>)
      tpu.yield
    }) : () -> ()
    %mul3A_140 = arith.constant 640 : i32
    %mul3A_141 = arith.muli %arg1, %mul3A_140 : i32
    %add3A_142 = arith.constant 80 : i32
    %add3A_143 = arith.addi %mul3A_141, %add3A_142 : i32
    "tpu.region"() ({
      %run_scoped3A_326 = tpu.sem_alloc : memref<!tpu.dma_semaphore, #tpu.memory_space<semaphore_mem>>
      %dma_start3A_327 = arith.constant 0 : i32
      %dma_start3A_328 = tpu.memref_slice %arg20[%add3A_143, %dma_start3A_327] : memref<10240x128xf32, #tpu.memory_space<vmem_shared>> -> memref<80x128xf32, #tpu.memory_space<vmem_shared>>
      %dma_start3A_329 = arith.constant 0 : i32
      %dma_start3A_330 = tpu.memref_slice %arg20[%add3A_143, %dma_start3A_329] : memref<10240x128xf32, #tpu.memory_space<vmem_shared>> -> memref<80x128xf32, #tpu.memory_space<vmem_shared>>
      tpu.enqueue_dma source(%dma_start3A_330 : memref<80x128xf32, #tpu.memory_space<vmem_shared>>) target(%arg15 : memref<80x128xf32, #tpu.memory_space<vmem>>) target_semaphore(%run_scoped3A_326 : memref<!tpu.dma_semaphore, #tpu.memory_space<semaphore_mem>>)
      %dma_wait3A_331 = arith.constant 0 : i32
      %dma_wait3A_332 = tpu.memref_slice %arg20[%add3A_143, %dma_wait3A_331] : memref<10240x128xf32, #tpu.memory_space<vmem_shared>> -> memref<80x128xf32, #tpu.memory_space<vmem_shared>>
      %dma_wait3A_333 = arith.constant 0 : i32
      %dma_wait3A_334 = tpu.memref_slice %arg20[%add3A_143, %dma_wait3A_333] : memref<10240x128xf32, #tpu.memory_space<vmem_shared>> -> memref<80x128xf32, #tpu.memory_space<vmem_shared>>
      tpu.wait_dma2 semaphore(%run_scoped3A_326 : memref<!tpu.dma_semaphore, #tpu.memory_space<semaphore_mem>>) src(%dma_wait3A_334 : memref<80x128xf32, #tpu.memory_space<vmem_shared>>) dst(%arg15 : memref<80x128xf32, #tpu.memory_space<vmem>>)
      tpu.yield
    }) : () -> ()
    %mul3A_144 = arith.constant 10240 : i32
    %mul3A_145 = arith.muli %arg0, %mul3A_144 : i32
    %add3A_146 = arith.addi %mul3A_145, %add3A_143 : i32
    %dma_start3A_147 = arith.constant 0 : i32
    %dma_start3A_148 = tpu.memref_slice %arg8[%add3A_146, %dma_start3A_147] : memref<20480x128xf32, #tpu.memory_space<hbm>> -> memref<80x128xf32, #tpu.memory_space<hbm>>
    %dma_start3A_149 = arith.constant 0 : i32
    %dma_start3A_150 = tpu.memref_slice %arg8[%add3A_146, %dma_start3A_149] : memref<20480x128xf32, #tpu.memory_space<hbm>> -> memref<80x128xf32, #tpu.memory_space<hbm>>
    tpu.enqueue_dma source(%arg15 : memref<80x128xf32, #tpu.memory_space<vmem>>) target(%dma_start3A_150 : memref<80x128xf32, #tpu.memory_space<hbm>>) target_semaphore(%arg23 : memref<!tpu.dma_semaphore, #tpu.memory_space<semaphore_mem>>)
    "tpu.region"() ({
      %run_scoped3A_326 = tpu.sem_alloc : memref<!tpu.dma_semaphore, #tpu.memory_space<semaphore_mem>>
      %dma_start3A_327 = tpu.memref_slice %arg21[%add3A_143] : memref<10240xf32, #tpu.memory_space<vmem_shared>> -> memref<80xf32, #tpu.memory_space<vmem_shared>>
      %dma_start3A_328 = tpu.memref_slice %arg21[%add3A_143] : memref<10240xf32, #tpu.memory_space<vmem_shared>> -> memref<80xf32, #tpu.memory_space<vmem_shared>>
      tpu.enqueue_dma source(%dma_start3A_328 : memref<80xf32, #tpu.memory_space<vmem_shared>>) target(%arg16 : memref<80xf32, #tpu.memory_space<vmem>>) target_semaphore(%run_scoped3A_326 : memref<!tpu.dma_semaphore, #tpu.memory_space<semaphore_mem>>)
      %dma_wait3A_329 = tpu.memref_slice %arg21[%add3A_143] : memref<10240xf32, #tpu.memory_space<vmem_shared>> -> memref<80xf32, #tpu.memory_space<vmem_shared>>
      %dma_wait3A_330 = tpu.memref_slice %arg21[%add3A_143] : memref<10240xf32, #tpu.memory_space<vmem_shared>> -> memref<80xf32, #tpu.memory_space<vmem_shared>>
      tpu.wait_dma2 semaphore(%run_scoped3A_326 : memref<!tpu.dma_semaphore, #tpu.memory_space<semaphore_mem>>) src(%dma_wait3A_330 : memref<80xf32, #tpu.memory_space<vmem_shared>>) dst(%arg16 : memref<80xf32, #tpu.memory_space<vmem>>)
      tpu.yield
    }) : () -> ()
    %mul3A_151 = arith.constant 10240 : i32
    %mul3A_152 = arith.muli %arg0, %mul3A_151 : i32
    %add3A_153 = arith.addi %mul3A_152, %add3A_143 : i32
    "tpu.region"() ({
      %run_scoped3A_326 = tpu.sem_alloc : memref<!tpu.dma_semaphore, #tpu.memory_space<semaphore_mem>>
      %dma_start3A_327 = tpu.memref_slice %arg9[%add3A_153] : memref<20480xf32, #tpu.memory_space<hbm>> -> memref<80xf32, #tpu.memory_space<hbm>>
      %dma_start3A_328 = tpu.memref_slice %arg9[%add3A_153] : memref<20480xf32, #tpu.memory_space<hbm>> -> memref<80xf32, #tpu.memory_space<hbm>>
      tpu.enqueue_dma source(%arg16 : memref<80xf32, #tpu.memory_space<vmem>>) target(%dma_start3A_328 : memref<80xf32, #tpu.memory_space<hbm>>) target_semaphore(%run_scoped3A_326 : memref<!tpu.dma_semaphore, #tpu.memory_space<semaphore_mem>>)
      %dma_wait3A_329 = tpu.memref_slice %arg9[%add3A_153] : memref<20480xf32, #tpu.memory_space<hbm>> -> memref<80xf32, #tpu.memory_space<hbm>>
      %dma_wait3A_330 = tpu.memref_slice %arg9[%add3A_153] : memref<20480xf32, #tpu.memory_space<hbm>> -> memref<80xf32, #tpu.memory_space<hbm>>
      tpu.wait_dma2 semaphore(%run_scoped3A_326 : memref<!tpu.dma_semaphore, #tpu.memory_space<semaphore_mem>>) src(%arg16 : memref<80xf32, #tpu.memory_space<vmem>>) dst(%dma_wait3A_330 : memref<80xf32, #tpu.memory_space<hbm>>)
      tpu.yield
    }) : () -> ()
    %mul3A_154 = arith.constant 640 : i32
    %mul3A_155 = arith.muli %arg1, %mul3A_154 : i32
    %add3A_156 = arith.constant 160 : i32
    %add3A_157 = arith.addi %mul3A_155, %add3A_156 : i32
    %mul3A_158 = arith.constant 640 : i32
    %mul3A_159 = arith.muli %arg1, %mul3A_158 : i32
    %add3A_160 = arith.constant 0 : i32
    %add3A_161 = arith.addi %mul3A_159, %add3A_160 : i32
    %mul3A_162 = arith.constant 10240 : i32
    %mul3A_163 = arith.muli %arg0, %mul3A_162 : i32
    %add3A_164 = arith.addi %mul3A_163, %add3A_161 : i32
    %dma_wait3A_165 = arith.constant 0 : i32
    %dma_wait3A_166 = tpu.memref_slice %arg8[%add3A_164, %dma_wait3A_165] : memref<20480x128xf32, #tpu.memory_space<hbm>> -> memref<80x128xf32, #tpu.memory_space<hbm>>
    %dma_wait3A_167 = arith.constant 0 : i32
    %dma_wait3A_168 = tpu.memref_slice %arg8[%add3A_164, %dma_wait3A_167] : memref<20480x128xf32, #tpu.memory_space<hbm>> -> memref<80x128xf32, #tpu.memory_space<hbm>>
    tpu.wait_dma2 semaphore(%arg22 : memref<!tpu.dma_semaphore, #tpu.memory_space<semaphore_mem>>) src(%arg14 : memref<80x128xf32, #tpu.memory_space<vmem>>) dst(%dma_wait3A_168 : memref<80x128xf32, #tpu.memory_space<hbm>>)
    "tpu.region"() ({
      %run_scoped3A_326 = tpu.sem_alloc : memref<!tpu.dma_semaphore, #tpu.memory_space<semaphore_mem>>
      %dma_start3A_327 = arith.constant 0 : i32
      %dma_start3A_328 = tpu.memref_slice %arg20[%add3A_157, %dma_start3A_327] : memref<10240x128xf32, #tpu.memory_space<vmem_shared>> -> memref<80x128xf32, #tpu.memory_space<vmem_shared>>
      %dma_start3A_329 = arith.constant 0 : i32
      %dma_start3A_330 = tpu.memref_slice %arg20[%add3A_157, %dma_start3A_329] : memref<10240x128xf32, #tpu.memory_space<vmem_shared>> -> memref<80x128xf32, #tpu.memory_space<vmem_shared>>
      tpu.enqueue_dma source(%dma_start3A_330 : memref<80x128xf32, #tpu.memory_space<vmem_shared>>) target(%arg14 : memref<80x128xf32, #tpu.memory_space<vmem>>) target_semaphore(%run_scoped3A_326 : memref<!tpu.dma_semaphore, #tpu.memory_space<semaphore_mem>>)
      %dma_wait3A_331 = arith.constant 0 : i32
      %dma_wait3A_332 = tpu.memref_slice %arg20[%add3A_157, %dma_wait3A_331] : memref<10240x128xf32, #tpu.memory_space<vmem_shared>> -> memref<80x128xf32, #tpu.memory_space<vmem_shared>>
      %dma_wait3A_333 = arith.constant 0 : i32
      %dma_wait3A_334 = tpu.memref_slice %arg20[%add3A_157, %dma_wait3A_333] : memref<10240x128xf32, #tpu.memory_space<vmem_shared>> -> memref<80x128xf32, #tpu.memory_space<vmem_shared>>
      tpu.wait_dma2 semaphore(%run_scoped3A_326 : memref<!tpu.dma_semaphore, #tpu.memory_space<semaphore_mem>>) src(%dma_wait3A_334 : memref<80x128xf32, #tpu.memory_space<vmem_shared>>) dst(%arg14 : memref<80x128xf32, #tpu.memory_space<vmem>>)
      tpu.yield
    }) : () -> ()
    %mul3A_169 = arith.constant 10240 : i32
    %mul3A_170 = arith.muli %arg0, %mul3A_169 : i32
    %add3A_171 = arith.addi %mul3A_170, %add3A_157 : i32
    %dma_start3A_172 = arith.constant 0 : i32
    %dma_start3A_173 = tpu.memref_slice %arg8[%add3A_171, %dma_start3A_172] : memref<20480x128xf32, #tpu.memory_space<hbm>> -> memref<80x128xf32, #tpu.memory_space<hbm>>
    %dma_start3A_174 = arith.constant 0 : i32
    %dma_start3A_175 = tpu.memref_slice %arg8[%add3A_171, %dma_start3A_174] : memref<20480x128xf32, #tpu.memory_space<hbm>> -> memref<80x128xf32, #tpu.memory_space<hbm>>
    tpu.enqueue_dma source(%arg14 : memref<80x128xf32, #tpu.memory_space<vmem>>) target(%dma_start3A_175 : memref<80x128xf32, #tpu.memory_space<hbm>>) target_semaphore(%arg22 : memref<!tpu.dma_semaphore, #tpu.memory_space<semaphore_mem>>)
    "tpu.region"() ({
      %run_scoped3A_326 = tpu.sem_alloc : memref<!tpu.dma_semaphore, #tpu.memory_space<semaphore_mem>>
      %dma_start3A_327 = tpu.memref_slice %arg21[%add3A_157] : memref<10240xf32, #tpu.memory_space<vmem_shared>> -> memref<80xf32, #tpu.memory_space<vmem_shared>>
      %dma_start3A_328 = tpu.memref_slice %arg21[%add3A_157] : memref<10240xf32, #tpu.memory_space<vmem_shared>> -> memref<80xf32, #tpu.memory_space<vmem_shared>>
      tpu.enqueue_dma source(%dma_start3A_328 : memref<80xf32, #tpu.memory_space<vmem_shared>>) target(%arg16 : memref<80xf32, #tpu.memory_space<vmem>>) target_semaphore(%run_scoped3A_326 : memref<!tpu.dma_semaphore, #tpu.memory_space<semaphore_mem>>)
      %dma_wait3A_329 = tpu.memref_slice %arg21[%add3A_157] : memref<10240xf32, #tpu.memory_space<vmem_shared>> -> memref<80xf32, #tpu.memory_space<vmem_shared>>
      %dma_wait3A_330 = tpu.memref_slice %arg21[%add3A_157] : memref<10240xf32, #tpu.memory_space<vmem_shared>> -> memref<80xf32, #tpu.memory_space<vmem_shared>>
      tpu.wait_dma2 semaphore(%run_scoped3A_326 : memref<!tpu.dma_semaphore, #tpu.memory_space<semaphore_mem>>) src(%dma_wait3A_330 : memref<80xf32, #tpu.memory_space<vmem_shared>>) dst(%arg16 : memref<80xf32, #tpu.memory_space<vmem>>)
      tpu.yield
    }) : () -> ()
    %mul3A_176 = arith.constant 10240 : i32
    %mul3A_177 = arith.muli %arg0, %mul3A_176 : i32
    %add3A_178 = arith.addi %mul3A_177, %add3A_157 : i32
    "tpu.region"() ({
      %run_scoped3A_326 = tpu.sem_alloc : memref<!tpu.dma_semaphore, #tpu.memory_space<semaphore_mem>>
      %dma_start3A_327 = tpu.memref_slice %arg9[%add3A_178] : memref<20480xf32, #tpu.memory_space<hbm>> -> memref<80xf32, #tpu.memory_space<hbm>>
      %dma_start3A_328 = tpu.memref_slice %arg9[%add3A_178] : memref<20480xf32, #tpu.memory_space<hbm>> -> memref<80xf32, #tpu.memory_space<hbm>>
      tpu.enqueue_dma source(%arg16 : memref<80xf32, #tpu.memory_space<vmem>>) target(%dma_start3A_328 : memref<80xf32, #tpu.memory_space<hbm>>) target_semaphore(%run_scoped3A_326 : memref<!tpu.dma_semaphore, #tpu.memory_space<semaphore_mem>>)
      %dma_wait3A_329 = tpu.memref_slice %arg9[%add3A_178] : memref<20480xf32, #tpu.memory_space<hbm>> -> memref<80xf32, #tpu.memory_space<hbm>>
      %dma_wait3A_330 = tpu.memref_slice %arg9[%add3A_178] : memref<20480xf32, #tpu.memory_space<hbm>> -> memref<80xf32, #tpu.memory_space<hbm>>
      tpu.wait_dma2 semaphore(%run_scoped3A_326 : memref<!tpu.dma_semaphore, #tpu.memory_space<semaphore_mem>>) src(%arg16 : memref<80xf32, #tpu.memory_space<vmem>>) dst(%dma_wait3A_330 : memref<80xf32, #tpu.memory_space<hbm>>)
      tpu.yield
    }) : () -> ()
    %mul3A_179 = arith.constant 640 : i32
    %mul3A_180 = arith.muli %arg1, %mul3A_179 : i32
    %add3A_181 = arith.constant 240 : i32
    %add3A_182 = arith.addi %mul3A_180, %add3A_181 : i32
    %mul3A_183 = arith.constant 640 : i32
    %mul3A_184 = arith.muli %arg1, %mul3A_183 : i32
    %add3A_185 = arith.constant 80 : i32
    %add3A_186 = arith.addi %mul3A_184, %add3A_185 : i32
    %mul3A_187 = arith.constant 10240 : i32
    %mul3A_188 = arith.muli %arg0, %mul3A_187 : i32
    %add3A_189 = arith.addi %mul3A_188, %add3A_186 : i32
    %dma_wait3A_190 = arith.constant 0 : i32
    %dma_wait3A_191 = tpu.memref_slice %arg8[%add3A_189, %dma_wait3A_190] : memref<20480x128xf32, #tpu.memory_space<hbm>> -> memref<80x128xf32, #tpu.memory_space<hbm>>
    %dma_wait3A_192 = arith.constant 0 : i32
    %dma_wait3A_193 = tpu.memref_slice %arg8[%add3A_189, %dma_wait3A_192] : memref<20480x128xf32, #tpu.memory_space<hbm>> -> memref<80x128xf32, #tpu.memory_space<hbm>>
    tpu.wait_dma2 semaphore(%arg23 : memref<!tpu.dma_semaphore, #tpu.memory_space<semaphore_mem>>) src(%arg15 : memref<80x128xf32, #tpu.memory_space<vmem>>) dst(%dma_wait3A_193 : memref<80x128xf32, #tpu.memory_space<hbm>>)
    "tpu.region"() ({
      %run_scoped3A_326 = tpu.sem_alloc : memref<!tpu.dma_semaphore, #tpu.memory_space<semaphore_mem>>
      %dma_start3A_327 = arith.constant 0 : i32
      %dma_start3A_328 = tpu.memref_slice %arg20[%add3A_182, %dma_start3A_327] : memref<10240x128xf32, #tpu.memory_space<vmem_shared>> -> memref<80x128xf32, #tpu.memory_space<vmem_shared>>
      %dma_start3A_329 = arith.constant 0 : i32
      %dma_start3A_330 = tpu.memref_slice %arg20[%add3A_182, %dma_start3A_329] : memref<10240x128xf32, #tpu.memory_space<vmem_shared>> -> memref<80x128xf32, #tpu.memory_space<vmem_shared>>
      tpu.enqueue_dma source(%dma_start3A_330 : memref<80x128xf32, #tpu.memory_space<vmem_shared>>) target(%arg15 : memref<80x128xf32, #tpu.memory_space<vmem>>) target_semaphore(%run_scoped3A_326 : memref<!tpu.dma_semaphore, #tpu.memory_space<semaphore_mem>>)
      %dma_wait3A_331 = arith.constant 0 : i32
      %dma_wait3A_332 = tpu.memref_slice %arg20[%add3A_182, %dma_wait3A_331] : memref<10240x128xf32, #tpu.memory_space<vmem_shared>> -> memref<80x128xf32, #tpu.memory_space<vmem_shared>>
      %dma_wait3A_333 = arith.constant 0 : i32
      %dma_wait3A_334 = tpu.memref_slice %arg20[%add3A_182, %dma_wait3A_333] : memref<10240x128xf32, #tpu.memory_space<vmem_shared>> -> memref<80x128xf32, #tpu.memory_space<vmem_shared>>
      tpu.wait_dma2 semaphore(%run_scoped3A_326 : memref<!tpu.dma_semaphore, #tpu.memory_space<semaphore_mem>>) src(%dma_wait3A_334 : memref<80x128xf32, #tpu.memory_space<vmem_shared>>) dst(%arg15 : memref<80x128xf32, #tpu.memory_space<vmem>>)
      tpu.yield
    }) : () -> ()
    %mul3A_194 = arith.constant 10240 : i32
    %mul3A_195 = arith.muli %arg0, %mul3A_194 : i32
    %add3A_196 = arith.addi %mul3A_195, %add3A_182 : i32
    %dma_start3A_197 = arith.constant 0 : i32
    %dma_start3A_198 = tpu.memref_slice %arg8[%add3A_196, %dma_start3A_197] : memref<20480x128xf32, #tpu.memory_space<hbm>> -> memref<80x128xf32, #tpu.memory_space<hbm>>
    %dma_start3A_199 = arith.constant 0 : i32
    %dma_start3A_200 = tpu.memref_slice %arg8[%add3A_196, %dma_start3A_199] : memref<20480x128xf32, #tpu.memory_space<hbm>> -> memref<80x128xf32, #tpu.memory_space<hbm>>
    tpu.enqueue_dma source(%arg15 : memref<80x128xf32, #tpu.memory_space<vmem>>) target(%dma_start3A_200 : memref<80x128xf32, #tpu.memory_space<hbm>>) target_semaphore(%arg23 : memref<!tpu.dma_semaphore, #tpu.memory_space<semaphore_mem>>)
    "tpu.region"() ({
      %run_scoped3A_326 = tpu.sem_alloc : memref<!tpu.dma_semaphore, #tpu.memory_space<semaphore_mem>>
      %dma_start3A_327 = tpu.memref_slice %arg21[%add3A_182] : memref<10240xf32, #tpu.memory_space<vmem_shared>> -> memref<80xf32, #tpu.memory_space<vmem_shared>>
      %dma_start3A_328 = tpu.memref_slice %arg21[%add3A_182] : memref<10240xf32, #tpu.memory_space<vmem_shared>> -> memref<80xf32, #tpu.memory_space<vmem_shared>>
      tpu.enqueue_dma source(%dma_start3A_328 : memref<80xf32, #tpu.memory_space<vmem_shared>>) target(%arg16 : memref<80xf32, #tpu.memory_space<vmem>>) target_semaphore(%run_scoped3A_326 : memref<!tpu.dma_semaphore, #tpu.memory_space<semaphore_mem>>)
      %dma_wait3A_329 = tpu.memref_slice %arg21[%add3A_182] : memref<10240xf32, #tpu.memory_space<vmem_shared>> -> memref<80xf32, #tpu.memory_space<vmem_shared>>
      %dma_wait3A_330 = tpu.memref_slice %arg21[%add3A_182] : memref<10240xf32, #tpu.memory_space<vmem_shared>> -> memref<80xf32, #tpu.memory_space<vmem_shared>>
      tpu.wait_dma2 semaphore(%run_scoped3A_326 : memref<!tpu.dma_semaphore, #tpu.memory_space<semaphore_mem>>) src(%dma_wait3A_330 : memref<80xf32, #tpu.memory_space<vmem_shared>>) dst(%arg16 : memref<80xf32, #tpu.memory_space<vmem>>)
      tpu.yield
    }) : () -> ()
    %mul3A_201 = arith.constant 10240 : i32
    %mul3A_202 = arith.muli %arg0, %mul3A_201 : i32
    %add3A_203 = arith.addi %mul3A_202, %add3A_182 : i32
    "tpu.region"() ({
      %run_scoped3A_326 = tpu.sem_alloc : memref<!tpu.dma_semaphore, #tpu.memory_space<semaphore_mem>>
      %dma_start3A_327 = tpu.memref_slice %arg9[%add3A_203] : memref<20480xf32, #tpu.memory_space<hbm>> -> memref<80xf32, #tpu.memory_space<hbm>>
      %dma_start3A_328 = tpu.memref_slice %arg9[%add3A_203] : memref<20480xf32, #tpu.memory_space<hbm>> -> memref<80xf32, #tpu.memory_space<hbm>>
      tpu.enqueue_dma source(%arg16 : memref<80xf32, #tpu.memory_space<vmem>>) target(%dma_start3A_328 : memref<80xf32, #tpu.memory_space<hbm>>) target_semaphore(%run_scoped3A_326 : memref<!tpu.dma_semaphore, #tpu.memory_space<semaphore_mem>>)
      %dma_wait3A_329 = tpu.memref_slice %arg9[%add3A_203] : memref<20480xf32, #tpu.memory_space<hbm>> -> memref<80xf32, #tpu.memory_space<hbm>>
      %dma_wait3A_330 = tpu.memref_slice %arg9[%add3A_203] : memref<20480xf32, #tpu.memory_space<hbm>> -> memref<80xf32, #tpu.memory_space<hbm>>
      tpu.wait_dma2 semaphore(%run_scoped3A_326 : memref<!tpu.dma_semaphore, #tpu.memory_space<semaphore_mem>>) src(%arg16 : memref<80xf32, #tpu.memory_space<vmem>>) dst(%dma_wait3A_330 : memref<80xf32, #tpu.memory_space<hbm>>)
      tpu.yield
    }) : () -> ()
    %mul3A_204 = arith.constant 640 : i32
    %mul3A_205 = arith.muli %arg1, %mul3A_204 : i32
    %add3A_206 = arith.constant 320 : i32
    %add3A_207 = arith.addi %mul3A_205, %add3A_206 : i32
    %mul3A_208 = arith.constant 640 : i32
    %mul3A_209 = arith.muli %arg1, %mul3A_208 : i32
    %add3A_210 = arith.constant 160 : i32
    %add3A_211 = arith.addi %mul3A_209, %add3A_210 : i32
    %mul3A_212 = arith.constant 10240 : i32
    %mul3A_213 = arith.muli %arg0, %mul3A_212 : i32
    %add3A_214 = arith.addi %mul3A_213, %add3A_211 : i32
    %dma_wait3A_215 = arith.constant 0 : i32
    %dma_wait3A_216 = tpu.memref_slice %arg8[%add3A_214, %dma_wait3A_215] : memref<20480x128xf32, #tpu.memory_space<hbm>> -> memref<80x128xf32, #tpu.memory_space<hbm>>
    %dma_wait3A_217 = arith.constant 0 : i32
    %dma_wait3A_218 = tpu.memref_slice %arg8[%add3A_214, %dma_wait3A_217] : memref<20480x128xf32, #tpu.memory_space<hbm>> -> memref<80x128xf32, #tpu.memory_space<hbm>>
    tpu.wait_dma2 semaphore(%arg22 : memref<!tpu.dma_semaphore, #tpu.memory_space<semaphore_mem>>) src(%arg14 : memref<80x128xf32, #tpu.memory_space<vmem>>) dst(%dma_wait3A_218 : memref<80x128xf32, #tpu.memory_space<hbm>>)
    "tpu.region"() ({
      %run_scoped3A_326 = tpu.sem_alloc : memref<!tpu.dma_semaphore, #tpu.memory_space<semaphore_mem>>
      %dma_start3A_327 = arith.constant 0 : i32
      %dma_start3A_328 = tpu.memref_slice %arg20[%add3A_207, %dma_start3A_327] : memref<10240x128xf32, #tpu.memory_space<vmem_shared>> -> memref<80x128xf32, #tpu.memory_space<vmem_shared>>
      %dma_start3A_329 = arith.constant 0 : i32
      %dma_start3A_330 = tpu.memref_slice %arg20[%add3A_207, %dma_start3A_329] : memref<10240x128xf32, #tpu.memory_space<vmem_shared>> -> memref<80x128xf32, #tpu.memory_space<vmem_shared>>
      tpu.enqueue_dma source(%dma_start3A_330 : memref<80x128xf32, #tpu.memory_space<vmem_shared>>) target(%arg14 : memref<80x128xf32, #tpu.memory_space<vmem>>) target_semaphore(%run_scoped3A_326 : memref<!tpu.dma_semaphore, #tpu.memory_space<semaphore_mem>>)
      %dma_wait3A_331 = arith.constant 0 : i32
      %dma_wait3A_332 = tpu.memref_slice %arg20[%add3A_207, %dma_wait3A_331] : memref<10240x128xf32, #tpu.memory_space<vmem_shared>> -> memref<80x128xf32, #tpu.memory_space<vmem_shared>>
      %dma_wait3A_333 = arith.constant 0 : i32
      %dma_wait3A_334 = tpu.memref_slice %arg20[%add3A_207, %dma_wait3A_333] : memref<10240x128xf32, #tpu.memory_space<vmem_shared>> -> memref<80x128xf32, #tpu.memory_space<vmem_shared>>
      tpu.wait_dma2 semaphore(%run_scoped3A_326 : memref<!tpu.dma_semaphore, #tpu.memory_space<semaphore_mem>>) src(%dma_wait3A_334 : memref<80x128xf32, #tpu.memory_space<vmem_shared>>) dst(%arg14 : memref<80x128xf32, #tpu.memory_space<vmem>>)
      tpu.yield
    }) : () -> ()
    %mul3A_219 = arith.constant 10240 : i32
    %mul3A_220 = arith.muli %arg0, %mul3A_219 : i32
    %add3A_221 = arith.addi %mul3A_220, %add3A_207 : i32
    %dma_start3A_222 = arith.constant 0 : i32
    %dma_start3A_223 = tpu.memref_slice %arg8[%add3A_221, %dma_start3A_222] : memref<20480x128xf32, #tpu.memory_space<hbm>> -> memref<80x128xf32, #tpu.memory_space<hbm>>
    %dma_start3A_224 = arith.constant 0 : i32
    %dma_start3A_225 = tpu.memref_slice %arg8[%add3A_221, %dma_start3A_224] : memref<20480x128xf32, #tpu.memory_space<hbm>> -> memref<80x128xf32, #tpu.memory_space<hbm>>
    tpu.enqueue_dma source(%arg14 : memref<80x128xf32, #tpu.memory_space<vmem>>) target(%dma_start3A_225 : memref<80x128xf32, #tpu.memory_space<hbm>>) target_semaphore(%arg22 : memref<!tpu.dma_semaphore, #tpu.memory_space<semaphore_mem>>)
    "tpu.region"() ({
      %run_scoped3A_326 = tpu.sem_alloc : memref<!tpu.dma_semaphore, #tpu.memory_space<semaphore_mem>>
      %dma_start3A_327 = tpu.memref_slice %arg21[%add3A_207] : memref<10240xf32, #tpu.memory_space<vmem_shared>> -> memref<80xf32, #tpu.memory_space<vmem_shared>>
      %dma_start3A_328 = tpu.memref_slice %arg21[%add3A_207] : memref<10240xf32, #tpu.memory_space<vmem_shared>> -> memref<80xf32, #tpu.memory_space<vmem_shared>>
      tpu.enqueue_dma source(%dma_start3A_328 : memref<80xf32, #tpu.memory_space<vmem_shared>>) target(%arg16 : memref<80xf32, #tpu.memory_space<vmem>>) target_semaphore(%run_scoped3A_326 : memref<!tpu.dma_semaphore, #tpu.memory_space<semaphore_mem>>)
      %dma_wait3A_329 = tpu.memref_slice %arg21[%add3A_207] : memref<10240xf32, #tpu.memory_space<vmem_shared>> -> memref<80xf32, #tpu.memory_space<vmem_shared>>
      %dma_wait3A_330 = tpu.memref_slice %arg21[%add3A_207] : memref<10240xf32, #tpu.memory_space<vmem_shared>> -> memref<80xf32, #tpu.memory_space<vmem_shared>>
      tpu.wait_dma2 semaphore(%run_scoped3A_326 : memref<!tpu.dma_semaphore, #tpu.memory_space<semaphore_mem>>) src(%dma_wait3A_330 : memref<80xf32, #tpu.memory_space<vmem_shared>>) dst(%arg16 : memref<80xf32, #tpu.memory_space<vmem>>)
      tpu.yield
    }) : () -> ()
    %mul3A_226 = arith.constant 10240 : i32
    %mul3A_227 = arith.muli %arg0, %mul3A_226 : i32
    %add3A_228 = arith.addi %mul3A_227, %add3A_207 : i32
    "tpu.region"() ({
      %run_scoped3A_326 = tpu.sem_alloc : memref<!tpu.dma_semaphore, #tpu.memory_space<semaphore_mem>>
      %dma_start3A_327 = tpu.memref_slice %arg9[%add3A_228] : memref<20480xf32, #tpu.memory_space<hbm>> -> memref<80xf32, #tpu.memory_space<hbm>>
      %dma_start3A_328 = tpu.memref_slice %arg9[%add3A_228] : memref<20480xf32, #tpu.memory_space<hbm>> -> memref<80xf32, #tpu.memory_space<hbm>>
      tpu.enqueue_dma source(%arg16 : memref<80xf32, #tpu.memory_space<vmem>>) target(%dma_start3A_328 : memref<80xf32, #tpu.memory_space<hbm>>) target_semaphore(%run_scoped3A_326 : memref<!tpu.dma_semaphore, #tpu.memory_space<semaphore_mem>>)
      %dma_wait3A_329 = tpu.memref_slice %arg9[%add3A_228] : memref<20480xf32, #tpu.memory_space<hbm>> -> memref<80xf32, #tpu.memory_space<hbm>>
      %dma_wait3A_330 = tpu.memref_slice %arg9[%add3A_228] : memref<20480xf32, #tpu.memory_space<hbm>> -> memref<80xf32, #tpu.memory_space<hbm>>
      tpu.wait_dma2 semaphore(%run_scoped3A_326 : memref<!tpu.dma_semaphore, #tpu.memory_space<semaphore_mem>>) src(%arg16 : memref<80xf32, #tpu.memory_space<vmem>>) dst(%dma_wait3A_330 : memref<80xf32, #tpu.memory_space<hbm>>)
      tpu.yield
    }) : () -> ()
    %mul3A_229 = arith.constant 640 : i32
    %mul3A_230 = arith.muli %arg1, %mul3A_229 : i32
    %add3A_231 = arith.constant 400 : i32
    %add3A_232 = arith.addi %mul3A_230, %add3A_231 : i32
    %mul3A_233 = arith.constant 640 : i32
    %mul3A_234 = arith.muli %arg1, %mul3A_233 : i32
    %add3A_235 = arith.constant 240 : i32
    %add3A_236 = arith.addi %mul3A_234, %add3A_235 : i32
    %mul3A_237 = arith.constant 10240 : i32
    %mul3A_238 = arith.muli %arg0, %mul3A_237 : i32
    %add3A_239 = arith.addi %mul3A_238, %add3A_236 : i32
    %dma_wait3A_240 = arith.constant 0 : i32
    %dma_wait3A_241 = tpu.memref_slice %arg8[%add3A_239, %dma_wait3A_240] : memref<20480x128xf32, #tpu.memory_space<hbm>> -> memref<80x128xf32, #tpu.memory_space<hbm>>
    %dma_wait3A_242 = arith.constant 0 : i32
    %dma_wait3A_243 = tpu.memref_slice %arg8[%add3A_239, %dma_wait3A_242] : memref<20480x128xf32, #tpu.memory_space<hbm>> -> memref<80x128xf32, #tpu.memory_space<hbm>>
    tpu.wait_dma2 semaphore(%arg23 : memref<!tpu.dma_semaphore, #tpu.memory_space<semaphore_mem>>) src(%arg15 : memref<80x128xf32, #tpu.memory_space<vmem>>) dst(%dma_wait3A_243 : memref<80x128xf32, #tpu.memory_space<hbm>>)
    "tpu.region"() ({
      %run_scoped3A_326 = tpu.sem_alloc : memref<!tpu.dma_semaphore, #tpu.memory_space<semaphore_mem>>
      %dma_start3A_327 = arith.constant 0 : i32
      %dma_start3A_328 = tpu.memref_slice %arg20[%add3A_232, %dma_start3A_327] : memref<10240x128xf32, #tpu.memory_space<vmem_shared>> -> memref<80x128xf32, #tpu.memory_space<vmem_shared>>
      %dma_start3A_329 = arith.constant 0 : i32
      %dma_start3A_330 = tpu.memref_slice %arg20[%add3A_232, %dma_start3A_329] : memref<10240x128xf32, #tpu.memory_space<vmem_shared>> -> memref<80x128xf32, #tpu.memory_space<vmem_shared>>
      tpu.enqueue_dma source(%dma_start3A_330 : memref<80x128xf32, #tpu.memory_space<vmem_shared>>) target(%arg15 : memref<80x128xf32, #tpu.memory_space<vmem>>) target_semaphore(%run_scoped3A_326 : memref<!tpu.dma_semaphore, #tpu.memory_space<semaphore_mem>>)
      %dma_wait3A_331 = arith.constant 0 : i32
      %dma_wait3A_332 = tpu.memref_slice %arg20[%add3A_232, %dma_wait3A_331] : memref<10240x128xf32, #tpu.memory_space<vmem_shared>> -> memref<80x128xf32, #tpu.memory_space<vmem_shared>>
      %dma_wait3A_333 = arith.constant 0 : i32
      %dma_wait3A_334 = tpu.memref_slice %arg20[%add3A_232, %dma_wait3A_333] : memref<10240x128xf32, #tpu.memory_space<vmem_shared>> -> memref<80x128xf32, #tpu.memory_space<vmem_shared>>
      tpu.wait_dma2 semaphore(%run_scoped3A_326 : memref<!tpu.dma_semaphore, #tpu.memory_space<semaphore_mem>>) src(%dma_wait3A_334 : memref<80x128xf32, #tpu.memory_space<vmem_shared>>) dst(%arg15 : memref<80x128xf32, #tpu.memory_space<vmem>>)
      tpu.yield
    }) : () -> ()
    %mul3A_244 = arith.constant 10240 : i32
    %mul3A_245 = arith.muli %arg0, %mul3A_244 : i32
    %add3A_246 = arith.addi %mul3A_245, %add3A_232 : i32
    %dma_start3A_247 = arith.constant 0 : i32
    %dma_start3A_248 = tpu.memref_slice %arg8[%add3A_246, %dma_start3A_247] : memref<20480x128xf32, #tpu.memory_space<hbm>> -> memref<80x128xf32, #tpu.memory_space<hbm>>
    %dma_start3A_249 = arith.constant 0 : i32
    %dma_start3A_250 = tpu.memref_slice %arg8[%add3A_246, %dma_start3A_249] : memref<20480x128xf32, #tpu.memory_space<hbm>> -> memref<80x128xf32, #tpu.memory_space<hbm>>
    tpu.enqueue_dma source(%arg15 : memref<80x128xf32, #tpu.memory_space<vmem>>) target(%dma_start3A_250 : memref<80x128xf32, #tpu.memory_space<hbm>>) target_semaphore(%arg23 : memref<!tpu.dma_semaphore, #tpu.memory_space<semaphore_mem>>)
    "tpu.region"() ({
      %run_scoped3A_326 = tpu.sem_alloc : memref<!tpu.dma_semaphore, #tpu.memory_space<semaphore_mem>>
      %dma_start3A_327 = tpu.memref_slice %arg21[%add3A_232] : memref<10240xf32, #tpu.memory_space<vmem_shared>> -> memref<80xf32, #tpu.memory_space<vmem_shared>>
      %dma_start3A_328 = tpu.memref_slice %arg21[%add3A_232] : memref<10240xf32, #tpu.memory_space<vmem_shared>> -> memref<80xf32, #tpu.memory_space<vmem_shared>>
      tpu.enqueue_dma source(%dma_start3A_328 : memref<80xf32, #tpu.memory_space<vmem_shared>>) target(%arg16 : memref<80xf32, #tpu.memory_space<vmem>>) target_semaphore(%run_scoped3A_326 : memref<!tpu.dma_semaphore, #tpu.memory_space<semaphore_mem>>)
      %dma_wait3A_329 = tpu.memref_slice %arg21[%add3A_232] : memref<10240xf32, #tpu.memory_space<vmem_shared>> -> memref<80xf32, #tpu.memory_space<vmem_shared>>
      %dma_wait3A_330 = tpu.memref_slice %arg21[%add3A_232] : memref<10240xf32, #tpu.memory_space<vmem_shared>> -> memref<80xf32, #tpu.memory_space<vmem_shared>>
      tpu.wait_dma2 semaphore(%run_scoped3A_326 : memref<!tpu.dma_semaphore, #tpu.memory_space<semaphore_mem>>) src(%dma_wait3A_330 : memref<80xf32, #tpu.memory_space<vmem_shared>>) dst(%arg16 : memref<80xf32, #tpu.memory_space<vmem>>)
      tpu.yield
    }) : () -> ()
    %mul3A_251 = arith.constant 10240 : i32
    %mul3A_252 = arith.muli %arg0, %mul3A_251 : i32
    %add3A_253 = arith.addi %mul3A_252, %add3A_232 : i32
    "tpu.region"() ({
      %run_scoped3A_326 = tpu.sem_alloc : memref<!tpu.dma_semaphore, #tpu.memory_space<semaphore_mem>>
      %dma_start3A_327 = tpu.memref_slice %arg9[%add3A_253] : memref<20480xf32, #tpu.memory_space<hbm>> -> memref<80xf32, #tpu.memory_space<hbm>>
      %dma_start3A_328 = tpu.memref_slice %arg9[%add3A_253] : memref<20480xf32, #tpu.memory_space<hbm>> -> memref<80xf32, #tpu.memory_space<hbm>>
      tpu.enqueue_dma source(%arg16 : memref<80xf32, #tpu.memory_space<vmem>>) target(%dma_start3A_328 : memref<80xf32, #tpu.memory_space<hbm>>) target_semaphore(%run_scoped3A_326 : memref<!tpu.dma_semaphore, #tpu.memory_space<semaphore_mem>>)
      %dma_wait3A_329 = tpu.memref_slice %arg9[%add3A_253] : memref<20480xf32, #tpu.memory_space<hbm>> -> memref<80xf32, #tpu.memory_space<hbm>>
      %dma_wait3A_330 = tpu.memref_slice %arg9[%add3A_253] : memref<20480xf32, #tpu.memory_space<hbm>> -> memref<80xf32, #tpu.memory_space<hbm>>
      tpu.wait_dma2 semaphore(%run_scoped3A_326 : memref<!tpu.dma_semaphore, #tpu.memory_space<semaphore_mem>>) src(%arg16 : memref<80xf32, #tpu.memory_space<vmem>>) dst(%dma_wait3A_330 : memref<80xf32, #tpu.memory_space<hbm>>)
      tpu.yield
    }) : () -> ()
    %mul3A_254 = arith.constant 640 : i32
    %mul3A_255 = arith.muli %arg1, %mul3A_254 : i32
    %add3A_256 = arith.constant 480 : i32
    %add3A_257 = arith.addi %mul3A_255, %add3A_256 : i32
    %mul3A_258 = arith.constant 640 : i32
    %mul3A_259 = arith.muli %arg1, %mul3A_258 : i32
    %add3A_260 = arith.constant 320 : i32
    %add3A_261 = arith.addi %mul3A_259, %add3A_260 : i32
    %mul3A_262 = arith.constant 10240 : i32
    %mul3A_263 = arith.muli %arg0, %mul3A_262 : i32
    %add3A_264 = arith.addi %mul3A_263, %add3A_261 : i32
    %dma_wait3A_265 = arith.constant 0 : i32
    %dma_wait3A_266 = tpu.memref_slice %arg8[%add3A_264, %dma_wait3A_265] : memref<20480x128xf32, #tpu.memory_space<hbm>> -> memref<80x128xf32, #tpu.memory_space<hbm>>
    %dma_wait3A_267 = arith.constant 0 : i32
    %dma_wait3A_268 = tpu.memref_slice %arg8[%add3A_264, %dma_wait3A_267] : memref<20480x128xf32, #tpu.memory_space<hbm>> -> memref<80x128xf32, #tpu.memory_space<hbm>>
    tpu.wait_dma2 semaphore(%arg22 : memref<!tpu.dma_semaphore, #tpu.memory_space<semaphore_mem>>) src(%arg14 : memref<80x128xf32, #tpu.memory_space<vmem>>) dst(%dma_wait3A_268 : memref<80x128xf32, #tpu.memory_space<hbm>>)
    "tpu.region"() ({
      %run_scoped3A_326 = tpu.sem_alloc : memref<!tpu.dma_semaphore, #tpu.memory_space<semaphore_mem>>
      %dma_start3A_327 = arith.constant 0 : i32
      %dma_start3A_328 = tpu.memref_slice %arg20[%add3A_257, %dma_start3A_327] : memref<10240x128xf32, #tpu.memory_space<vmem_shared>> -> memref<80x128xf32, #tpu.memory_space<vmem_shared>>
      %dma_start3A_329 = arith.constant 0 : i32
      %dma_start3A_330 = tpu.memref_slice %arg20[%add3A_257, %dma_start3A_329] : memref<10240x128xf32, #tpu.memory_space<vmem_shared>> -> memref<80x128xf32, #tpu.memory_space<vmem_shared>>
      tpu.enqueue_dma source(%dma_start3A_330 : memref<80x128xf32, #tpu.memory_space<vmem_shared>>) target(%arg14 : memref<80x128xf32, #tpu.memory_space<vmem>>) target_semaphore(%run_scoped3A_326 : memref<!tpu.dma_semaphore, #tpu.memory_space<semaphore_mem>>)
      %dma_wait3A_331 = arith.constant 0 : i32
      %dma_wait3A_332 = tpu.memref_slice %arg20[%add3A_257, %dma_wait3A_331] : memref<10240x128xf32, #tpu.memory_space<vmem_shared>> -> memref<80x128xf32, #tpu.memory_space<vmem_shared>>
      %dma_wait3A_333 = arith.constant 0 : i32
      %dma_wait3A_334 = tpu.memref_slice %arg20[%add3A_257, %dma_wait3A_333] : memref<10240x128xf32, #tpu.memory_space<vmem_shared>> -> memref<80x128xf32, #tpu.memory_space<vmem_shared>>
      tpu.wait_dma2 semaphore(%run_scoped3A_326 : memref<!tpu.dma_semaphore, #tpu.memory_space<semaphore_mem>>) src(%dma_wait3A_334 : memref<80x128xf32, #tpu.memory_space<vmem_shared>>) dst(%arg14 : memref<80x128xf32, #tpu.memory_space<vmem>>)
      tpu.yield
    }) : () -> ()
    %mul3A_269 = arith.constant 10240 : i32
    %mul3A_270 = arith.muli %arg0, %mul3A_269 : i32
    %add3A_271 = arith.addi %mul3A_270, %add3A_257 : i32
    %dma_start3A_272 = arith.constant 0 : i32
    %dma_start3A_273 = tpu.memref_slice %arg8[%add3A_271, %dma_start3A_272] : memref<20480x128xf32, #tpu.memory_space<hbm>> -> memref<80x128xf32, #tpu.memory_space<hbm>>
    %dma_start3A_274 = arith.constant 0 : i32
    %dma_start3A_275 = tpu.memref_slice %arg8[%add3A_271, %dma_start3A_274] : memref<20480x128xf32, #tpu.memory_space<hbm>> -> memref<80x128xf32, #tpu.memory_space<hbm>>
    tpu.enqueue_dma source(%arg14 : memref<80x128xf32, #tpu.memory_space<vmem>>) target(%dma_start3A_275 : memref<80x128xf32, #tpu.memory_space<hbm>>) target_semaphore(%arg22 : memref<!tpu.dma_semaphore, #tpu.memory_space<semaphore_mem>>)
    "tpu.region"() ({
      %run_scoped3A_326 = tpu.sem_alloc : memref<!tpu.dma_semaphore, #tpu.memory_space<semaphore_mem>>
      %dma_start3A_327 = tpu.memref_slice %arg21[%add3A_257] : memref<10240xf32, #tpu.memory_space<vmem_shared>> -> memref<80xf32, #tpu.memory_space<vmem_shared>>
      %dma_start3A_328 = tpu.memref_slice %arg21[%add3A_257] : memref<10240xf32, #tpu.memory_space<vmem_shared>> -> memref<80xf32, #tpu.memory_space<vmem_shared>>
      tpu.enqueue_dma source(%dma_start3A_328 : memref<80xf32, #tpu.memory_space<vmem_shared>>) target(%arg16 : memref<80xf32, #tpu.memory_space<vmem>>) target_semaphore(%run_scoped3A_326 : memref<!tpu.dma_semaphore, #tpu.memory_space<semaphore_mem>>)
      %dma_wait3A_329 = tpu.memref_slice %arg21[%add3A_257] : memref<10240xf32, #tpu.memory_space<vmem_shared>> -> memref<80xf32, #tpu.memory_space<vmem_shared>>
      %dma_wait3A_330 = tpu.memref_slice %arg21[%add3A_257] : memref<10240xf32, #tpu.memory_space<vmem_shared>> -> memref<80xf32, #tpu.memory_space<vmem_shared>>
      tpu.wait_dma2 semaphore(%run_scoped3A_326 : memref<!tpu.dma_semaphore, #tpu.memory_space<semaphore_mem>>) src(%dma_wait3A_330 : memref<80xf32, #tpu.memory_space<vmem_shared>>) dst(%arg16 : memref<80xf32, #tpu.memory_space<vmem>>)
      tpu.yield
    }) : () -> ()
    %mul3A_276 = arith.constant 10240 : i32
    %mul3A_277 = arith.muli %arg0, %mul3A_276 : i32
    %add3A_278 = arith.addi %mul3A_277, %add3A_257 : i32
    "tpu.region"() ({
      %run_scoped3A_326 = tpu.sem_alloc : memref<!tpu.dma_semaphore, #tpu.memory_space<semaphore_mem>>
      %dma_start3A_327 = tpu.memref_slice %arg9[%add3A_278] : memref<20480xf32, #tpu.memory_space<hbm>> -> memref<80xf32, #tpu.memory_space<hbm>>
      %dma_start3A_328 = tpu.memref_slice %arg9[%add3A_278] : memref<20480xf32, #tpu.memory_space<hbm>> -> memref<80xf32, #tpu.memory_space<hbm>>
      tpu.enqueue_dma source(%arg16 : memref<80xf32, #tpu.memory_space<vmem>>) target(%dma_start3A_328 : memref<80xf32, #tpu.memory_space<hbm>>) target_semaphore(%run_scoped3A_326 : memref<!tpu.dma_semaphore, #tpu.memory_space<semaphore_mem>>)
      %dma_wait3A_329 = tpu.memref_slice %arg9[%add3A_278] : memref<20480xf32, #tpu.memory_space<hbm>> -> memref<80xf32, #tpu.memory_space<hbm>>
      %dma_wait3A_330 = tpu.memref_slice %arg9[%add3A_278] : memref<20480xf32, #tpu.memory_space<hbm>> -> memref<80xf32, #tpu.memory_space<hbm>>
      tpu.wait_dma2 semaphore(%run_scoped3A_326 : memref<!tpu.dma_semaphore, #tpu.memory_space<semaphore_mem>>) src(%arg16 : memref<80xf32, #tpu.memory_space<vmem>>) dst(%dma_wait3A_330 : memref<80xf32, #tpu.memory_space<hbm>>)
      tpu.yield
    }) : () -> ()
    %mul3A_279 = arith.constant 640 : i32
    %mul3A_280 = arith.muli %arg1, %mul3A_279 : i32
    %add3A_281 = arith.constant 560 : i32
    %add3A_282 = arith.addi %mul3A_280, %add3A_281 : i32
    %mul3A_283 = arith.constant 640 : i32
    %mul3A_284 = arith.muli %arg1, %mul3A_283 : i32
    %add3A_285 = arith.constant 400 : i32
    %add3A_286 = arith.addi %mul3A_284, %add3A_285 : i32
    %mul3A_287 = arith.constant 10240 : i32
    %mul3A_288 = arith.muli %arg0, %mul3A_287 : i32
    %add3A_289 = arith.addi %mul3A_288, %add3A_286 : i32
    %dma_wait3A_290 = arith.constant 0 : i32
    %dma_wait3A_291 = tpu.memref_slice %arg8[%add3A_289, %dma_wait3A_290] : memref<20480x128xf32, #tpu.memory_space<hbm>> -> memref<80x128xf32, #tpu.memory_space<hbm>>
    %dma_wait3A_292 = arith.constant 0 : i32
    %dma_wait3A_293 = tpu.memref_slice %arg8[%add3A_289, %dma_wait3A_292] : memref<20480x128xf32, #tpu.memory_space<hbm>> -> memref<80x128xf32, #tpu.memory_space<hbm>>
    tpu.wait_dma2 semaphore(%arg23 : memref<!tpu.dma_semaphore, #tpu.memory_space<semaphore_mem>>) src(%arg15 : memref<80x128xf32, #tpu.memory_space<vmem>>) dst(%dma_wait3A_293 : memref<80x128xf32, #tpu.memory_space<hbm>>)
    "tpu.region"() ({
      %run_scoped3A_326 = tpu.sem_alloc : memref<!tpu.dma_semaphore, #tpu.memory_space<semaphore_mem>>
      %dma_start3A_327 = arith.constant 0 : i32
      %dma_start3A_328 = tpu.memref_slice %arg20[%add3A_282, %dma_start3A_327] : memref<10240x128xf32, #tpu.memory_space<vmem_shared>> -> memref<80x128xf32, #tpu.memory_space<vmem_shared>>
      %dma_start3A_329 = arith.constant 0 : i32
      %dma_start3A_330 = tpu.memref_slice %arg20[%add3A_282, %dma_start3A_329] : memref<10240x128xf32, #tpu.memory_space<vmem_shared>> -> memref<80x128xf32, #tpu.memory_space<vmem_shared>>
      tpu.enqueue_dma source(%dma_start3A_330 : memref<80x128xf32, #tpu.memory_space<vmem_shared>>) target(%arg15 : memref<80x128xf32, #tpu.memory_space<vmem>>) target_semaphore(%run_scoped3A_326 : memref<!tpu.dma_semaphore, #tpu.memory_space<semaphore_mem>>)
      %dma_wait3A_331 = arith.constant 0 : i32
      %dma_wait3A_332 = tpu.memref_slice %arg20[%add3A_282, %dma_wait3A_331] : memref<10240x128xf32, #tpu.memory_space<vmem_shared>> -> memref<80x128xf32, #tpu.memory_space<vmem_shared>>
      %dma_wait3A_333 = arith.constant 0 : i32
      %dma_wait3A_334 = tpu.memref_slice %arg20[%add3A_282, %dma_wait3A_333] : memref<10240x128xf32, #tpu.memory_space<vmem_shared>> -> memref<80x128xf32, #tpu.memory_space<vmem_shared>>
      tpu.wait_dma2 semaphore(%run_scoped3A_326 : memref<!tpu.dma_semaphore, #tpu.memory_space<semaphore_mem>>) src(%dma_wait3A_334 : memref<80x128xf32, #tpu.memory_space<vmem_shared>>) dst(%arg15 : memref<80x128xf32, #tpu.memory_space<vmem>>)
      tpu.yield
    }) : () -> ()
    %mul3A_294 = arith.constant 10240 : i32
    %mul3A_295 = arith.muli %arg0, %mul3A_294 : i32
    %add3A_296 = arith.addi %mul3A_295, %add3A_282 : i32
    %dma_start3A_297 = arith.constant 0 : i32
    %dma_start3A_298 = tpu.memref_slice %arg8[%add3A_296, %dma_start3A_297] : memref<20480x128xf32, #tpu.memory_space<hbm>> -> memref<80x128xf32, #tpu.memory_space<hbm>>
    %dma_start3A_299 = arith.constant 0 : i32
    %dma_start3A_300 = tpu.memref_slice %arg8[%add3A_296, %dma_start3A_299] : memref<20480x128xf32, #tpu.memory_space<hbm>> -> memref<80x128xf32, #tpu.memory_space<hbm>>
    tpu.enqueue_dma source(%arg15 : memref<80x128xf32, #tpu.memory_space<vmem>>) target(%dma_start3A_300 : memref<80x128xf32, #tpu.memory_space<hbm>>) target_semaphore(%arg23 : memref<!tpu.dma_semaphore, #tpu.memory_space<semaphore_mem>>)
    "tpu.region"() ({
      %run_scoped3A_326 = tpu.sem_alloc : memref<!tpu.dma_semaphore, #tpu.memory_space<semaphore_mem>>
      %dma_start3A_327 = tpu.memref_slice %arg21[%add3A_282] : memref<10240xf32, #tpu.memory_space<vmem_shared>> -> memref<80xf32, #tpu.memory_space<vmem_shared>>
      %dma_start3A_328 = tpu.memref_slice %arg21[%add3A_282] : memref<10240xf32, #tpu.memory_space<vmem_shared>> -> memref<80xf32, #tpu.memory_space<vmem_shared>>
      tpu.enqueue_dma source(%dma_start3A_328 : memref<80xf32, #tpu.memory_space<vmem_shared>>) target(%arg16 : memref<80xf32, #tpu.memory_space<vmem>>) target_semaphore(%run_scoped3A_326 : memref<!tpu.dma_semaphore, #tpu.memory_space<semaphore_mem>>)
      %dma_wait3A_329 = tpu.memref_slice %arg21[%add3A_282] : memref<10240xf32, #tpu.memory_space<vmem_shared>> -> memref<80xf32, #tpu.memory_space<vmem_shared>>
      %dma_wait3A_330 = tpu.memref_slice %arg21[%add3A_282] : memref<10240xf32, #tpu.memory_space<vmem_shared>> -> memref<80xf32, #tpu.memory_space<vmem_shared>>
      tpu.wait_dma2 semaphore(%run_scoped3A_326 : memref<!tpu.dma_semaphore, #tpu.memory_space<semaphore_mem>>) src(%dma_wait3A_330 : memref<80xf32, #tpu.memory_space<vmem_shared>>) dst(%arg16 : memref<80xf32, #tpu.memory_space<vmem>>)
      tpu.yield
    }) : () -> ()
    %mul3A_301 = arith.constant 10240 : i32
    %mul3A_302 = arith.muli %arg0, %mul3A_301 : i32
    %add3A_303 = arith.addi %mul3A_302, %add3A_282 : i32
    "tpu.region"() ({
      %run_scoped3A_326 = tpu.sem_alloc : memref<!tpu.dma_semaphore, #tpu.memory_space<semaphore_mem>>
      %dma_start3A_327 = tpu.memref_slice %arg9[%add3A_303] : memref<20480xf32, #tpu.memory_space<hbm>> -> memref<80xf32, #tpu.memory_space<hbm>>
      %dma_start3A_328 = tpu.memref_slice %arg9[%add3A_303] : memref<20480xf32, #tpu.memory_space<hbm>> -> memref<80xf32, #tpu.memory_space<hbm>>
      tpu.enqueue_dma source(%arg16 : memref<80xf32, #tpu.memory_space<vmem>>) target(%dma_start3A_328 : memref<80xf32, #tpu.memory_space<hbm>>) target_semaphore(%run_scoped3A_326 : memref<!tpu.dma_semaphore, #tpu.memory_space<semaphore_mem>>)
      %dma_wait3A_329 = tpu.memref_slice %arg9[%add3A_303] : memref<20480xf32, #tpu.memory_space<hbm>> -> memref<80xf32, #tpu.memory_space<hbm>>
      %dma_wait3A_330 = tpu.memref_slice %arg9[%add3A_303] : memref<20480xf32, #tpu.memory_space<hbm>> -> memref<80xf32, #tpu.memory_space<hbm>>
      tpu.wait_dma2 semaphore(%run_scoped3A_326 : memref<!tpu.dma_semaphore, #tpu.memory_space<semaphore_mem>>) src(%arg16 : memref<80xf32, #tpu.memory_space<vmem>>) dst(%dma_wait3A_330 : memref<80xf32, #tpu.memory_space<hbm>>)
      tpu.yield
    }) : () -> ()
    %mul3A_304 = arith.constant 640 : i32
    %mul3A_305 = arith.muli %arg1, %mul3A_304 : i32
    %add3A_306 = arith.constant 480 : i32
    %add3A_307 = arith.addi %mul3A_305, %add3A_306 : i32
    %mul3A_308 = arith.constant 10240 : i32
    %mul3A_309 = arith.muli %arg0, %mul3A_308 : i32
    %add3A_310 = arith.addi %mul3A_309, %add3A_307 : i32
    %dma_wait3A_311 = arith.constant 0 : i32
    %dma_wait3A_312 = tpu.memref_slice %arg8[%add3A_310, %dma_wait3A_311] : memref<20480x128xf32, #tpu.memory_space<hbm>> -> memref<80x128xf32, #tpu.memory_space<hbm>>
    %dma_wait3A_313 = arith.constant 0 : i32
    %dma_wait3A_314 = tpu.memref_slice %arg8[%add3A_310, %dma_wait3A_313] : memref<20480x128xf32, #tpu.memory_space<hbm>> -> memref<80x128xf32, #tpu.memory_space<hbm>>
    tpu.wait_dma2 semaphore(%arg22 : memref<!tpu.dma_semaphore, #tpu.memory_space<semaphore_mem>>) src(%arg14 : memref<80x128xf32, #tpu.memory_space<vmem>>) dst(%dma_wait3A_314 : memref<80x128xf32, #tpu.memory_space<hbm>>)
    %mul3A_315 = arith.constant 640 : i32
    %mul3A_316 = arith.muli %arg1, %mul3A_315 : i32
    %add3A_317 = arith.constant 560 : i32
    %add3A_318 = arith.addi %mul3A_316, %add3A_317 : i32
    %mul3A_319 = arith.constant 10240 : i32
    %mul3A_320 = arith.muli %arg0, %mul3A_319 : i32
    %add3A_321 = arith.addi %mul3A_320, %add3A_318 : i32
    %dma_wait3A_322 = arith.constant 0 : i32
    %dma_wait3A_323 = tpu.memref_slice %arg8[%add3A_321, %dma_wait3A_322] : memref<20480x128xf32, #tpu.memory_space<hbm>> -> memref<80x128xf32, #tpu.memory_space<hbm>>
    %dma_wait3A_324 = arith.constant 0 : i32
    %dma_wait3A_325 = tpu.memref_slice %arg8[%add3A_321, %dma_wait3A_324] : memref<20480x128xf32, #tpu.memory_space<hbm>> -> memref<80x128xf32, #tpu.memory_space<hbm>>
    tpu.wait_dma2 semaphore(%arg23 : memref<!tpu.dma_semaphore, #tpu.memory_space<semaphore_mem>>) src(%arg15 : memref<80x128xf32, #tpu.memory_space<vmem>>) dst(%dma_wait3A_325 : memref<80x128xf32, #tpu.memory_space<hbm>>)
    return
  }
}

#map = affine_map<(d0, d1) -> (0, 0)>
#map1 = affine_map<(d0, d1) -> (0, 0, 0)>
module attributes {stable_mosaic.version = 14 : i64} {
  func.func @_gather_sc(%arg0: i32, %arg1: i32, %arg2: memref<10240x128xf32, #tpu.memory_space<hbm>>, %arg3: memref<32x16x128xi32, #tpu.memory_space<hbm>>, %arg4: memref<32x16x128xi32, #tpu.memory_space<hbm>>, %arg5: memref<65536x128xf32, #tpu.memory_space<hbm>>, %arg6: memref<65536x128xf32, #tpu.memory_space<hbm>>, %arg7: memref<16x128xi32, #tpu.memory_space<vmem>>, %arg8: memref<16x128xi32, #tpu.memory_space<vmem>>, %arg9: memref<128x128xf32, #tpu.memory_space<vmem>>, %arg10: memref<128x128xf32, #tpu.memory_space<vmem>>, %arg11: memref<128x128xf32, #tpu.memory_space<vmem>>, %arg12: memref<128x128xf32, #tpu.memory_space<vmem>>, %arg13: memref<!tpu.dma_semaphore, #tpu.memory_space<semaphore_mem>>, %arg14: memref<!tpu.dma_semaphore, #tpu.memory_space<semaphore_mem>>, %arg15: memref<!tpu.dma_semaphore, #tpu.memory_space<semaphore_mem>>, %arg16: memref<!tpu.dma_semaphore, #tpu.memory_space<semaphore_mem>>, %arg17: memref<!tpu.dma_semaphore, #tpu.memory_space<semaphore_mem>>, %arg18: memref<!tpu.dma_semaphore, #tpu.memory_space<semaphore_mem>>, %arg19: memref<!tpu.dma_semaphore, #tpu.memory_space<semaphore_mem>>, %arg20: memref<!tpu.dma_semaphore, #tpu.memory_space<semaphore_mem>>) attributes {dimension_semantics = [#tpu.dimension_semantics<core_parallel>, #tpu.dimension_semantics<subcore_parallel>], iteration_bounds = array<i64: 2, 16>, scalar_prefetch = 0 : i64, scratch_operands = 14 : i64, tpu.core_type = #tpu.core_type<sc_vector_subcore>, window_params = [{transform_indices = #map}, {transform_indices = #map1}, {transform_indices = #map1}, {transform_indices = #map}, {transform_indices = #map}]} {
    %mul3A = arith.constant 16 : i32
    %mul3A_0 = arith.muli %arg0, %mul3A : i32
    %add3A = arith.addi %mul3A_0, %arg1 : i32
    "tpu.region"() ({
      %run_scoped3A = tpu.sem_alloc : memref<!tpu.dma_semaphore, #tpu.memory_space<semaphore_mem>>
      %dma_start3A_42 = arith.constant 0 : i32
      %dma_start3A_43 = arith.constant 0 : i32
      %dma_start3A_44 = tpu.memref_slice %arg3[%add3A, %dma_start3A_42, %dma_start3A_43] : memref<32x16x128xi32, #tpu.memory_space<hbm>> -> memref<1x16x128xi32, #tpu.memory_space<hbm>>
      %dma_start3A_45 = tpu.memref_squeeze %dma_start3A_44 : memref<1x16x128xi32, #tpu.memory_space<hbm>> -> memref<16x128xi32, #tpu.memory_space<hbm>>
      %dma_start3A_46 = arith.constant 0 : i32
      %dma_start3A_47 = arith.constant 0 : i32
      %dma_start3A_48 = tpu.memref_slice %arg3[%add3A, %dma_start3A_46, %dma_start3A_47] : memref<32x16x128xi32, #tpu.memory_space<hbm>> -> memref<1x16x128xi32, #tpu.memory_space<hbm>>
      %dma_start3A_49 = tpu.memref_squeeze %dma_start3A_48 : memref<1x16x128xi32, #tpu.memory_space<hbm>> -> memref<16x128xi32, #tpu.memory_space<hbm>>
      tpu.enqueue_dma source(%dma_start3A_49 : memref<16x128xi32, #tpu.memory_space<hbm>>) target(%arg7 : memref<16x128xi32, #tpu.memory_space<vmem>>) target_semaphore(%run_scoped3A : memref<!tpu.dma_semaphore, #tpu.memory_space<semaphore_mem>>)
      %dma_wait3A_50 = arith.constant 0 : i32
      %dma_wait3A_51 = arith.constant 0 : i32
      %dma_wait3A_52 = tpu.memref_slice %arg3[%add3A, %dma_wait3A_50, %dma_wait3A_51] : memref<32x16x128xi32, #tpu.memory_space<hbm>> -> memref<1x16x128xi32, #tpu.memory_space<hbm>>
      %dma_wait3A_53 = tpu.memref_squeeze %dma_wait3A_52 : memref<1x16x128xi32, #tpu.memory_space<hbm>> -> memref<16x128xi32, #tpu.memory_space<hbm>>
      %dma_wait3A_54 = arith.constant 0 : i32
      %dma_wait3A_55 = arith.constant 0 : i32
      %dma_wait3A_56 = tpu.memref_slice %arg3[%add3A, %dma_wait3A_54, %dma_wait3A_55] : memref<32x16x128xi32, #tpu.memory_space<hbm>> -> memref<1x16x128xi32, #tpu.memory_space<hbm>>
      %dma_wait3A_57 = tpu.memref_squeeze %dma_wait3A_56 : memref<1x16x128xi32, #tpu.memory_space<hbm>> -> memref<16x128xi32, #tpu.memory_space<hbm>>
      tpu.wait_dma2 semaphore(%run_scoped3A : memref<!tpu.dma_semaphore, #tpu.memory_space<semaphore_mem>>) src(%dma_wait3A_57 : memref<16x128xi32, #tpu.memory_space<hbm>>) dst(%arg7 : memref<16x128xi32, #tpu.memory_space<vmem>>)
      tpu.yield
    }) : () -> ()
    "tpu.region"() ({
      %run_scoped3A = tpu.sem_alloc : memref<!tpu.dma_semaphore, #tpu.memory_space<semaphore_mem>>
      %dma_start3A_42 = arith.constant 0 : i32
      %dma_start3A_43 = arith.constant 0 : i32
      %dma_start3A_44 = tpu.memref_slice %arg4[%add3A, %dma_start3A_42, %dma_start3A_43] : memref<32x16x128xi32, #tpu.memory_space<hbm>> -> memref<1x16x128xi32, #tpu.memory_space<hbm>>
      %dma_start3A_45 = tpu.memref_squeeze %dma_start3A_44 : memref<1x16x128xi32, #tpu.memory_space<hbm>> -> memref<16x128xi32, #tpu.memory_space<hbm>>
      %dma_start3A_46 = arith.constant 0 : i32
      %dma_start3A_47 = arith.constant 0 : i32
      %dma_start3A_48 = tpu.memref_slice %arg4[%add3A, %dma_start3A_46, %dma_start3A_47] : memref<32x16x128xi32, #tpu.memory_space<hbm>> -> memref<1x16x128xi32, #tpu.memory_space<hbm>>
      %dma_start3A_49 = tpu.memref_squeeze %dma_start3A_48 : memref<1x16x128xi32, #tpu.memory_space<hbm>> -> memref<16x128xi32, #tpu.memory_space<hbm>>
      tpu.enqueue_dma source(%dma_start3A_49 : memref<16x128xi32, #tpu.memory_space<hbm>>) target(%arg8 : memref<16x128xi32, #tpu.memory_space<vmem>>) target_semaphore(%run_scoped3A : memref<!tpu.dma_semaphore, #tpu.memory_space<semaphore_mem>>)
      %dma_wait3A_50 = arith.constant 0 : i32
      %dma_wait3A_51 = arith.constant 0 : i32
      %dma_wait3A_52 = tpu.memref_slice %arg4[%add3A, %dma_wait3A_50, %dma_wait3A_51] : memref<32x16x128xi32, #tpu.memory_space<hbm>> -> memref<1x16x128xi32, #tpu.memory_space<hbm>>
      %dma_wait3A_53 = tpu.memref_squeeze %dma_wait3A_52 : memref<1x16x128xi32, #tpu.memory_space<hbm>> -> memref<16x128xi32, #tpu.memory_space<hbm>>
      %dma_wait3A_54 = arith.constant 0 : i32
      %dma_wait3A_55 = arith.constant 0 : i32
      %dma_wait3A_56 = tpu.memref_slice %arg4[%add3A, %dma_wait3A_54, %dma_wait3A_55] : memref<32x16x128xi32, #tpu.memory_space<hbm>> -> memref<1x16x128xi32, #tpu.memory_space<hbm>>
      %dma_wait3A_57 = tpu.memref_squeeze %dma_wait3A_56 : memref<1x16x128xi32, #tpu.memory_space<hbm>> -> memref<16x128xi32, #tpu.memory_space<hbm>>
      tpu.wait_dma2 semaphore(%run_scoped3A : memref<!tpu.dma_semaphore, #tpu.memory_space<semaphore_mem>>) src(%dma_wait3A_57 : memref<16x128xi32, #tpu.memory_space<hbm>>) dst(%arg8 : memref<16x128xi32, #tpu.memory_space<vmem>>)
      tpu.yield
    }) : () -> ()
    %dma_start3A = arith.constant 0 : i32
    %dma_start3A_1 = arith.constant 0 : i32
    %dma_start3A_2 = tpu.memref_slice %arg7[%dma_start3A, %dma_start3A_1] : memref<16x128xi32, #tpu.memory_space<vmem>> -> memref<1x128xi32, #tpu.memory_space<vmem>>
    %dma_start3A_3 = tpu.memref_squeeze %dma_start3A_2 : memref<1x128xi32, #tpu.memory_space<vmem>> -> memref<128xi32, #tpu.memory_space<vmem>>
    %dma_start3A_4 = arith.constant 0 : i32
    %dma_start3A_5 = arith.constant 0 : i32
    %dma_start3A_6 = tpu.memref_slice %arg2[%dma_start3A_4, %dma_start3A_5] : memref<10240x128xf32, #tpu.memory_space<hbm>> -> memref<10240x128xf32, #tpu.memory_space<hbm>>
    tpu.enqueue_indirect_dma source(%dma_start3A_6 : memref<10240x128xf32, #tpu.memory_space<hbm>>) target(%arg9 : memref<128x128xf32, #tpu.memory_space<vmem>>) offsets(%dma_start3A_3 : memref<128xi32, #tpu.memory_space<vmem>>) semaphore(%arg13 : memref<!tpu.dma_semaphore, #tpu.memory_space<semaphore_mem>>)
    %dma_start3A_7 = arith.constant 0 : i32
    %dma_start3A_8 = arith.constant 0 : i32
    %dma_start3A_9 = tpu.memref_slice %arg8[%dma_start3A_7, %dma_start3A_8] : memref<16x128xi32, #tpu.memory_space<vmem>> -> memref<1x128xi32, #tpu.memory_space<vmem>>
    %dma_start3A_10 = tpu.memref_squeeze %dma_start3A_9 : memref<1x128xi32, #tpu.memory_space<vmem>> -> memref<128xi32, #tpu.memory_space<vmem>>
    %dma_start3A_11 = arith.constant 0 : i32
    %dma_start3A_12 = arith.constant 0 : i32
    %dma_start3A_13 = tpu.memref_slice %arg2[%dma_start3A_11, %dma_start3A_12] : memref<10240x128xf32, #tpu.memory_space<hbm>> -> memref<10240x128xf32, #tpu.memory_space<hbm>>
    tpu.enqueue_indirect_dma source(%dma_start3A_13 : memref<10240x128xf32, #tpu.memory_space<hbm>>) target(%arg11 : memref<128x128xf32, #tpu.memory_space<vmem>>) offsets(%dma_start3A_10 : memref<128xi32, #tpu.memory_space<vmem>>) semaphore(%arg15 : memref<!tpu.dma_semaphore, #tpu.memory_space<semaphore_mem>>)
    %scan3A = arith.constant 0 : i32
    %scan3A_14 = arith.constant 0 : i32
    %scan3A_15 = arith.constant 8 : i32
    %scan3A_16 = arith.addi %scan3A_14, %scan3A_15 : i32
    %scan3A_17 = arith.constant 1 : i32
    scf.for %scan3A_42 = %scan3A_14 to %scan3A_16 step %scan3A_17  : i32 {
      %mul3A_43 = arith.constant 2 : i32
      %mul3A_44 = arith.muli %mul3A_43, %scan3A_42 : i32
      %dma_wait3A_45 = arith.constant 0 : i32
      %dma_wait3A_46 = tpu.memref_slice %arg7[%mul3A_44, %dma_wait3A_45] : memref<16x128xi32, #tpu.memory_space<vmem>> -> memref<1x128xi32, #tpu.memory_space<vmem>>
      %dma_wait3A_47 = tpu.memref_squeeze %dma_wait3A_46 : memref<1x128xi32, #tpu.memory_space<vmem>> -> memref<128xi32, #tpu.memory_space<vmem>>
      %dma_wait3A_48 = arith.constant 0 : i32
      %dma_wait3A_49 = arith.constant 0 : i32
      %dma_wait3A_50 = tpu.memref_slice %arg2[%dma_wait3A_48, %dma_wait3A_49] : memref<10240x128xf32, #tpu.memory_space<hbm>> -> memref<10240x128xf32, #tpu.memory_space<hbm>>
      tpu.wait_indirect_dma semaphore(%arg13 : memref<!tpu.dma_semaphore, #tpu.memory_space<semaphore_mem>>) src(%dma_wait3A_50 : memref<10240x128xf32, #tpu.memory_space<hbm>>) dst(%arg9 : memref<128x128xf32, #tpu.memory_space<vmem>>)
      %dma_wait3A_51 = arith.constant 0 : i32
      %dma_wait3A_52 = tpu.memref_slice %arg8[%mul3A_44, %dma_wait3A_51] : memref<16x128xi32, #tpu.memory_space<vmem>> -> memref<1x128xi32, #tpu.memory_space<vmem>>
      %dma_wait3A_53 = tpu.memref_squeeze %dma_wait3A_52 : memref<1x128xi32, #tpu.memory_space<vmem>> -> memref<128xi32, #tpu.memory_space<vmem>>
      %dma_wait3A_54 = arith.constant 0 : i32
      %dma_wait3A_55 = arith.constant 0 : i32
      %dma_wait3A_56 = tpu.memref_slice %arg2[%dma_wait3A_54, %dma_wait3A_55] : memref<10240x128xf32, #tpu.memory_space<hbm>> -> memref<10240x128xf32, #tpu.memory_space<hbm>>
      tpu.wait_indirect_dma semaphore(%arg15 : memref<!tpu.dma_semaphore, #tpu.memory_space<semaphore_mem>>) src(%dma_wait3A_56 : memref<10240x128xf32, #tpu.memory_space<hbm>>) dst(%arg11 : memref<128x128xf32, #tpu.memory_space<vmem>>)
      %add3A_57 = arith.constant 1 : i32
      %add3A_58 = arith.addi %mul3A_44, %add3A_57 : i32
      %lt3A = arith.constant 16 : i32
      %lt3A_59 = arith.cmpi slt, %add3A_58, %lt3A : i32
      %convert_element_type3A = arith.extui %lt3A_59 : i1 to i32
      %cond3A = arith.constant 0 : i32
      %cond3A_60 = arith.cmpi ne, %convert_element_type3A, %cond3A : i32
      scf.if %cond3A_60 {
        %gt3A = arith.constant 0 : i32
        %gt3A_110 = arith.cmpi sgt, %mul3A_44, %gt3A : i32
        %convert_element_type3A_111 = arith.extui %gt3A_110 : i1 to i32
        %cond3A_112 = arith.constant 0 : i32
        %cond3A_113 = arith.cmpi ne, %convert_element_type3A_111, %cond3A_112 : i32
        scf.if %cond3A_113 {
          %sub3A = arith.constant 1 : i32
          %sub3A_130 = arith.subi %mul3A_44, %sub3A : i32
          %mul3A_131 = arith.constant 2048 : i32
          %mul3A_132 = arith.muli %add3A, %mul3A_131 : i32
          %mul3A_133 = arith.constant 128 : i32
          %mul3A_134 = arith.muli %sub3A_130, %mul3A_133 : i32
          %add3A_135 = arith.addi %mul3A_132, %mul3A_134 : i32
          %dma_wait3A_136 = arith.constant 0 : i32
          %dma_wait3A_137 = tpu.memref_slice %arg5[%add3A_135, %dma_wait3A_136] : memref<65536x128xf32, #tpu.memory_space<hbm>> -> memref<128x128xf32, #tpu.memory_space<hbm>>
          %dma_wait3A_138 = arith.constant 0 : i32
          %dma_wait3A_139 = tpu.memref_slice %arg5[%add3A_135, %dma_wait3A_138] : memref<65536x128xf32, #tpu.memory_space<hbm>> -> memref<128x128xf32, #tpu.memory_space<hbm>>
          tpu.wait_dma2 semaphore(%arg18 : memref<!tpu.dma_semaphore, #tpu.memory_space<semaphore_mem>>) src(%arg10 : memref<128x128xf32, #tpu.memory_space<vmem>>) dst(%dma_wait3A_139 : memref<128x128xf32, #tpu.memory_space<hbm>>)
          %dma_wait3A_140 = arith.constant 0 : i32
          %dma_wait3A_141 = tpu.memref_slice %arg6[%add3A_135, %dma_wait3A_140] : memref<65536x128xf32, #tpu.memory_space<hbm>> -> memref<128x128xf32, #tpu.memory_space<hbm>>
          %dma_wait3A_142 = arith.constant 0 : i32
          %dma_wait3A_143 = tpu.memref_slice %arg6[%add3A_135, %dma_wait3A_142] : memref<65536x128xf32, #tpu.memory_space<hbm>> -> memref<128x128xf32, #tpu.memory_space<hbm>>
          tpu.wait_dma2 semaphore(%arg20 : memref<!tpu.dma_semaphore, #tpu.memory_space<semaphore_mem>>) src(%arg12 : memref<128x128xf32, #tpu.memory_space<vmem>>) dst(%dma_wait3A_143 : memref<128x128xf32, #tpu.memory_space<hbm>>)
        } else {
        }
        %add3A_114 = arith.constant 1 : i32
        %add3A_115 = arith.addi %mul3A_44, %add3A_114 : i32
        %dma_start3A_116 = arith.constant 0 : i32
        %dma_start3A_117 = tpu.memref_slice %arg7[%add3A_115, %dma_start3A_116] : memref<16x128xi32, #tpu.memory_space<vmem>> -> memref<1x128xi32, #tpu.memory_space<vmem>>
        %dma_start3A_118 = tpu.memref_squeeze %dma_start3A_117 : memref<1x128xi32, #tpu.memory_space<vmem>> -> memref<128xi32, #tpu.memory_space<vmem>>
        %dma_start3A_119 = arith.constant 0 : i32
        %dma_start3A_120 = arith.constant 0 : i32
        %dma_start3A_121 = tpu.memref_slice %arg2[%dma_start3A_119, %dma_start3A_120] : memref<10240x128xf32, #tpu.memory_space<hbm>> -> memref<10240x128xf32, #tpu.memory_space<hbm>>
        tpu.enqueue_indirect_dma source(%dma_start3A_121 : memref<10240x128xf32, #tpu.memory_space<hbm>>) target(%arg10 : memref<128x128xf32, #tpu.memory_space<vmem>>) offsets(%dma_start3A_118 : memref<128xi32, #tpu.memory_space<vmem>>) semaphore(%arg14 : memref<!tpu.dma_semaphore, #tpu.memory_space<semaphore_mem>>)
        %add3A_122 = arith.constant 1 : i32
        %add3A_123 = arith.addi %mul3A_44, %add3A_122 : i32
        %dma_start3A_124 = arith.constant 0 : i32
        %dma_start3A_125 = tpu.memref_slice %arg8[%add3A_123, %dma_start3A_124] : memref<16x128xi32, #tpu.memory_space<vmem>> -> memref<1x128xi32, #tpu.memory_space<vmem>>
        %dma_start3A_126 = tpu.memref_squeeze %dma_start3A_125 : memref<1x128xi32, #tpu.memory_space<vmem>> -> memref<128xi32, #tpu.memory_space<vmem>>
        %dma_start3A_127 = arith.constant 0 : i32
        %dma_start3A_128 = arith.constant 0 : i32
        %dma_start3A_129 = tpu.memref_slice %arg2[%dma_start3A_127, %dma_start3A_128] : memref<10240x128xf32, #tpu.memory_space<hbm>> -> memref<10240x128xf32, #tpu.memory_space<hbm>>
        tpu.enqueue_indirect_dma source(%dma_start3A_129 : memref<10240x128xf32, #tpu.memory_space<hbm>>) target(%arg12 : memref<128x128xf32, #tpu.memory_space<vmem>>) offsets(%dma_start3A_126 : memref<128xi32, #tpu.memory_space<vmem>>) semaphore(%arg16 : memref<!tpu.dma_semaphore, #tpu.memory_space<semaphore_mem>>)
      } else {
      }
      %mul3A_61 = arith.constant 2048 : i32
      %mul3A_62 = arith.muli %add3A, %mul3A_61 : i32
      %mul3A_63 = arith.constant 128 : i32
      %mul3A_64 = arith.muli %mul3A_44, %mul3A_63 : i32
      %add3A_65 = arith.addi %mul3A_62, %mul3A_64 : i32
      %dma_start3A_66 = arith.constant 0 : i32
      %dma_start3A_67 = tpu.memref_slice %arg5[%add3A_65, %dma_start3A_66] : memref<65536x128xf32, #tpu.memory_space<hbm>> -> memref<128x128xf32, #tpu.memory_space<hbm>>
      %dma_start3A_68 = arith.constant 0 : i32
      %dma_start3A_69 = tpu.memref_slice %arg5[%add3A_65, %dma_start3A_68] : memref<65536x128xf32, #tpu.memory_space<hbm>> -> memref<128x128xf32, #tpu.memory_space<hbm>>
      tpu.enqueue_dma source(%arg9 : memref<128x128xf32, #tpu.memory_space<vmem>>) target(%dma_start3A_69 : memref<128x128xf32, #tpu.memory_space<hbm>>) target_semaphore(%arg17 : memref<!tpu.dma_semaphore, #tpu.memory_space<semaphore_mem>>)
      %dma_start3A_70 = arith.constant 0 : i32
      %dma_start3A_71 = tpu.memref_slice %arg6[%add3A_65, %dma_start3A_70] : memref<65536x128xf32, #tpu.memory_space<hbm>> -> memref<128x128xf32, #tpu.memory_space<hbm>>
      %dma_start3A_72 = arith.constant 0 : i32
      %dma_start3A_73 = tpu.memref_slice %arg6[%add3A_65, %dma_start3A_72] : memref<65536x128xf32, #tpu.memory_space<hbm>> -> memref<128x128xf32, #tpu.memory_space<hbm>>
      tpu.enqueue_dma source(%arg11 : memref<128x128xf32, #tpu.memory_space<vmem>>) target(%dma_start3A_73 : memref<128x128xf32, #tpu.memory_space<hbm>>) target_semaphore(%arg19 : memref<!tpu.dma_semaphore, #tpu.memory_space<semaphore_mem>>)
      %mul3A_74 = arith.constant 2 : i32
      %mul3A_75 = arith.muli %mul3A_74, %scan3A_42 : i32
      %add3A_76 = arith.constant 1 : i32
      %add3A_77 = arith.addi %mul3A_75, %add3A_76 : i32
      %dma_wait3A_78 = arith.constant 0 : i32
      %dma_wait3A_79 = tpu.memref_slice %arg7[%add3A_77, %dma_wait3A_78] : memref<16x128xi32, #tpu.memory_space<vmem>> -> memref<1x128xi32, #tpu.memory_space<vmem>>
      %dma_wait3A_80 = tpu.memref_squeeze %dma_wait3A_79 : memref<1x128xi32, #tpu.memory_space<vmem>> -> memref<128xi32, #tpu.memory_space<vmem>>
      %dma_wait3A_81 = arith.constant 0 : i32
      %dma_wait3A_82 = arith.constant 0 : i32
      %dma_wait3A_83 = tpu.memref_slice %arg2[%dma_wait3A_81, %dma_wait3A_82] : memref<10240x128xf32, #tpu.memory_space<hbm>> -> memref<10240x128xf32, #tpu.memory_space<hbm>>
      tpu.wait_indirect_dma semaphore(%arg14 : memref<!tpu.dma_semaphore, #tpu.memory_space<semaphore_mem>>) src(%dma_wait3A_83 : memref<10240x128xf32, #tpu.memory_space<hbm>>) dst(%arg10 : memref<128x128xf32, #tpu.memory_space<vmem>>)
      %dma_wait3A_84 = arith.constant 0 : i32
      %dma_wait3A_85 = tpu.memref_slice %arg8[%add3A_77, %dma_wait3A_84] : memref<16x128xi32, #tpu.memory_space<vmem>> -> memref<1x128xi32, #tpu.memory_space<vmem>>
      %dma_wait3A_86 = tpu.memref_squeeze %dma_wait3A_85 : memref<1x128xi32, #tpu.memory_space<vmem>> -> memref<128xi32, #tpu.memory_space<vmem>>
      %dma_wait3A_87 = arith.constant 0 : i32
      %dma_wait3A_88 = arith.constant 0 : i32
      %dma_wait3A_89 = tpu.memref_slice %arg2[%dma_wait3A_87, %dma_wait3A_88] : memref<10240x128xf32, #tpu.memory_space<hbm>> -> memref<10240x128xf32, #tpu.memory_space<hbm>>
      tpu.wait_indirect_dma semaphore(%arg16 : memref<!tpu.dma_semaphore, #tpu.memory_space<semaphore_mem>>) src(%dma_wait3A_89 : memref<10240x128xf32, #tpu.memory_space<hbm>>) dst(%arg12 : memref<128x128xf32, #tpu.memory_space<vmem>>)
      %add3A_90 = arith.constant 1 : i32
      %add3A_91 = arith.addi %add3A_77, %add3A_90 : i32
      %lt3A_92 = arith.constant 16 : i32
      %lt3A_93 = arith.cmpi slt, %add3A_91, %lt3A_92 : i32
      %convert_element_type3A_94 = arith.extui %lt3A_93 : i1 to i32
      %cond3A_95 = arith.constant 0 : i32
      %cond3A_96 = arith.cmpi ne, %convert_element_type3A_94, %cond3A_95 : i32
      scf.if %cond3A_96 {
        %gt3A = arith.constant 0 : i32
        %gt3A_110 = arith.cmpi sgt, %add3A_77, %gt3A : i32
        %convert_element_type3A_111 = arith.extui %gt3A_110 : i1 to i32
        %cond3A_112 = arith.constant 0 : i32
        %cond3A_113 = arith.cmpi ne, %convert_element_type3A_111, %cond3A_112 : i32
        scf.if %cond3A_113 {
          %sub3A = arith.constant 1 : i32
          %sub3A_130 = arith.subi %add3A_77, %sub3A : i32
          %mul3A_131 = arith.constant 2048 : i32
          %mul3A_132 = arith.muli %add3A, %mul3A_131 : i32
          %mul3A_133 = arith.constant 128 : i32
          %mul3A_134 = arith.muli %sub3A_130, %mul3A_133 : i32
          %add3A_135 = arith.addi %mul3A_132, %mul3A_134 : i32
          %dma_wait3A_136 = arith.constant 0 : i32
          %dma_wait3A_137 = tpu.memref_slice %arg5[%add3A_135, %dma_wait3A_136] : memref<65536x128xf32, #tpu.memory_space<hbm>> -> memref<128x128xf32, #tpu.memory_space<hbm>>
          %dma_wait3A_138 = arith.constant 0 : i32
          %dma_wait3A_139 = tpu.memref_slice %arg5[%add3A_135, %dma_wait3A_138] : memref<65536x128xf32, #tpu.memory_space<hbm>> -> memref<128x128xf32, #tpu.memory_space<hbm>>
          tpu.wait_dma2 semaphore(%arg17 : memref<!tpu.dma_semaphore, #tpu.memory_space<semaphore_mem>>) src(%arg9 : memref<128x128xf32, #tpu.memory_space<vmem>>) dst(%dma_wait3A_139 : memref<128x128xf32, #tpu.memory_space<hbm>>)
          %dma_wait3A_140 = arith.constant 0 : i32
          %dma_wait3A_141 = tpu.memref_slice %arg6[%add3A_135, %dma_wait3A_140] : memref<65536x128xf32, #tpu.memory_space<hbm>> -> memref<128x128xf32, #tpu.memory_space<hbm>>
          %dma_wait3A_142 = arith.constant 0 : i32
          %dma_wait3A_143 = tpu.memref_slice %arg6[%add3A_135, %dma_wait3A_142] : memref<65536x128xf32, #tpu.memory_space<hbm>> -> memref<128x128xf32, #tpu.memory_space<hbm>>
          tpu.wait_dma2 semaphore(%arg19 : memref<!tpu.dma_semaphore, #tpu.memory_space<semaphore_mem>>) src(%arg11 : memref<128x128xf32, #tpu.memory_space<vmem>>) dst(%dma_wait3A_143 : memref<128x128xf32, #tpu.memory_space<hbm>>)
        } else {
        }
        %add3A_114 = arith.constant 1 : i32
        %add3A_115 = arith.addi %add3A_77, %add3A_114 : i32
        %dma_start3A_116 = arith.constant 0 : i32
        %dma_start3A_117 = tpu.memref_slice %arg7[%add3A_115, %dma_start3A_116] : memref<16x128xi32, #tpu.memory_space<vmem>> -> memref<1x128xi32, #tpu.memory_space<vmem>>
        %dma_start3A_118 = tpu.memref_squeeze %dma_start3A_117 : memref<1x128xi32, #tpu.memory_space<vmem>> -> memref<128xi32, #tpu.memory_space<vmem>>
        %dma_start3A_119 = arith.constant 0 : i32
        %dma_start3A_120 = arith.constant 0 : i32
        %dma_start3A_121 = tpu.memref_slice %arg2[%dma_start3A_119, %dma_start3A_120] : memref<10240x128xf32, #tpu.memory_space<hbm>> -> memref<10240x128xf32, #tpu.memory_space<hbm>>
        tpu.enqueue_indirect_dma source(%dma_start3A_121 : memref<10240x128xf32, #tpu.memory_space<hbm>>) target(%arg9 : memref<128x128xf32, #tpu.memory_space<vmem>>) offsets(%dma_start3A_118 : memref<128xi32, #tpu.memory_space<vmem>>) semaphore(%arg13 : memref<!tpu.dma_semaphore, #tpu.memory_space<semaphore_mem>>)
        %add3A_122 = arith.constant 1 : i32
        %add3A_123 = arith.addi %add3A_77, %add3A_122 : i32
        %dma_start3A_124 = arith.constant 0 : i32
        %dma_start3A_125 = tpu.memref_slice %arg8[%add3A_123, %dma_start3A_124] : memref<16x128xi32, #tpu.memory_space<vmem>> -> memref<1x128xi32, #tpu.memory_space<vmem>>
        %dma_start3A_126 = tpu.memref_squeeze %dma_start3A_125 : memref<1x128xi32, #tpu.memory_space<vmem>> -> memref<128xi32, #tpu.memory_space<vmem>>
        %dma_start3A_127 = arith.constant 0 : i32
        %dma_start3A_128 = arith.constant 0 : i32
        %dma_start3A_129 = tpu.memref_slice %arg2[%dma_start3A_127, %dma_start3A_128] : memref<10240x128xf32, #tpu.memory_space<hbm>> -> memref<10240x128xf32, #tpu.memory_space<hbm>>
        tpu.enqueue_indirect_dma source(%dma_start3A_129 : memref<10240x128xf32, #tpu.memory_space<hbm>>) target(%arg11 : memref<128x128xf32, #tpu.memory_space<vmem>>) offsets(%dma_start3A_126 : memref<128xi32, #tpu.memory_space<vmem>>) semaphore(%arg15 : memref<!tpu.dma_semaphore, #tpu.memory_space<semaphore_mem>>)
      } else {
      }
      %mul3A_97 = arith.constant 2048 : i32
      %mul3A_98 = arith.muli %add3A, %mul3A_97 : i32
      %mul3A_99 = arith.constant 128 : i32
      %mul3A_100 = arith.muli %add3A_77, %mul3A_99 : i32
      %add3A_101 = arith.addi %mul3A_98, %mul3A_100 : i32
      %dma_start3A_102 = arith.constant 0 : i32
      %dma_start3A_103 = tpu.memref_slice %arg5[%add3A_101, %dma_start3A_102] : memref<65536x128xf32, #tpu.memory_space<hbm>> -> memref<128x128xf32, #tpu.memory_space<hbm>>
      %dma_start3A_104 = arith.constant 0 : i32
      %dma_start3A_105 = tpu.memref_slice %arg5[%add3A_101, %dma_start3A_104] : memref<65536x128xf32, #tpu.memory_space<hbm>> -> memref<128x128xf32, #tpu.memory_space<hbm>>
      tpu.enqueue_dma source(%arg10 : memref<128x128xf32, #tpu.memory_space<vmem>>) target(%dma_start3A_105 : memref<128x128xf32, #tpu.memory_space<hbm>>) target_semaphore(%arg18 : memref<!tpu.dma_semaphore, #tpu.memory_space<semaphore_mem>>)
      %dma_start3A_106 = arith.constant 0 : i32
      %dma_start3A_107 = tpu.memref_slice %arg6[%add3A_101, %dma_start3A_106] : memref<65536x128xf32, #tpu.memory_space<hbm>> -> memref<128x128xf32, #tpu.memory_space<hbm>>
      %dma_start3A_108 = arith.constant 0 : i32
      %dma_start3A_109 = tpu.memref_slice %arg6[%add3A_101, %dma_start3A_108] : memref<65536x128xf32, #tpu.memory_space<hbm>> -> memref<128x128xf32, #tpu.memory_space<hbm>>
      tpu.enqueue_dma source(%arg12 : memref<128x128xf32, #tpu.memory_space<vmem>>) target(%dma_start3A_109 : memref<128x128xf32, #tpu.memory_space<hbm>>) target_semaphore(%arg20 : memref<!tpu.dma_semaphore, #tpu.memory_space<semaphore_mem>>)
    }
    %scan3A_18 = arith.constant 8 : i32
    %mul3A_19 = arith.constant 2048 : i32
    %mul3A_20 = arith.muli %add3A, %mul3A_19 : i32
    %add3A_21 = arith.constant 1792 : i32
    %add3A_22 = arith.addi %mul3A_20, %add3A_21 : i32
    %dma_wait3A = arith.constant 0 : i32
    %dma_wait3A_23 = tpu.memref_slice %arg5[%add3A_22, %dma_wait3A] : memref<65536x128xf32, #tpu.memory_space<hbm>> -> memref<128x128xf32, #tpu.memory_space<hbm>>
    %dma_wait3A_24 = arith.constant 0 : i32
    %dma_wait3A_25 = tpu.memref_slice %arg5[%add3A_22, %dma_wait3A_24] : memref<65536x128xf32, #tpu.memory_space<hbm>> -> memref<128x128xf32, #tpu.memory_space<hbm>>
    tpu.wait_dma2 semaphore(%arg17 : memref<!tpu.dma_semaphore, #tpu.memory_space<semaphore_mem>>) src(%arg9 : memref<128x128xf32, #tpu.memory_space<vmem>>) dst(%dma_wait3A_25 : memref<128x128xf32, #tpu.memory_space<hbm>>)
    %dma_wait3A_26 = arith.constant 0 : i32
    %dma_wait3A_27 = tpu.memref_slice %arg6[%add3A_22, %dma_wait3A_26] : memref<65536x128xf32, #tpu.memory_space<hbm>> -> memref<128x128xf32, #tpu.memory_space<hbm>>
    %dma_wait3A_28 = arith.constant 0 : i32
    %dma_wait3A_29 = tpu.memref_slice %arg6[%add3A_22, %dma_wait3A_28] : memref<65536x128xf32, #tpu.memory_space<hbm>> -> memref<128x128xf32, #tpu.memory_space<hbm>>
    tpu.wait_dma2 semaphore(%arg19 : memref<!tpu.dma_semaphore, #tpu.memory_space<semaphore_mem>>) src(%arg11 : memref<128x128xf32, #tpu.memory_space<vmem>>) dst(%dma_wait3A_29 : memref<128x128xf32, #tpu.memory_space<hbm>>)
    %mul3A_30 = arith.constant 2048 : i32
    %mul3A_31 = arith.muli %add3A, %mul3A_30 : i32
    %add3A_32 = arith.constant 1920 : i32
    %add3A_33 = arith.addi %mul3A_31, %add3A_32 : i32
    %dma_wait3A_34 = arith.constant 0 : i32
    %dma_wait3A_35 = tpu.memref_slice %arg5[%add3A_33, %dma_wait3A_34] : memref<65536x128xf32, #tpu.memory_space<hbm>> -> memref<128x128xf32, #tpu.memory_space<hbm>>
    %dma_wait3A_36 = arith.constant 0 : i32
    %dma_wait3A_37 = tpu.memref_slice %arg5[%add3A_33, %dma_wait3A_36] : memref<65536x128xf32, #tpu.memory_space<hbm>> -> memref<128x128xf32, #tpu.memory_space<hbm>>
    tpu.wait_dma2 semaphore(%arg18 : memref<!tpu.dma_semaphore, #tpu.memory_space<semaphore_mem>>) src(%arg10 : memref<128x128xf32, #tpu.memory_space<vmem>>) dst(%dma_wait3A_37 : memref<128x128xf32, #tpu.memory_space<hbm>>)
    %dma_wait3A_38 = arith.constant 0 : i32
    %dma_wait3A_39 = tpu.memref_slice %arg6[%add3A_33, %dma_wait3A_38] : memref<65536x128xf32, #tpu.memory_space<hbm>> -> memref<128x128xf32, #tpu.memory_space<hbm>>
    %dma_wait3A_40 = arith.constant 0 : i32
    %dma_wait3A_41 = tpu.memref_slice %arg6[%add3A_33, %dma_wait3A_40] : memref<65536x128xf32, #tpu.memory_space<hbm>> -> memref<128x128xf32, #tpu.memory_space<hbm>>
    tpu.wait_dma2 semaphore(%arg20 : memref<!tpu.dma_semaphore, #tpu.memory_space<semaphore_mem>>) src(%arg12 : memref<128x128xf32, #tpu.memory_space<vmem>>) dst(%dma_wait3A_41 : memref<128x128xf32, #tpu.memory_space<hbm>>)
    return
  }
}

module attributes {stable_mosaic.version = 14 : i64} {
  func.func @_mid_body(%arg0: memref<20480x128xf32, #tpu.memory_space<vmem>>, %arg1: memref<2x10240xf32, #tpu.memory_space<vmem>>, %arg2: memref<128x128xf32, #tpu.memory_space<vmem>>, %arg3: memref<1x128xf32, #tpu.memory_space<vmem>>, %arg4: memref<1x128xf32, #tpu.memory_space<vmem>>, %arg5: memref<10240x128xf32, #tpu.memory_space<vmem>>, %arg6: memref<1x10240xf32, #tpu.memory_space<vmem>>, %arg7: memref<1x10240xf32, #tpu.memory_space<vmem>>, %arg8: memref<1x16xf32, #tpu.memory_space<vmem>>) attributes {dimension_semantics = [], scalar_prefetch = 0 : i64, scratch_operands = 0 : i64, tpu.core_type = #tpu.core_type<tc>} {
    %get3A = arith.constant 0 : index
    %get3A_0 = arith.constant 0 : index
    %get3A_1 = vector.load %arg0[%get3A, %get3A_0] : memref<20480x128xf32, #tpu.memory_space<vmem>>, vector<20480x128xf32>
    %get3A_2 = arith.constant 0 : index
    %get3A_3 = arith.constant 0 : index
    %get3A_4 = vector.load %arg1[%get3A_2, %get3A_3] : memref<2x10240xf32, #tpu.memory_space<vmem>>, vector<2x10240xf32>
    %slice3A = vector.extract_strided_slice %get3A_1 {offsets = [0, 0], sizes = [10240, 128], strides = [1, 1]} : vector<20480x128xf32> to vector<10240x128xf32>
    %slice3A_5 = vector.extract_strided_slice %get3A_1 {offsets = [10240, 0], sizes = [10240, 128], strides = [1, 1]} : vector<20480x128xf32> to vector<10240x128xf32>
    %add3A = arith.addf %slice3A, %slice3A_5 : vector<10240x128xf32>
    %slice3A_6 = vector.extract_strided_slice %get3A_4 {offsets = [0, 0], sizes = [1, 10240], strides = [1, 1]} : vector<2x10240xf32> to vector<1x10240xf32>
    %slice3A_7 = vector.extract_strided_slice %get3A_4 {offsets = [1, 0], sizes = [1, 10240], strides = [1, 1]} : vector<2x10240xf32> to vector<1x10240xf32>
    %add3A_8 = arith.addf %slice3A_6, %slice3A_7 : vector<1x10240xf32>
    %reshape3A = vector.shape_cast %add3A_8 : vector<1x10240xf32> to vector<10240x1xf32>
    %ne3A = arith.constant 0.000000e+00 : f32
    %ne3A_9 = vector.broadcast %ne3A : f32 to vector<10240x1xf32>
    %ne3A_10 = arith.cmpf one, %reshape3A, %ne3A_9 : vector<10240x1xf32>
    %div3A = vector.broadcast %reshape3A : vector<10240x1xf32> to vector<10240x128xf32>
    %div3A_11 = arith.divf %add3A, %div3A : vector<10240x128xf32>
    %jit3A = arith.constant 0.000000e+00 : f32
    %broadcast_in_dim3A = vector.shape_cast %ne3A_10 : vector<10240x1xi1> to vector<10240x1xi1>
    %broadcast_in_dim3A_12 = vector.broadcast %broadcast_in_dim3A : vector<10240x1xi1> to vector<10240x128xi1>
    %broadcast_in_dim3A_13 = vector.broadcast %jit3A : f32 to vector<10240x128xf32>
    %select_n3A = arith.select %broadcast_in_dim3A_12, %div3A_11, %broadcast_in_dim3A_13 : vector<10240x128xi1>, vector<10240x128xf32>
    %logistic3A = arith.negf %select_n3A : vector<10240x128xf32>
    %logistic3A_14 = math.exp %logistic3A : vector<10240x128xf32>
    %logistic3A_15 = arith.constant 1.000000e+00 : f32
    %logistic3A_16 = vector.broadcast %logistic3A_15 : f32 to vector<10240x128xf32>
    %logistic3A_17 = arith.addf %logistic3A_16, %logistic3A_14 : vector<10240x128xf32>
    %logistic3A_18 = arith.divf %logistic3A_16, %logistic3A_17 : vector<10240x128xf32>
    %mul3A = arith.mulf %select_n3A, %logistic3A_18 : vector<10240x128xf32>
    %get3A_19 = arith.constant 0 : index
    %get3A_20 = arith.constant 0 : index
    %get3A_21 = vector.load %arg2[%get3A_19, %get3A_20] : memref<128x128xf32, #tpu.memory_space<vmem>>, vector<128x128xf32>
    %dot_general3A = arith.constant dense<0.000000e+00> : vector<10240x128xf32>
    %dot_general3A_22 = tpu.matmul %mul3A, %get3A_21, %dot_general3A {dimension_numbers = #tpu.dot_dimension_numbers<[1], [0], [0], [1], [0, 0, 1, 1], [], []>, transpose_lhs_hint = false} : vector<10240x128xf32>, vector<128x128xf32>, vector<10240x128xf32> -> vector<10240x128xf32>
    %get3A_23 = arith.constant 0 : index
    %get3A_24 = arith.constant 0 : index
    %get3A_25 = vector.load %arg3[%get3A_23, %get3A_24] : memref<1x128xf32, #tpu.memory_space<vmem>>, vector<1x128xf32>
    %get3A_26 = arith.constant 0 : index
    %get3A_27 = arith.constant 0 : index
    %get3A_28 = vector.load %arg4[%get3A_26, %get3A_27] : memref<1x128xf32, #tpu.memory_space<vmem>>, vector<1x128xf32>
    %dot_general3A_29 = arith.constant dense<0.000000e+00> : vector<1x10240xf32>
    %dot_general3A_30 = tpu.matmul %get3A_25, %dot_general3A_22, %dot_general3A_29 {dimension_numbers = #tpu.dot_dimension_numbers<[1], [1], [0], [0], [0, 0, 1, 0], [], []>, transpose_lhs_hint = false} : vector<1x128xf32>, vector<10240x128xf32>, vector<1x10240xf32> -> vector<1x10240xf32>
    %dot_general3A_31 = arith.constant dense<0.000000e+00> : vector<1x10240xf32>
    %dot_general3A_32 = tpu.matmul %get3A_28, %dot_general3A_22, %dot_general3A_31 {dimension_numbers = #tpu.dot_dimension_numbers<[1], [1], [0], [0], [0, 0, 1, 0], [], []>, transpose_lhs_hint = false} : vector<1x128xf32>, vector<10240x128xf32>, vector<1x10240xf32> -> vector<1x10240xf32>
    %reduce_max3A = vector.shape_cast %dot_general3A_30 : vector<1x10240xf32> to vector<1x1x10240xf32>
    %reduce_max3A_33 = arith.constant dense<0xFF800000> : vector<1xf32>
    %reduce_max3A_34 = vector.multi_reduction <maximumf>, %reduce_max3A, %reduce_max3A_33 [1, 2] : vector<1x1x10240xf32> to vector<1xf32>
    %reduce_max3A_35 = vector.shape_cast %reduce_max3A_34 : vector<1xf32> to vector<1x1x1xf32>
    %reduce_max3A_36 = vector.extract %reduce_max3A_35[0, 0, 0] : f32 from vector<1x1x1xf32>
    %broadcast_in_dim3A_37 = vector.broadcast %reduce_max3A_36 : f32 to vector<1x16xf32>
    %swap3A = arith.constant 0 : index
    %swap3A_38 = arith.constant 0 : index
    %swap3A_39 = vector.load %arg5[%swap3A, %swap3A_38] : memref<10240x128xf32, #tpu.memory_space<vmem>>, vector<10240x128xf32>
    tpu.vector_store %arg5[%swap3A, %swap3A_38], %dot_general3A_22 {strides = array<i32>} : memref<10240x128xf32, #tpu.memory_space<vmem>>, vector<10240x128xf32>,
    %swap3A_40 = arith.constant 0 : index
    %swap3A_41 = arith.constant 0 : index
    %swap3A_42 = vector.load %arg6[%swap3A_40, %swap3A_41] : memref<1x10240xf32, #tpu.memory_space<vmem>>, vector<1x10240xf32>
    tpu.vector_store %arg6[%swap3A_40, %swap3A_41], %dot_general3A_30 {strides = array<i32>} : memref<1x10240xf32, #tpu.memory_space<vmem>>, vector<1x10240xf32>,
    %swap3A_43 = arith.constant 0 : index
    %swap3A_44 = arith.constant 0 : index
    %swap3A_45 = vector.load %arg7[%swap3A_43, %swap3A_44] : memref<1x10240xf32, #tpu.memory_space<vmem>>, vector<1x10240xf32>
    tpu.vector_store %arg7[%swap3A_43, %swap3A_44], %dot_general3A_32 {strides = array<i32>} : memref<1x10240xf32, #tpu.memory_space<vmem>>, vector<1x10240xf32>,
    %swap3A_46 = arith.constant 0 : index
    %swap3A_47 = arith.constant 0 : index
    %swap3A_48 = vector.load %arg8[%swap3A_46, %swap3A_47] : memref<1x16xf32, #tpu.memory_space<vmem>>, vector<1x16xf32>
    tpu.vector_store %arg8[%swap3A_46, %swap3A_47], %broadcast_in_dim3A_37 {strides = array<i32>} : memref<1x16xf32, #tpu.memory_space<vmem>>, vector<1x16xf32>,
    return
  }
}

module attributes {stable_mosaic.version = 14 : i64} {
  func.func @_prep1_body(%arg0: memref<10240x128xf32, #tpu.memory_space<vmem>>, %arg1: memref<128x128xf32, #tpu.memory_space<vmem>>, %arg2: memref<1x128xf32, #tpu.memory_space<vmem>>, %arg3: memref<1x128xf32, #tpu.memory_space<vmem>>, %arg4: memref<10240x128xf32, #tpu.memory_space<vmem>>, %arg5: memref<1x10240xf32, #tpu.memory_space<vmem>>, %arg6: memref<1x10240xf32, #tpu.memory_space<vmem>>, %arg7: memref<1x16xf32, #tpu.memory_space<vmem>>) attributes {dimension_semantics = [], scalar_prefetch = 0 : i64, scratch_operands = 0 : i64, tpu.core_type = #tpu.core_type<tc>} {
    %get3A = arith.constant 0 : index
    %get3A_0 = arith.constant 0 : index
    %get3A_1 = vector.load %arg0[%get3A, %get3A_0] : memref<10240x128xf32, #tpu.memory_space<vmem>>, vector<10240x128xf32>
    %get3A_2 = arith.constant 0 : index
    %get3A_3 = arith.constant 0 : index
    %get3A_4 = vector.load %arg1[%get3A_2, %get3A_3] : memref<128x128xf32, #tpu.memory_space<vmem>>, vector<128x128xf32>
    %dot_general3A = arith.constant dense<0.000000e+00> : vector<10240x128xf32>
    %dot_general3A_5 = tpu.matmul %get3A_1, %get3A_4, %dot_general3A {dimension_numbers = #tpu.dot_dimension_numbers<[1], [0], [0], [1], [0, 0, 1, 1], [], []>, transpose_lhs_hint = false} : vector<10240x128xf32>, vector<128x128xf32>, vector<10240x128xf32> -> vector<10240x128xf32>
    %get3A_6 = arith.constant 0 : index
    %get3A_7 = arith.constant 0 : index
    %get3A_8 = vector.load %arg2[%get3A_6, %get3A_7] : memref<1x128xf32, #tpu.memory_space<vmem>>, vector<1x128xf32>
    %get3A_9 = arith.constant 0 : index
    %get3A_10 = arith.constant 0 : index
    %get3A_11 = vector.load %arg3[%get3A_9, %get3A_10] : memref<1x128xf32, #tpu.memory_space<vmem>>, vector<1x128xf32>
    %dot_general3A_12 = arith.constant dense<0.000000e+00> : vector<1x10240xf32>
    %dot_general3A_13 = tpu.matmul %get3A_8, %dot_general3A_5, %dot_general3A_12 {dimension_numbers = #tpu.dot_dimension_numbers<[1], [1], [0], [0], [0, 0, 1, 0], [], []>, transpose_lhs_hint = false} : vector<1x128xf32>, vector<10240x128xf32>, vector<1x10240xf32> -> vector<1x10240xf32>
    %dot_general3A_14 = arith.constant dense<0.000000e+00> : vector<1x10240xf32>
    %dot_general3A_15 = tpu.matmul %get3A_11, %dot_general3A_5, %dot_general3A_14 {dimension_numbers = #tpu.dot_dimension_numbers<[1], [1], [0], [0], [0, 0, 1, 0], [], []>, transpose_lhs_hint = false} : vector<1x128xf32>, vector<10240x128xf32>, vector<1x10240xf32> -> vector<1x10240xf32>
    %reduce_max3A = vector.shape_cast %dot_general3A_13 : vector<1x10240xf32> to vector<1x1x10240xf32>
    %reduce_max3A_16 = arith.constant dense<0xFF800000> : vector<1xf32>
    %reduce_max3A_17 = vector.multi_reduction <maximumf>, %reduce_max3A, %reduce_max3A_16 [1, 2] : vector<1x1x10240xf32> to vector<1xf32>
    %reduce_max3A_18 = vector.shape_cast %reduce_max3A_17 : vector<1xf32> to vector<1x1x1xf32>
    %reduce_max3A_19 = vector.extract %reduce_max3A_18[0, 0, 0] : f32 from vector<1x1x1xf32>
    %broadcast_in_dim3A = vector.broadcast %reduce_max3A_19 : f32 to vector<1x16xf32>
    %swap3A = arith.constant 0 : index
    %swap3A_20 = arith.constant 0 : index
    %swap3A_21 = vector.load %arg4[%swap3A, %swap3A_20] : memref<10240x128xf32, #tpu.memory_space<vmem>>, vector<10240x128xf32>
    tpu.vector_store %arg4[%swap3A, %swap3A_20], %dot_general3A_5 {strides = array<i32>} : memref<10240x128xf32, #tpu.memory_space<vmem>>, vector<10240x128xf32>,
    %swap3A_22 = arith.constant 0 : index
    %swap3A_23 = arith.constant 0 : index
    %swap3A_24 = vector.load %arg5[%swap3A_22, %swap3A_23] : memref<1x10240xf32, #tpu.memory_space<vmem>>, vector<1x10240xf32>
    tpu.vector_store %arg5[%swap3A_22, %swap3A_23], %dot_general3A_13 {strides = array<i32>} : memref<1x10240xf32, #tpu.memory_space<vmem>>, vector<1x10240xf32>,
    %swap3A_25 = arith.constant 0 : index
    %swap3A_26 = arith.constant 0 : index
    %swap3A_27 = vector.load %arg6[%swap3A_25, %swap3A_26] : memref<1x10240xf32, #tpu.memory_space<vmem>>, vector<1x10240xf32>
    tpu.vector_store %arg6[%swap3A_25, %swap3A_26], %dot_general3A_15 {strides = array<i32>} : memref<1x10240xf32, #tpu.memory_space<vmem>>, vector<1x10240xf32>,
    %swap3A_28 = arith.constant 0 : index
    %swap3A_29 = arith.constant 0 : index
    %swap3A_30 = vector.load %arg7[%swap3A_28, %swap3A_29] : memref<1x16xf32, #tpu.memory_space<vmem>>, vector<1x16xf32>
    tpu.vector_store %arg7[%swap3A_28, %swap3A_29], %broadcast_in_dim3A {strides = array<i32>} : memref<1x16xf32, #tpu.memory_space<vmem>>, vector<1x16xf32>,
    return
  }
}

module attributes {stable_mosaic.version = 14 : i64} {
  func.func @_final_body(%arg0: memref<20480x128xf32, #tpu.memory_space<vmem>>, %arg1: memref<2x10240xf32, #tpu.memory_space<vmem>>, %arg2: memref<10240x128xf32, #tpu.memory_space<vmem>>) attributes {dimension_semantics = [], scalar_prefetch = 0 : i64, scratch_operands = 0 : i64, tpu.core_type = #tpu.core_type<tc>} {
    %get3A = arith.constant 0 : index
    %get3A_0 = arith.constant 0 : index
    %get3A_1 = vector.load %arg0[%get3A, %get3A_0] : memref<20480x128xf32, #tpu.memory_space<vmem>>, vector<20480x128xf32>
    %get3A_2 = arith.constant 0 : index
    %get3A_3 = arith.constant 0 : index
    %get3A_4 = vector.load %arg1[%get3A_2, %get3A_3] : memref<2x10240xf32, #tpu.memory_space<vmem>>, vector<2x10240xf32>
    %slice3A = vector.extract_strided_slice %get3A_1 {offsets = [0, 0], sizes = [10240, 128], strides = [1, 1]} : vector<20480x128xf32> to vector<10240x128xf32>
    %slice3A_5 = vector.extract_strided_slice %get3A_1 {offsets = [10240, 0], sizes = [10240, 128], strides = [1, 1]} : vector<20480x128xf32> to vector<10240x128xf32>
    %add3A = arith.addf %slice3A, %slice3A_5 : vector<10240x128xf32>
    %slice3A_6 = vector.extract_strided_slice %get3A_4 {offsets = [0, 0], sizes = [1, 10240], strides = [1, 1]} : vector<2x10240xf32> to vector<1x10240xf32>
    %slice3A_7 = vector.extract_strided_slice %get3A_4 {offsets = [1, 0], sizes = [1, 10240], strides = [1, 1]} : vector<2x10240xf32> to vector<1x10240xf32>
    %add3A_8 = arith.addf %slice3A_6, %slice3A_7 : vector<1x10240xf32>
    %reshape3A = vector.shape_cast %add3A_8 : vector<1x10240xf32> to vector<10240x1xf32>
    %ne3A = arith.constant 0.000000e+00 : f32
    %ne3A_9 = vector.broadcast %ne3A : f32 to vector<10240x1xf32>
    %ne3A_10 = arith.cmpf one, %reshape3A, %ne3A_9 : vector<10240x1xf32>
    %div3A = vector.broadcast %reshape3A : vector<10240x1xf32> to vector<10240x128xf32>
    %div3A_11 = arith.divf %add3A, %div3A : vector<10240x128xf32>
    %jit3A = arith.constant 0.000000e+00 : f32
    %broadcast_in_dim3A = vector.shape_cast %ne3A_10 : vector<10240x1xi1> to vector<10240x1xi1>
    %broadcast_in_dim3A_12 = vector.broadcast %broadcast_in_dim3A : vector<10240x1xi1> to vector<10240x128xi1>
    %broadcast_in_dim3A_13 = vector.broadcast %jit3A : f32 to vector<10240x128xf32>
    %select_n3A = arith.select %broadcast_in_dim3A_12, %div3A_11, %broadcast_in_dim3A_13 : vector<10240x128xi1>, vector<10240x128xf32>
    %swap3A = arith.constant 0 : index
    %swap3A_14 = arith.constant 0 : index
    %swap3A_15 = vector.load %arg2[%swap3A, %swap3A_14] : memref<10240x128xf32, #tpu.memory_space<vmem>>, vector<10240x128xf32>
    tpu.vector_store %arg2[%swap3A, %swap3A_14], %select_n3A {strides = array<i32>} : memref<10240x128xf32, #tpu.memory_space<vmem>>, vector<10240x128xf32>,
    return
  }
}

module attributes {stable_mosaic.version = 14 : i64} {
  func.func @_decode_tc_body(%arg0: i32, %arg1: memref<4096x128xf32, #tpu.memory_space<vmem>>, %arg2: memref<4096x128xf32, #tpu.memory_space<vmem>>, %arg3: memref<32x128xi32, #tpu.memory_space<vmem>>, %arg4: memref<16x128xf32, #tpu.memory_space<vmem>>, %arg5: memref<32x128xf32, #tpu.memory_space<vmem>>) attributes {dimension_semantics = [#tpu.dimension_semantics<arbitrary>], iteration_bounds = array<i64: 16>, scalar_prefetch = 0 : i64, scratch_operands = 0 : i64, tpu.core_type = #tpu.core_type<tc>, window_params = [{transform_indices = @transform_0, window_bounds = array<i64: 4096, 128>}, {transform_indices = @transform_1, window_bounds = array<i64: 4096, 128>}, {transform_indices = @transform_2, window_bounds = array<i64: 32, 128>}, {pipeline_mode = #tpu.pipeline_mode<synchronous>, transform_indices = @transform_3, window_bounds = array<i64: 16, 128>}, {transform_indices = @transform_4, window_bounds = array<i64: 32, 128>}]} {
    %get3A = arith.constant 0 : index
    %get3A_0 = arith.constant 0 : index
    %get3A_1 = vector.load %arg1[%get3A, %get3A_0] : memref<4096x128xf32, #tpu.memory_space<vmem>>, vector<4096x128xf32>
    %get3A_2 = arith.constant 0 : index
    %get3A_3 = arith.constant 0 : index
    %get3A_4 = vector.load %arg2[%get3A_2, %get3A_3] : memref<4096x128xf32, #tpu.memory_space<vmem>>, vector<4096x128xf32>
    %mul3A = arith.mulf %get3A_1, %get3A_4 : vector<4096x128xf32>
    %reshape3A = vector.shape_cast %mul3A : vector<4096x128xf32> to vector<32x128x128xf32>
    %get3A_5 = arith.constant 0 : index
    %get3A_6 = arith.constant 0 : index
    %get3A_7 = vector.load %arg3[%get3A_5, %get3A_6] : memref<32x128xi32, #tpu.memory_space<vmem>>, vector<32x128xi32>
    %broadcast_in_dim3A = arith.constant 0.000000e+00 : f32
    %broadcast_in_dim3A_8 = vector.broadcast %broadcast_in_dim3A : f32 to vector<32x128xf32>
    %get3A_9 = arith.constant 0 : index
    %get3A_10 = arith.constant 0 : index
    %get3A_11 = vector.load %arg4[%get3A_9, %get3A_10] : memref<16x128xf32, #tpu.memory_space<vmem>>, vector<1x128xf32>
    %get3A_12 = vector.shape_cast %get3A_11 : vector<1x128xf32> to vector<128xf32>
    %broadcast_in_dim3A_13 = vector.shape_cast %get3A_12 : vector<128xf32> to vector<1x1x128xf32>
    %mul3A_14 = vector.broadcast %broadcast_in_dim3A_13 : vector<1x1x128xf32> to vector<32x128x128xf32>
    %mul3A_15 = arith.mulf %reshape3A, %mul3A_14 : vector<32x128x128xf32>
    %reduce_sum3A = arith.constant dense<0.000000e+00> : vector<32x128xf32>
    %reduce_sum3A_16 = vector.multi_reduction <add>, %mul3A_15, %reduce_sum3A [2] : vector<32x128x128xf32> to vector<32x128xf32>
    %eq3A = arith.constant 0 : i32
    %eq3A_17 = vector.broadcast %eq3A : i32 to vector<32x128xi32>
    %eq3A_18 = arith.cmpi eq, %get3A_7, %eq3A_17 : vector<32x128xi32>
    %jit3A = arith.constant 0.000000e+00 : f32
    %broadcast_in_dim3A_19 = vector.broadcast %jit3A : f32 to vector<32x128xf32>
    %select_n3A = arith.select %eq3A_18, %reduce_sum3A_16, %broadcast_in_dim3A_19 : vector<32x128xi1>, vector<32x128xf32>
    %add3A = arith.addf %broadcast_in_dim3A_8, %select_n3A : vector<32x128xf32>
    %get3A_20 = arith.constant 1 : index
    %get3A_21 = arith.constant 0 : index
    %get3A_22 = vector.load %arg4[%get3A_20, %get3A_21] : memref<16x128xf32, #tpu.memory_space<vmem>>, vector<1x128xf32>
    %get3A_23 = vector.shape_cast %get3A_22 : vector<1x128xf32> to vector<128xf32>
    %broadcast_in_dim3A_24 = vector.shape_cast %get3A_23 : vector<128xf32> to vector<1x1x128xf32>
    %mul3A_25 = vector.broadcast %broadcast_in_dim3A_24 : vector<1x1x128xf32> to vector<32x128x128xf32>
    %mul3A_26 = arith.mulf %reshape3A, %mul3A_25 : vector<32x128x128xf32>
    %reduce_sum3A_27 = arith.constant dense<0.000000e+00> : vector<32x128xf32>
    %reduce_sum3A_28 = vector.multi_reduction <add>, %mul3A_26, %reduce_sum3A_27 [2] : vector<32x128x128xf32> to vector<32x128xf32>
    %eq3A_29 = arith.constant 1 : i32
    %eq3A_30 = vector.broadcast %eq3A_29 : i32 to vector<32x128xi32>
    %eq3A_31 = arith.cmpi eq, %get3A_7, %eq3A_30 : vector<32x128xi32>
    %jit3A_32 = arith.constant 0.000000e+00 : f32
    %broadcast_in_dim3A_33 = vector.broadcast %jit3A_32 : f32 to vector<32x128xf32>
    %select_n3A_34 = arith.select %eq3A_31, %reduce_sum3A_28, %broadcast_in_dim3A_33 : vector<32x128xi1>, vector<32x128xf32>
    %add3A_35 = arith.addf %add3A, %select_n3A_34 : vector<32x128xf32>
    %get3A_36 = arith.constant 2 : index
    %get3A_37 = arith.constant 0 : index
    %get3A_38 = vector.load %arg4[%get3A_36, %get3A_37] : memref<16x128xf32, #tpu.memory_space<vmem>>, vector<1x128xf32>
    %get3A_39 = vector.shape_cast %get3A_38 : vector<1x128xf32> to vector<128xf32>
    %broadcast_in_dim3A_40 = vector.shape_cast %get3A_39 : vector<128xf32> to vector<1x1x128xf32>
    %mul3A_41 = vector.broadcast %broadcast_in_dim3A_40 : vector<1x1x128xf32> to vector<32x128x128xf32>
    %mul3A_42 = arith.mulf %reshape3A, %mul3A_41 : vector<32x128x128xf32>
    %reduce_sum3A_43 = arith.constant dense<0.000000e+00> : vector<32x128xf32>
    %reduce_sum3A_44 = vector.multi_reduction <add>, %mul3A_42, %reduce_sum3A_43 [2] : vector<32x128x128xf32> to vector<32x128xf32>
    %eq3A_45 = arith.constant 2 : i32
    %eq3A_46 = vector.broadcast %eq3A_45 : i32 to vector<32x128xi32>
    %eq3A_47 = arith.cmpi eq, %get3A_7, %eq3A_46 : vector<32x128xi32>
    %jit3A_48 = arith.constant 0.000000e+00 : f32
    %broadcast_in_dim3A_49 = vector.broadcast %jit3A_48 : f32 to vector<32x128xf32>
    %select_n3A_50 = arith.select %eq3A_47, %reduce_sum3A_44, %broadcast_in_dim3A_49 : vector<32x128xi1>, vector<32x128xf32>
    %add3A_51 = arith.addf %add3A_35, %select_n3A_50 : vector<32x128xf32>
    %get3A_52 = arith.constant 3 : index
    %get3A_53 = arith.constant 0 : index
    %get3A_54 = vector.load %arg4[%get3A_52, %get3A_53] : memref<16x128xf32, #tpu.memory_space<vmem>>, vector<1x128xf32>
    %get3A_55 = vector.shape_cast %get3A_54 : vector<1x128xf32> to vector<128xf32>
    %broadcast_in_dim3A_56 = vector.shape_cast %get3A_55 : vector<128xf32> to vector<1x1x128xf32>
    %mul3A_57 = vector.broadcast %broadcast_in_dim3A_56 : vector<1x1x128xf32> to vector<32x128x128xf32>
    %mul3A_58 = arith.mulf %reshape3A, %mul3A_57 : vector<32x128x128xf32>
    %reduce_sum3A_59 = arith.constant dense<0.000000e+00> : vector<32x128xf32>
    %reduce_sum3A_60 = vector.multi_reduction <add>, %mul3A_58, %reduce_sum3A_59 [2] : vector<32x128x128xf32> to vector<32x128xf32>
    %eq3A_61 = arith.constant 3 : i32
    %eq3A_62 = vector.broadcast %eq3A_61 : i32 to vector<32x128xi32>
    %eq3A_63 = arith.cmpi eq, %get3A_7, %eq3A_62 : vector<32x128xi32>
    %jit3A_64 = arith.constant 0.000000e+00 : f32
    %broadcast_in_dim3A_65 = vector.broadcast %jit3A_64 : f32 to vector<32x128xf32>
    %select_n3A_66 = arith.select %eq3A_63, %reduce_sum3A_60, %broadcast_in_dim3A_65 : vector<32x128xi1>, vector<32x128xf32>
    %add3A_67 = arith.addf %add3A_51, %select_n3A_66 : vector<32x128xf32>
    %get3A_68 = arith.constant 4 : index
    %get3A_69 = arith.constant 0 : index
    %get3A_70 = vector.load %arg4[%get3A_68, %get3A_69] : memref<16x128xf32, #tpu.memory_space<vmem>>, vector<1x128xf32>
    %get3A_71 = vector.shape_cast %get3A_70 : vector<1x128xf32> to vector<128xf32>
    %broadcast_in_dim3A_72 = vector.shape_cast %get3A_71 : vector<128xf32> to vector<1x1x128xf32>
    %mul3A_73 = vector.broadcast %broadcast_in_dim3A_72 : vector<1x1x128xf32> to vector<32x128x128xf32>
    %mul3A_74 = arith.mulf %reshape3A, %mul3A_73 : vector<32x128x128xf32>
    %reduce_sum3A_75 = arith.constant dense<0.000000e+00> : vector<32x128xf32>
    %reduce_sum3A_76 = vector.multi_reduction <add>, %mul3A_74, %reduce_sum3A_75 [2] : vector<32x128x128xf32> to vector<32x128xf32>
    %eq3A_77 = arith.constant 4 : i32
    %eq3A_78 = vector.broadcast %eq3A_77 : i32 to vector<32x128xi32>
    %eq3A_79 = arith.cmpi eq, %get3A_7, %eq3A_78 : vector<32x128xi32>
    %jit3A_80 = arith.constant 0.000000e+00 : f32
    %broadcast_in_dim3A_81 = vector.broadcast %jit3A_80 : f32 to vector<32x128xf32>
    %select_n3A_82 = arith.select %eq3A_79, %reduce_sum3A_76, %broadcast_in_dim3A_81 : vector<32x128xi1>, vector<32x128xf32>
    %add3A_83 = arith.addf %add3A_67, %select_n3A_82 : vector<32x128xf32>
    %get3A_84 = arith.constant 5 : index
    %get3A_85 = arith.constant 0 : index
    %get3A_86 = vector.load %arg4[%get3A_84, %get3A_85] : memref<16x128xf32, #tpu.memory_space<vmem>>, vector<1x128xf32>
    %get3A_87 = vector.shape_cast %get3A_86 : vector<1x128xf32> to vector<128xf32>
    %broadcast_in_dim3A_88 = vector.shape_cast %get3A_87 : vector<128xf32> to vector<1x1x128xf32>
    %mul3A_89 = vector.broadcast %broadcast_in_dim3A_88 : vector<1x1x128xf32> to vector<32x128x128xf32>
    %mul3A_90 = arith.mulf %reshape3A, %mul3A_89 : vector<32x128x128xf32>
    %reduce_sum3A_91 = arith.constant dense<0.000000e+00> : vector<32x128xf32>
    %reduce_sum3A_92 = vector.multi_reduction <add>, %mul3A_90, %reduce_sum3A_91 [2] : vector<32x128x128xf32> to vector<32x128xf32>
    %eq3A_93 = arith.constant 5 : i32
    %eq3A_94 = vector.broadcast %eq3A_93 : i32 to vector<32x128xi32>
    %eq3A_95 = arith.cmpi eq, %get3A_7, %eq3A_94 : vector<32x128xi32>
    %jit3A_96 = arith.constant 0.000000e+00 : f32
    %broadcast_in_dim3A_97 = vector.broadcast %jit3A_96 : f32 to vector<32x128xf32>
    %select_n3A_98 = arith.select %eq3A_95, %reduce_sum3A_92, %broadcast_in_dim3A_97 : vector<32x128xi1>, vector<32x128xf32>
    %add3A_99 = arith.addf %add3A_83, %select_n3A_98 : vector<32x128xf32>
    %get3A_100 = arith.constant 6 : index
    %get3A_101 = arith.constant 0 : index
    %get3A_102 = vector.load %arg4[%get3A_100, %get3A_101] : memref<16x128xf32, #tpu.memory_space<vmem>>, vector<1x128xf32>
    %get3A_103 = vector.shape_cast %get3A_102 : vector<1x128xf32> to vector<128xf32>
    %broadcast_in_dim3A_104 = vector.shape_cast %get3A_103 : vector<128xf32> to vector<1x1x128xf32>
    %mul3A_105 = vector.broadcast %broadcast_in_dim3A_104 : vector<1x1x128xf32> to vector<32x128x128xf32>
    %mul3A_106 = arith.mulf %reshape3A, %mul3A_105 : vector<32x128x128xf32>
    %reduce_sum3A_107 = arith.constant dense<0.000000e+00> : vector<32x128xf32>
    %reduce_sum3A_108 = vector.multi_reduction <add>, %mul3A_106, %reduce_sum3A_107 [2] : vector<32x128x128xf32> to vector<32x128xf32>
    %eq3A_109 = arith.constant 6 : i32
    %eq3A_110 = vector.broadcast %eq3A_109 : i32 to vector<32x128xi32>
    %eq3A_111 = arith.cmpi eq, %get3A_7, %eq3A_110 : vector<32x128xi32>
    %jit3A_112 = arith.constant 0.000000e+00 : f32
    %broadcast_in_dim3A_113 = vector.broadcast %jit3A_112 : f32 to vector<32x128xf32>
    %select_n3A_114 = arith.select %eq3A_111, %reduce_sum3A_108, %broadcast_in_dim3A_113 : vector<32x128xi1>, vector<32x128xf32>
    %add3A_115 = arith.addf %add3A_99, %select_n3A_114 : vector<32x128xf32>
    %get3A_116 = arith.constant 7 : index
    %get3A_117 = arith.constant 0 : index
    %get3A_118 = vector.load %arg4[%get3A_116, %get3A_117] : memref<16x128xf32, #tpu.memory_space<vmem>>, vector<1x128xf32>
    %get3A_119 = vector.shape_cast %get3A_118 : vector<1x128xf32> to vector<128xf32>
    %broadcast_in_dim3A_120 = vector.shape_cast %get3A_119 : vector<128xf32> to vector<1x1x128xf32>
    %mul3A_121 = vector.broadcast %broadcast_in_dim3A_120 : vector<1x1x128xf32> to vector<32x128x128xf32>
    %mul3A_122 = arith.mulf %reshape3A, %mul3A_121 : vector<32x128x128xf32>
    %reduce_sum3A_123 = arith.constant dense<0.000000e+00> : vector<32x128xf32>
    %reduce_sum3A_124 = vector.multi_reduction <add>, %mul3A_122, %reduce_sum3A_123 [2] : vector<32x128x128xf32> to vector<32x128xf32>
    %eq3A_125 = arith.constant 7 : i32
    %eq3A_126 = vector.broadcast %eq3A_125 : i32 to vector<32x128xi32>
    %eq3A_127 = arith.cmpi eq, %get3A_7, %eq3A_126 : vector<32x128xi32>
    %jit3A_128 = arith.constant 0.000000e+00 : f32
    %broadcast_in_dim3A_129 = vector.broadcast %jit3A_128 : f32 to vector<32x128xf32>
    %select_n3A_130 = arith.select %eq3A_127, %reduce_sum3A_124, %broadcast_in_dim3A_129 : vector<32x128xi1>, vector<32x128xf32>
    %add3A_131 = arith.addf %add3A_115, %select_n3A_130 : vector<32x128xf32>
    %get3A_132 = arith.constant 8 : index
    %get3A_133 = arith.constant 0 : index
    %get3A_134 = vector.load %arg4[%get3A_132, %get3A_133] : memref<16x128xf32, #tpu.memory_space<vmem>>, vector<1x128xf32>
    %get3A_135 = vector.shape_cast %get3A_134 : vector<1x128xf32> to vector<128xf32>
    %broadcast_in_dim3A_136 = vector.shape_cast %get3A_135 : vector<128xf32> to vector<1x1x128xf32>
    %mul3A_137 = vector.broadcast %broadcast_in_dim3A_136 : vector<1x1x128xf32> to vector<32x128x128xf32>
    %mul3A_138 = arith.mulf %reshape3A, %mul3A_137 : vector<32x128x128xf32>
    %reduce_sum3A_139 = arith.constant dense<0.000000e+00> : vector<32x128xf32>
    %reduce_sum3A_140 = vector.multi_reduction <add>, %mul3A_138, %reduce_sum3A_139 [2] : vector<32x128x128xf32> to vector<32x128xf32>
    %eq3A_141 = arith.constant 8 : i32
    %eq3A_142 = vector.broadcast %eq3A_141 : i32 to vector<32x128xi32>
    %eq3A_143 = arith.cmpi eq, %get3A_7, %eq3A_142 : vector<32x128xi32>
    %jit3A_144 = arith.constant 0.000000e+00 : f32
    %broadcast_in_dim3A_145 = vector.broadcast %jit3A_144 : f32 to vector<32x128xf32>
    %select_n3A_146 = arith.select %eq3A_143, %reduce_sum3A_140, %broadcast_in_dim3A_145 : vector<32x128xi1>, vector<32x128xf32>
    %add3A_147 = arith.addf %add3A_131, %select_n3A_146 : vector<32x128xf32>
    %get3A_148 = arith.constant 9 : index
    %get3A_149 = arith.constant 0 : index
    %get3A_150 = vector.load %arg4[%get3A_148, %get3A_149] : memref<16x128xf32, #tpu.memory_space<vmem>>, vector<1x128xf32>
    %get3A_151 = vector.shape_cast %get3A_150 : vector<1x128xf32> to vector<128xf32>
    %broadcast_in_dim3A_152 = vector.shape_cast %get3A_151 : vector<128xf32> to vector<1x1x128xf32>
    %mul3A_153 = vector.broadcast %broadcast_in_dim3A_152 : vector<1x1x128xf32> to vector<32x128x128xf32>
    %mul3A_154 = arith.mulf %reshape3A, %mul3A_153 : vector<32x128x128xf32>
    %reduce_sum3A_155 = arith.constant dense<0.000000e+00> : vector<32x128xf32>
    %reduce_sum3A_156 = vector.multi_reduction <add>, %mul3A_154, %reduce_sum3A_155 [2] : vector<32x128x128xf32> to vector<32x128xf32>
    %eq3A_157 = arith.constant 9 : i32
    %eq3A_158 = vector.broadcast %eq3A_157 : i32 to vector<32x128xi32>
    %eq3A_159 = arith.cmpi eq, %get3A_7, %eq3A_158 : vector<32x128xi32>
    %jit3A_160 = arith.constant 0.000000e+00 : f32
    %broadcast_in_dim3A_161 = vector.broadcast %jit3A_160 : f32 to vector<32x128xf32>
    %select_n3A_162 = arith.select %eq3A_159, %reduce_sum3A_156, %broadcast_in_dim3A_161 : vector<32x128xi1>, vector<32x128xf32>
    %add3A_163 = arith.addf %add3A_147, %select_n3A_162 : vector<32x128xf32>
    %get3A_164 = arith.constant 10 : index
    %get3A_165 = arith.constant 0 : index
    %get3A_166 = vector.load %arg4[%get3A_164, %get3A_165] : memref<16x128xf32, #tpu.memory_space<vmem>>, vector<1x128xf32>
    %get3A_167 = vector.shape_cast %get3A_166 : vector<1x128xf32> to vector<128xf32>
    %broadcast_in_dim3A_168 = vector.shape_cast %get3A_167 : vector<128xf32> to vector<1x1x128xf32>
    %mul3A_169 = vector.broadcast %broadcast_in_dim3A_168 : vector<1x1x128xf32> to vector<32x128x128xf32>
    %mul3A_170 = arith.mulf %reshape3A, %mul3A_169 : vector<32x128x128xf32>
    %reduce_sum3A_171 = arith.constant dense<0.000000e+00> : vector<32x128xf32>
    %reduce_sum3A_172 = vector.multi_reduction <add>, %mul3A_170, %reduce_sum3A_171 [2] : vector<32x128x128xf32> to vector<32x128xf32>
    %eq3A_173 = arith.constant 10 : i32
    %eq3A_174 = vector.broadcast %eq3A_173 : i32 to vector<32x128xi32>
    %eq3A_175 = arith.cmpi eq, %get3A_7, %eq3A_174 : vector<32x128xi32>
    %jit3A_176 = arith.constant 0.000000e+00 : f32
    %broadcast_in_dim3A_177 = vector.broadcast %jit3A_176 : f32 to vector<32x128xf32>
    %select_n3A_178 = arith.select %eq3A_175, %reduce_sum3A_172, %broadcast_in_dim3A_177 : vector<32x128xi1>, vector<32x128xf32>
    %add3A_179 = arith.addf %add3A_163, %select_n3A_178 : vector<32x128xf32>
    %get3A_180 = arith.constant 11 : index
    %get3A_181 = arith.constant 0 : index
    %get3A_182 = vector.load %arg4[%get3A_180, %get3A_181] : memref<16x128xf32, #tpu.memory_space<vmem>>, vector<1x128xf32>
    %get3A_183 = vector.shape_cast %get3A_182 : vector<1x128xf32> to vector<128xf32>
    %broadcast_in_dim3A_184 = vector.shape_cast %get3A_183 : vector<128xf32> to vector<1x1x128xf32>
    %mul3A_185 = vector.broadcast %broadcast_in_dim3A_184 : vector<1x1x128xf32> to vector<32x128x128xf32>
    %mul3A_186 = arith.mulf %reshape3A, %mul3A_185 : vector<32x128x128xf32>
    %reduce_sum3A_187 = arith.constant dense<0.000000e+00> : vector<32x128xf32>
    %reduce_sum3A_188 = vector.multi_reduction <add>, %mul3A_186, %reduce_sum3A_187 [2] : vector<32x128x128xf32> to vector<32x128xf32>
    %eq3A_189 = arith.constant 11 : i32
    %eq3A_190 = vector.broadcast %eq3A_189 : i32 to vector<32x128xi32>
    %eq3A_191 = arith.cmpi eq, %get3A_7, %eq3A_190 : vector<32x128xi32>
    %jit3A_192 = arith.constant 0.000000e+00 : f32
    %broadcast_in_dim3A_193 = vector.broadcast %jit3A_192 : f32 to vector<32x128xf32>
    %select_n3A_194 = arith.select %eq3A_191, %reduce_sum3A_188, %broadcast_in_dim3A_193 : vector<32x128xi1>, vector<32x128xf32>
    %add3A_195 = arith.addf %add3A_179, %select_n3A_194 : vector<32x128xf32>
    %get3A_196 = arith.constant 12 : index
    %get3A_197 = arith.constant 0 : index
    %get3A_198 = vector.load %arg4[%get3A_196, %get3A_197] : memref<16x128xf32, #tpu.memory_space<vmem>>, vector<1x128xf32>
    %get3A_199 = vector.shape_cast %get3A_198 : vector<1x128xf32> to vector<128xf32>
    %broadcast_in_dim3A_200 = vector.shape_cast %get3A_199 : vector<128xf32> to vector<1x1x128xf32>
    %mul3A_201 = vector.broadcast %broadcast_in_dim3A_200 : vector<1x1x128xf32> to vector<32x128x128xf32>
    %mul3A_202 = arith.mulf %reshape3A, %mul3A_201 : vector<32x128x128xf32>
    %reduce_sum3A_203 = arith.constant dense<0.000000e+00> : vector<32x128xf32>
    %reduce_sum3A_204 = vector.multi_reduction <add>, %mul3A_202, %reduce_sum3A_203 [2] : vector<32x128x128xf32> to vector<32x128xf32>
    %eq3A_205 = arith.constant 12 : i32
    %eq3A_206 = vector.broadcast %eq3A_205 : i32 to vector<32x128xi32>
    %eq3A_207 = arith.cmpi eq, %get3A_7, %eq3A_206 : vector<32x128xi32>
    %jit3A_208 = arith.constant 0.000000e+00 : f32
    %broadcast_in_dim3A_209 = vector.broadcast %jit3A_208 : f32 to vector<32x128xf32>
    %select_n3A_210 = arith.select %eq3A_207, %reduce_sum3A_204, %broadcast_in_dim3A_209 : vector<32x128xi1>, vector<32x128xf32>
    %add3A_211 = arith.addf %add3A_195, %select_n3A_210 : vector<32x128xf32>
    %get3A_212 = arith.constant 13 : index
    %get3A_213 = arith.constant 0 : index
    %get3A_214 = vector.load %arg4[%get3A_212, %get3A_213] : memref<16x128xf32, #tpu.memory_space<vmem>>, vector<1x128xf32>
    %get3A_215 = vector.shape_cast %get3A_214 : vector<1x128xf32> to vector<128xf32>
    %broadcast_in_dim3A_216 = vector.shape_cast %get3A_215 : vector<128xf32> to vector<1x1x128xf32>
    %mul3A_217 = vector.broadcast %broadcast_in_dim3A_216 : vector<1x1x128xf32> to vector<32x128x128xf32>
    %mul3A_218 = arith.mulf %reshape3A, %mul3A_217 : vector<32x128x128xf32>
    %reduce_sum3A_219 = arith.constant dense<0.000000e+00> : vector<32x128xf32>
    %reduce_sum3A_220 = vector.multi_reduction <add>, %mul3A_218, %reduce_sum3A_219 [2] : vector<32x128x128xf32> to vector<32x128xf32>
    %eq3A_221 = arith.constant 13 : i32
    %eq3A_222 = vector.broadcast %eq3A_221 : i32 to vector<32x128xi32>
    %eq3A_223 = arith.cmpi eq, %get3A_7, %eq3A_222 : vector<32x128xi32>
    %jit3A_224 = arith.constant 0.000000e+00 : f32
    %broadcast_in_dim3A_225 = vector.broadcast %jit3A_224 : f32 to vector<32x128xf32>
    %select_n3A_226 = arith.select %eq3A_223, %reduce_sum3A_220, %broadcast_in_dim3A_225 : vector<32x128xi1>, vector<32x128xf32>
    %add3A_227 = arith.addf %add3A_211, %select_n3A_226 : vector<32x128xf32>
    %get3A_228 = arith.constant 14 : index
    %get3A_229 = arith.constant 0 : index
    %get3A_230 = vector.load %arg4[%get3A_228, %get3A_229] : memref<16x128xf32, #tpu.memory_space<vmem>>, vector<1x128xf32>
    %get3A_231 = vector.shape_cast %get3A_230 : vector<1x128xf32> to vector<128xf32>
    %broadcast_in_dim3A_232 = vector.shape_cast %get3A_231 : vector<128xf32> to vector<1x1x128xf32>
    %mul3A_233 = vector.broadcast %broadcast_in_dim3A_232 : vector<1x1x128xf32> to vector<32x128x128xf32>
    %mul3A_234 = arith.mulf %reshape3A, %mul3A_233 : vector<32x128x128xf32>
    %reduce_sum3A_235 = arith.constant dense<0.000000e+00> : vector<32x128xf32>
    %reduce_sum3A_236 = vector.multi_reduction <add>, %mul3A_234, %reduce_sum3A_235 [2] : vector<32x128x128xf32> to vector<32x128xf32>
    %eq3A_237 = arith.constant 14 : i32
    %eq3A_238 = vector.broadcast %eq3A_237 : i32 to vector<32x128xi32>
    %eq3A_239 = arith.cmpi eq, %get3A_7, %eq3A_238 : vector<32x128xi32>
    %jit3A_240 = arith.constant 0.000000e+00 : f32
    %broadcast_in_dim3A_241 = vector.broadcast %jit3A_240 : f32 to vector<32x128xf32>
    %select_n3A_242 = arith.select %eq3A_239, %reduce_sum3A_236, %broadcast_in_dim3A_241 : vector<32x128xi1>, vector<32x128xf32>
    %add3A_243 = arith.addf %add3A_227, %select_n3A_242 : vector<32x128xf32>
    %get3A_244 = arith.constant 15 : index
    %get3A_245 = arith.constant 0 : index
    %get3A_246 = vector.load %arg4[%get3A_244, %get3A_245] : memref<16x128xf32, #tpu.memory_space<vmem>>, vector<1x128xf32>
    %get3A_247 = vector.shape_cast %get3A_246 : vector<1x128xf32> to vector<128xf32>
    %broadcast_in_dim3A_248 = vector.shape_cast %get3A_247 : vector<128xf32> to vector<1x1x128xf32>
    %mul3A_249 = vector.broadcast %broadcast_in_dim3A_248 : vector<1x1x128xf32> to vector<32x128x128xf32>
    %mul3A_250 = arith.mulf %reshape3A, %mul3A_249 : vector<32x128x128xf32>
    %reduce_sum3A_251 = arith.constant dense<0.000000e+00> : vector<32x128xf32>
    %reduce_sum3A_252 = vector.multi_reduction <add>, %mul3A_250, %reduce_sum3A_251 [2] : vector<32x128x128xf32> to vector<32x128xf32>
    %eq3A_253 = arith.constant 15 : i32
    %eq3A_254 = vector.broadcast %eq3A_253 : i32 to vector<32x128xi32>
    %eq3A_255 = arith.cmpi eq, %get3A_7, %eq3A_254 : vector<32x128xi32>
    %jit3A_256 = arith.constant 0.000000e+00 : f32
    %broadcast_in_dim3A_257 = vector.broadcast %jit3A_256 : f32 to vector<32x128xf32>
    %select_n3A_258 = arith.select %eq3A_255, %reduce_sum3A_252, %broadcast_in_dim3A_257 : vector<32x128xi1>, vector<32x128xf32>
    %add3A_259 = arith.addf %add3A_243, %select_n3A_258 : vector<32x128xf32>
    %logistic3A = arith.negf %add3A_259 : vector<32x128xf32>
    %logistic3A_260 = math.exp %logistic3A : vector<32x128xf32>
    %logistic3A_261 = arith.constant 1.000000e+00 : f32
    %logistic3A_262 = vector.broadcast %logistic3A_261 : f32 to vector<32x128xf32>
    %logistic3A_263 = arith.addf %logistic3A_262, %logistic3A_260 : vector<32x128xf32>
    %logistic3A_264 = arith.divf %logistic3A_262, %logistic3A_263 : vector<32x128xf32>
    %swap3A = arith.constant 0 : index
    %swap3A_265 = arith.constant 0 : index
    %swap3A_266 = vector.load %arg5[%swap3A, %swap3A_265] : memref<32x128xf32, #tpu.memory_space<vmem>>, vector<32x128xf32>
    tpu.vector_store %arg5[%swap3A, %swap3A_265], %logistic3A_264 {strides = array<i32>} : memref<32x128xf32, #tpu.memory_space<vmem>>, vector<32x128xf32>,
    return
  }
  func.func @transform_0(%arg0: i32) -> (i32, i32) {
    %c0_i32 = arith.constant 0 : i32
    %c0_i32_0 = arith.constant 0 : i32
    return %arg0, %c0_i32 : i32, i32
  }
  func.func @transform_1(%arg0: i32) -> (i32, i32) {
    %c0_i32 = arith.constant 0 : i32
    %c0_i32_0 = arith.constant 0 : i32
    return %arg0, %c0_i32 : i32, i32
  }
  func.func @transform_2(%arg0: i32) -> (i32, i32) {
    %c0_i32 = arith.constant 0 : i32
    %c0_i32_0 = arith.constant 0 : i32
    return %arg0, %c0_i32 : i32, i32
  }
  func.func @transform_3(%arg0: i32) -> (i32, i32) {
    %c0_i32 = arith.constant 0 : i32
    %c0_i32_0 = arith.constant 0 : i32
    %c0_i32_1 = arith.constant 0 : i32
    return %c0_i32, %c0_i32_0 : i32, i32
  }
  func.func @transform_4(%arg0: i32) -> (i32, i32) {
    %c0_i32 = arith.constant 0 : i32
    %c0_i32_0 = arith.constant 0 : i32
    return %arg0, %c0_i32 : i32, i32
  }
}

</mosaic_0001>

<sc_bundles>
// kernel: kernel.12.cloned.1.call-start
scs
__scs_entry_jumppad:
0x0: {  	(pc) =	sbr.rel $0x88, $3  }
0x1: {  	(tag) =	ssettag $0x0;
	lr =	simm.s32 $0x1  }
0x2: {  	[smem:$0x3F95] =	sst lr;
	_ =	strace $0xD0000000  }
0x3: {  	_ = 	snop  }
0x4: {  	_ = 	snop  }
0x5: {  	_ = 	snop  }
0x6: {  	_ = 	snop  }
0x7: {  	_ = 	snop  }
__scs_overlays_trampoline_lowered:
0x8: {  	[smem:$0x3FA4] =	sst s0  }
0x9: {  	[smem:$0x3FA5] =	sst s1  }
0xa: {  	[smem:$0x3FA6] =	sst s2  }
0xb: {  	[smem:$0x3FA7] =	sst s3  }
0xc: {  	[smem:$0x3FA8] =	sst s4  }
0xd: {  	[smem:$0x3FA9] =	sst s5  }
0xe: {  	[smem:$0x3FAA] =	sst s6  }
0xf: {  	[smem:$0x3FAB] =	sst s7  }
0x10: {  	[smem:$0x3FAC] =	sst s8  }
0x11: {  	[smem:$0x3FAD] =	sst s9;
	s0 =	simm.s32 @!p0 $0x0  }
0x12: {  	s1 =	sld [smem:$0x3F93];
	s0 =	simm.s32 @p0 $0x1  }
0x13: {  	[smem:$0x3FAE] =	sst s0;
	s0 =	simm.s32 @!p1 $0x0  }
0x14: {  	s2 =	sld [smem:$0x3F92];
	s0 =	simm.s32 @p1 $0x1  }
0x15: {  	[smem:$0x3FAF] =	sst s0;
	s0 =	simm.s32 @!p2 $0x0  }
0x16: {  	s3 =	sld [smem:$0x3FDB];
	s0 =	simm.s32 @p2 $0x1  }
0x17: {  	s4 =	simm.s32 $0x1BF5;
	[smem:$0x3FB1] =	sst s0  }
0x18: {  	s0 =	sld [smem:$0x3F94];
	_ =	swait.ge [sflag:s4], $0x0  }
0x19: {  	s7 =	sld [smem:$0x3F95]  }
0x1a: {  	s8 =	sadd.s32 $0xFFFFE003, lr  }
0x1b: {  	s9 =	sadd.s32 $0xFFFFFEF7, lr;
	s5 =	simm.s32 $0xFFFFFFFF;
	p2 =	slt.u32 s8, $0xFFFFF086  }
0x1c: {  	p1 =	slt.u32 s9, $0xF7A;
	s5 =	simm.s32 @!p2 $0x0  }
0x1d: {  	s5 =	simm.s32 @p1 $0x1;
	p0 =	seq.s32 s7, s2  }
0x1e: {  	s7 =	smul.u32 @!p0 $0xF7A, s2;
	p2 =	seq.s32 @!p0 s5, $0x0  }
0x1f: {  	s9 =	smul.u32 $0xF7A, s1;
	s8 =	simm.s32 @!p0 $0x1BF5;
	p2 =	por !p2, p0  }
0x20: {  	[sflag:s8] =	ssyncset.s32 @!p0 $0xFFFFF086;
	s6 =	sadd.s32 @!p0 s3, s7;
	s7 =	simm.s32 @!p0 $0x108  }
0x21: {  	s3 =	sadd.s32 s3, s9;
	s6 =	sadd.s32 @!p0 $0x88, s6;
	s7 =	simm.s32 @p2 $0x1082  }
0x22: {  	[simem:s7], [sflag:s8] =	dma.local @!p0 [hbm:s6], $0xF7A  }
0x23: {  	s9 =	sor.u32 $0xD0000000, s2;
	s6 =	simm.s32 $0x108;
	_ =	swait.ge @!p0 [sflag:s8], $0x0  }
0x24: {  	s3 =	sadd.s32 $0x88, s3;
	s6 =	simm.s32 @!p1 $0x1082;
	[sflag:s4] =	ssyncset.s32 $0xFFFFF086  }
0x25: {  	[simem:s6], [sflag:s4] =	dma.local [hbm:s3], $0xF7A  }
0x26: {  	[smem:$0x3F95] =	sst s1;
	(tag) =	ssettag s2;
	_ =	strace s9  }
0x27: {  	s1 =	sld [smem:$0x3FA5]  }
0x28: {  	s2 =	sld [smem:$0x3FA6]  }
0x29: {  	s4 =	sld [smem:$0x3FA8]  }
0x2a: {  	p0 =	seq.s32 s5, $0x0;
	s5 =	sld [smem:$0x3FA9]  }
0x2b: {  	s6 =	sld [smem:$0x3FAA]  }
0x2c: {  	s7 =	sld [smem:$0x3FAB]  }
0x2d: {  	s3 =	simm.s32 $0x108;
	s8 =	sld [smem:$0x3FAC]  }
0x2e: {  	s3 =	simm.s32 @!p0 $0x1082;
	s9 =	sld [smem:$0x3FAD]  }
0x2f: {  	lr =	sadd.s32 s0, s3;
	s0 =	sld [smem:$0x3FA4]  }
0x30: {  	s3 =	sld [smem:$0x3FA7]  }
0x31: {  	[smem:$0x3FB0] =	sst s10  }
0x32: {  	s10 =	sld [smem:$0x3FAE];
	_ =	sdelay $0x3  }
0x33: {  	p0 =	seq.s32 s10, $0x1;
	s10 =	sld [smem:$0x3FB0];
	_ =	sdelay $0x3  }
0x34: {  	[smem:$0x3FB0] =	sst s10  }
0x35: {  	s10 =	sld [smem:$0x3FAF];
	_ =	sdelay $0x3  }
0x36: {  	p1 =	seq.s32 s10, $0x1;
	s10 =	sld [smem:$0x3FB0];
	_ =	sdelay $0x3  }
0x37: {  	[smem:$0x3FB0] =	sst s10  }
0x38: {  	s10 =	sld [smem:$0x3FB1]  }
0x39: {  	_ = 	snop;
	(pc) =	sbr.ind lr, $3  }
0x3a: {  	_ = 	snop  }
0x3b: {  	_ = 	snop  }
0x3c: {  	p2 =	seq.s32 s10, $0x1;
	s10 =	sld [smem:$0x3FB0]  }
0x3d: {  	_ =	shalt  }
0x3e: {  	_ =	shalt  }
0x3f: {  	_ =	shalt  }
0x40: {  	_ =	shalt  }
0x41: {  	_ =	shalt  }
0x42: {  	_ =	shalt  }
0x43: {  	_ =	shalt  }
0x44: {  	_ =	shalt  }
0x45: {  	_ =	shalt  }
0x46: {  	_ =	shalt  }
0x47: {  	_ =	shalt  }
0x48: {  	_ =	shalt  }
0x49: {  	_ =	shalt  }
0x4a: {  	_ =	shalt  }
0x4b: {  	_ =	shalt  }
0x4c: {  	_ =	shalt  }
0x4d: {  	_ =	shalt  }
0x4e: {  	_ =	shalt  }
0x4f: {  	_ =	shalt  }
0x50: {  	_ =	shalt  }
0x51: {  	_ =	shalt  }
0x52: {  	_ =	shalt  }
0x53: {  	_ =	shalt  }
0x54: {  	_ =	shalt  }
0x55: {  	_ =	shalt  }
0x56: {  	_ =	shalt  }
0x57: {  	_ =	shalt  }
0x58: {  	_ =	shalt  }
0x59: {  	_ =	shalt  }
0x5a: {  	_ =	shalt  }
0x5b: {  	_ =	shalt  }
0x5c: {  	_ =	shalt  }
0x5d: {  	_ =	shalt  }
0x5e: {  	_ =	shalt  }
0x5f: {  	_ =	shalt  }
0x60: {  	_ =	shalt  }
0x61: {  	_ =	shalt  }
0x62: {  	_ =	shalt  }
0x63: {  	_ =	shalt  }
0x64: {  	_ =	shalt  }
0x65: {  	_ =	shalt  }
0x66: {  	_ =	shalt  }
0x67: {  	_ =	shalt  }
0x68: {  	_ =	shalt  }
0x69: {  	_ =	shalt  }
0x6a: {  	_ =	shalt  }
0x6b: {  	_ =	shalt  }
0x6c: {  	_ =	shalt  }
0x6d: {  	_ =	shalt  }
0x6e: {  	_ =	shalt  }
0x6f: {  	_ =	shalt  }
0x70: {  	_ =	shalt  }
0x71: {  	_ =	shalt  }
0x72: {  	_ =	shalt  }
0x73: {  	_ =	shalt  }
0x74: {  	_ =	shalt  }
0x75: {  	_ =	shalt  }
0x76: {  	_ =	shalt  }
0x77: {  	_ =	shalt  }
0x78: {  	_ =	shalt  }
0x79: {  	_ =	shalt  }
0x7a: {  	_ =	shalt  }
0x7b: {  	_ =	shalt  }
0x7c: {  	_ =	shalt  }
0x7d: {  	_ =	shalt  }
0x7e: {  	_ =	shalt  }
0x7f: {  	_ =	shalt  }
0x80: {  	_ =	shalt  }
0x81: {  	_ =	shalt  }
0x82: {  	_ =	shalt  }
0x83: {  	_ =	shalt  }
0x84: {  	_ =	shalt  }
0x85: {  	_ =	shalt  }
0x86: {  	_ =	shalt  }
0x87: {  	_ =	shalt  }
.Lfunc_end0:
.L_simem_size_0:
called_computation.1_lowered:
.L_overlay_start_0:
0x88: {  	s2 =	sld [smem:$0x3FD9]  }
0x89: {  	s3 =	sld [smem:$0x3FFE];
	_ =	sdelay $0x1  }
0x8a: {  	s1 =	srdreg.scid  }
0x8b: {  	s0 =	sand.u32 $0x1, s1  }
0x8c: {  	s17 =	sshll.u32 s0, $0xA;
	s2 =	sadd.s32 s3, s2  }
0x8d: {  	s2 =	sadd.s32 s2, s17  }
0x8e: {  	[smem:$0x3FBC] =	sst s2  }
0x8f: {  	_ = 	snop  }
0x90: {  	s2 =	sld [smem:$0x3FD0];
	(tm) =	ssettm $0x1  }
0x91: {  	s18 =	sld [smem:$0x3FFB];
	_ =	sdelay $0x3  }
0x92: {  	_ =	strace s18  }
0x93: {  	s3 =	sld [smem:$0x3FFC];
	_ =	sdelay $0x3  }
0x94: {  	_ =	strace s3  }
0x95: {  	s3 =	sld [smem:$0x3FFD];
	_ =	sdelay $0x3  }
0x96: {  	_ =	strace s3  }
0x97: {  	_ =	strace $0x8FFFFFFF  }
0x98: {  	s19 =	sld [smem:$0x3FDB];
	_ =	sdelay $0x1  }
0x99: {  	s4 =	simm.s32 $_scs_section_size  }
0x9a: {  	s5 =	simm.s32 $_size__tile_overlayer_lowered;
	s6 =	simm.s32 $_tile_overlayer_lowered  }
0x9b: {  	s22 =	simm.s32 $0x1BFF;
	s21 =	sshll.u32 s6, $0x1;
	s3 =	sadd.s32 s4, s19  }
0x9c: {  	s7 =	simm.s32 $0x0;
	s20 =	sshll.u32 s5, $0x1;
	s5 =	sadd.s32 s21, s3  }
0x9d: {  	[timem:s7], [sflag:s22] =	dma.local [hbm:s5], s20  }
0x9e: {  	_ =	swait.ge [sflag:s22], s20  }
0x9f: {  	s4 =	ssub.s32 $0x0, s20;
	[sflag:s22] =	ssyncset.done $0x0  }
0xa0: {  	[sflag:s22] =	ssyncadd.s32 s4;
	_ =	sdelay $0x1  }
0xa1: {  	s23 =	simm.s32 $0x1B8B  }
0xa2: {  	_ =	swait.ge [sflag:s23], $0x1  }
0xa3: {  	[sflag:s23] =	ssyncset.done $0x0  }
0xa4: {  	s25 =	simm.s32 $0x1B8E;
	s24 =	sld [smem:$0x3FFE];
	[sflag:s23] =	ssyncadd.s32 $0xFFFFFFFF  }
0xa5: {  	s26 =	simm.s32 $execute0_lowered;
	[smem:$0x3FD2] =	sst s25  }
0xa6: {  	s5 =	sshll.u32 s26, $0x1;
	_ =	strace $0x80000049;
	[dreg:$0x1] =	wrdreg $0xFFFFFFFF  }
0xa7: {  	s28 =	simm.s32 $_size_execute0_lowered;
	s3 =	sadd.s32 s3, s5;
	[dreg:$0x0] =	wrdreg $0x0  }
0xa8: {  	s5 =	sshll.u32 s28, $0x1;
	[dreg:$0x2] =	wrdreg s3  }
0xa9: {  	[dreg:$0x3] =	wrdreg s5  }
0xaa: {  	[dreg:$0x4] =	wrdreg $0xC0  }
0xab: {  	_ =	task [dreg:s7], $0x5FFFF  }
0xac: {  	[dreg:$0x1] =	wrdreg $0xFFFFFFFF  }
0xad: {  	[dreg:$0x0] =	wrdreg $0x60  }
0xae: {  	[dreg:$0x2] =	wrdreg s24  }
0xaf: {  	[dreg:$0x3] =	wrdreg s2  }
0xb0: {  	[dreg:$0x4] =	wrdreg $0xA1A00  }
0xb1: {  	[dreg:$0x5] =	wrdreg $0x1E1A00  }
0xb2: {  	[dreg:$0x6] =	wrdreg $0x9  }
0xb3: {  	_ =	task.clear_ibuf [dreg:s7], $0x7FFFF;
	_ =	strace $0x90000049  }
0xb4: {  	s29 =	simm.s32 $0x9;
	_ =	strace $0x8000004B  }
0xb5: {  	_ =	swait.ge [sflag:s29], $0x1  }
0xb6: {  	[sflag:s29] =	ssyncadd.s32 $0xFFFFFFFF  }
0xb7: {  	_ =	strace $0x9000004B  }
0xb8: {  	_ =	sfence  }
0xb9: {  	s30 =	sld [smem:$0x0];
	_ =	sdelay $0x2  }
0xba: {  	s31 =	sshll.u32 s1, $0xD;
	s1 =	sshrl.u32 s1, $0x2  }
0xbb: {  	s3 =	sand.u32 $0x4000, s31;
	s1 =	sadd.s32 s1, s30  }
0xbc: {  	s0 =	sor.u32 s3, s0;
	s1 =	sshll.u32 s1, $0x11  }
0xbd: {  	s0 =	sor.u32 s1, s0  }
0xbe: {  	s0 =	sadd.s32 $0x8F2B, s0  }
0xbf: {  	[sflag:s0] =	ssyncadd.remote.s32 $0x1  }
0xc0: {  	_ =	sfence.sel $0xFFFF  }
0xc1: {  	[dreg:$0x0] =	wrdreg $0xFFFFFFFF;
	(pc) =	sbr.abs _section_cstart, $3  }
0xc2: {  	[dreg:$0x1] =	wrdreg $0xFFFFFFFF  }
0xc3: {  	_ =	task.clear_ibuf [dreg:s7], $0x2FFFF;
	_ =	strace $0x9FFFFFFF  }
0xc4: {  	(tm) =	ssettm $0x7FFFFFFF  }
0xc5: {  	_ =	shalt  }
tec
execute0_lowered:
.L_overlay_start_1:
0x0: {  	(tag) =	ssettag $0x1  }
0x1: {  	s0 =	srdreg.scid;
	s7 =	rddreg [dreg:$0x0]  }
0x2: {  	s1 =	simm.s32 $0x0;
	s23 =	stileid.u32;
	s28 =	simm.s32 $0xF0  }
0x3: {  	s8 =	sand.u32 $0x1, s0;
	[smem:$0x7FF] =	sst s1;
	s10 =	smul.u32 $0x280, s23  }
0x4: {  	s12 =	sadd.s32 $0x40600, s7;
	s0 =	ssub.s32 $0x2, s8;
	s13 =	smul.u32 $0x2800, s8  }
0x5: {  	s2 =	sshrl.u32 s0, $0x1;
	s11 =	sor.u32 $0x50, s10;
	s9 =	sadd.s32 $0xA0, s10  }
0x6: {  	s6 =	sadd.s32 $0xF0, s10;
	s5 =	sadd.s32 $0x140, s10;
	s4 =	sadd.s32 $0x190, s10  }
0x7: {  	s3 =	sadd.s32 $0x230, s10;
	s0 =	ssub.s32 s0, s2;
	s14 =	sadd.s32 s10, s13  }
0x8: {  	s2 =	sadd.s32 $0x1E0, s10;
	s16 =	sadd.s32 s13, s11;
	s17 =	sadd.s32 s13, s6  }
0x9: {  	s20 =	sadd.s32 s13, s5;
	s15 =	sshll.u32 s14, $0x4;
	s19 =	sshll.u32 s17, $0x4  }
0xa: {  	s22 =	sshll.u32 s16, $0x4;
	s15 =	sadd.s32 s12, s15;
	s24 =	sadd.s32 s12, s19  }
0xb: {  	s19 =	sadd.s32 s13, s2;
	[dreg:$0x5] =	wrdreg s15;
	s15 =	sadd.s32 s12, s22  }
0xc: {  	s22 =	sshll.u32 s19, $0x4;
	[dreg:$0x6] =	wrdreg s15;
	s15 =	sadd.s32 s13, s9  }
0xd: {  	[dreg:$0x8] =	wrdreg s24;
	s26 =	sadd.s32 s12, s22;
	s18 =	sshll.u32 s15, $0x4  }
0xe: {  	s25 =	sshll.u32 s20, $0x4;
	[dreg:$0xb] =	wrdreg s26;
	s18 =	sadd.s32 s12, s18  }
0xf: {  	s26 =	sshrl.u32 s16, $0x3;
	s15 =	sshrl.u32 s15, $0x3;
	[dreg:$0x7] =	wrdreg s18  }
0x10: {  	s16 =	sshrl.u32 s17, $0x3;
	s18 =	sadd.s32 s12, s25;
	s25 =	rddreg [dreg:$0x1]  }
0x11: {  	s17 =	sshrl.u32 s20, $0x3;
	[dreg:$0x9] =	wrdreg s18;
	s18 =	sadd.s32 s13, s4  }
0x12: {  	s13 =	sadd.s32 s13, s3;
	s15 =	sadd.s32 s25, s15;
	s21 =	sshll.u32 s18, $0x4  }
0x13: {  	s22 =	sshll.u32 s13, $0x4;
	[dreg:$0xf] =	wrdreg s15;
	s18 =	sshrl.u32 s18, $0x3  }
0x14: {  	s21 =	sadd.s32 s12, s21;
	s20 =	sadd.s32 s25, s18;
	s18 =	rddreg [dreg:$0x3]  }
0x15: {  	s29 =	simm.s32 $0x3;
	s12 =	sadd.s32 s12, s22;
	[dreg:$0xa] =	wrdreg s21  }
0x16: {  	s30 =	simm.s32 $0x1;
	s13 =	sshrl.u32 s13, $0x3;
	[dreg:$0xc] =	wrdreg s12  }
0x17: {  	s24 =	sshrl.u32 s14, $0x3;
	s22 =	sadd.s32 s25, s13;
	[dreg:$0x12] =	wrdreg s20  }
0x18: {  	s31 =	simm.s32 $0x5;
	s12 =	sadd.s32 s25, s24;
	[dreg:$0x14] =	wrdreg s22  }
0x19: {  	s0 =	smax.u32 s0, $0x1;
	[dreg:$0xd] =	wrdreg s12;
	s12 =	sadd.s32 s25, s26  }
0x1a: {  	s14 =	sshll.u32 s8, $0x4;
	[dreg:$0xe] =	wrdreg s12;
	s12 =	sadd.s32 s25, s16  }
0x1b: {  	s13 =	smul.u32 $0x50000, s23;
	s21 =	sshrl.u32 s19, $0x3;
	[dreg:$0x10] =	wrdreg s12  }
0x1c: {  	s24 =	sadd.s32 $0x3F800, s7;
	s12 =	sadd.s32 s25, s17;
	s17 =	rddreg [dreg:$0x2]  }
0x1d: {  	s19 =	sadd.s32 s10, s18;
	[dreg:$0x11] =	wrdreg s12;
	s12 =	sadd.s32 s25, s21  }
0x1e: {  	s22 =	sadd.s32 s11, s18;
	s26 =	sadd.s32 $0x40400, s7;
	[dreg:$0x13] =	wrdreg s12  }
0x1f: {  	s25 =	sadd.s32 $0x3FE00, s7;
	_ =	strace $0x8000004A;
	[dreg:$0x15] =	wrdreg s24  }
0x20: {  	s15 =	sshrl.u32 s13, $0x2;
	s16 =	sshll.u32 s11, $0x7;
	[dreg:$0x16] =	wrdreg s25  }
0x21: {  	s11 =	sshll.u32 s5, $0x7;
	s8 =	sadd.s32 s15, s17;
	[dreg:$0x17] =	wrdreg s26  }
0x22: {  	s5 =	sadd.s32 s5, s18;
	s21 =	sadd.s32 $0x17800, s7;
	[dreg:$0x18] =	wrdreg s8  }
0x23: {  	s20 =	sadd.s32 s16, s17;
	s15 =	sshll.u32 s2, $0x7;
	[dreg:$0x19] =	wrdreg s19  }
0x24: {  	s2 =	sadd.s32 s2, s18;
	s16 =	sshll.u32 s3, $0x7;
	[dreg:$0x1a] =	wrdreg s20  }
0x25: {  	s12 =	sshll.u32 s4, $0x7;
	s4 =	sadd.s32 s4, s18;
	[dreg:$0x1b] =	wrdreg s22  }
0x26: {  	s25 =	sadd.s32 $0xDA00, s7;
	s26 =	sadd.s32 $0x3C00, s7;
	[smem:$0x7F2] =	sst s5  }
0x27: {  	s7 =	sor.u32 s23, s14;
	s23 =	sshll.u32 s9, $0x7;
	[smem:$0x7F4] =	sst s4  }
0x28: {  	s24 =	sshll.u32 s6, $0x7;
	s9 =	sadd.s32 s9, s18;
	[smem:$0x7F5] =	sst s2  }
0x29: {  	s6 =	sadd.s32 s6, s18;
	s13 =	sadd.s32 s12, s17;
	[smem:$0x7FC] =	sst s0  }
0x2a: {  	s2 =	sadd.s32 s16, s17;
	s19 =	sadd.s32 s3, s18;
	[dreg:$0x1d] =	wrdreg s9  }
0x2b: {  	s12 =	simm.s32 $0x7990;
	s16 =	simm.s32 $0x2940;
	[dreg:$0x1f] =	wrdreg s6  }
0x2c: {  	s0 =	simm.s32 $0x2;
	s3 =	simm.s32 $0x0;
	[smem:$0x7F3] =	sst s13  }
0x2d: {  	s8 =	sadd.s32 s23, s17;
	s10 =	sadd.s32 s24, s17;
	[smem:$0x7F6] =	sst s2  }
0x2e: {  	s6 =	sadd.s32 s11, s17;
	s14 =	smul.u32 $0x2710, s7;
	[smem:$0x7F7] =	sst s19  }
0x2f: {  	s7 =	sadd.s32 s15, s17;
	s13 =	simm.s32 $0x140;
	[dreg:$0x1c] =	wrdreg s8  }
0x30: {  	s15 =	simm.s32 $0xA0;
	[dreg:$0x1e] =	wrdreg s10;
	s20 =	sshrl.u32 s14, $0x3  }
0x31: {  	[smem:$0x7FD] =	sst s7;
	s19 =	sadd.s32 $0xA0, s14;
	s22 =	sadd.s32 s25, s20  }
.Ltmp0:
0x32: {  	s23 =	sadd.s32 s26, s20;
	s2 =	sadd.s32 $0xA, s20;
	(pc) =	sbr.rel .LBB2_1-.Ltmp0, $4  }
0x33: {  	s20 =	sadd.s32 $0xF0, s14;
	s14 =	simm.s32 $0x5140;
	[smem:$0x7F8] =	sst s22  }
0x34: {  	[smem:$0x7F9] =	sst s23;
	s24 =	sadd.s32 s25, s2;
	s2 =	sadd.s32 s26, s2  }
0x35: {  	s23 =	simm.s32 $0x5190;
	s22 =	simm.s32 $0x50;
	[smem:$0x7FA] =	sst s24  }
0x36: {  	v0 =	vimm.f32 $0.0e+00;
	[smem:$0x7FB] =	sst s2;
	s24 =	simm.s32 $0x7;
	s2 =	simm.s32 $0x6  }
.LBB2_16:
0x37: {  	[bflag:$0x0] =	sbarrier.arrive $0xFFFF  }
0x38: {  	s4 =	rddreg [dreg:$0x18]  }
0x39: {  	[tilespmem:s13], [sflag:$0x7] =	stream.linear.gather [spmem:s4], $0x2800, $0x38;
	[tilespmem:$0x1E420] =	vst v63  }
0x3a: {  	_ =	swait.ge [sflag:s24], $0x2800  }
0x3b: {  	[sflag:s24] =	ssyncset.done $0x0  }
0x3c: {  	s5 =	rddreg [dreg:$0x5];
	[sflag:s24] =	ssyncadd.s32 $0xFFFFD800  }
0x3d: {  	[hbm4b:s5+s1] =	stream.linear.scatter [tilespmem:s13], [sflag:$0x1], $0x2800, $0x38;
	[tilespmem:$0x1E420] =	vst v63  }
0x3e: {  	s6 =	rddreg [dreg:$0x19]  }
0x3f: {  	[tilespmem:s14], [sflag:$0x7] =	stream.linear.gather [spmem:s6], $0x50, $0x38;
	[tilespmem:$0x1E420] =	vst v63  }
0x40: {  	_ =	swait.ge [sflag:s24], $0x50  }
0x41: {  	[sflag:s24] =	ssyncset.done $0x0  }
0x42: {  	s7 =	rddreg [dreg:$0xd];
	[sflag:s24] =	ssyncadd.s32 $0xFFFFFFB0  }
0x43: {  	[hbm4b:s7+s1] =	stream.linear.scatter [tilespmem:s14], [sflag:$0x7], $0x50, $0x38;
	[tilespmem:$0x1E420] =	vst v63  }
0x44: {  	_ =	swait.ge [sflag:s24], $0x50  }
0x45: {  	[sflag:s24] =	ssyncset.done $0x0  }
0x46: {  	s8 =	rddreg [dreg:$0x1a];
	[sflag:s24] =	ssyncadd.s32 $0xFFFFFFB0  }
0x47: {  	[tilespmem:s16], [sflag:$0x7] =	stream.linear.gather [spmem:s8], $0x2800, $0x38;
	[tilespmem:$0x1E420] =	vst v63  }
0x48: {  	_ =	swait.ge [sflag:s24], $0x2800  }
0x49: {  	[sflag:s24] =	ssyncset.done $0x0  }
0x4a: {  	s9 =	rddreg [dreg:$0x6];
	[sflag:s24] =	ssyncadd.s32 $0xFFFFD800  }
0x4b: {  	[hbm4b:s9+s1] =	stream.linear.scatter [tilespmem:s16], [sflag:$0x2], $0x2800, $0x38;
	[tilespmem:$0x1E420] =	vst v63  }
0x4c: {  	s10 =	rddreg [dreg:$0x1b]  }
0x4d: {  	[tilespmem:s14], [sflag:$0x7] =	stream.linear.gather [spmem:s10], $0x50, $0x38;
	[tilespmem:$0x1E420] =	vst v63  }
0x4e: {  	_ =	swait.ge [sflag:s24], $0x50  }
0x4f: {  	[sflag:s24] =	ssyncset.done $0x0  }
0x50: {  	s5 =	rddreg [dreg:$0xe];
	[sflag:s24] =	ssyncadd.s32 $0xFFFFFFB0  }
0x51: {  	[hbm4b:s5+s1] =	stream.linear.scatter [tilespmem:s14], [sflag:$0x7], $0x50, $0x38;
	[tilespmem:$0x1E420] =	vst v63  }
0x52: {  	_ =	swait.ge [sflag:s24], $0x50  }
0x53: {  	[sflag:s24] =	ssyncset.done $0x0  }
0x54: {  	[sflag:s24] =	ssyncadd.s32 $0xFFFFFFB0  }
0x55: {  	_ =	swait.ge [sflag:s30], $0x2800  }
0x56: {  	[sflag:s30] =	ssyncset.done $0x0  }
0x57: {  	s6 =	rddreg [dreg:$0x1c];
	[sflag:s30] =	ssyncadd.s32 $0xFFFFD800  }
0x58: {  	[tilespmem:s13], [sflag:$0x7] =	stream.linear.gather [spmem:s6], $0x2800, $0x38;
	[tilespmem:$0x1E420] =	vst v63  }
0x59: {  	_ =	swait.ge [sflag:s24], $0x2800  }
0x5a: {  	[sflag:s24] =	ssyncset.done $0x0  }
0x5b: {  	s7 =	rddreg [dreg:$0x7];
	[sflag:s24] =	ssyncadd.s32 $0xFFFFD800  }
0x5c: {  	[hbm4b:s7+s1] =	stream.linear.scatter [tilespmem:s13], [sflag:$0x1], $0x2800, $0x38;
	[tilespmem:$0x1E420] =	vst v63  }
0x5d: {  	s8 =	rddreg [dreg:$0x1d]  }
0x5e: {  	[tilespmem:s14], [sflag:$0x7] =	stream.linear.gather [spmem:s8], $0x50, $0x38;
	[tilespmem:$0x1E420] =	vst v63  }
0x5f: {  	_ =	swait.ge [sflag:s24], $0x50  }
0x60: {  	[sflag:s24] =	ssyncset.done $0x0  }
0x61: {  	s9 =	rddreg [dreg:$0xf];
	[sflag:s24] =	ssyncadd.s32 $0xFFFFFFB0  }
0x62: {  	[hbm4b:s9+s1] =	stream.linear.scatter [tilespmem:s14], [sflag:$0x7], $0x50, $0x38;
	[tilespmem:$0x1E420] =	vst v63  }
0x63: {  	_ =	swait.ge [sflag:s24], $0x50  }
0x64: {  	[sflag:s24] =	ssyncset.done $0x0  }
0x65: {  	[sflag:s24] =	ssyncadd.s32 $0xFFFFFFB0  }
0x66: {  	_ =	swait.ge [sflag:s0], $0x2800  }
0x67: {  	[sflag:s0] =	ssyncset.done $0x0  }
0x68: {  	s10 =	rddreg [dreg:$0x1e];
	[sflag:s0] =	ssyncadd.s32 $0xFFFFD800  }
0x69: {  	[tilespmem:s16], [sflag:$0x7] =	stream.linear.gather [spmem:s10], $0x2800, $0x38;
	[tilespmem:$0x1E420] =	vst v63  }
0x6a: {  	_ =	swait.ge [sflag:s24], $0x2800  }
0x6b: {  	[sflag:s24] =	ssyncset.done $0x0  }
0x6c: {  	s5 =	rddreg [dreg:$0x8];
	[sflag:s24] =	ssyncadd.s32 $0xFFFFD800  }
0x6d: {  	[hbm4b:s5+s1] =	stream.linear.scatter [tilespmem:s16], [sflag:$0x2], $0x2800, $0x38;
	[tilespmem:$0x1E420] =	vst v63  }
0x6e: {  	s6 =	rddreg [dreg:$0x1f]  }
0x6f: {  	[tilespmem:s14], [sflag:$0x7] =	stream.linear.gather [spmem:s6], $0x50, $0x38;
	[tilespmem:$0x1E420] =	vst v63  }
0x70: {  	_ =	swait.ge [sflag:s24], $0x50  }
0x71: {  	[sflag:s24] =	ssyncset.done $0x0  }
0x72: {  	s7 =	rddreg [dreg:$0x10];
	[sflag:s24] =	ssyncadd.s32 $0xFFFFFFB0  }
0x73: {  	[hbm4b:s7+s1] =	stream.linear.scatter [tilespmem:s14], [sflag:$0x7], $0x50, $0x38;
	[tilespmem:$0x1E420] =	vst v63  }
0x74: {  	_ =	swait.ge [sflag:s24], $0x50  }
0x75: {  	[sflag:s24] =	ssyncset.done $0x0  }
0x76: {  	[sflag:s24] =	ssyncadd.s32 $0xFFFFFFB0  }
0x77: {  	_ =	swait.ge [sflag:s30], $0x2800  }
0x78: {  	[sflag:s30] =	ssyncset.done $0x0  }
0x79: {  	[sflag:s30] =	ssyncadd.s32 $0xFFFFD800  }
0x7a: {  	[tilespmem:s13], [sflag:$0x7] =	stream.linear.gather [spmem:s11], $0x2800, $0x38;
	[tilespmem:$0x1E420] =	vst v63  }
0x7b: {  	_ =	swait.ge [sflag:s24], $0x2800  }
0x7c: {  	[sflag:s24] =	ssyncset.done $0x0;
	s8 =	rddreg [dreg:$0x9]  }
0x7d: {  	s9 =	sld [smem:$0x7F2];
	[sflag:s24] =	ssyncadd.s32 $0xFFFFD800  }
0x7e: {  	[hbm4b:s8+s1] =	stream.linear.scatter [tilespmem:s13], [sflag:$0x1], $0x2800, $0x38;
	[tilespmem:$0x1E420] =	vst v63  }
0x7f: {  	_ = 	snop  }
0x80: {  	[tilespmem:s14], [sflag:$0x7] =	stream.linear.gather [spmem:s9], $0x50, $0x38;
	[tilespmem:$0x1E420] =	vst v63  }
0x81: {  	_ =	swait.ge [sflag:s24], $0x50  }
0x82: {  	[sflag:s24] =	ssyncset.done $0x0  }
0x83: {  	s10 =	rddreg [dreg:$0x11];
	[sflag:s24] =	ssyncadd.s32 $0xFFFFFFB0  }
0x84: {  	[hbm4b:s10+s1] =	stream.linear.scatter [tilespmem:s14], [sflag:$0x7], $0x50, $0x38;
	[tilespmem:$0x1E420] =	vst v63  }
0x85: {  	_ =	swait.ge [sflag:s24], $0x50  }
0x86: {  	[sflag:s24] =	ssyncset.done $0x0  }
0x87: {  	[sflag:s24] =	ssyncadd.s32 $0xFFFFFFB0  }
0x88: {  	_ =	swait.ge [sflag:s0], $0x2800  }
0x89: {  	s6 =	smov.u32 s11;
	s11 =	sld [smem:$0x7F3]  }
0x8a: {  	[sflag:s0] =	ssyncset.done $0x0  }
0x8b: {  	[sflag:s0] =	ssyncadd.s32 $0xFFFFD800  }
0x8c: {  	[tilespmem:s16], [sflag:$0x7] =	stream.linear.gather [spmem:s11], $0x2800, $0x38;
	[tilespmem:$0x1E420] =	vst v63  }
0x8d: {  	_ =	swait.ge [sflag:s24], $0x2800  }
0x8e: {  	[sflag:s24] =	ssyncset.done $0x0;
	s5 =	rddreg [dreg:$0xa]  }
0x8f: {  	s7 =	sld [smem:$0x7F4];
	[sflag:s24] =	ssyncadd.s32 $0xFFFFD800  }
0x90: {  	[hbm4b:s5+s1] =	stream.linear.scatter [tilespmem:s16], [sflag:$0x2], $0x2800, $0x38;
	[tilespmem:$0x1E420] =	vst v63  }
0x91: {  	_ = 	snop  }
0x92: {  	[tilespmem:s14], [sflag:$0x7] =	stream.linear.gather [spmem:s7], $0x50, $0x38;
	[tilespmem:$0x1E420] =	vst v63  }
0x93: {  	_ =	swait.ge [sflag:s24], $0x50  }
0x94: {  	[sflag:s24] =	ssyncset.done $0x0  }
0x95: {  	s8 =	rddreg [dreg:$0x12];
	[sflag:s24] =	ssyncadd.s32 $0xFFFFFFB0  }
0x96: {  	[hbm4b:s8+s1] =	stream.linear.scatter [tilespmem:s14], [sflag:$0x7], $0x50, $0x38;
	[tilespmem:$0x1E420] =	vst v63  }
0x97: {  	_ =	swait.ge [sflag:s24], $0x50  }
0x98: {  	[sflag:s24] =	ssyncset.done $0x0  }
0x99: {  	[sflag:s24] =	ssyncadd.s32 $0xFFFFFFB0  }
0x9a: {  	_ =	swait.ge [sflag:s30], $0x2800  }
0x9b: {  	s7 =	sld [smem:$0x7FD]  }
0x9c: {  	[sflag:s30] =	ssyncset.done $0x0  }
0x9d: {  	[sflag:s30] =	ssyncadd.s32 $0xFFFFD800  }
0x9e: {  	[tilespmem:s13], [sflag:$0x7] =	stream.linear.gather [spmem:s7], $0x2800, $0x38;
	[tilespmem:$0x1E420] =	vst v63  }
0x9f: {  	_ =	swait.ge [sflag:s24], $0x2800  }
0xa0: {  	[sflag:s24] =	ssyncset.done $0x0;
	s9 =	rddreg [dreg:$0xb]  }
0xa1: {  	s10 =	sld [smem:$0x7F5];
	[sflag:s24] =	ssyncadd.s32 $0xFFFFD800  }
0xa2: {  	[hbm4b:s9+s1] =	stream.linear.scatter [tilespmem:s13], [sflag:$0x1], $0x2800, $0x38;
	[tilespmem:$0x1E420] =	vst v63  }
0xa3: {  	_ = 	snop  }
0xa4: {  	[tilespmem:s14], [sflag:$0x7] =	stream.linear.gather [spmem:s10], $0x50, $0x38;
	[tilespmem:$0x1E420] =	vst v63  }
0xa5: {  	_ =	swait.ge [sflag:s24], $0x50  }
0xa6: {  	[sflag:s24] =	ssyncset.done $0x0  }
0xa7: {  	s11 =	rddreg [dreg:$0x13];
	[sflag:s24] =	ssyncadd.s32 $0xFFFFFFB0  }
0xa8: {  	[hbm4b:s11+s1] =	stream.linear.scatter [tilespmem:s14], [sflag:$0x7], $0x50, $0x38;
	[tilespmem:$0x1E420] =	vst v63  }
0xa9: {  	_ =	swait.ge [sflag:s24], $0x50  }
0xaa: {  	[sflag:s24] =	ssyncset.done $0x0  }
0xab: {  	[sflag:s24] =	ssyncadd.s32 $0xFFFFFFB0  }
0xac: {  	_ =	swait.ge [sflag:s0], $0x2800  }
0xad: {  	s5 =	sld [smem:$0x7F6]  }
0xae: {  	[sflag:s0] =	ssyncset.done $0x0  }
0xaf: {  	[sflag:s0] =	ssyncadd.s32 $0xFFFFD800  }
0xb0: {  	[tilespmem:s16], [sflag:$0x7] =	stream.linear.gather [spmem:s5], $0x2800, $0x38;
	[tilespmem:$0x1E420] =	vst v63  }
0xb1: {  	_ =	swait.ge [sflag:s24], $0x2800  }
0xb2: {  	[sflag:s24] =	ssyncset.done $0x0;
	s8 =	rddreg [dreg:$0xc]  }
0xb3: {  	s9 =	sld [smem:$0x7F7];
	[sflag:s24] =	ssyncadd.s32 $0xFFFFD800  }
0xb4: {  	[hbm4b:s8+s1] =	stream.linear.scatter [tilespmem:s16], [sflag:$0x2], $0x2800, $0x38;
	[tilespmem:$0x1E420] =	vst v63  }
0xb5: {  	_ = 	snop  }
0xb6: {  	[tilespmem:s14], [sflag:$0x7] =	stream.linear.gather [spmem:s9], $0x50, $0x38;
	[tilespmem:$0x1E420] =	vst v63  }
0xb7: {  	_ =	swait.ge [sflag:s24], $0x50  }
0xb8: {  	[sflag:s24] =	ssyncset.done $0x0  }
0xb9: {  	s10 =	rddreg [dreg:$0x14];
	[sflag:s24] =	ssyncadd.s32 $0xFFFFFFB0  }
0xba: {  	[hbm4b:s10+s1] =	stream.linear.scatter [tilespmem:s14], [sflag:$0x7], $0x50, $0x38;
	[tilespmem:$0x1E420] =	vst v63  }
0xbb: {  	_ =	swait.ge [sflag:s24], $0x50  }
0xbc: {  	[sflag:s24] =	ssyncset.done $0x0  }
0xbd: {  	[sflag:s24] =	ssyncadd.s32 $0xFFFFFFB0  }
0xbe: {  	_ =	swait.ge [sflag:s30], $0x2800  }
0xbf: {  	[sflag:s30] =	ssyncset.done $0x0  }
0xc0: {  	[sflag:s30] =	ssyncadd.s32 $0xFFFFD800  }
0xc1: {  	_ =	swait.ge [sflag:s0], $0x2800  }
0xc2: {  	s11 =	sld [smem:$0x7FC];
	_ =	sdelay $0x1  }
0xc3: {  	s3 =	sadd.s32 $0x1, s3  }
0xc4: {  	p0 =	sne.s32 s3, s11  }
.Ltmp1:
0xc5: {  	_ = 	snop;
	(pc) =	sbr.rel @!p0 .LBB2_17-.Ltmp1, $3  }
0xc6: {  	_ =	sdelay $0x1  }
0xc7: {  	[sflag:s0] =	ssyncset.done $0x0  }
0xc8: {  	[sflag:s0] =	ssyncadd.s32 $0xFFFFD800  }
.LBB2_1:
0xc9: {  	s4 =	rddreg [dreg:$0x15]  }
0xca: {  	[tilespmem:s23], [sflag:$0x7] =	stream.linear.gather [hbm4b:s4+s1], $0x2800, $0x38;
	[tilespmem:$0x1E420] =	vst v63  }
0xcb: {  	_ =	swait.ge [sflag:s24], $0x2800  }
0xcc: {  	[sflag:s24] =	ssyncset.done $0x0  }
0xcd: {  	s10 =	rddreg [dreg:$0x16];
	[sflag:s24] =	ssyncadd.s32 $0xFFFFD800  }
0xce: {  	[tilespmem:s12], [sflag:$0x7] =	stream.linear.gather [hbm4b:s10+s1], $0x2800, $0x38;
	[tilespmem:$0x1E420] =	vst v63  }
0xcf: {  	_ =	swait.ge [sflag:s24], $0x2800  }
0xd0: {  	[sflag:s24] =	ssyncset.done $0x0  }
0xd1: {  	s5 =	simm.s32 $0xA190;
	s11 =	rddreg [dreg:$0x17];
	[sflag:s24] =	ssyncadd.s32 $0xFFFFD800  }
0xd2: {  	[tilespmem:s5], [sflag:$0x7] =	stream.linear.gather [hbm4b:s11+s1], $0x10, $0x38;
	[tilespmem:$0x1E420] =	vst v63  }
0xd3: {  	_ =	swait.ge [sflag:s24], $0x10  }
0xd4: {  	[sflag:s24] =	ssyncset.done $0x0  }
0xd5: {  	s4 =	simm.s32 $0x0;
	s5 =	simm.s32 $0x200;
	[sflag:s24] =	ssyncadd.s32 $0xFFFFFFF0  }
.LBB2_2:
0xd6: {  	p0 =	sne.s32 s5, $0x9E00;
	[tilespmem:s4+$0x1B0] =	vst v0  }
0xd7: {  	[tilespmem:s4+$0x140] =	vst v0  }
0xd8: {  	[tilespmem:s4+$0x150] =	vst v0  }
.Ltmp2:
0xd9: {  	[tilespmem:s4+$0x160] =	vst v0;
	(pc) =	sbr.rel @p0 .LBB2_2-.Ltmp2, $4  }
0xda: {  	[tilespmem:s4+$0x170] =	vst v0  }
0xdb: {  	[tilespmem:s4+$0x180] =	vst v0  }
0xdc: {  	[tilespmem:s4+$0x190] =	vst v0  }
0xdd: {  	[tilespmem:s4+$0x1A0] =	vst v0;
	s4 =	sshra.s32 s5, $0x2;
	s5 =	sadd.s32 $0x200, s5  }
0xde: {  	[tilespmem:s4+$0x1B0] =	vst v0  }
0xdf: {  	[tilespmem:s4+$0x140] =	vst v0  }
0xe0: {  	[tilespmem:s4+$0x150] =	vst v0  }
0xe1: {  	[tilespmem:s4+$0x160] =	vst v0  }
0xe2: {  	[tilespmem:s4+$0x170] =	vst v0  }
0xe3: {  	[tilespmem:s4+$0x180] =	vst v0  }
0xe4: {  	[tilespmem:s4+$0x190] =	vst v0  }
0xe5: {  	[tilespmem:s4+$0x1A0] =	vst v0  }
0xe6: {  	[tilespmem:$0x5140] =	vst v0  }
0xe7: {  	[tilespmem:$0x5150] =	vst v0  }
0xe8: {  	[tilespmem:$0x5160] =	vst v0  }
0xe9: {  	[tilespmem:$0x5170] =	vst v0  }
0xea: {  	s10 =	rddreg [dreg:$0x18];
	[tilespmem:$0x5180] =	vst v0  }
0xeb: {  	[spmem:s10] =	stream.linear.scatter [tilespmem:s13], [sflag:$0x7], $0x2800, $0x38;
	[tilespmem:$0x1E420] =	vst v63  }
0xec: {  	_ =	swait.ge [sflag:s24], $0x2800  }
0xed: {  	[sflag:s24] =	ssyncset.done $0x0  }
0xee: {  	s11 =	rddreg [dreg:$0x19];
	[sflag:s24] =	ssyncadd.s32 $0xFFFFD800  }
0xef: {  	[spmem:s11] =	stream.linear.scatter [tilespmem:s14], [sflag:$0x7], $0x50, $0x38;
	[tilespmem:$0x1E420] =	vst v63  }
0xf0: {  	_ =	swait.ge [sflag:s24], $0x50  }
0xf1: {  	[sflag:s24] =	ssyncset.done $0x0  }
0xf2: {  	s5 =	rddreg [dreg:$0x1a];
	[sflag:s24] =	ssyncadd.s32 $0xFFFFFFB0  }
0xf3: {  	[spmem:s5] =	stream.linear.scatter [tilespmem:s13], [sflag:$0x7], $0x2800, $0x38;
	[tilespmem:$0x1E420] =	vst v63  }
0xf4: {  	_ =	swait.ge [sflag:s24], $0x2800  }
0xf5: {  	[sflag:s24] =	ssyncset.done $0x0  }
0xf6: {  	s8 =	rddreg [dreg:$0x1b];
	[sflag:s24] =	ssyncadd.s32 $0xFFFFD800  }
0xf7: {  	[spmem:s8] =	stream.linear.scatter [tilespmem:s14], [sflag:$0x7], $0x50, $0x38;
	[tilespmem:$0x1E420] =	vst v63  }
0xf8: {  	_ =	swait.ge [sflag:s24], $0x50  }
0xf9: {  	[sflag:s24] =	ssyncset.done $0x0  }
0xfa: {  	s9 =	rddreg [dreg:$0x1c];
	[sflag:s24] =	ssyncadd.s32 $0xFFFFFFB0  }
0xfb: {  	[spmem:s9] =	stream.linear.scatter [tilespmem:s13], [sflag:$0x7], $0x2800, $0x38;
	[tilespmem:$0x1E420] =	vst v63  }
0xfc: {  	_ =	swait.ge [sflag:s24], $0x2800  }
0xfd: {  	[sflag:s24] =	ssyncset.done $0x0  }
0xfe: {  	s10 =	rddreg [dreg:$0x1d];
	[sflag:s24] =	ssyncadd.s32 $0xFFFFD800  }
0xff: {  	[spmem:s10] =	stream.linear.scatter [tilespmem:s14], [sflag:$0x7], $0x50, $0x38;
	[tilespmem:$0x1E420] =	vst v63  }
0x100: {  	_ =	swait.ge [sflag:s24], $0x50  }
0x101: {  	[sflag:s24] =	ssyncset.done $0x0  }
0x102: {  	s11 =	rddreg [dreg:$0x1e];
	[sflag:s24] =	ssyncadd.s32 $0xFFFFFFB0  }
0x103: {  	[spmem:s11] =	stream.linear.scatter [tilespmem:s13], [sflag:$0x7], $0x2800, $0x38;
	[tilespmem:$0x1E420] =	vst v63  }
0x104: {  	_ =	swait.ge [sflag:s24], $0x2800  }
0x105: {  	[sflag:s24] =	ssyncset.done $0x0  }
0x106: {  	s5 =	rddreg [dreg:$0x1f];
	[sflag:s24] =	ssyncadd.s32 $0xFFFFD800  }
0x107: {  	[spmem:s5] =	stream.linear.scatter [tilespmem:s14], [sflag:$0x7], $0x50, $0x38;
	[tilespmem:$0x1E420] =	vst v63  }
0x108: {  	_ =	swait.ge [sflag:s24], $0x50  }
0x109: {  	[sflag:s24] =	ssyncset.done $0x0  }
0x10a: {  	[sflag:s24] =	ssyncadd.s32 $0xFFFFFFB0  }
0x10b: {  	[spmem:s6] =	stream.linear.scatter [tilespmem:s13], [sflag:$0x7], $0x2800, $0x38;
	[tilespmem:$0x1E420] =	vst v63  }
0x10c: {  	_ =	swait.ge [sflag:s24], $0x2800  }
0x10d: {  	s8 =	sld [smem:$0x7F2]  }
0x10e: {  	[sflag:s24] =	ssyncset.done $0x0  }
0x10f: {  	[sflag:s24] =	ssyncadd.s32 $0xFFFFD800  }
0x110: {  	[spmem:s8] =	stream.linear.scatter [tilespmem:s14], [sflag:$0x7], $0x50, $0x38;
	[tilespmem:$0x1E420] =	vst v63  }
0x111: {  	_ =	swait.ge [sflag:s24], $0x50  }
0x112: {  	s9 =	sld [smem:$0x7F3]  }
0x113: {  	[sflag:s24] =	ssyncset.done $0x0  }
0x114: {  	[sflag:s24] =	ssyncadd.s32 $0xFFFFFFB0  }
0x115: {  	[spmem:s9] =	stream.linear.scatter [tilespmem:s13], [sflag:$0x7], $0x2800, $0x38;
	[tilespmem:$0x1E420] =	vst v63  }
0x116: {  	_ =	swait.ge [sflag:s24], $0x2800  }
0x117: {  	s10 =	sld [smem:$0x7F4]  }
0x118: {  	[sflag:s24] =	ssyncset.done $0x0  }
0x119: {  	[sflag:s24] =	ssyncadd.s32 $0xFFFFD800  }
0x11a: {  	[spmem:s10] =	stream.linear.scatter [tilespmem:s14], [sflag:$0x7], $0x50, $0x38;
	[tilespmem:$0x1E420] =	vst v63  }
0x11b: {  	_ =	swait.ge [sflag:s24], $0x50  }
0x11c: {  	[sflag:s24] =	ssyncset.done $0x0  }
0x11d: {  	[sflag:s24] =	ssyncadd.s32 $0xFFFFFFB0  }
0x11e: {  	[spmem:s7] =	stream.linear.scatter [tilespmem:s13], [sflag:$0x7], $0x2800, $0x38;
	[tilespmem:$0x1E420] =	vst v63  }
0x11f: {  	_ =	swait.ge [sflag:s24], $0x2800  }
0x120: {  	s5 =	sld [smem:$0x7F5]  }
0x121: {  	[sflag:s24] =	ssyncset.done $0x0  }
0x122: {  	[sflag:s24] =	ssyncadd.s32 $0xFFFFD800  }
0x123: {  	[spmem:s5] =	stream.linear.scatter [tilespmem:s14], [sflag:$0x7], $0x50, $0x38;
	[tilespmem:$0x1E420] =	vst v63  }
0x124: {  	_ =	swait.ge [sflag:s24], $0x50  }
0x125: {  	s11 =	smov.u32 s6;
	s6 =	sld [smem:$0x7F6]  }
0x126: {  	[sflag:s24] =	ssyncset.done $0x0  }
0x127: {  	[sflag:s24] =	ssyncadd.s32 $0xFFFFFFB0  }
0x128: {  	[spmem:s6] =	stream.linear.scatter [tilespmem:s13], [sflag:$0x7], $0x2800, $0x38;
	[tilespmem:$0x1E420] =	vst v63  }
0x129: {  	_ =	swait.ge [sflag:s24], $0x2800  }
0x12a: {  	s7 =	sld [smem:$0x7F7]  }
0x12b: {  	[sflag:s24] =	ssyncset.done $0x0  }
0x12c: {  	[sflag:s24] =	ssyncadd.s32 $0xFFFFD800  }
0x12d: {  	[spmem:s7] =	stream.linear.scatter [tilespmem:s14], [sflag:$0x7], $0x50, $0x38;
	[tilespmem:$0x1E420] =	vst v63  }
0x12e: {  	_ =	swait.ge [sflag:s24], $0x50  }
0x12f: {  	s5 =	sld [smem:$0x7F8]  }
0x130: {  	[sflag:s24] =	ssyncset.done $0x0  }
0x131: {  	s4 =	simm.s32 $0x0;
	s8 =	sld [smem:$0x7F9];
	[sflag:s24] =	ssyncadd.s32 $0xFFFFFFB0  }
0x132: {  	[tilespmem:s4], [sflag:$0x3] =	stream.linear.gather [hbm4b:s5+s4], $0x50, $0x38;
	[tilespmem:$0x1E420] =	vst v63  }
0x133: {  	s9 =	sld [smem:$0x7FA]  }
0x134: {  	[tilespmem:s15], [sflag:$0x5] =	stream.linear.gather [hbm4b:s8+s4], $0x50, $0x38;
	[tilespmem:$0x1E420] =	vst v63  }
0x135: {  	s10 =	sld [smem:$0x7FB]  }
0x136: {  	[tilespmem:s22], [sflag:$0x4] =	stream.linear.gather [hbm4b:s9+s4], $0x50, $0x38;
	[tilespmem:$0x1E420] =	vst v63  }
0x137: {  	_ = 	snop  }
0x138: {  	[tilespmem:s28], [sflag:$0x6] =	stream.linear.gather [hbm4b:s10+s4], $0x50, $0x38;
	[tilespmem:$0x1E420] =	vst v63  }
0x139: {  	_ =	swait.ge [sflag:s29], $0x50  }
0x13a: {  	[sflag:s29] =	ssyncset.done $0x0  }
.Ltmp3:
0x13b: {  	[sflag:s29] =	ssyncadd.s32 $0xFFFFFFB0;
	(pc) =	sbr.rel .LBB2_4-.Ltmp3, $3  }
0x13c: {  	[tilespmem:s13], [sflag:$0x1] =	stream.indirect.gather [hbm4b:s21+s22], $0x80, s4, s22, $0xb8;
	[tilespmem:$0x1E420] =	vst v63  }
0x13d: {  	v1 =	vld [tilespmem:$0xA190]  }
0x13e: {  	[bflag:$0x0] =	sbarrier.arrive $0xFFFF;
	_ =	sdelay $0x1  }
.LBB2_15:
0x13f: {  	s4 =	sadd.s32 $0x1, s4  }
.LBB2_4:
0x140: {  	_ =	swait.ge [sflag:s30], $0x2800  }
0x141: {  	p0 =	sgt.u32 s4, $0x3D;
	[sflag:s30] =	ssyncset.done $0x0  }
0x142: {  	s5 =	simm.s32 @!p0 $0x4;
	[sflag:s30] =	ssyncadd.s32 $0xFFFFD800  }
0x143: {  	_ =	swait.ge @!p0 [sflag:s5], $0x50  }
0x144: {  	[sflag:s5] =	ssyncset.done @!p0 $0x0  }
0x145: {  	s6 =	simm.s32 @!p0 $0x2940;
	[sflag:s5] =	ssyncadd.s32 @!p0 $0xFFFFFFB0;
	s5 =	simm.s32 @!p0 $0x50  }
0x146: {  	[tilespmem:s6], [sflag:$0x2] =	stream.indirect.gather @!p0 [hbm4b:s21+s5], $0x80, s5, s5, $0xb8;
	[tilespmem:$0x1E420] =	vst v63  }
0x147: {  	_ =	swait.ge [sflag:s31], $0x50  }
0x148: {  	[sflag:s31] =	ssyncset.done $0x0  }
0x149: {  	s5 =	simm.s32 $0x0;
	[sflag:s31] =	ssyncadd.s32 $0xFFFFFFB0  }
0x14a: {  	v2 =	vld [tilespmem:s5+$0x0]  }
0x14b: {  	v3 =	vld [tilespmem:s5+$0xA0];
	_ =	sdelay $0x6  }
0x14c: {  	v2 =	vld.idx.msk [tilespmem:v2+s23+$0x0], $0xffff  }
0x14d: {  	v3 =	vld.idx.msk [tilespmem:v3+s12+$0x0], $0xffff;
	_ =	sdelay $0x1  }
0x14e: {  	s6 =	simm.s32 $0x10  }
0x14f: {  	v4 =	vld [tilespmem:s6+$0x0]  }
0x150: {  	v5 =	vld [tilespmem:s6+$0xA0]  }
0x151: {  	v6 =	vadd.f32 v3, v1;
	v2 =	vadd.f32 v3, v2;
	_ =	sdelay $0x1  }
0x152: {  	v3 =	vmul.f32 $2.000000030e-01, v6;
	v7 =	vmul.f32 $2.000000030e-01, v2  }
0x153: {  	vm0 =	vgt.f32 v6, $0.0e+00;
	vm1 =	vgt.f32 v2, $0.0e+00  }
0x154: {  	v3 =	vsel vm0, v6, v3;
	v2 =	vsel vm1, v2, v7  }
0x155: {  	v3 =	vsub.f32 v2, v3  }
0x156: {  	v2 =	vld.idx.msk [tilespmem:v4+s23+$0x0], $0xffff  }
0x157: {  	v6 =	vmul.f32 $1.442695020e+00, v3;
	v3 =	vld.idx.msk [tilespmem:v5+s12+$0x0], $0xffff  }
0x158: {  	s7 =	simm.s32 $0x20  }
0x159: {  	s8 =	simm.s32 $0xC0;
	v4 =	vld [tilespmem:s7+$0x0];
	(erf) = vpow2.f32 v6  }
.LBB2_5:
0x15a: {  	p1 =	sne.s32 s8, $0x100;
	v5 =	vld [tilespmem:s7+$0xA0];
	_ =	sdelay $0x1  }
0x15b: {  	v6 =	vadd.f32 v3, v1;
	v2 =	vadd.f32 v3, v2;
	_ =	sdelay $0x1  }
0x15c: {  	v3 =	vmul.f32 $2.000000030e-01, v6;
	v7 =	vmul.f32 $2.000000030e-01, v2  }
0x15d: {  	vm0 =	vgt.f32 v6, $0.0e+00;
	vm1 =	vgt.f32 v2, $0.0e+00  }
0x15e: {  	v3 =	vsel vm0, v6, v3;
	v6 =	vsel vm1, v2, v7  }
.Ltmp4:
0x15f: {  	v2 =	vld.idx.msk [tilespmem:v4+s23+$0x0], $0xffff;
	v4 =	vsub.f32 v6, v3;
	(pc) =	sbr.rel @p1 .LBB2_5-.Ltmp4, $4  }
0x160: {  	v3 =	vld.idx.msk [tilespmem:v5+s12+$0x0], $0xffff;
	v5 =	vpop (erf)  }
0x161: {  	v6 =	vmul.f32 $1.442695020e+00, v4;
	[tilespmem:s5+$0x5140] =	vst v5;
	s5 =	smov.u32 s6;
	s6 =	smov.u32 s7  }
0x162: {  	s7 =	sshra.s32 s8, $0x2  }
0x163: {  	s8 =	sadd.s32 $0x40, s8;
	v4 =	vld [tilespmem:s7+$0x0];
	(erf) = vpow2.f32 v6  }
0x164: {  	_ = 	snop  }
0x165: {  	v5 =	vld [tilespmem:s7+$0xA0];
	_ =	sdelay $0x6  }
0x166: {  	v4 =	vld.idx.msk [tilespmem:v4+s23+$0x0], $0xffff  }
0x167: {  	v5 =	vld.idx.msk [tilespmem:v5+s12+$0x0], $0xffff;
	_ =	sdelay $0x2  }
0x168: {  	v6 =	vadd.f32 v3, v1  }
0x169: {  	v2 =	vadd.f32 v3, v2  }
0x16a: {  	v3 =	vmul.f32 $2.000000030e-01, v6;
	v7 =	vadd.f32 v5, v1;
	v4 =	vadd.f32 v5, v4  }
0x16b: {  	vm0 =	vgt.f32 v6, $0.0e+00;
	vm1 =	vgt.f32 v2, $0.0e+00;
	v5 =	vmul.f32 $2.000000030e-01, v2  }
0x16c: {  	v3 =	vsel vm0, v6, v3;
	v6 =	vmul.f32 $2.000000030e-01, v7;
	v8 =	vmul.f32 $2.000000030e-01, v4  }
0x16d: {  	v2 =	vsel vm1, v2, v5;
	vm14 =	vgt.f32 v7, $0.0e+00;
	vm15 =	vgt.f32 v4, $0.0e+00  }
0x16e: {  	v2 =	vsub.f32 v2, v3;
	v3 =	vsel vm14, v7, v6;
	v4 =	vsel vm15, v4, v8  }
0x16f: {  	v3 =	vsub.f32 v4, v3  }
0x170: {  	v2 =	vmul.f32 $1.442695020e+00, v2  }
0x171: {  	v3 =	vmul.f32 $1.442695020e+00, v3  }
0x172: {  	(erf) = vpow2.f32 v2  }
0x173: {  	(erf) = vpow2.f32 v3;
	_ =	sdelay $0x4  }
0x174: {  	s8 =	simm.s32 $0x0  }
0x175: {  	v2 =	vmov s8  }
0x176: {  	v3 =	vpop (erf)  }
0x177: {  	[tilespmem:s5+$0x5140] =	vst v3;
	v4 =	vpop (erf)  }
0x178: {  	[tilespmem:s6+$0x5140] =	vst v4;
	v3 =	vpop (erf)  }
0x179: {  	[tilespmem:s7+$0x5140] =	vst v3  }
0x17a: {  	s6 =	simm.s32 $0x180;
	v9 =	vld.idx.msk [tilespmem:v2+s14+$0x0], $0xffff  }
0x17b: {  	v2 =	vld [tilespmem:s6+$0x30]  }
0x17c: {  	v3 =	vld [tilespmem:s6+$0xFFFFFFC0]  }
0x17d: {  	v4 =	vld [tilespmem:s6+$0xFFFFFFD0]  }
0x17e: {  	s9 =	simm.s32 $0x1;
	v5 =	vld [tilespmem:s6+$0xFFFFFFE0]  }
0x17f: {  	v6 =	vmov s9;
	v8 =	vld [tilespmem:s6+$0x0]  }
0x180: {  	v7 =	vld [tilespmem:s6+$0xFFFFFFF0];
	v2 =	vmul.f32 v2, v9  }
0x181: {  	v10 =	vld [tilespmem:s6+$0x10];
	v3 =	vmul.f32 v3, v9  }
0x182: {  	s5 =	simm.s32 $0x200;
	v11 =	vld [tilespmem:s6+$0x20];
	v12 =	vmul.f32 v4, v9;
	[tilespmem:s6+$0x30] =	vst v2  }
0x183: {  	v5 =	vmul.f32 v5, v9;
	v4 =	vld [tilespmem:s5+$0x30];
	[tilespmem:s6+$0xFFFFFFC0] =	vst v3  }
0x184: {  	v63 =	vmul.f32 v8, v9;
	v2 =	vld.idx.msk [tilespmem:v6+s14+$0x0], $0xffff;
	[tilespmem:s6+$0xFFFFFFD0] =	vst v12  }
0x185: {  	v6 =	vmul.f32 v7, v9;
	v3 =	vld [tilespmem:s5+$0xFFFFFFC0];
	[tilespmem:s6+$0xFFFFFFE0] =	vst v5  }
0x186: {  	s10 =	simm.s32 $0x2;
	v8 =	vmul.f32 v10, v9;
	v5 =	vld [tilespmem:s5+$0xFFFFFFD0];
	[tilespmem:s6+$0x0] =	vst v63  }
0x187: {  	s7 =	simm.s32 $0x3;
	v7 =	vmov s10;
	v9 =	vmul.f32 v11, v9;
	[tilespmem:s6+$0xFFFFFFF0] =	vst v6;
	v6 =	vld [tilespmem:s5+$0xFFFFFFE0]  }
.LBB2_7:
0x188: {  	p1 =	sne.s32 s7, $0x4F;
	v10 =	vld [tilespmem:s5+$0xFFFFFFF0];
	[tilespmem:s6+$0x10] =	vst v8  }
0x189: {  	v8 =	vld [tilespmem:s5+$0x0];
	v4 =	vmul.f32 v4, v2;
	[tilespmem:s6+$0x20] =	vst v9;
	v9 =	vmov v2;
	s6 =	smov.u32 s5  }
0x18a: {  	v3 =	vmul.f32 v3, v9;
	v11 =	vld [tilespmem:s5+$0x10]  }
0x18b: {  	v5 =	vmul.f32 v5, v9;
	v12 =	vld [tilespmem:s5+$0x20];
	[tilespmem:s5+$0x30] =	vst v4  }
.Ltmp5:
0x18c: {  	s5 =	sadd.s32 $0x80, s5;
	v2 =	vld.idx.msk [tilespmem:v7+s14+$0x0], $0xffff;
	[tilespmem:s6+$0xFFFFFFC0] =	vst v3;
	v6 =	vmul.f32 v6, v9;
	(pc) =	sbr.rel @p1 .LBB2_7-.Ltmp5, $4  }
0x18d: {  	v4 =	vld [tilespmem:s5+$0x30];
	[tilespmem:s6+$0xFFFFFFD0] =	vst v5;
	v7 =	vmul.f32 v10, v9  }
0x18e: {  	v3 =	vld [tilespmem:s5+$0xFFFFFFC0];
	[tilespmem:s6+$0xFFFFFFE0] =	vst v6;
	v10 =	vmul.f32 v8, v9  }
0x18f: {  	v5 =	vld [tilespmem:s5+$0xFFFFFFD0];
	[tilespmem:s6+$0xFFFFFFF0] =	vst v7;
	v8 =	vmul.f32 v11, v9  }
0x190: {  	v7 =	vmov s7;
	s7 =	sadd.s32 $0x1, s7;
	v6 =	vld [tilespmem:s5+$0xFFFFFFE0];
	[tilespmem:s6+$0x0] =	vst v10;
	v9 =	vmul.f32 v12, v9  }
0x191: {  	v10 =	vld [tilespmem:s5+$0xFFFFFFF0]  }
0x192: {  	v11 =	vld [tilespmem:s5+$0x0]  }
0x193: {  	[tilespmem:s6+$0x10] =	vst v8;
	v51 =	vld [tilespmem:s5+$0x10];
	v4 =	vmul.f32 v4, v2  }
0x194: {  	v52 =	vld [tilespmem:s5+$0x20];
	[tilespmem:s6+$0x20] =	vst v9;
	v3 =	vmul.f32 v3, v2  }
0x195: {  	v53 =	vld.idx.msk [tilespmem:v7+s14+$0x0], $0xffff;
	s10 =	sadd.s32 $0x80, s5;
	v5 =	vmul.f32 v5, v2;
	[tilespmem:s5+$0x30] =	vst v4  }
0x196: {  	v56 =	vld [tilespmem:s10+$0xFFFFFFC0];
	[tilespmem:s5+$0xFFFFFFC0] =	vst v3;
	v3 =	vmul.f32 v6, v2  }
0x197: {  	v54 =	vld [tilespmem:s10+$0x30];
	[tilespmem:s5+$0xFFFFFFD0] =	vst v5;
	v55 =	vmul.f32 v10, v2  }
0x198: {  	v59 =	vld [tilespmem:s10+$0xFFFFFFE0];
	[tilespmem:s5+$0xFFFFFFE0] =	vst v3;
	v3 =	vmul.f32 v11, v2  }
0x199: {  	v57 =	vld [tilespmem:s10+$0xFFFFFFD0];
	v58 =	vmul.f32 v51, v2;
	v2 =	vmul.f32 v52, v2;
	[tilespmem:s5+$0xFFFFFFF0] =	vst v55  }
0x19a: {  	v60 =	vld [tilespmem:s10+$0x0];
	[tilespmem:s5+$0x0] =	vst v3  }
0x19b: {  	v3 =	vld [tilespmem:s10+$0xFFFFFFF0];
	[tilespmem:s5+$0x20] =	vst v2;
	v2 =	vmul.f32 v56, v53  }
0x19c: {  	v63 =	vld [tilespmem:s10+$0x20];
	v6 =	vmul.f32 v54, v53;
	[tilespmem:s5+$0x10] =	vst v58  }
0x19d: {  	v61 =	vld [tilespmem:s10+$0x10];
	[tilespmem:s10+$0xFFFFFFC0] =	vst v2;
	v2 =	vmul.f32 v59, v53  }
0x19e: {  	v62 =	vmul.f32 v57, v53;
	[tilespmem:s10+$0x30] =	vst v6  }
0x19f: {  	[tilespmem:s10+$0xFFFFFFE0] =	vst v2;
	v2 =	vmul.f32 v60, v53  }
0x1a0: {  	[tilespmem:s10+$0xFFFFFFD0] =	vst v62;
	v3 =	vmul.f32 v3, v53  }
0x1a1: {  	[tilespmem:s10+$0x0] =	vst v2;
	v2 =	vmul.f32 v63, v53  }
0x1a2: {  	[tilespmem:s10+$0xFFFFFFF0] =	vst v3;
	v3 =	vmul.f32 v61, v53  }
0x1a3: {  	[tilespmem:s10+$0x20] =	vst v2  }
0x1a4: {  	[tilespmem:s10+$0x10] =	vst v3  }
0x1a5: {  	[spmem:s17] =	stream.indirect.scatter.add.f32 [tilespmem:s13], [sflag:$0x7], $0x80, s15, s22, $0xb8;
	[tilespmem:$0x1E420] =	vst v63  }
0x1a6: {  	_ =	swait.ge [sflag:s24], $0x2800  }
0x1a7: {  	p1 =	seq.s32 s4, $0x3E;
	[sflag:s24] =	ssyncset.done $0x0  }
.Ltmp6:
0x1a8: {  	[sflag:s24] =	ssyncadd.s32 $0xFFFFD800;
	(pc) =	sbr.rel @p1 .LBB2_16-.Ltmp6, $4  }
0x1a9: {  	[spmem:s18] =	stream.indirect.scatter.add.f32 [tilespmem:s14], [sflag:$0x7], $0x1, s15, s22, $0xb8;
	[tilespmem:$0x1E420] =	vst v63  }
0x1aa: {  	_ =	swait.ge [sflag:s24], $0x50  }
0x1ab: {  	[sflag:s24] =	ssyncset.done $0x0  }
0x1ac: {  	[sflag:s24] =	ssyncadd.s32 $0xFFFFFFB0  }
0x1ad: {  	s5 =	smul.u32 $0xA0, s4;
	_ =	sdelay $0x1  }
0x1ae: {  	s6 =	sadd.s32 s5, s19  }
.Ltmp7:
0x1af: {  	s6 =	sshrl.u32 s6, $0x3;
	(pc) =	sbr.rel @p0 .LBB2_15-.Ltmp7, $4  }
0x1b0: {  	s7 =	sadd.s32 s25, s6  }
0x1b1: {  	[tilespmem:s1], [sflag:$0x3] =	stream.linear.gather [hbm4b:s7+s1], $0x50, $0x38;
	[tilespmem:$0x1E420] =	vst v63  }
0x1b2: {  	s6 =	sadd.s32 s26, s6  }
0x1b3: {  	[tilespmem:s15], [sflag:$0x5] =	stream.linear.gather [hbm4b:s6+s1], $0x50, $0x38;
	[tilespmem:$0x1E420] =	vst v63  }
0x1b4: {  	_ =	swait.ge [sflag:s0], $0x2800  }
0x1b5: {  	[sflag:s0] =	ssyncset.done $0x0  }
0x1b6: {  	[sflag:s0] =	ssyncadd.s32 $0xFFFFD800  }
0x1b7: {  	_ =	swait.ge [sflag:s29], $0x50  }
0x1b8: {  	[sflag:s29] =	ssyncset.done $0x0  }
0x1b9: {  	s6 =	simm.s32 $0x0;
	[sflag:s29] =	ssyncadd.s32 $0xFFFFFFB0  }
0x1ba: {  	[tilespmem:s13], [sflag:$0x1] =	stream.indirect.gather [hbm4b:s21+s22], $0x80, s6, s22, $0xb8;
	[tilespmem:$0x1E420] =	vst v63  }
0x1bb: {  	_ =	swait.ge [sflag:s2], $0x50  }
0x1bc: {  	[sflag:s2] =	ssyncset.done $0x0  }
0x1bd: {  	s7 =	simm.s32 $0x0;
	[sflag:s2] =	ssyncadd.s32 $0xFFFFFFB0  }
0x1be: {  	v2 =	vld [tilespmem:s7+$0x50]  }
0x1bf: {  	v3 =	vld [tilespmem:s7+$0xF0];
	_ =	sdelay $0x6  }
0x1c0: {  	v2 =	vld.idx.msk [tilespmem:v2+s23+$0x0], $0xffff  }
0x1c1: {  	v3 =	vld.idx.msk [tilespmem:v3+s12+$0x0], $0xffff;
	_ =	sdelay $0x1  }
0x1c2: {  	s8 =	simm.s32 $0x10  }
0x1c3: {  	v4 =	vld [tilespmem:s8+$0x50]  }
0x1c4: {  	v5 =	vld [tilespmem:s8+$0xF0]  }
0x1c5: {  	v6 =	vadd.f32 v3, v1;
	v2 =	vadd.f32 v3, v2;
	_ =	sdelay $0x1  }
0x1c6: {  	v3 =	vmul.f32 $2.000000030e-01, v6;
	v7 =	vmul.f32 $2.000000030e-01, v2  }
0x1c7: {  	vm0 =	vgt.f32 v6, $0.0e+00;
	vm1 =	vgt.f32 v2, $0.0e+00  }
0x1c8: {  	v3 =	vsel vm0, v6, v3;
	v2 =	vsel vm1, v2, v7  }
0x1c9: {  	v3 =	vsub.f32 v2, v3  }
0x1ca: {  	v2 =	vld.idx.msk [tilespmem:v4+s23+$0x0], $0xffff  }
0x1cb: {  	v6 =	vmul.f32 $1.442695020e+00, v3;
	v3 =	vld.idx.msk [tilespmem:v5+s12+$0x0], $0xffff  }
0x1cc: {  	s9 =	simm.s32 $0x20  }
0x1cd: {  	s10 =	simm.s32 $0xC0;
	v4 =	vld [tilespmem:s9+$0x50];
	(erf) = vpow2.f32 v6  }
.LBB2_11:
0x1ce: {  	p0 =	sne.s32 s10, $0x100;
	v5 =	vld [tilespmem:s9+$0xF0];
	_ =	sdelay $0x1  }
0x1cf: {  	v6 =	vadd.f32 v3, v1;
	v2 =	vadd.f32 v3, v2;
	_ =	sdelay $0x1  }
0x1d0: {  	v3 =	vmul.f32 $2.000000030e-01, v6;
	v7 =	vmul.f32 $2.000000030e-01, v2  }
0x1d1: {  	vm0 =	vgt.f32 v6, $0.0e+00;
	vm1 =	vgt.f32 v2, $0.0e+00  }
0x1d2: {  	v3 =	vsel vm0, v6, v3;
	v6 =	vsel vm1, v2, v7  }
.Ltmp8:
0x1d3: {  	v2 =	vld.idx.msk [tilespmem:v4+s23+$0x0], $0xffff;
	v4 =	vsub.f32 v6, v3;
	(pc) =	sbr.rel @p0 .LBB2_11-.Ltmp8, $4  }
0x1d4: {  	v3 =	vld.idx.msk [tilespmem:v5+s12+$0x0], $0xffff;
	v5 =	vpop (erf)  }
0x1d5: {  	v6 =	vmul.f32 $1.442695020e+00, v4;
	[tilespmem:s7+$0x5140] =	vst v5;
	s7 =	smov.u32 s8;
	s8 =	smov.u32 s9  }
0x1d6: {  	s9 =	sshra.s32 s10, $0x2  }
0x1d7: {  	s10 =	sadd.s32 $0x40, s10;
	v4 =	vld [tilespmem:s9+$0x50];
	(erf) = vpow2.f32 v6  }
0x1d8: {  	_ = 	snop  }
0x1d9: {  	v5 =	vld [tilespmem:s9+$0xF0];
	_ =	sdelay $0x6  }
0x1da: {  	v4 =	vld.idx.msk [tilespmem:v4+s23+$0x0], $0xffff  }
0x1db: {  	v5 =	vld.idx.msk [tilespmem:v5+s12+$0x0], $0xffff;
	_ =	sdelay $0x2  }
0x1dc: {  	v6 =	vadd.f32 v3, v1  }
0x1dd: {  	v2 =	vadd.f32 v3, v2  }
0x1de: {  	v3 =	vmul.f32 $2.000000030e-01, v6;
	v7 =	vadd.f32 v5, v1;
	v4 =	vadd.f32 v5, v4  }
0x1df: {  	vm0 =	vgt.f32 v6, $0.0e+00;
	vm1 =	vgt.f32 v2, $0.0e+00;
	v5 =	vmul.f32 $2.000000030e-01, v2  }
0x1e0: {  	v3 =	vsel vm0, v6, v3;
	v6 =	vmul.f32 $2.000000030e-01, v7;
	v8 =	vmul.f32 $2.000000030e-01, v4  }
0x1e1: {  	v2 =	vsel vm1, v2, v5;
	vm14 =	vgt.f32 v7, $0.0e+00;
	vm15 =	vgt.f32 v4, $0.0e+00  }
0x1e2: {  	v2 =	vsub.f32 v2, v3;
	v3 =	vsel vm14, v7, v6;
	v4 =	vsel vm15, v4, v8  }
0x1e3: {  	v3 =	vsub.f32 v4, v3  }
0x1e4: {  	v2 =	vmul.f32 $1.442695020e+00, v2  }
0x1e5: {  	v3 =	vmul.f32 $1.442695020e+00, v3  }
0x1e6: {  	(erf) = vpow2.f32 v2  }
0x1e7: {  	(erf) = vpow2.f32 v3;
	_ =	sdelay $0x5  }
0x1e8: {  	v2 =	vmov s6  }
0x1e9: {  	v3 =	vpop (erf)  }
0x1ea: {  	[tilespmem:s7+$0x5140] =	vst v3;
	v4 =	vpop (erf)  }
0x1eb: {  	[tilespmem:s8+$0x5140] =	vst v4;
	v3 =	vpop (erf)  }
0x1ec: {  	[tilespmem:s9+$0x5140] =	vst v3  }
0x1ed: {  	s7 =	simm.s32 $0x2980;
	v9 =	vld.idx.msk [tilespmem:v2+s14+$0x0], $0xffff  }
0x1ee: {  	v2 =	vld [tilespmem:s7+$0x30]  }
0x1ef: {  	v3 =	vld [tilespmem:s7+$0xFFFFFFC0]  }
0x1f0: {  	v4 =	vld [tilespmem:s7+$0xFFFFFFD0]  }
0x1f1: {  	s9 =	simm.s32 $0x1;
	v5 =	vld [tilespmem:s7+$0xFFFFFFE0]  }
0x1f2: {  	v6 =	vmov s9;
	v8 =	vld [tilespmem:s7+$0x0]  }
0x1f3: {  	v7 =	vld [tilespmem:s7+$0xFFFFFFF0];
	v2 =	vmul.f32 v2, v9  }
0x1f4: {  	v10 =	vld [tilespmem:s7+$0x10];
	v3 =	vmul.f32 v3, v9  }
0x1f5: {  	s6 =	simm.s32 $0x2A00;
	v11 =	vld [tilespmem:s7+$0x20];
	v12 =	vmul.f32 v4, v9;
	[tilespmem:s7+$0x30] =	vst v2  }
0x1f6: {  	v5 =	vmul.f32 v5, v9;
	v4 =	vld [tilespmem:s6+$0x30];
	[tilespmem:s7+$0xFFFFFFC0] =	vst v3  }
0x1f7: {  	v63 =	vmul.f32 v8, v9;
	v2 =	vld.idx.msk [tilespmem:v6+s14+$0x0], $0xffff;
	[tilespmem:s7+$0xFFFFFFD0] =	vst v12  }
0x1f8: {  	v6 =	vmul.f32 v7, v9;
	v3 =	vld [tilespmem:s6+$0xFFFFFFC0];
	[tilespmem:s7+$0xFFFFFFE0] =	vst v5  }
0x1f9: {  	s10 =	simm.s32 $0x2;
	v8 =	vmul.f32 v10, v9;
	v5 =	vld [tilespmem:s6+$0xFFFFFFD0];
	[tilespmem:s7+$0x0] =	vst v63  }
0x1fa: {  	s8 =	simm.s32 $0x3;
	v7 =	vmov s10;
	v9 =	vmul.f32 v11, v9;
	[tilespmem:s7+$0xFFFFFFF0] =	vst v6;
	v6 =	vld [tilespmem:s6+$0xFFFFFFE0]  }
.LBB2_13:
0x1fb: {  	p0 =	sne.s32 s8, $0x4F;
	v10 =	vld [tilespmem:s6+$0xFFFFFFF0];
	[tilespmem:s7+$0x10] =	vst v8  }
0x1fc: {  	v8 =	vld [tilespmem:s6+$0x0];
	v4 =	vmul.f32 v4, v2;
	[tilespmem:s7+$0x20] =	vst v9;
	v9 =	vmov v2;
	s7 =	smov.u32 s6  }
0x1fd: {  	v3 =	vmul.f32 v3, v9;
	v11 =	vld [tilespmem:s6+$0x10]  }
0x1fe: {  	v5 =	vmul.f32 v5, v9;
	v12 =	vld [tilespmem:s6+$0x20];
	[tilespmem:s6+$0x30] =	vst v4  }
.Ltmp9:
0x1ff: {  	s6 =	sadd.s32 $0x80, s6;
	v2 =	vld.idx.msk [tilespmem:v7+s14+$0x0], $0xffff;
	[tilespmem:s7+$0xFFFFFFC0] =	vst v3;
	v6 =	vmul.f32 v6, v9;
	(pc) =	sbr.rel @p0 .LBB2_13-.Ltmp9, $4  }
0x200: {  	v4 =	vld [tilespmem:s6+$0x30];
	[tilespmem:s7+$0xFFFFFFD0] =	vst v5;
	v7 =	vmul.f32 v10, v9  }
0x201: {  	v3 =	vld [tilespmem:s6+$0xFFFFFFC0];
	[tilespmem:s7+$0xFFFFFFE0] =	vst v6;
	v10 =	vmul.f32 v8, v9  }
0x202: {  	v5 =	vld [tilespmem:s6+$0xFFFFFFD0];
	[tilespmem:s7+$0xFFFFFFF0] =	vst v7;
	v8 =	vmul.f32 v11, v9  }
0x203: {  	v7 =	vmov s8;
	s8 =	sadd.s32 $0x1, s8;
	v6 =	vld [tilespmem:s6+$0xFFFFFFE0];
	[tilespmem:s7+$0x0] =	vst v10;
	v9 =	vmul.f32 v12, v9  }
0x204: {  	v10 =	vld [tilespmem:s6+$0xFFFFFFF0]  }
0x205: {  	v11 =	vld [tilespmem:s6+$0x0]  }
0x206: {  	[tilespmem:s7+$0x10] =	vst v8;
	v51 =	vld [tilespmem:s6+$0x10];
	v4 =	vmul.f32 v4, v2  }
0x207: {  	v52 =	vld [tilespmem:s6+$0x20];
	[tilespmem:s7+$0x20] =	vst v9;
	v3 =	vmul.f32 v3, v2  }
0x208: {  	v53 =	vld.idx.msk [tilespmem:v7+s14+$0x0], $0xffff;
	s10 =	sadd.s32 $0x80, s6;
	v5 =	vmul.f32 v5, v2;
	[tilespmem:s6+$0x30] =	vst v4  }
0x209: {  	v56 =	vld [tilespmem:s10+$0xFFFFFFC0];
	[tilespmem:s6+$0xFFFFFFC0] =	vst v3;
	v3 =	vmul.f32 v6, v2  }
0x20a: {  	v54 =	vld [tilespmem:s10+$0x30];
	[tilespmem:s6+$0xFFFFFFD0] =	vst v5;
	v55 =	vmul.f32 v10, v2  }
0x20b: {  	v59 =	vld [tilespmem:s10+$0xFFFFFFE0];
	[tilespmem:s6+$0xFFFFFFE0] =	vst v3;
	v3 =	vmul.f32 v11, v2  }
0x20c: {  	v57 =	vld [tilespmem:s10+$0xFFFFFFD0];
	v58 =	vmul.f32 v51, v2;
	v2 =	vmul.f32 v52, v2;
	[tilespmem:s6+$0xFFFFFFF0] =	vst v55  }
0x20d: {  	v60 =	vld [tilespmem:s10+$0x0];
	[tilespmem:s6+$0x0] =	vst v3  }
0x20e: {  	v3 =	vld [tilespmem:s10+$0xFFFFFFF0];
	[tilespmem:s6+$0x20] =	vst v2;
	v2 =	vmul.f32 v56, v53  }
0x20f: {  	v63 =	vld [tilespmem:s10+$0x20];
	v6 =	vmul.f32 v54, v53;
	[tilespmem:s6+$0x10] =	vst v58  }
0x210: {  	v61 =	vld [tilespmem:s10+$0x10];
	[tilespmem:s10+$0xFFFFFFC0] =	vst v2;
	v2 =	vmul.f32 v59, v53  }
0x211: {  	v62 =	vmul.f32 v57, v53;
	[tilespmem:s10+$0x30] =	vst v6  }
0x212: {  	[tilespmem:s10+$0xFFFFFFE0] =	vst v2;
	v2 =	vmul.f32 v60, v53  }
0x213: {  	[tilespmem:s10+$0xFFFFFFD0] =	vst v62;
	v3 =	vmul.f32 v3, v53  }
0x214: {  	[tilespmem:s10+$0x0] =	vst v2;
	v2 =	vmul.f32 v63, v53  }
0x215: {  	[tilespmem:s10+$0xFFFFFFF0] =	vst v3;
	v3 =	vmul.f32 v61, v53  }
0x216: {  	[tilespmem:s10+$0x20] =	vst v2  }
0x217: {  	[tilespmem:s10+$0x10] =	vst v3  }
0x218: {  	[spmem:s17] =	stream.indirect.scatter.add.f32 [tilespmem:s16], [sflag:$0x7], $0x80, s28, s22, $0xb8;
	[tilespmem:$0x1E420] =	vst v63  }
0x219: {  	_ =	swait.ge [sflag:s24], $0x2800  }
0x21a: {  	[sflag:s24] =	ssyncset.done $0x0  }
0x21b: {  	p0 =	seq.s32 s4, $0x3D;
	[sflag:s24] =	ssyncadd.s32 $0xFFFFD800  }
0x21c: {  	[spmem:s18] =	stream.indirect.scatter.add.f32 [tilespmem:s14], [sflag:$0x7], $0x1, s28, s22, $0xb8;
	[tilespmem:$0x1E420] =	vst v63  }
0x21d: {  	s5 =	sadd.s32 @!p0 s5, s20;
	s7 =	simm.s32 @!p0 $0x0;
	_ =	swait.ge [sflag:s24], $0x50  }
.Ltmp10:
0x21e: {  	s5 =	sshrl.u32 @!p0 s5, $0x3;
	[sflag:s24] =	ssyncset.done $0x0;
	(pc) =	sbr.rel .LBB2_15-.Ltmp10, $4  }
0x21f: {  	s8 =	simm.s32 @!p0 $0x50;
	s6 =	sadd.s32 @!p0 s25, s5;
	[sflag:s24] =	ssyncadd.s32 $0xFFFFFFB0  }
0x220: {  	[tilespmem:s8], [sflag:$0x4] =	stream.linear.gather @!p0 [hbm4b:s6+s7], $0x50, $0x38;
	[tilespmem:$0x1E420] =	vst v63  }
0x221: {  	s5 =	sadd.s32 @!p0 s26, s5;
	s6 =	simm.s32 @!p0 $0xF0  }
0x222: {  	[tilespmem:s6], [sflag:$0x6] =	stream.linear.gather @!p0 [hbm4b:s5+s7], $0x50, $0x38;
	[tilespmem:$0x1E420] =	vst v63  }
.LBB2_17:
0x223: {  	_ =	sfence.sel $0x180000  }
0x224: {  	[bflag:$0x0] =	sbarrier.arrive $0xFFFF  }
0x225: {  	_ =	strace $0x9000004A  }
0x226: {  	s0 =	stileid.u32;
	[bflag:$0x2] =	sbarrier.arrive $0xFFFF  }
0x227: {  	p0 =	sne.s32 s0, $0x0;
	s0 =	rddreg [dreg:$0x4]  }
0x228: {  	s0 =	sadd.s32 @!p0 $0x100000, s0  }
0x229: {  	[sflag:s0] =	ssyncadd.tile.s32 @!p0 $0x1;
	_ =	shalt  }
.Lfunc_end2:
_tile_overlayer_lowered:
.L_overlay_start_2:
0x22a: {  	(tag) =	ssettag $0x2  }
0x22b: {  	s0 =	rddreg [dreg:$0x0];
	s2 =	stileid.u32  }
0x22c: {  	s1 =	rddreg [dreg:$0x1];
	p0 =	sne.s32 s2, $0x0  }
0x22d: {  	s3 =	rddreg [dreg:$0x2];
	[bflag:$0x3] =	sbarrier.arrive $0xFFFF;
	s2 =	simm.s32 @!p0 $0x1C07  }
0x22e: {  	[timem:s3], [sflag:s2] =	dma.local @!p0 [hbm:s0], s1  }
0x22f: {  	s0 =	simm.s32 @!p0 $0x7  }
0x230: {  	_ =	swait.ge @!p0 [sflag:s0], s1  }
0x231: {  	s1 =	ssub.s32 @!p0 $0x0, s1;
	[sflag:s0] =	ssyncset.done @!p0 $0x0  }
0x232: {  	[sflag:s0] =	ssyncadd.s32 @!p0 s1  }
0x233: {  	[bflag:$0x3] =	sbarrier.arrive $0xFFFF  }
0x234: {  	_ =	shalt  }

// kernel: kernel.15.cloned.1.call-start
scs
__scs_entry_jumppad:
0x0: {  	(pc) =	sbr.rel $0x88, $3  }
0x1: {  	(tag) =	ssettag $0x0;
	lr =	simm.s32 $0x1  }
0x2: {  	[smem:$0x3F95] =	sst lr;
	_ =	strace $0xD0000000  }
0x3: {  	_ = 	snop  }
0x4: {  	_ = 	snop  }
0x5: {  	_ = 	snop  }
0x6: {  	_ = 	snop  }
0x7: {  	_ = 	snop  }
__scs_overlays_trampoline_lowered:
0x8: {  	[smem:$0x3FA4] =	sst s0  }
0x9: {  	[smem:$0x3FA5] =	sst s1  }
0xa: {  	[smem:$0x3FA6] =	sst s2  }
0xb: {  	[smem:$0x3FA7] =	sst s3  }
0xc: {  	[smem:$0x3FA8] =	sst s4  }
0xd: {  	[smem:$0x3FA9] =	sst s5  }
0xe: {  	[smem:$0x3FAA] =	sst s6  }
0xf: {  	[smem:$0x3FAB] =	sst s7  }
0x10: {  	[smem:$0x3FAC] =	sst s8  }
0x11: {  	[smem:$0x3FAD] =	sst s9;
	s0 =	simm.s32 @!p0 $0x0  }
0x12: {  	s1 =	sld [smem:$0x3F93];
	s0 =	simm.s32 @p0 $0x1  }
0x13: {  	[smem:$0x3FAE] =	sst s0;
	s0 =	simm.s32 @!p1 $0x0  }
0x14: {  	s2 =	sld [smem:$0x3F92];
	s0 =	simm.s32 @p1 $0x1  }
0x15: {  	[smem:$0x3FAF] =	sst s0;
	s0 =	simm.s32 @!p2 $0x0  }
0x16: {  	s3 =	sld [smem:$0x3FDB];
	s0 =	simm.s32 @p2 $0x1  }
0x17: {  	s4 =	simm.s32 $0x1BF5;
	[smem:$0x3FB1] =	sst s0  }
0x18: {  	s0 =	sld [smem:$0x3F94];
	_ =	swait.ge [sflag:s4], $0x0  }
0x19: {  	s7 =	sld [smem:$0x3F95]  }
0x1a: {  	s8 =	sadd.s32 $0xFFFFE003, lr  }
0x1b: {  	s9 =	sadd.s32 $0xFFFFFEF7, lr;
	s5 =	simm.s32 $0xFFFFFFFF;
	p2 =	slt.u32 s8, $0xFFFFF086  }
0x1c: {  	p1 =	slt.u32 s9, $0xF7A;
	s5 =	simm.s32 @!p2 $0x0  }
0x1d: {  	s5 =	simm.s32 @p1 $0x1;
	p0 =	seq.s32 s7, s2  }
0x1e: {  	s7 =	smul.u32 @!p0 $0xF7A, s2;
	p2 =	seq.s32 @!p0 s5, $0x0  }
0x1f: {  	s9 =	smul.u32 $0xF7A, s1;
	s8 =	simm.s32 @!p0 $0x1BF5;
	p2 =	por !p2, p0  }
0x20: {  	[sflag:s8] =	ssyncset.s32 @!p0 $0xFFFFF086;
	s6 =	sadd.s32 @!p0 s3, s7;
	s7 =	simm.s32 @!p0 $0x108  }
0x21: {  	s3 =	sadd.s32 s3, s9;
	s6 =	sadd.s32 @!p0 $0x88, s6;
	s7 =	simm.s32 @p2 $0x1082  }
0x22: {  	[simem:s7], [sflag:s8] =	dma.local @!p0 [hbm:s6], $0xF7A  }
0x23: {  	s9 =	sor.u32 $0xD0000000, s2;
	s6 =	simm.s32 $0x108;
	_ =	swait.ge @!p0 [sflag:s8], $0x0  }
0x24: {  	s3 =	sadd.s32 $0x88, s3;
	s6 =	simm.s32 @!p1 $0x1082;
	[sflag:s4] =	ssyncset.s32 $0xFFFFF086  }
0x25: {  	[simem:s6], [sflag:s4] =	dma.local [hbm:s3], $0xF7A  }
0x26: {  	[smem:$0x3F95] =	sst s1;
	(tag) =	ssettag s2;
	_ =	strace s9  }
0x27: {  	s1 =	sld [smem:$0x3FA5]  }
0x28: {  	s2 =	sld [smem:$0x3FA6]  }
0x29: {  	s4 =	sld [smem:$0x3FA8]  }
0x2a: {  	p0 =	seq.s32 s5, $0x0;
	s5 =	sld [smem:$0x3FA9]  }
0x2b: {  	s6 =	sld [smem:$0x3FAA]  }
0x2c: {  	s7 =	sld [smem:$0x3FAB]  }
0x2d: {  	s3 =	simm.s32 $0x108;
	s8 =	sld [smem:$0x3FAC]  }
0x2e: {  	s3 =	simm.s32 @!p0 $0x1082;
	s9 =	sld [smem:$0x3FAD]  }
0x2f: {  	lr =	sadd.s32 s0, s3;
	s0 =	sld [smem:$0x3FA4]  }
0x30: {  	s3 =	sld [smem:$0x3FA7]  }
0x31: {  	[smem:$0x3FB0] =	sst s10  }
0x32: {  	s10 =	sld [smem:$0x3FAE];
	_ =	sdelay $0x3  }
0x33: {  	p0 =	seq.s32 s10, $0x1;
	s10 =	sld [smem:$0x3FB0];
	_ =	sdelay $0x3  }
0x34: {  	[smem:$0x3FB0] =	sst s10  }
0x35: {  	s10 =	sld [smem:$0x3FAF];
	_ =	sdelay $0x3  }
0x36: {  	p1 =	seq.s32 s10, $0x1;
	s10 =	sld [smem:$0x3FB0];
	_ =	sdelay $0x3  }
0x37: {  	[smem:$0x3FB0] =	sst s10  }
0x38: {  	s10 =	sld [smem:$0x3FB1]  }
0x39: {  	_ = 	snop;
	(pc) =	sbr.ind lr, $3  }
0x3a: {  	_ = 	snop  }
0x3b: {  	_ = 	snop  }
0x3c: {  	p2 =	seq.s32 s10, $0x1;
	s10 =	sld [smem:$0x3FB0]  }
0x3d: {  	_ =	shalt  }
0x3e: {  	_ =	shalt  }
0x3f: {  	_ =	shalt  }
0x40: {  	_ =	shalt  }
0x41: {  	_ =	shalt  }
0x42: {  	_ =	shalt  }
0x43: {  	_ =	shalt  }
0x44: {  	_ =	shalt  }
0x45: {  	_ =	shalt  }
0x46: {  	_ =	shalt  }
0x47: {  	_ =	shalt  }
0x48: {  	_ =	shalt  }
0x49: {  	_ =	shalt  }
0x4a: {  	_ =	shalt  }
0x4b: {  	_ =	shalt  }
0x4c: {  	_ =	shalt  }
0x4d: {  	_ =	shalt  }
0x4e: {  	_ =	shalt  }
0x4f: {  	_ =	shalt  }
0x50: {  	_ =	shalt  }
0x51: {  	_ =	shalt  }
0x52: {  	_ =	shalt  }
0x53: {  	_ =	shalt  }
0x54: {  	_ =	shalt  }
0x55: {  	_ =	shalt  }
0x56: {  	_ =	shalt  }
0x57: {  	_ =	shalt  }
0x58: {  	_ =	shalt  }
0x59: {  	_ =	shalt  }
0x5a: {  	_ =	shalt  }
0x5b: {  	_ =	shalt  }
0x5c: {  	_ =	shalt  }
0x5d: {  	_ =	shalt  }
0x5e: {  	_ =	shalt  }
0x5f: {  	_ =	shalt  }
0x60: {  	_ =	shalt  }
0x61: {  	_ =	shalt  }
0x62: {  	_ =	shalt  }
0x63: {  	_ =	shalt  }
0x64: {  	_ =	shalt  }
0x65: {  	_ =	shalt  }
0x66: {  	_ =	shalt  }
0x67: {  	_ =	shalt  }
0x68: {  	_ =	shalt  }
0x69: {  	_ =	shalt  }
0x6a: {  	_ =	shalt  }
0x6b: {  	_ =	shalt  }
0x6c: {  	_ =	shalt  }
0x6d: {  	_ =	shalt  }
0x6e: {  	_ =	shalt  }
0x6f: {  	_ =	shalt  }
0x70: {  	_ =	shalt  }
0x71: {  	_ =	shalt  }
0x72: {  	_ =	shalt  }
0x73: {  	_ =	shalt  }
0x74: {  	_ =	shalt  }
0x75: {  	_ =	shalt  }
0x76: {  	_ =	shalt  }
0x77: {  	_ =	shalt  }
0x78: {  	_ =	shalt  }
0x79: {  	_ =	shalt  }
0x7a: {  	_ =	shalt  }
0x7b: {  	_ =	shalt  }
0x7c: {  	_ =	shalt  }
0x7d: {  	_ =	shalt  }
0x7e: {  	_ =	shalt  }
0x7f: {  	_ =	shalt  }
0x80: {  	_ =	shalt  }
0x81: {  	_ =	shalt  }
0x82: {  	_ =	shalt  }
0x83: {  	_ =	shalt  }
0x84: {  	_ =	shalt  }
0x85: {  	_ =	shalt  }
0x86: {  	_ =	shalt  }
0x87: {  	_ =	shalt  }
.Lfunc_end0:
.L_simem_size_0:
called_computation.2_lowered:
.L_overlay_start_0:
0x88: {  	s2 =	sld [smem:$0x3FD9]  }
0x89: {  	s3 =	sld [smem:$0x3FFE];
	_ =	sdelay $0x1  }
0x8a: {  	s1 =	srdreg.scid  }
0x8b: {  	s0 =	sand.u32 $0x1, s1  }
0x8c: {  	s17 =	sshll.u32 s0, $0xA;
	s2 =	sadd.s32 s3, s2  }
0x8d: {  	s2 =	sadd.s32 s2, s17  }
0x8e: {  	[smem:$0x3FBC] =	sst s2  }
0x8f: {  	_ = 	snop  }
0x90: {  	s2 =	sld [smem:$0x3FC0]  }
0x91: {  	s18 =	sld [smem:$0x3FBE];
	(tm) =	ssettm $0x1  }
0x92: {  	s4 =	sld [smem:$0x3FFB];
	_ =	sdelay $0x3  }
0x93: {  	_ =	strace s4  }
0x94: {  	s4 =	sld [smem:$0x3FFC];
	_ =	sdelay $0x3  }
0x95: {  	_ =	strace s4  }
0x96: {  	s4 =	sld [smem:$0x3FFD];
	_ =	sdelay $0x3  }
0x97: {  	_ =	strace s4  }
0x98: {  	_ =	strace $0x8FFFFFFF  }
0x99: {  	s19 =	sld [smem:$0x3FDB];
	_ =	sdelay $0x1  }
0x9a: {  	s5 =	simm.s32 $_scs_section_size  }
0x9b: {  	s6 =	simm.s32 $_size__tile_overlayer_lowered;
	s7 =	simm.s32 $_tile_overlayer_lowered  }
0x9c: {  	s22 =	simm.s32 $0x1BFF;
	s21 =	sshll.u32 s7, $0x1;
	s4 =	sadd.s32 s5, s19  }
0x9d: {  	s8 =	simm.s32 $0x0;
	s20 =	sshll.u32 s6, $0x1;
	s6 =	sadd.s32 s21, s4  }
0x9e: {  	[timem:s8], [sflag:s22] =	dma.local [hbm:s6], s20  }
0x9f: {  	_ =	swait.ge [sflag:s22], s20  }
0xa0: {  	s5 =	ssub.s32 $0x0, s20;
	[sflag:s22] =	ssyncset.done $0x0  }
0xa1: {  	[sflag:s22] =	ssyncadd.s32 s5;
	_ =	sdelay $0x1  }
0xa2: {  	s23 =	simm.s32 $0x1B8B  }
0xa3: {  	_ =	swait.ge [sflag:s23], $0x1  }
0xa4: {  	[sflag:s23] =	ssyncset.done $0x0  }
0xa5: {  	s25 =	simm.s32 $0x1B8E;
	s24 =	sld [smem:$0x3FFE];
	[sflag:s23] =	ssyncadd.s32 $0xFFFFFFFF  }
0xa6: {  	s26 =	simm.s32 $execute0_lowered;
	[smem:$0x3FD2] =	sst s25  }
0xa7: {  	s6 =	sshll.u32 s26, $0x1;
	_ =	strace $0x8000004C;
	[dreg:$0x1] =	wrdreg $0xFFFFFFFF  }
0xa8: {  	s28 =	simm.s32 $_size_execute0_lowered;
	s4 =	sadd.s32 s4, s6;
	[dreg:$0x0] =	wrdreg $0x0  }
0xa9: {  	s6 =	sshll.u32 s28, $0x1;
	[dreg:$0x2] =	wrdreg s4  }
0xaa: {  	[dreg:$0x3] =	wrdreg s6  }
0xab: {  	[dreg:$0x4] =	wrdreg $0xC0  }
0xac: {  	_ =	task [dreg:s8], $0x5FFFF  }
0xad: {  	[dreg:$0x1] =	wrdreg $0xFFFFFFFF  }
0xae: {  	[dreg:$0x0] =	wrdreg $0x60  }
0xaf: {  	[dreg:$0x2] =	wrdreg s24  }
0xb0: {  	[dreg:$0x3] =	wrdreg s2  }
0xb1: {  	[dreg:$0x4] =	wrdreg s18  }
0xb2: {  	[dreg:$0x5] =	wrdreg $0x9  }
0xb3: {  	_ =	task.clear_ibuf [dreg:s8], $0x6FFFF;
	_ =	strace $0x9000004C  }
0xb4: {  	s29 =	simm.s32 $0x9;
	_ =	strace $0x8000004E  }
0xb5: {  	_ =	swait.ge [sflag:s29], $0x1  }
0xb6: {  	[sflag:s29] =	ssyncadd.s32 $0xFFFFFFFF  }
0xb7: {  	_ =	strace $0x9000004E  }
0xb8: {  	_ =	sfence  }
0xb9: {  	s30 =	sld [smem:$0x0];
	_ =	sdelay $0x2  }
0xba: {  	s31 =	sshll.u32 s1, $0xD;
	s1 =	sshrl.u32 s1, $0x2  }
0xbb: {  	s3 =	sand.u32 $0x4000, s31;
	s1 =	sadd.s32 s1, s30  }
0xbc: {  	s0 =	sor.u32 s3, s0;
	s1 =	sshll.u32 s1, $0x11  }
0xbd: {  	s0 =	sor.u32 s1, s0  }
0xbe: {  	s0 =	sadd.s32 $0x8F2B, s0  }
0xbf: {  	[sflag:s0] =	ssyncadd.remote.s32 $0x1  }
0xc0: {  	_ =	sfence.sel $0xFFFF  }
0xc1: {  	[dreg:$0x0] =	wrdreg $0xFFFFFFFF;
	(pc) =	sbr.abs _section_cstart, $3  }
0xc2: {  	[dreg:$0x1] =	wrdreg $0xFFFFFFFF  }
0xc3: {  	_ =	task.clear_ibuf [dreg:s8], $0x2FFFF;
	_ =	strace $0x9FFFFFFF  }
0xc4: {  	(tm) =	ssettm $0x7FFFFFFF  }
0xc5: {  	_ =	shalt  }
tec
execute0_lowered:
.L_overlay_start_1:
0x0: {  	(tag) =	ssettag $0x1  }
0x1: {  	s0 =	rddreg [dreg:$0x0]  }
0x2: {  	s1 =	rddreg [dreg:$0x1]  }
0x3: {  	s4 =	rddreg [dreg:$0x2];
	s2 =	simm.s32 $0x0;
	s3 =	srdreg.scid  }
0x4: {  	s11 =	stileid.u32;
	s28 =	simm.s32 $0xD000;
	s29 =	simm.s32 $0x2  }
0x5: {  	s30 =	simm.s32 $0x4;
	s31 =	simm.s32 $0x5;
	[smem:$0x7FF] =	sst s2  }
0x6: {  	s5 =	sand.u32 $0x1, s3;
	s7 =	sshll.u32 s11, $0xB;
	s3 =	sadd.s32 $0x3C00, s0  }
0x7: {  	s15 =	sshll.u32 s11, $0xF;
	_ =	strace $0x8000004D;
	s6 =	sshll.u32 s5, $0xF  }
0x8: {  	s8 =	ssub.s32 $0x2, s5;
	s26 =	sshll.u32 s5, $0x13;
	s6 =	sor.u32 s7, s6  }
0x9: {  	s7 =	sadd.s32 $0x2BC00, s0;
	s9 =	sshrl.u32 s8, $0x1;
	s10 =	sshrl.u32 s6, $0x3  }
0xa: {  	s0 =	sadd.s32 $0x12BC00, s0;
	s8 =	ssub.s32 s8, s9;
	s1 =	sadd.s32 s1, s10  }
0xb: {  	s18 =	sshll.u32 s6, $0x4;
	s17 =	sadd.s32 s4, s10;
	[dreg:$0x4] =	wrdreg s1  }
0xc: {  	s16 =	sadd.s32 s26, s0;
	s19 =	smax.u32 s8, $0x1;
	[dreg:$0x5] =	wrdreg s17  }
0xd: {  	s20 =	sadd.s32 s7, s18;
	s21 =	sadd.s32 s0, s18;
	[dreg:$0x6] =	wrdreg s19  }
0xe: {  	s22 =	sor.u32 $0x800, s18;
	s24 =	sor.u32 $0x7000, s18;
	[dreg:$0x7] =	wrdreg s20  }
0xf: {  	[dreg:$0x8] =	wrdreg s21;
	s23 =	sadd.s32 s7, s22;
	s4 =	sadd.s32 s0, s22  }
0x10: {  	s25 =	sadd.s32 s7, s24;
	s12 =	sadd.s32 s0, s24;
	s1 =	sor.u32 $0x7800, s18  }
0x11: {  	s17 =	sadd.s32 s26, s7;
	s18 =	simm.s32 $0x9;
	s19 =	simm.s32 $0x800  }
0x12: {  	s20 =	simm.s32 $0x80;
	s21 =	simm.s32 $0x1000;
	[dreg:$0x9] =	wrdreg s23  }
0x13: {  	s22 =	simm.s32 $0x9000;
	s24 =	simm.s32 $0x3;
	[dreg:$0xa] =	wrdreg s4  }
0x14: {  	s26 =	simm.s32 $0x8;
	[dreg:$0xb] =	wrdreg s25;
	s13 =	sadd.s32 s7, s1  }
0x15: {  	s14 =	sadd.s32 s0, s1;
	s23 =	simm.s32 $0x1;
	s25 =	simm.s32 $0x5000  }
0x16: {  	s0 =	simm.s32 $0x7;
	s1 =	simm.s32 $0x6;
	s4 =	simm.s32 $0x0  }
.LBB2_1:
0x17: {  	s5 =	rddreg [dreg:$0x4]  }
0x18: {  	[tilespmem:s2], [sflag:$0x9] =	stream.linear.gather [hbm4b:s5+s2], $0x800, $0x38;
	[tilespmem:$0x11000] =	vst v63  }
0x19: {  	_ =	swait.ge [sflag:s18], $0x800  }
0x1a: {  	[sflag:s18] =	ssyncset.done $0x0  }
0x1b: {  	s7 =	rddreg [dreg:$0x5];
	[sflag:s18] =	ssyncadd.s32 $0xFFFFF800  }
0x1c: {  	[tilespmem:s19], [sflag:$0x9] =	stream.linear.gather [hbm4b:s7+s2], $0x800, $0x38;
	[tilespmem:$0x11000] =	vst v63  }
0x1d: {  	_ =	swait.ge [sflag:s18], $0x800  }
0x1e: {  	[sflag:s18] =	ssyncset.done $0x0  }
0x1f: {  	[sflag:s18] =	ssyncadd.s32 $0xFFFFF800  }
0x20: {  	[tilespmem:s21], [sflag:$0x1] =	stream.indirect.gather [hbm4b:s3+s20], $0x80, s2, s20, $0xb8;
	[tilespmem:$0x11000] =	vst v63  }
0x21: {  	_ = 	snop  }
0x22: {  	[tilespmem:s22], [sflag:$0x3] =	stream.indirect.gather [hbm4b:s3+s20], $0x80, s19, s20, $0xb8;
	[tilespmem:$0x11000] =	vst v63  }
0x23: {  	_ =	swait.ge [sflag:s23], $0x4000  }
0x24: {  	[sflag:s23] =	ssyncset.done $0x0  }
0x25: {  	[sflag:s23] =	ssyncadd.s32 $0xFFFFC000  }
0x26: {  	_ =	swait.ge [sflag:s24], $0x4000  }
0x27: {  	[sflag:s24] =	ssyncset.done $0x0  }
0x28: {  	[sflag:s24] =	ssyncadd.s32 $0xFFFFC000  }
0x29: {  	[tilespmem:s25], [sflag:$0x2] =	stream.indirect.gather [hbm4b:s3+s20], $0x80, s20, s20, $0xb8;
	[tilespmem:$0x11000] =	vst v63  }
0x2a: {  	s8 =	simm.s32 $0x880  }
0x2b: {  	[tilespmem:s28], [sflag:$0x4] =	stream.indirect.gather [hbm4b:s3+s20], $0x80, s8, s20, $0xb8;
	[tilespmem:$0x11000] =	vst v63  }
0x2c: {  	s9 =	rddreg [dreg:$0x7]  }
0x2d: {  	[hbm4b:s9+s2] =	stream.linear.scatter [tilespmem:s21], [sflag:$0x5], $0x4000, $0x38;
	[tilespmem:$0x11000] =	vst v63  }
0x2e: {  	s10 =	rddreg [dreg:$0x8]  }
0x2f: {  	[hbm4b:s10+s2] =	stream.linear.scatter [tilespmem:s22], [sflag:$0x7], $0x4000, $0x38;
	[tilespmem:$0x11000] =	vst v63  }
0x30: {  	_ =	swait.ge [sflag:s29], $0x4000  }
0x31: {  	[sflag:s29] =	ssyncset.done $0x0  }
0x32: {  	[sflag:s29] =	ssyncadd.s32 $0xFFFFC000  }
0x33: {  	_ =	swait.ge [sflag:s30], $0x4000  }
0x34: {  	[sflag:s30] =	ssyncset.done $0x0  }
0x35: {  	[sflag:s30] =	ssyncadd.s32 $0xFFFFC000  }
0x36: {  	_ =	swait.ge [sflag:s31], $0x4000  }
0x37: {  	[sflag:s31] =	ssyncset.done $0x0  }
0x38: {  	[sflag:s31] =	ssyncadd.s32 $0xFFFFC000  }
0x39: {  	_ =	swait.ge [sflag:s0], $0x4000  }
0x3a: {  	[sflag:s0] =	ssyncset.done $0x0  }
0x3b: {  	s11 =	simm.s32 $0x100;
	[sflag:s0] =	ssyncadd.s32 $0xFFFFC000  }
0x3c: {  	[tilespmem:s21], [sflag:$0x1] =	stream.indirect.gather [hbm4b:s3+s20], $0x80, s11, s20, $0xb8;
	[tilespmem:$0x11000] =	vst v63  }
0x3d: {  	s6 =	simm.s32 $0x900  }
0x3e: {  	[tilespmem:s22], [sflag:$0x3] =	stream.indirect.gather [hbm4b:s3+s20], $0x80, s6, s20, $0xb8;
	[tilespmem:$0x11000] =	vst v63  }
0x3f: {  	s7 =	rddreg [dreg:$0x9]  }
0x40: {  	[hbm4b:s7+s2] =	stream.linear.scatter [tilespmem:s25], [sflag:$0x6], $0x4000, $0x38;
	[tilespmem:$0x11000] =	vst v63  }
0x41: {  	s8 =	rddreg [dreg:$0xa]  }
0x42: {  	[hbm4b:s8+s2] =	stream.linear.scatter [tilespmem:s28], [sflag:$0x8], $0x4000, $0x38;
	[tilespmem:$0x11000] =	vst v63  }
0x43: {  	_ =	swait.ge [sflag:s23], $0x4000  }
0x44: {  	[sflag:s23] =	ssyncset.done $0x0  }
0x45: {  	[sflag:s23] =	ssyncadd.s32 $0xFFFFC000  }
0x46: {  	_ =	swait.ge [sflag:s24], $0x4000  }
0x47: {  	[sflag:s24] =	ssyncset.done $0x0  }
0x48: {  	[sflag:s24] =	ssyncadd.s32 $0xFFFFC000  }
0x49: {  	_ =	swait.ge [sflag:s1], $0x4000  }
0x4a: {  	[sflag:s1] =	ssyncset.done $0x0  }
0x4b: {  	[sflag:s1] =	ssyncadd.s32 $0xFFFFC000  }
0x4c: {  	_ =	swait.ge [sflag:s26], $0x4000  }
0x4d: {  	[sflag:s26] =	ssyncset.done $0x0  }
0x4e: {  	s9 =	simm.s32 $0x180;
	[sflag:s26] =	ssyncadd.s32 $0xFFFFC000  }
0x4f: {  	[tilespmem:s25], [sflag:$0x2] =	stream.indirect.gather [hbm4b:s3+s20], $0x80, s9, s20, $0xb8;
	[tilespmem:$0x11000] =	vst v63  }
0x50: {  	s10 =	simm.s32 $0x980;
	s6 =	sadd.s32 s17, s15  }
0x51: {  	[tilespmem:s28], [sflag:$0x4] =	stream.indirect.gather [hbm4b:s3+s20], $0x80, s10, s20, $0xb8;
	[tilespmem:$0x11000] =	vst v63  }
0x52: {  	s11 =	sadd.s32 $0x1000, s6;
	s7 =	sadd.s32 s16, s15  }
0x53: {  	[hbm4b:s11+s2] =	stream.linear.scatter [tilespmem:s21], [sflag:$0x5], $0x4000, $0x38;
	[tilespmem:$0x11000] =	vst v63  }
0x54: {  	s8 =	sadd.s32 $0x1000, s7  }
0x55: {  	[hbm4b:s8+s2] =	stream.linear.scatter [tilespmem:s22], [sflag:$0x7], $0x4000, $0x38;
	[tilespmem:$0x11000] =	vst v63  }
0x56: {  	_ =	swait.ge [sflag:s29], $0x4000  }
0x57: {  	[sflag:s29] =	ssyncset.done $0x0  }
0x58: {  	[sflag:s29] =	ssyncadd.s32 $0xFFFFC000  }
0x59: {  	_ =	swait.ge [sflag:s30], $0x4000  }
0x5a: {  	[sflag:s30] =	ssyncset.done $0x0  }
0x5b: {  	[sflag:s30] =	ssyncadd.s32 $0xFFFFC000  }
0x5c: {  	_ =	swait.ge [sflag:s31], $0x4000  }
0x5d: {  	[sflag:s31] =	ssyncset.done $0x0  }
0x5e: {  	[sflag:s31] =	ssyncadd.s32 $0xFFFFC000  }
0x5f: {  	_ =	swait.ge [sflag:s0], $0x4000  }
0x60: {  	[sflag:s0] =	ssyncset.done $0x0  }
0x61: {  	s9 =	simm.s32 $0x200;
	[sflag:s0] =	ssyncadd.s32 $0xFFFFC000  }
0x62: {  	[tilespmem:s21], [sflag:$0x1] =	stream.indirect.gather [hbm4b:s3+s20], $0x80, s9, s20, $0xb8;
	[tilespmem:$0x11000] =	vst v63  }
0x63: {  	s5 =	simm.s32 $0x400;
	s10 =	simm.s32 $0xA00;
	s11 =	sadd.s32 $0x1800, s6  }
0x64: {  	[tilespmem:s22], [sflag:$0x3] =	stream.indirect.gather [hbm4b:s3+s20], $0x80, s10, s20, $0xb8;
	[tilespmem:$0x11000] =	vst v63  }
0x65: {  	s6 =	sadd.s32 $0x1000, s16;
	s8 =	sadd.s32 $0x1800, s7;
	s7 =	sadd.s32 $0x1000, s17  }
0x66: {  	[hbm4b:s11+s2] =	stream.linear.scatter [tilespmem:s25], [sflag:$0x6], $0x4000, $0x38;
	[tilespmem:$0x11000] =	vst v63  }
.LBB2_2:
0x67: {  	[hbm4b:s8+s2] =	stream.linear.scatter [tilespmem:s28], [sflag:$0x8], $0x4000, $0x38;
	[tilespmem:$0x11000] =	vst v63  }
0x68: {  	s8 =	smov.u32 s5  }
0x69: {  	p0 =	sne.s32 s5, $0x1400;
	s5 =	sadd.s32 $0x400, s5;
	_ =	swait.ge [sflag:s23], $0x4000  }
0x6a: {  	[sflag:s23] =	ssyncset.done $0x0  }
0x6b: {  	[sflag:s23] =	ssyncadd.s32 $0xFFFFC000  }
0x6c: {  	_ =	swait.ge [sflag:s24], $0x4000  }
0x6d: {  	[sflag:s24] =	ssyncset.done $0x0  }
0x6e: {  	[sflag:s24] =	ssyncadd.s32 $0xFFFFC000  }
0x6f: {  	_ =	swait.ge [sflag:s1], $0x4000  }
0x70: {  	[sflag:s1] =	ssyncset.done $0x0  }
0x71: {  	[sflag:s1] =	ssyncadd.s32 $0xFFFFC000  }
0x72: {  	_ =	swait.ge [sflag:s26], $0x4000  }
0x73: {  	s8 =	sshra.s32 s8, $0x2;
	[sflag:s26] =	ssyncset.done $0x0  }
0x74: {  	s9 =	sadd.s32 $0x180, s8;
	[sflag:s26] =	ssyncadd.s32 $0xFFFFC000  }
0x75: {  	[tilespmem:s25], [sflag:$0x2] =	stream.indirect.gather [hbm4b:s3+s20], $0x80, s9, s20, $0xb8;
	[tilespmem:$0x11000] =	vst v63  }
0x76: {  	s10 =	sadd.s32 s7, s15;
	s9 =	sadd.s32 $0x980, s8  }
0x77: {  	[tilespmem:s28], [sflag:$0x4] =	stream.indirect.gather [hbm4b:s3+s20], $0x80, s9, s20, $0xb8;
	[tilespmem:$0x11000] =	vst v63  }
0x78: {  	s11 =	sadd.s32 s6, s15;
	s9 =	sadd.s32 $0x1000, s10  }
0x79: {  	[hbm4b:s9+s2] =	stream.linear.scatter [tilespmem:s21], [sflag:$0x5], $0x4000, $0x38;
	[tilespmem:$0x11000] =	vst v63  }
0x7a: {  	s9 =	sadd.s32 $0x1000, s11  }
0x7b: {  	[hbm4b:s9+s2] =	stream.linear.scatter [tilespmem:s22], [sflag:$0x7], $0x4000, $0x38;
	[tilespmem:$0x11000] =	vst v63  }
0x7c: {  	_ =	swait.ge [sflag:s29], $0x4000  }
0x7d: {  	[sflag:s29] =	ssyncset.done $0x0  }
0x7e: {  	[sflag:s29] =	ssyncadd.s32 $0xFFFFC000  }
0x7f: {  	_ =	swait.ge [sflag:s30], $0x4000  }
0x80: {  	[sflag:s30] =	ssyncset.done $0x0  }
0x81: {  	[sflag:s30] =	ssyncadd.s32 $0xFFFFC000  }
0x82: {  	_ =	swait.ge [sflag:s31], $0x4000  }
0x83: {  	[sflag:s31] =	ssyncset.done $0x0  }
0x84: {  	[sflag:s31] =	ssyncadd.s32 $0xFFFFC000  }
0x85: {  	_ =	swait.ge [sflag:s0], $0x4000  }
0x86: {  	[sflag:s0] =	ssyncset.done $0x0  }
0x87: {  	s9 =	sadd.s32 $0x200, s8;
	[sflag:s0] =	ssyncadd.s32 $0xFFFFC000  }
0x88: {  	[tilespmem:s21], [sflag:$0x1] =	stream.indirect.gather [hbm4b:s3+s20], $0x80, s9, s20, $0xb8;
	[tilespmem:$0x11000] =	vst v63  }
.Ltmp0:
0x89: {  	s8 =	sadd.s32 $0xA00, s8;
	(pc) =	sbr.rel @p0 .LBB2_2-.Ltmp0, $4  }
0x8a: {  	[tilespmem:s22], [sflag:$0x3] =	stream.indirect.gather [hbm4b:s3+s20], $0x80, s8, s20, $0xb8;
	[tilespmem:$0x11000] =	vst v63  }
0x8b: {  	s8 =	sadd.s32 $0x1800, s10  }
0x8c: {  	[hbm4b:s8+s2] =	stream.linear.scatter [tilespmem:s25], [sflag:$0x6], $0x4000, $0x38;
	[tilespmem:$0x11000] =	vst v63  }
0x8d: {  	s6 =	sadd.s32 $0x1000, s6;
	s7 =	sadd.s32 $0x1000, s7;
	s8 =	sadd.s32 $0x1800, s11  }
0x8e: {  	[hbm4b:s8+s2] =	stream.linear.scatter [tilespmem:s28], [sflag:$0x8], $0x4000, $0x38;
	[tilespmem:$0x11000] =	vst v63  }
0x8f: {  	_ =	swait.ge [sflag:s23], $0x4000  }
0x90: {  	[sflag:s23] =	ssyncset.done $0x0  }
0x91: {  	[sflag:s23] =	ssyncadd.s32 $0xFFFFC000  }
0x92: {  	_ =	swait.ge [sflag:s24], $0x4000  }
0x93: {  	[sflag:s24] =	ssyncset.done $0x0  }
0x94: {  	[sflag:s24] =	ssyncadd.s32 $0xFFFFC000  }
0x95: {  	_ =	swait.ge [sflag:s1], $0x4000  }
0x96: {  	[sflag:s1] =	ssyncset.done $0x0  }
0x97: {  	[sflag:s1] =	ssyncadd.s32 $0xFFFFC000  }
0x98: {  	_ =	swait.ge [sflag:s26], $0x4000  }
0x99: {  	[sflag:s26] =	ssyncset.done $0x0  }
0x9a: {  	s5 =	simm.s32 $0x780;
	[sflag:s26] =	ssyncadd.s32 $0xFFFFC000  }
0x9b: {  	[tilespmem:s25], [sflag:$0x2] =	stream.indirect.gather [hbm4b:s3+s20], $0x80, s5, s20, $0xb8;
	[tilespmem:$0x11000] =	vst v63  }
0x9c: {  	s9 =	simm.s32 $0xF80  }
0x9d: {  	[tilespmem:s28], [sflag:$0x4] =	stream.indirect.gather [hbm4b:s3+s20], $0x80, s9, s20, $0xb8;
	[tilespmem:$0x11000] =	vst v63  }
0x9e: {  	s10 =	rddreg [dreg:$0xb]  }
0x9f: {  	[hbm4b:s10+s2] =	stream.linear.scatter [tilespmem:s21], [sflag:$0x5], $0x4000, $0x38;
	[tilespmem:$0x11000] =	vst v63  }
0xa0: {  	_ = 	snop  }
0xa1: {  	[hbm4b:s12+s2] =	stream.linear.scatter [tilespmem:s22], [sflag:$0x7], $0x4000, $0x38;
	[tilespmem:$0x11000] =	vst v63  }
0xa2: {  	_ =	swait.ge [sflag:s29], $0x4000  }
0xa3: {  	[sflag:s29] =	ssyncset.done $0x0  }
0xa4: {  	[sflag:s29] =	ssyncadd.s32 $0xFFFFC000  }
0xa5: {  	_ =	swait.ge [sflag:s30], $0x4000  }
0xa6: {  	[sflag:s30] =	ssyncset.done $0x0  }
0xa7: {  	[sflag:s30] =	ssyncadd.s32 $0xFFFFC000  }
0xa8: {  	[hbm4b:s13+s2] =	stream.linear.scatter [tilespmem:s25], [sflag:$0x6], $0x4000, $0x38;
	[tilespmem:$0x11000] =	vst v63  }
0xa9: {  	_ = 	snop  }
0xaa: {  	[hbm4b:s14+s2] =	stream.linear.scatter [tilespmem:s28], [sflag:$0x8], $0x4000, $0x38;
	[tilespmem:$0x11000] =	vst v63  }
0xab: {  	_ =	swait.ge [sflag:s31], $0x4000  }
0xac: {  	[sflag:s31] =	ssyncset.done $0x0  }
0xad: {  	[sflag:s31] =	ssyncadd.s32 $0xFFFFC000  }
0xae: {  	_ =	swait.ge [sflag:s0], $0x4000  }
0xaf: {  	[sflag:s0] =	ssyncset.done $0x0  }
0xb0: {  	[sflag:s0] =	ssyncadd.s32 $0xFFFFC000  }
0xb1: {  	_ =	swait.ge [sflag:s1], $0x4000  }
0xb2: {  	[sflag:s1] =	ssyncset.done $0x0  }
0xb3: {  	[sflag:s1] =	ssyncadd.s32 $0xFFFFC000  }
0xb4: {  	_ =	swait.ge [sflag:s26], $0x4000  }
0xb5: {  	s4 =	sadd.s32 $0x1, s4;
	s11 =	rddreg [dreg:$0x6]  }
0xb6: {  	p0 =	sne.s32 s4, s11  }
.Ltmp1:
0xb7: {  	_ = 	snop;
	(pc) =	sbr.rel @p0 .LBB2_1-.Ltmp1, $3  }
0xb8: {  	_ =	sdelay $0x1  }
0xb9: {  	[sflag:s26] =	ssyncset.done $0x0  }
0xba: {  	[sflag:s26] =	ssyncadd.s32 $0xFFFFC000  }
0xbb: {  	_ =	sfence.sel $0x180000  }
0xbc: {  	[bflag:$0x0] =	sbarrier.arrive $0xFFFF  }
0xbd: {  	_ =	strace $0x9000004D  }
0xbe: {  	s0 =	stileid.u32;
	[bflag:$0x2] =	sbarrier.arrive $0xFFFF  }
0xbf: {  	p0 =	sne.s32 s0, $0x0;
	s0 =	rddreg [dreg:$0x3]  }
0xc0: {  	s0 =	sadd.s32 @!p0 $0x100000, s0  }
0xc1: {  	[sflag:s0] =	ssyncadd.tile.s32 @!p0 $0x1;
	_ =	shalt  }
.Lfunc_end2:
_tile_overlayer_lowered:
.L_overlay_start_2:
0xc2: {  	(tag) =	ssettag $0x2  }
0xc3: {  	s0 =	rddreg [dreg:$0x0];
	s2 =	stileid.u32  }
0xc4: {  	s1 =	rddreg [dreg:$0x1];
	p0 =	sne.s32 s2, $0x0  }
0xc5: {  	s3 =	rddreg [dreg:$0x2];
	[bflag:$0x3] =	sbarrier.arrive $0xFFFF;
	s2 =	simm.s32 @!p0 $0x1C09  }
0xc6: {  	[timem:s3], [sflag:s2] =	dma.local @!p0 [hbm:s0], s1  }
0xc7: {  	s0 =	simm.s32 @!p0 $0x9  }
0xc8: {  	_ =	swait.ge @!p0 [sflag:s0], s1  }
0xc9: {  	s1 =	ssub.s32 @!p0 $0x0, s1;
	[sflag:s0] =	ssyncset.done @!p0 $0x0  }
0xca: {  	[sflag:s0] =	ssyncadd.s32 @!p0 s1  }
0xcb: {  	[bflag:$0x3] =	sbarrier.arrive $0xFFFF  }
0xcc: {  	_ =	shalt  }

// kernel: kernel.9.cloned.1.call-start
scs
__scs_entry_jumppad:
0x0: {  	(pc) =	sbr.rel $0x88, $3  }
0x1: {  	(tag) =	ssettag $0x0;
	lr =	simm.s32 $0x1  }
0x2: {  	[smem:$0x3F95] =	sst lr;
	_ =	strace $0xD0000000  }
0x3: {  	_ = 	snop  }
0x4: {  	_ = 	snop  }
0x5: {  	_ = 	snop  }
0x6: {  	_ = 	snop  }
0x7: {  	_ = 	snop  }
__scs_overlays_trampoline_lowered:
0x8: {  	[smem:$0x3FA4] =	sst s0  }
0x9: {  	[smem:$0x3FA5] =	sst s1  }
0xa: {  	[smem:$0x3FA6] =	sst s2  }
0xb: {  	[smem:$0x3FA7] =	sst s3  }
0xc: {  	[smem:$0x3FA8] =	sst s4  }
0xd: {  	[smem:$0x3FA9] =	sst s5  }
0xe: {  	[smem:$0x3FAA] =	sst s6  }
0xf: {  	[smem:$0x3FAB] =	sst s7  }
0x10: {  	[smem:$0x3FAC] =	sst s8  }
0x11: {  	[smem:$0x3FAD] =	sst s9;
	s0 =	simm.s32 @!p0 $0x0  }
0x12: {  	s1 =	sld [smem:$0x3F93];
	s0 =	simm.s32 @p0 $0x1  }
0x13: {  	[smem:$0x3FAE] =	sst s0;
	s0 =	simm.s32 @!p1 $0x0  }
0x14: {  	s2 =	sld [smem:$0x3F92];
	s0 =	simm.s32 @p1 $0x1  }
0x15: {  	[smem:$0x3FAF] =	sst s0;
	s0 =	simm.s32 @!p2 $0x0  }
0x16: {  	s3 =	sld [smem:$0x3FDB];
	s0 =	simm.s32 @p2 $0x1  }
0x17: {  	s4 =	simm.s32 $0x1BF5;
	[smem:$0x3FB1] =	sst s0  }
0x18: {  	s0 =	sld [smem:$0x3F94];
	_ =	swait.ge [sflag:s4], $0x0  }
0x19: {  	s7 =	sld [smem:$0x3F95]  }
0x1a: {  	s8 =	sadd.s32 $0xFFFFE003, lr  }
0x1b: {  	s9 =	sadd.s32 $0xFFFFFEF7, lr;
	s5 =	simm.s32 $0xFFFFFFFF;
	p2 =	slt.u32 s8, $0xFFFFF086  }
0x1c: {  	p1 =	slt.u32 s9, $0xF7A;
	s5 =	simm.s32 @!p2 $0x0  }
0x1d: {  	s5 =	simm.s32 @p1 $0x1;
	p0 =	seq.s32 s7, s2  }
0x1e: {  	s7 =	smul.u32 @!p0 $0xF7A, s2;
	p2 =	seq.s32 @!p0 s5, $0x0  }
0x1f: {  	s9 =	smul.u32 $0xF7A, s1;
	s8 =	simm.s32 @!p0 $0x1BF5;
	p2 =	por !p2, p0  }
0x20: {  	[sflag:s8] =	ssyncset.s32 @!p0 $0xFFFFF086;
	s6 =	sadd.s32 @!p0 s3, s7;
	s7 =	simm.s32 @!p0 $0x108  }
0x21: {  	s3 =	sadd.s32 s3, s9;
	s6 =	sadd.s32 @!p0 $0x88, s6;
	s7 =	simm.s32 @p2 $0x1082  }
0x22: {  	[simem:s7], [sflag:s8] =	dma.local @!p0 [hbm:s6], $0xF7A  }
0x23: {  	s9 =	sor.u32 $0xD0000000, s2;
	s6 =	simm.s32 $0x108;
	_ =	swait.ge @!p0 [sflag:s8], $0x0  }
0x24: {  	s3 =	sadd.s32 $0x88, s3;
	s6 =	simm.s32 @!p1 $0x1082;
	[sflag:s4] =	ssyncset.s32 $0xFFFFF086  }
0x25: {  	[simem:s6], [sflag:s4] =	dma.local [hbm:s3], $0xF7A  }
0x26: {  	[smem:$0x3F95] =	sst s1;
	(tag) =	ssettag s2;
	_ =	strace s9  }
0x27: {  	s1 =	sld [smem:$0x3FA5]  }
0x28: {  	s2 =	sld [smem:$0x3FA6]  }
0x29: {  	s4 =	sld [smem:$0x3FA8]  }
0x2a: {  	p0 =	seq.s32 s5, $0x0;
	s5 =	sld [smem:$0x3FA9]  }
0x2b: {  	s6 =	sld [smem:$0x3FAA]  }
0x2c: {  	s7 =	sld [smem:$0x3FAB]  }
0x2d: {  	s3 =	simm.s32 $0x108;
	s8 =	sld [smem:$0x3FAC]  }
0x2e: {  	s3 =	simm.s32 @!p0 $0x1082;
	s9 =	sld [smem:$0x3FAD]  }
0x2f: {  	lr =	sadd.s32 s0, s3;
	s0 =	sld [smem:$0x3FA4]  }
0x30: {  	s3 =	sld [smem:$0x3FA7]  }
0x31: {  	[smem:$0x3FB0] =	sst s10  }
0x32: {  	s10 =	sld [smem:$0x3FAE];
	_ =	sdelay $0x3  }
0x33: {  	p0 =	seq.s32 s10, $0x1;
	s10 =	sld [smem:$0x3FB0];
	_ =	sdelay $0x3  }
0x34: {  	[smem:$0x3FB0] =	sst s10  }
0x35: {  	s10 =	sld [smem:$0x3FAF];
	_ =	sdelay $0x3  }
0x36: {  	p1 =	seq.s32 s10, $0x1;
	s10 =	sld [smem:$0x3FB0];
	_ =	sdelay $0x3  }
0x37: {  	[smem:$0x3FB0] =	sst s10  }
0x38: {  	s10 =	sld [smem:$0x3FB1]  }
0x39: {  	_ = 	snop;
	(pc) =	sbr.ind lr, $3  }
0x3a: {  	_ = 	snop  }
0x3b: {  	_ = 	snop  }
0x3c: {  	p2 =	seq.s32 s10, $0x1;
	s10 =	sld [smem:$0x3FB0]  }
0x3d: {  	_ =	shalt  }
0x3e: {  	_ =	shalt  }
0x3f: {  	_ =	shalt  }
0x40: {  	_ =	shalt  }
0x41: {  	_ =	shalt  }
0x42: {  	_ =	shalt  }
0x43: {  	_ =	shalt  }
0x44: {  	_ =	shalt  }
0x45: {  	_ =	shalt  }
0x46: {  	_ =	shalt  }
0x47: {  	_ =	shalt  }
0x48: {  	_ =	shalt  }
0x49: {  	_ =	shalt  }
0x4a: {  	_ =	shalt  }
0x4b: {  	_ =	shalt  }
0x4c: {  	_ =	shalt  }
0x4d: {  	_ =	shalt  }
0x4e: {  	_ =	shalt  }
0x4f: {  	_ =	shalt  }
0x50: {  	_ =	shalt  }
0x51: {  	_ =	shalt  }
0x52: {  	_ =	shalt  }
0x53: {  	_ =	shalt  }
0x54: {  	_ =	shalt  }
0x55: {  	_ =	shalt  }
0x56: {  	_ =	shalt  }
0x57: {  	_ =	shalt  }
0x58: {  	_ =	shalt  }
0x59: {  	_ =	shalt  }
0x5a: {  	_ =	shalt  }
0x5b: {  	_ =	shalt  }
0x5c: {  	_ =	shalt  }
0x5d: {  	_ =	shalt  }
0x5e: {  	_ =	shalt  }
0x5f: {  	_ =	shalt  }
0x60: {  	_ =	shalt  }
0x61: {  	_ =	shalt  }
0x62: {  	_ =	shalt  }
0x63: {  	_ =	shalt  }
0x64: {  	_ =	shalt  }
0x65: {  	_ =	shalt  }
0x66: {  	_ =	shalt  }
0x67: {  	_ =	shalt  }
0x68: {  	_ =	shalt  }
0x69: {  	_ =	shalt  }
0x6a: {  	_ =	shalt  }
0x6b: {  	_ =	shalt  }
0x6c: {  	_ =	shalt  }
0x6d: {  	_ =	shalt  }
0x6e: {  	_ =	shalt  }
0x6f: {  	_ =	shalt  }
0x70: {  	_ =	shalt  }
0x71: {  	_ =	shalt  }
0x72: {  	_ =	shalt  }
0x73: {  	_ =	shalt  }
0x74: {  	_ =	shalt  }
0x75: {  	_ =	shalt  }
0x76: {  	_ =	shalt  }
0x77: {  	_ =	shalt  }
0x78: {  	_ =	shalt  }
0x79: {  	_ =	shalt  }
0x7a: {  	_ =	shalt  }
0x7b: {  	_ =	shalt  }
0x7c: {  	_ =	shalt  }
0x7d: {  	_ =	shalt  }
0x7e: {  	_ =	shalt  }
0x7f: {  	_ =	shalt  }
0x80: {  	_ =	shalt  }
0x81: {  	_ =	shalt  }
0x82: {  	_ =	shalt  }
0x83: {  	_ =	shalt  }
0x84: {  	_ =	shalt  }
0x85: {  	_ =	shalt  }
0x86: {  	_ =	shalt  }
0x87: {  	_ =	shalt  }
.Lfunc_end0:
.L_simem_size_0:
called_computation_lowered:
.L_overlay_start_0:
0x88: {  	s2 =	sld [smem:$0x3FD9]  }
0x89: {  	s3 =	sld [smem:$0x3FFE];
	_ =	sdelay $0x1  }
0x8a: {  	s1 =	srdreg.scid  }
0x8b: {  	s0 =	sand.u32 $0x1, s1  }
0x8c: {  	s17 =	sshll.u32 s0, $0xA;
	s2 =	sadd.s32 s3, s2  }
0x8d: {  	s2 =	sadd.s32 s2, s17  }
0x8e: {  	[smem:$0x3FBC] =	sst s2  }
0x8f: {  	_ = 	snop  }
0x90: {  	s2 =	sld [smem:$0x3FD0];
	(tm) =	ssettm $0x1  }
0x91: {  	s18 =	sld [smem:$0x3FFB];
	_ =	sdelay $0x3  }
0x92: {  	_ =	strace s18  }
0x93: {  	s3 =	sld [smem:$0x3FFC];
	_ =	sdelay $0x3  }
0x94: {  	_ =	strace s3  }
0x95: {  	s3 =	sld [smem:$0x3FFD];
	_ =	sdelay $0x3  }
0x96: {  	_ =	strace s3  }
0x97: {  	_ =	strace $0x8FFFFFFF  }
0x98: {  	s19 =	sld [smem:$0x3FDB];
	_ =	sdelay $0x1  }
0x99: {  	s4 =	simm.s32 $_scs_section_size  }
0x9a: {  	s5 =	simm.s32 $_size__tile_overlayer_lowered;
	s6 =	simm.s32 $_tile_overlayer_lowered  }
0x9b: {  	s22 =	simm.s32 $0x1BFF;
	s21 =	sshll.u32 s6, $0x1;
	s3 =	sadd.s32 s4, s19  }
0x9c: {  	s7 =	simm.s32 $0x0;
	s20 =	sshll.u32 s5, $0x1;
	s5 =	sadd.s32 s21, s3  }
0x9d: {  	[timem:s7], [sflag:s22] =	dma.local [hbm:s5], s20  }
0x9e: {  	_ =	swait.ge [sflag:s22], s20  }
0x9f: {  	s4 =	ssub.s32 $0x0, s20;
	[sflag:s22] =	ssyncset.done $0x0  }
0xa0: {  	[sflag:s22] =	ssyncadd.s32 s4;
	_ =	sdelay $0x1  }
0xa1: {  	s23 =	simm.s32 $0x1B8B  }
0xa2: {  	_ =	swait.ge [sflag:s23], $0x1  }
0xa3: {  	[sflag:s23] =	ssyncset.done $0x0  }
0xa4: {  	s25 =	simm.s32 $0x1B8E;
	s24 =	sld [smem:$0x3FFE];
	[sflag:s23] =	ssyncadd.s32 $0xFFFFFFFF  }
0xa5: {  	s26 =	simm.s32 $execute0_lowered;
	[smem:$0x3FD2] =	sst s25  }
0xa6: {  	s5 =	sshll.u32 s26, $0x1;
	_ =	strace $0x80000046;
	[dreg:$0x1] =	wrdreg $0xFFFFFFFF  }
0xa7: {  	s28 =	simm.s32 $_size_execute0_lowered;
	s3 =	sadd.s32 s3, s5;
	[dreg:$0x0] =	wrdreg $0x0  }
0xa8: {  	s5 =	sshll.u32 s28, $0x1;
	[dreg:$0x2] =	wrdreg s3  }
0xa9: {  	[dreg:$0x3] =	wrdreg s5  }
0xaa: {  	[dreg:$0x4] =	wrdreg $0xC0  }
0xab: {  	_ =	task [dreg:s7], $0x5FFFF  }
0xac: {  	[dreg:$0x1] =	wrdreg $0xFFFFFFFF  }
0xad: {  	[dreg:$0x0] =	wrdreg $0x60  }
0xae: {  	[dreg:$0x2] =	wrdreg s24  }
0xaf: {  	[dreg:$0x3] =	wrdreg s2  }
0xb0: {  	[dreg:$0x4] =	wrdreg $0xA1A00  }
0xb1: {  	[dreg:$0x5] =	wrdreg $0x1E1A00  }
0xb2: {  	[dreg:$0x6] =	wrdreg $0x9  }
0xb3: {  	_ =	task.clear_ibuf [dreg:s7], $0x7FFFF;
	_ =	strace $0x90000046  }
0xb4: {  	s29 =	simm.s32 $0x9;
	_ =	strace $0x80000048  }
0xb5: {  	_ =	swait.ge [sflag:s29], $0x1  }
0xb6: {  	[sflag:s29] =	ssyncadd.s32 $0xFFFFFFFF  }
0xb7: {  	_ =	strace $0x90000048  }
0xb8: {  	_ =	sfence  }
0xb9: {  	s30 =	sld [smem:$0x0];
	_ =	sdelay $0x2  }
0xba: {  	s31 =	sshll.u32 s1, $0xD;
	s1 =	sshrl.u32 s1, $0x2  }
0xbb: {  	s3 =	sand.u32 $0x4000, s31;
	s1 =	sadd.s32 s1, s30  }
0xbc: {  	s0 =	sor.u32 s3, s0;
	s1 =	sshll.u32 s1, $0x11  }
0xbd: {  	s0 =	sor.u32 s1, s0  }
0xbe: {  	s0 =	sadd.s32 $0x8F2B, s0  }
0xbf: {  	[sflag:s0] =	ssyncadd.remote.s32 $0x1  }
0xc0: {  	_ =	sfence.sel $0xFFFF  }
0xc1: {  	[dreg:$0x0] =	wrdreg $0xFFFFFFFF;
	(pc) =	sbr.abs _section_cstart, $3  }
0xc2: {  	[dreg:$0x1] =	wrdreg $0xFFFFFFFF  }
0xc3: {  	_ =	task.clear_ibuf [dreg:s7], $0x2FFFF;
	_ =	strace $0x9FFFFFFF  }
0xc4: {  	(tm) =	ssettm $0x7FFFFFFF  }
0xc5: {  	_ =	shalt  }
tec
execute0_lowered:
.L_overlay_start_1:
0x0: {  	(tag) =	ssettag $0x1  }
0x1: {  	s0 =	srdreg.scid;
	s7 =	rddreg [dreg:$0x0]  }
0x2: {  	s1 =	simm.s32 $0x0;
	s23 =	stileid.u32;
	s28 =	simm.s32 $0xF0  }
0x3: {  	s8 =	sand.u32 $0x1, s0;
	[smem:$0x7FF] =	sst s1;
	s10 =	smul.u32 $0x280, s23  }
0x4: {  	s12 =	sadd.s32 $0x40600, s7;
	s0 =	ssub.s32 $0x2, s8;
	s13 =	smul.u32 $0x2800, s8  }
0x5: {  	s2 =	sshrl.u32 s0, $0x1;
	s11 =	sor.u32 $0x50, s10;
	s9 =	sadd.s32 $0xA0, s10  }
0x6: {  	s6 =	sadd.s32 $0xF0, s10;
	s5 =	sadd.s32 $0x140, s10;
	s4 =	sadd.s32 $0x190, s10  }
0x7: {  	s3 =	sadd.s32 $0x230, s10;
	s0 =	ssub.s32 s0, s2;
	s14 =	sadd.s32 s10, s13  }
0x8: {  	s2 =	sadd.s32 $0x1E0, s10;
	s16 =	sadd.s32 s13, s11;
	s17 =	sadd.s32 s13, s6  }
0x9: {  	s20 =	sadd.s32 s13, s5;
	s15 =	sshll.u32 s14, $0x4;
	s19 =	sshll.u32 s17, $0x4  }
0xa: {  	s22 =	sshll.u32 s16, $0x4;
	s15 =	sadd.s32 s12, s15;
	s24 =	sadd.s32 s12, s19  }
0xb: {  	s19 =	sadd.s32 s13, s2;
	[dreg:$0x5] =	wrdreg s15;
	s15 =	sadd.s32 s12, s22  }
0xc: {  	s22 =	sshll.u32 s19, $0x4;
	[dreg:$0x6] =	wrdreg s15;
	s15 =	sadd.s32 s13, s9  }
0xd: {  	[dreg:$0x8] =	wrdreg s24;
	s26 =	sadd.s32 s12, s22;
	s18 =	sshll.u32 s15, $0x4  }
0xe: {  	s25 =	sshll.u32 s20, $0x4;
	[dreg:$0xb] =	wrdreg s26;
	s18 =	sadd.s32 s12, s18  }
0xf: {  	s26 =	sshrl.u32 s16, $0x3;
	s15 =	sshrl.u32 s15, $0x3;
	[dreg:$0x7] =	wrdreg s18  }
0x10: {  	s16 =	sshrl.u32 s17, $0x3;
	s18 =	sadd.s32 s12, s25;
	s25 =	rddreg [dreg:$0x1]  }
0x11: {  	s17 =	sshrl.u32 s20, $0x3;
	[dreg:$0x9] =	wrdreg s18;
	s18 =	sadd.s32 s13, s4  }
0x12: {  	s13 =	sadd.s32 s13, s3;
	s15 =	sadd.s32 s25, s15;
	s21 =	sshll.u32 s18, $0x4  }
0x13: {  	s22 =	sshll.u32 s13, $0x4;
	[dreg:$0xf] =	wrdreg s15;
	s18 =	sshrl.u32 s18, $0x3  }
0x14: {  	s21 =	sadd.s32 s12, s21;
	s20 =	sadd.s32 s25, s18;
	s18 =	rddreg [dreg:$0x3]  }
0x15: {  	s29 =	simm.s32 $0x3;
	s12 =	sadd.s32 s12, s22;
	[dreg:$0xa] =	wrdreg s21  }
0x16: {  	s30 =	simm.s32 $0x1;
	s13 =	sshrl.u32 s13, $0x3;
	[dreg:$0xc] =	wrdreg s12  }
0x17: {  	s24 =	sshrl.u32 s14, $0x3;
	s22 =	sadd.s32 s25, s13;
	[dreg:$0x12] =	wrdreg s20  }
0x18: {  	s31 =	simm.s32 $0x5;
	s12 =	sadd.s32 s25, s24;
	[dreg:$0x14] =	wrdreg s22  }
0x19: {  	s0 =	smax.u32 s0, $0x1;
	[dreg:$0xd] =	wrdreg s12;
	s12 =	sadd.s32 s25, s26  }
0x1a: {  	s14 =	sshll.u32 s8, $0x4;
	[dreg:$0xe] =	wrdreg s12;
	s12 =	sadd.s32 s25, s16  }
0x1b: {  	s13 =	smul.u32 $0x50000, s23;
	s21 =	sshrl.u32 s19, $0x3;
	[dreg:$0x10] =	wrdreg s12  }
0x1c: {  	s24 =	sadd.s32 $0x3F800, s7;
	s12 =	sadd.s32 s25, s17;
	s17 =	rddreg [dreg:$0x2]  }
0x1d: {  	s19 =	sadd.s32 s10, s18;
	[dreg:$0x11] =	wrdreg s12;
	s12 =	sadd.s32 s25, s21  }
0x1e: {  	s22 =	sadd.s32 s11, s18;
	s26 =	sadd.s32 $0x40400, s7;
	[dreg:$0x13] =	wrdreg s12  }
0x1f: {  	s25 =	sadd.s32 $0x3FE00, s7;
	_ =	strace $0x80000047;
	[dreg:$0x15] =	wrdreg s24  }
0x20: {  	s15 =	sshrl.u32 s13, $0x2;
	s16 =	sshll.u32 s11, $0x7;
	[dreg:$0x16] =	wrdreg s25  }
0x21: {  	s11 =	sshll.u32 s5, $0x7;
	s8 =	sadd.s32 s15, s17;
	[dreg:$0x17] =	wrdreg s26  }
0x22: {  	s5 =	sadd.s32 s5, s18;
	s21 =	sadd.s32 $0x17800, s7;
	[dreg:$0x18] =	wrdreg s8  }
0x23: {  	s20 =	sadd.s32 s16, s17;
	s15 =	sshll.u32 s2, $0x7;
	[dreg:$0x19] =	wrdreg s19  }
0x24: {  	s2 =	sadd.s32 s2, s18;
	s16 =	sshll.u32 s3, $0x7;
	[dreg:$0x1a] =	wrdreg s20  }
0x25: {  	s12 =	sshll.u32 s4, $0x7;
	s4 =	sadd.s32 s4, s18;
	[dreg:$0x1b] =	wrdreg s22  }
0x26: {  	s25 =	sadd.s32 $0xDA00, s7;
	s26 =	sadd.s32 $0x3C00, s7;
	[smem:$0x7F2] =	sst s5  }
0x27: {  	s7 =	sor.u32 s23, s14;
	s23 =	sshll.u32 s9, $0x7;
	[smem:$0x7F4] =	sst s4  }
0x28: {  	s24 =	sshll.u32 s6, $0x7;
	s9 =	sadd.s32 s9, s18;
	[smem:$0x7F5] =	sst s2  }
0x29: {  	s6 =	sadd.s32 s6, s18;
	s13 =	sadd.s32 s12, s17;
	[smem:$0x7FC] =	sst s0  }
0x2a: {  	s2 =	sadd.s32 s16, s17;
	s19 =	sadd.s32 s3, s18;
	[dreg:$0x1d] =	wrdreg s9  }
0x2b: {  	s12 =	simm.s32 $0x7990;
	s16 =	simm.s32 $0x2940;
	[dreg:$0x1f] =	wrdreg s6  }
0x2c: {  	s0 =	simm.s32 $0x2;
	s3 =	simm.s32 $0x0;
	[smem:$0x7F3] =	sst s13  }
0x2d: {  	s8 =	sadd.s32 s23, s17;
	s10 =	sadd.s32 s24, s17;
	[smem:$0x7F6] =	sst s2  }
0x2e: {  	s6 =	sadd.s32 s11, s17;
	s14 =	smul.u32 $0x2710, s7;
	[smem:$0x7F7] =	sst s19  }
0x2f: {  	s7 =	sadd.s32 s15, s17;
	s13 =	simm.s32 $0x140;
	[dreg:$0x1c] =	wrdreg s8  }
0x30: {  	s15 =	simm.s32 $0xA0;
	[dreg:$0x1e] =	wrdreg s10;
	s20 =	sshrl.u32 s14, $0x3  }
0x31: {  	[smem:$0x7FD] =	sst s7;
	s19 =	sadd.s32 $0xA0, s14;
	s22 =	sadd.s32 s25, s20  }
.Ltmp0:
0x32: {  	s23 =	sadd.s32 s26, s20;
	s2 =	sadd.s32 $0xA, s20;
	(pc) =	sbr.rel .LBB2_1-.Ltmp0, $4  }
0x33: {  	s20 =	sadd.s32 $0xF0, s14;
	s14 =	simm.s32 $0x5140;
	[smem:$0x7F8] =	sst s22  }
0x34: {  	[smem:$0x7F9] =	sst s23;
	s24 =	sadd.s32 s25, s2;
	s2 =	sadd.s32 s26, s2  }
0x35: {  	s23 =	simm.s32 $0x5190;
	s22 =	simm.s32 $0x50;
	[smem:$0x7FA] =	sst s24  }
0x36: {  	v0 =	vimm.f32 $0.0e+00;
	[smem:$0x7FB] =	sst s2;
	s24 =	simm.s32 $0x7;
	s2 =	simm.s32 $0x6  }
.LBB2_16:
0x37: {  	[bflag:$0x0] =	sbarrier.arrive $0xFFFF  }
0x38: {  	s4 =	rddreg [dreg:$0x18]  }
0x39: {  	[tilespmem:s13], [sflag:$0x7] =	stream.linear.gather [spmem:s4], $0x2800, $0x38;
	[tilespmem:$0x1E420] =	vst v63  }
0x3a: {  	_ =	swait.ge [sflag:s24], $0x2800  }
0x3b: {  	[sflag:s24] =	ssyncset.done $0x0  }
0x3c: {  	s5 =	rddreg [dreg:$0x5];
	[sflag:s24] =	ssyncadd.s32 $0xFFFFD800  }
0x3d: {  	[hbm4b:s5+s1] =	stream.linear.scatter [tilespmem:s13], [sflag:$0x1], $0x2800, $0x38;
	[tilespmem:$0x1E420] =	vst v63  }
0x3e: {  	s6 =	rddreg [dreg:$0x19]  }
0x3f: {  	[tilespmem:s14], [sflag:$0x7] =	stream.linear.gather [spmem:s6], $0x50, $0x38;
	[tilespmem:$0x1E420] =	vst v63  }
0x40: {  	_ =	swait.ge [sflag:s24], $0x50  }
0x41: {  	[sflag:s24] =	ssyncset.done $0x0  }
0x42: {  	s7 =	rddreg [dreg:$0xd];
	[sflag:s24] =	ssyncadd.s32 $0xFFFFFFB0  }
0x43: {  	[hbm4b:s7+s1] =	stream.linear.scatter [tilespmem:s14], [sflag:$0x7], $0x50, $0x38;
	[tilespmem:$0x1E420] =	vst v63  }
0x44: {  	_ =	swait.ge [sflag:s24], $0x50  }
0x45: {  	[sflag:s24] =	ssyncset.done $0x0  }
0x46: {  	s8 =	rddreg [dreg:$0x1a];
	[sflag:s24] =	ssyncadd.s32 $0xFFFFFFB0  }
0x47: {  	[tilespmem:s16], [sflag:$0x7] =	stream.linear.gather [spmem:s8], $0x2800, $0x38;
	[tilespmem:$0x1E420] =	vst v63  }
0x48: {  	_ =	swait.ge [sflag:s24], $0x2800  }
0x49: {  	[sflag:s24] =	ssyncset.done $0x0  }
0x4a: {  	s9 =	rddreg [dreg:$0x6];
	[sflag:s24] =	ssyncadd.s32 $0xFFFFD800  }
0x4b: {  	[hbm4b:s9+s1] =	stream.linear.scatter [tilespmem:s16], [sflag:$0x2], $0x2800, $0x38;
	[tilespmem:$0x1E420] =	vst v63  }
0x4c: {  	s10 =	rddreg [dreg:$0x1b]  }
0x4d: {  	[tilespmem:s14], [sflag:$0x7] =	stream.linear.gather [spmem:s10], $0x50, $0x38;
	[tilespmem:$0x1E420] =	vst v63  }
0x4e: {  	_ =	swait.ge [sflag:s24], $0x50  }
0x4f: {  	[sflag:s24] =	ssyncset.done $0x0  }
0x50: {  	s5 =	rddreg [dreg:$0xe];
	[sflag:s24] =	ssyncadd.s32 $0xFFFFFFB0  }
0x51: {  	[hbm4b:s5+s1] =	stream.linear.scatter [tilespmem:s14], [sflag:$0x7], $0x50, $0x38;
	[tilespmem:$0x1E420] =	vst v63  }
0x52: {  	_ =	swait.ge [sflag:s24], $0x50  }
0x53: {  	[sflag:s24] =	ssyncset.done $0x0  }
0x54: {  	[sflag:s24] =	ssyncadd.s32 $0xFFFFFFB0  }
0x55: {  	_ =	swait.ge [sflag:s30], $0x2800  }
0x56: {  	[sflag:s30] =	ssyncset.done $0x0  }
0x57: {  	s6 =	rddreg [dreg:$0x1c];
	[sflag:s30] =	ssyncadd.s32 $0xFFFFD800  }
0x58: {  	[tilespmem:s13], [sflag:$0x7] =	stream.linear.gather [spmem:s6], $0x2800, $0x38;
	[tilespmem:$0x1E420] =	vst v63  }
0x59: {  	_ =	swait.ge [sflag:s24], $0x2800  }
0x5a: {  	[sflag:s24] =	ssyncset.done $0x0  }
0x5b: {  	s7 =	rddreg [dreg:$0x7];
	[sflag:s24] =	ssyncadd.s32 $0xFFFFD800  }
0x5c: {  	[hbm4b:s7+s1] =	stream.linear.scatter [tilespmem:s13], [sflag:$0x1], $0x2800, $0x38;
	[tilespmem:$0x1E420] =	vst v63  }
0x5d: {  	s8 =	rddreg [dreg:$0x1d]  }
0x5e: {  	[tilespmem:s14], [sflag:$0x7] =	stream.linear.gather [spmem:s8], $0x50, $0x38;
	[tilespmem:$0x1E420] =	vst v63  }
0x5f: {  	_ =	swait.ge [sflag:s24], $0x50  }
0x60: {  	[sflag:s24] =	ssyncset.done $0x0  }
0x61: {  	s9 =	rddreg [dreg:$0xf];
	[sflag:s24] =	ssyncadd.s32 $0xFFFFFFB0  }
0x62: {  	[hbm4b:s9+s1] =	stream.linear.scatter [tilespmem:s14], [sflag:$0x7], $0x50, $0x38;
	[tilespmem:$0x1E420] =	vst v63  }
0x63: {  	_ =	swait.ge [sflag:s24], $0x50  }
0x64: {  	[sflag:s24] =	ssyncset.done $0x0  }
0x65: {  	[sflag:s24] =	ssyncadd.s32 $0xFFFFFFB0  }
0x66: {  	_ =	swait.ge [sflag:s0], $0x2800  }
0x67: {  	[sflag:s0] =	ssyncset.done $0x0  }
0x68: {  	s10 =	rddreg [dreg:$0x1e];
	[sflag:s0] =	ssyncadd.s32 $0xFFFFD800  }
0x69: {  	[tilespmem:s16], [sflag:$0x7] =	stream.linear.gather [spmem:s10], $0x2800, $0x38;
	[tilespmem:$0x1E420] =	vst v63  }
0x6a: {  	_ =	swait.ge [sflag:s24], $0x2800  }
0x6b: {  	[sflag:s24] =	ssyncset.done $0x0  }
0x6c: {  	s5 =	rddreg [dreg:$0x8];
	[sflag:s24] =	ssyncadd.s32 $0xFFFFD800  }
0x6d: {  	[hbm4b:s5+s1] =	stream.linear.scatter [tilespmem:s16], [sflag:$0x2], $0x2800, $0x38;
	[tilespmem:$0x1E420] =	vst v63  }
0x6e: {  	s6 =	rddreg [dreg:$0x1f]  }
0x6f: {  	[tilespmem:s14], [sflag:$0x7] =	stream.linear.gather [spmem:s6], $0x50, $0x38;
	[tilespmem:$0x1E420] =	vst v63  }
0x70: {  	_ =	swait.ge [sflag:s24], $0x50  }
0x71: {  	[sflag:s24] =	ssyncset.done $0x0  }
0x72: {  	s7 =	rddreg [dreg:$0x10];
	[sflag:s24] =	ssyncadd.s32 $0xFFFFFFB0  }
0x73: {  	[hbm4b:s7+s1] =	stream.linear.scatter [tilespmem:s14], [sflag:$0x7], $0x50, $0x38;
	[tilespmem:$0x1E420] =	vst v63  }
0x74: {  	_ =	swait.ge [sflag:s24], $0x50  }
0x75: {  	[sflag:s24] =	ssyncset.done $0x0  }
0x76: {  	[sflag:s24] =	ssyncadd.s32 $0xFFFFFFB0  }
0x77: {  	_ =	swait.ge [sflag:s30], $0x2800  }
0x78: {  	[sflag:s30] =	ssyncset.done $0x0  }
0x79: {  	[sflag:s30] =	ssyncadd.s32 $0xFFFFD800  }
0x7a: {  	[tilespmem:s13], [sflag:$0x7] =	stream.linear.gather [spmem:s11], $0x2800, $0x38;
	[tilespmem:$0x1E420] =	vst v63  }
0x7b: {  	_ =	swait.ge [sflag:s24], $0x2800  }
0x7c: {  	[sflag:s24] =	ssyncset.done $0x0;
	s8 =	rddreg [dreg:$0x9]  }
0x7d: {  	s9 =	sld [smem:$0x7F2];
	[sflag:s24] =	ssyncadd.s32 $0xFFFFD800  }
0x7e: {  	[hbm4b:s8+s1] =	stream.linear.scatter [tilespmem:s13], [sflag:$0x1], $0x2800, $0x38;
	[tilespmem:$0x1E420] =	vst v63  }
0x7f: {  	_ = 	snop  }
0x80: {  	[tilespmem:s14], [sflag:$0x7] =	stream.linear.gather [spmem:s9], $0x50, $0x38;
	[tilespmem:$0x1E420] =	vst v63  }
0x81: {  	_ =	swait.ge [sflag:s24], $0x50  }
0x82: {  	[sflag:s24] =	ssyncset.done $0x0  }
0x83: {  	s10 =	rddreg [dreg:$0x11];
	[sflag:s24] =	ssyncadd.s32 $0xFFFFFFB0  }
0x84: {  	[hbm4b:s10+s1] =	stream.linear.scatter [tilespmem:s14], [sflag:$0x7], $0x50, $0x38;
	[tilespmem:$0x1E420] =	vst v63  }
0x85: {  	_ =	swait.ge [sflag:s24], $0x50  }
0x86: {  	[sflag:s24] =	ssyncset.done $0x0  }
0x87: {  	[sflag:s24] =	ssyncadd.s32 $0xFFFFFFB0  }
0x88: {  	_ =	swait.ge [sflag:s0], $0x2800  }
0x89: {  	s6 =	smov.u32 s11;
	s11 =	sld [smem:$0x7F3]  }
0x8a: {  	[sflag:s0] =	ssyncset.done $0x0  }
0x8b: {  	[sflag:s0] =	ssyncadd.s32 $0xFFFFD800  }
0x8c: {  	[tilespmem:s16], [sflag:$0x7] =	stream.linear.gather [spmem:s11], $0x2800, $0x38;
	[tilespmem:$0x1E420] =	vst v63  }
0x8d: {  	_ =	swait.ge [sflag:s24], $0x2800  }
0x8e: {  	[sflag:s24] =	ssyncset.done $0x0;
	s5 =	rddreg [dreg:$0xa]  }
0x8f: {  	s7 =	sld [smem:$0x7F4];
	[sflag:s24] =	ssyncadd.s32 $0xFFFFD800  }
0x90: {  	[hbm4b:s5+s1] =	stream.linear.scatter [tilespmem:s16], [sflag:$0x2], $0x2800, $0x38;
	[tilespmem:$0x1E420] =	vst v63  }
0x91: {  	_ = 	snop  }
0x92: {  	[tilespmem:s14], [sflag:$0x7] =	stream.linear.gather [spmem:s7], $0x50, $0x38;
	[tilespmem:$0x1E420] =	vst v63  }
0x93: {  	_ =	swait.ge [sflag:s24], $0x50  }
0x94: {  	[sflag:s24] =	ssyncset.done $0x0  }
0x95: {  	s8 =	rddreg [dreg:$0x12];
	[sflag:s24] =	ssyncadd.s32 $0xFFFFFFB0  }
0x96: {  	[hbm4b:s8+s1] =	stream.linear.scatter [tilespmem:s14], [sflag:$0x7], $0x50, $0x38;
	[tilespmem:$0x1E420] =	vst v63  }
0x97: {  	_ =	swait.ge [sflag:s24], $0x50  }
0x98: {  	[sflag:s24] =	ssyncset.done $0x0  }
0x99: {  	[sflag:s24] =	ssyncadd.s32 $0xFFFFFFB0  }
0x9a: {  	_ =	swait.ge [sflag:s30], $0x2800  }
0x9b: {  	s7 =	sld [smem:$0x7FD]  }
0x9c: {  	[sflag:s30] =	ssyncset.done $0x0  }
0x9d: {  	[sflag:s30] =	ssyncadd.s32 $0xFFFFD800  }
0x9e: {  	[tilespmem:s13], [sflag:$0x7] =	stream.linear.gather [spmem:s7], $0x2800, $0x38;
	[tilespmem:$0x1E420] =	vst v63  }
0x9f: {  	_ =	swait.ge [sflag:s24], $0x2800  }
0xa0: {  	[sflag:s24] =	ssyncset.done $0x0;
	s9 =	rddreg [dreg:$0xb]  }
0xa1: {  	s10 =	sld [smem:$0x7F5];
	[sflag:s24] =	ssyncadd.s32 $0xFFFFD800  }
0xa2: {  	[hbm4b:s9+s1] =	stream.linear.scatter [tilespmem:s13], [sflag:$0x1], $0x2800, $0x38;
	[tilespmem:$0x1E420] =	vst v63  }
0xa3: {  	_ = 	snop  }
0xa4: {  	[tilespmem:s14], [sflag:$0x7] =	stream.linear.gather [spmem:s10], $0x50, $0x38;
	[tilespmem:$0x1E420] =	vst v63  }
0xa5: {  	_ =	swait.ge [sflag:s24], $0x50  }
0xa6: {  	[sflag:s24] =	ssyncset.done $0x0  }
0xa7: {  	s11 =	rddreg [dreg:$0x13];
	[sflag:s24] =	ssyncadd.s32 $0xFFFFFFB0  }
0xa8: {  	[hbm4b:s11+s1] =	stream.linear.scatter [tilespmem:s14], [sflag:$0x7], $0x50, $0x38;
	[tilespmem:$0x1E420] =	vst v63  }
0xa9: {  	_ =	swait.ge [sflag:s24], $0x50  }
0xaa: {  	[sflag:s24] =	ssyncset.done $0x0  }
0xab: {  	[sflag:s24] =	ssyncadd.s32 $0xFFFFFFB0  }
0xac: {  	_ =	swait.ge [sflag:s0], $0x2800  }
0xad: {  	s5 =	sld [smem:$0x7F6]  }
0xae: {  	[sflag:s0] =	ssyncset.done $0x0  }
0xaf: {  	[sflag:s0] =	ssyncadd.s32 $0xFFFFD800  }
0xb0: {  	[tilespmem:s16], [sflag:$0x7] =	stream.linear.gather [spmem:s5], $0x2800, $0x38;
	[tilespmem:$0x1E420] =	vst v63  }
0xb1: {  	_ =	swait.ge [sflag:s24], $0x2800  }
0xb2: {  	[sflag:s24] =	ssyncset.done $0x0;
	s8 =	rddreg [dreg:$0xc]  }
0xb3: {  	s9 =	sld [smem:$0x7F7];
	[sflag:s24] =	ssyncadd.s32 $0xFFFFD800  }
0xb4: {  	[hbm4b:s8+s1] =	stream.linear.scatter [tilespmem:s16], [sflag:$0x2], $0x2800, $0x38;
	[tilespmem:$0x1E420] =	vst v63  }
0xb5: {  	_ = 	snop  }
0xb6: {  	[tilespmem:s14], [sflag:$0x7] =	stream.linear.gather [spmem:s9], $0x50, $0x38;
	[tilespmem:$0x1E420] =	vst v63  }
0xb7: {  	_ =	swait.ge [sflag:s24], $0x50  }
0xb8: {  	[sflag:s24] =	ssyncset.done $0x0  }
0xb9: {  	s10 =	rddreg [dreg:$0x14];
	[sflag:s24] =	ssyncadd.s32 $0xFFFFFFB0  }
0xba: {  	[hbm4b:s10+s1] =	stream.linear.scatter [tilespmem:s14], [sflag:$0x7], $0x50, $0x38;
	[tilespmem:$0x1E420] =	vst v63  }
0xbb: {  	_ =	swait.ge [sflag:s24], $0x50  }
0xbc: {  	[sflag:s24] =	ssyncset.done $0x0  }
0xbd: {  	[sflag:s24] =	ssyncadd.s32 $0xFFFFFFB0  }
0xbe: {  	_ =	swait.ge [sflag:s30], $0x2800  }
0xbf: {  	[sflag:s30] =	ssyncset.done $0x0  }
0xc0: {  	[sflag:s30] =	ssyncadd.s32 $0xFFFFD800  }
0xc1: {  	_ =	swait.ge [sflag:s0], $0x2800  }
0xc2: {  	s11 =	sld [smem:$0x7FC];
	_ =	sdelay $0x1  }
0xc3: {  	s3 =	sadd.s32 $0x1, s3  }
0xc4: {  	p0 =	sne.s32 s3, s11  }
.Ltmp1:
0xc5: {  	_ = 	snop;
	(pc) =	sbr.rel @!p0 .LBB2_17-.Ltmp1, $3  }
0xc6: {  	_ =	sdelay $0x1  }
0xc7: {  	[sflag:s0] =	ssyncset.done $0x0  }
0xc8: {  	[sflag:s0] =	ssyncadd.s32 $0xFFFFD800  }
.LBB2_1:
0xc9: {  	s4 =	rddreg [dreg:$0x15]  }
0xca: {  	[tilespmem:s23], [sflag:$0x7] =	stream.linear.gather [hbm4b:s4+s1], $0x2800, $0x38;
	[tilespmem:$0x1E420] =	vst v63  }
0xcb: {  	_ =	swait.ge [sflag:s24], $0x2800  }
0xcc: {  	[sflag:s24] =	ssyncset.done $0x0  }
0xcd: {  	s10 =	rddreg [dreg:$0x16];
	[sflag:s24] =	ssyncadd.s32 $0xFFFFD800  }
0xce: {  	[tilespmem:s12], [sflag:$0x7] =	stream.linear.gather [hbm4b:s10+s1], $0x2800, $0x38;
	[tilespmem:$0x1E420] =	vst v63  }
0xcf: {  	_ =	swait.ge [sflag:s24], $0x2800  }
0xd0: {  	[sflag:s24] =	ssyncset.done $0x0  }
0xd1: {  	s5 =	simm.s32 $0xA190;
	s11 =	rddreg [dreg:$0x17];
	[sflag:s24] =	ssyncadd.s32 $0xFFFFD800  }
0xd2: {  	[tilespmem:s5], [sflag:$0x7] =	stream.linear.gather [hbm4b:s11+s1], $0x10, $0x38;
	[tilespmem:$0x1E420] =	vst v63  }
0xd3: {  	_ =	swait.ge [sflag:s24], $0x10  }
0xd4: {  	[sflag:s24] =	ssyncset.done $0x0  }
0xd5: {  	s4 =	simm.s32 $0x0;
	s5 =	simm.s32 $0x200;
	[sflag:s24] =	ssyncadd.s32 $0xFFFFFFF0  }
.LBB2_2:
0xd6: {  	p0 =	sne.s32 s5, $0x9E00;
	[tilespmem:s4+$0x1B0] =	vst v0  }
0xd7: {  	[tilespmem:s4+$0x140] =	vst v0  }
0xd8: {  	[tilespmem:s4+$0x150] =	vst v0  }
.Ltmp2:
0xd9: {  	[tilespmem:s4+$0x160] =	vst v0;
	(pc) =	sbr.rel @p0 .LBB2_2-.Ltmp2, $4  }
0xda: {  	[tilespmem:s4+$0x170] =	vst v0  }
0xdb: {  	[tilespmem:s4+$0x180] =	vst v0  }
0xdc: {  	[tilespmem:s4+$0x190] =	vst v0  }
0xdd: {  	[tilespmem:s4+$0x1A0] =	vst v0;
	s4 =	sshra.s32 s5, $0x2;
	s5 =	sadd.s32 $0x200, s5  }
0xde: {  	[tilespmem:s4+$0x1B0] =	vst v0  }
0xdf: {  	[tilespmem:s4+$0x140] =	vst v0  }
0xe0: {  	[tilespmem:s4+$0x150] =	vst v0  }
0xe1: {  	[tilespmem:s4+$0x160] =	vst v0  }
0xe2: {  	[tilespmem:s4+$0x170] =	vst v0  }
0xe3: {  	[tilespmem:s4+$0x180] =	vst v0  }
0xe4: {  	[tilespmem:s4+$0x190] =	vst v0  }
0xe5: {  	[tilespmem:s4+$0x1A0] =	vst v0  }
0xe6: {  	[tilespmem:$0x5140] =	vst v0  }
0xe7: {  	[tilespmem:$0x5150] =	vst v0  }
0xe8: {  	[tilespmem:$0x5160] =	vst v0  }
0xe9: {  	[tilespmem:$0x5170] =	vst v0  }
0xea: {  	s10 =	rddreg [dreg:$0x18];
	[tilespmem:$0x5180] =	vst v0  }
0xeb: {  	[spmem:s10] =	stream.linear.scatter [tilespmem:s13], [sflag:$0x7], $0x2800, $0x38;
	[tilespmem:$0x1E420] =	vst v63  }
0xec: {  	_ =	swait.ge [sflag:s24], $0x2800  }
0xed: {  	[sflag:s24] =	ssyncset.done $0x0  }
0xee: {  	s11 =	rddreg [dreg:$0x19];
	[sflag:s24] =	ssyncadd.s32 $0xFFFFD800  }
0xef: {  	[spmem:s11] =	stream.linear.scatter [tilespmem:s14], [sflag:$0x7], $0x50, $0x38;
	[tilespmem:$0x1E420] =	vst v63  }
0xf0: {  	_ =	swait.ge [sflag:s24], $0x50  }
0xf1: {  	[sflag:s24] =	ssyncset.done $0x0  }
0xf2: {  	s5 =	rddreg [dreg:$0x1a];
	[sflag:s24] =	ssyncadd.s32 $0xFFFFFFB0  }
0xf3: {  	[spmem:s5] =	stream.linear.scatter [tilespmem:s13], [sflag:$0x7], $0x2800, $0x38;
	[tilespmem:$0x1E420] =	vst v63  }
0xf4: {  	_ =	swait.ge [sflag:s24], $0x2800  }
0xf5: {  	[sflag:s24] =	ssyncset.done $0x0  }
0xf6: {  	s8 =	rddreg [dreg:$0x1b];
	[sflag:s24] =	ssyncadd.s32 $0xFFFFD800  }
0xf7: {  	[spmem:s8] =	stream.linear.scatter [tilespmem:s14], [sflag:$0x7], $0x50, $0x38;
	[tilespmem:$0x1E420] =	vst v63  }
0xf8: {  	_ =	swait.ge [sflag:s24], $0x50  }
0xf9: {  	[sflag:s24] =	ssyncset.done $0x0  }
0xfa: {  	s9 =	rddreg [dreg:$0x1c];
	[sflag:s24] =	ssyncadd.s32 $0xFFFFFFB0  }
0xfb: {  	[spmem:s9] =	stream.linear.scatter [tilespmem:s13], [sflag:$0x7], $0x2800, $0x38;
	[tilespmem:$0x1E420] =	vst v63  }
0xfc: {  	_ =	swait.ge [sflag:s24], $0x2800  }
0xfd: {  	[sflag:s24] =	ssyncset.done $0x0  }
0xfe: {  	s10 =	rddreg [dreg:$0x1d];
	[sflag:s24] =	ssyncadd.s32 $0xFFFFD800  }
0xff: {  	[spmem:s10] =	stream.linear.scatter [tilespmem:s14], [sflag:$0x7], $0x50, $0x38;
	[tilespmem:$0x1E420] =	vst v63  }
0x100: {  	_ =	swait.ge [sflag:s24], $0x50  }
0x101: {  	[sflag:s24] =	ssyncset.done $0x0  }
0x102: {  	s11 =	rddreg [dreg:$0x1e];
	[sflag:s24] =	ssyncadd.s32 $0xFFFFFFB0  }
0x103: {  	[spmem:s11] =	stream.linear.scatter [tilespmem:s13], [sflag:$0x7], $0x2800, $0x38;
	[tilespmem:$0x1E420] =	vst v63  }
0x104: {  	_ =	swait.ge [sflag:s24], $0x2800  }
0x105: {  	[sflag:s24] =	ssyncset.done $0x0  }
0x106: {  	s5 =	rddreg [dreg:$0x1f];
	[sflag:s24] =	ssyncadd.s32 $0xFFFFD800  }
0x107: {  	[spmem:s5] =	stream.linear.scatter [tilespmem:s14], [sflag:$0x7], $0x50, $0x38;
	[tilespmem:$0x1E420] =	vst v63  }
0x108: {  	_ =	swait.ge [sflag:s24], $0x50  }
0x109: {  	[sflag:s24] =	ssyncset.done $0x0  }
0x10a: {  	[sflag:s24] =	ssyncadd.s32 $0xFFFFFFB0  }
0x10b: {  	[spmem:s6] =	stream.linear.scatter [tilespmem:s13], [sflag:$0x7], $0x2800, $0x38;
	[tilespmem:$0x1E420] =	vst v63  }
0x10c: {  	_ =	swait.ge [sflag:s24], $0x2800  }
0x10d: {  	s8 =	sld [smem:$0x7F2]  }
0x10e: {  	[sflag:s24] =	ssyncset.done $0x0  }
0x10f: {  	[sflag:s24] =	ssyncadd.s32 $0xFFFFD800  }
0x110: {  	[spmem:s8] =	stream.linear.scatter [tilespmem:s14], [sflag:$0x7], $0x50, $0x38;
	[tilespmem:$0x1E420] =	vst v63  }
0x111: {  	_ =	swait.ge [sflag:s24], $0x50  }
0x112: {  	s9 =	sld [smem:$0x7F3]  }
0x113: {  	[sflag:s24] =	ssyncset.done $0x0  }
0x114: {  	[sflag:s24] =	ssyncadd.s32 $0xFFFFFFB0  }
0x115: {  	[spmem:s9] =	stream.linear.scatter [tilespmem:s13], [sflag:$0x7], $0x2800, $0x38;
	[tilespmem:$0x1E420] =	vst v63  }
0x116: {  	_ =	swait.ge [sflag:s24], $0x2800  }
0x117: {  	s10 =	sld [smem:$0x7F4]  }
0x118: {  	[sflag:s24] =	ssyncset.done $0x0  }
0x119: {  	[sflag:s24] =	ssyncadd.s32 $0xFFFFD800  }
0x11a: {  	[spmem:s10] =	stream.linear.scatter [tilespmem:s14], [sflag:$0x7], $0x50, $0x38;
	[tilespmem:$0x1E420] =	vst v63  }
0x11b: {  	_ =	swait.ge [sflag:s24], $0x50  }
0x11c: {  	[sflag:s24] =	ssyncset.done $0x0  }
0x11d: {  	[sflag:s24] =	ssyncadd.s32 $0xFFFFFFB0  }
0x11e: {  	[spmem:s7] =	stream.linear.scatter [tilespmem:s13], [sflag:$0x7], $0x2800, $0x38;
	[tilespmem:$0x1E420] =	vst v63  }
0x11f: {  	_ =	swait.ge [sflag:s24], $0x2800  }
0x120: {  	s5 =	sld [smem:$0x7F5]  }
0x121: {  	[sflag:s24] =	ssyncset.done $0x0  }
0x122: {  	[sflag:s24] =	ssyncadd.s32 $0xFFFFD800  }
0x123: {  	[spmem:s5] =	stream.linear.scatter [tilespmem:s14], [sflag:$0x7], $0x50, $0x38;
	[tilespmem:$0x1E420] =	vst v63  }
0x124: {  	_ =	swait.ge [sflag:s24], $0x50  }
0x125: {  	s11 =	smov.u32 s6;
	s6 =	sld [smem:$0x7F6]  }
0x126: {  	[sflag:s24] =	ssyncset.done $0x0  }
0x127: {  	[sflag:s24] =	ssyncadd.s32 $0xFFFFFFB0  }
0x128: {  	[spmem:s6] =	stream.linear.scatter [tilespmem:s13], [sflag:$0x7], $0x2800, $0x38;
	[tilespmem:$0x1E420] =	vst v63  }
0x129: {  	_ =	swait.ge [sflag:s24], $0x2800  }
0x12a: {  	s7 =	sld [smem:$0x7F7]  }
0x12b: {  	[sflag:s24] =	ssyncset.done $0x0  }
0x12c: {  	[sflag:s24] =	ssyncadd.s32 $0xFFFFD800  }
0x12d: {  	[spmem:s7] =	stream.linear.scatter [tilespmem:s14], [sflag:$0x7], $0x50, $0x38;
	[tilespmem:$0x1E420] =	vst v63  }
0x12e: {  	_ =	swait.ge [sflag:s24], $0x50  }
0x12f: {  	s5 =	sld [smem:$0x7F8]  }
0x130: {  	[sflag:s24] =	ssyncset.done $0x0  }
0x131: {  	s4 =	simm.s32 $0x0;
	s8 =	sld [smem:$0x7F9];
	[sflag:s24] =	ssyncadd.s32 $0xFFFFFFB0  }
0x132: {  	[tilespmem:s4], [sflag:$0x3] =	stream.linear.gather [hbm4b:s5+s4], $0x50, $0x38;
	[tilespmem:$0x1E420] =	vst v63  }
0x133: {  	s9 =	sld [smem:$0x7FA]  }
0x134: {  	[tilespmem:s15], [sflag:$0x5] =	stream.linear.gather [hbm4b:s8+s4], $0x50, $0x38;
	[tilespmem:$0x1E420] =	vst v63  }
0x135: {  	s10 =	sld [smem:$0x7FB]  }
0x136: {  	[tilespmem:s22], [sflag:$0x4] =	stream.linear.gather [hbm4b:s9+s4], $0x50, $0x38;
	[tilespmem:$0x1E420] =	vst v63  }
0x137: {  	_ = 	snop  }
0x138: {  	[tilespmem:s28], [sflag:$0x6] =	stream.linear.gather [hbm4b:s10+s4], $0x50, $0x38;
	[tilespmem:$0x1E420] =	vst v63  }
0x139: {  	_ =	swait.ge [sflag:s29], $0x50  }
0x13a: {  	[sflag:s29] =	ssyncset.done $0x0  }
.Ltmp3:
0x13b: {  	[sflag:s29] =	ssyncadd.s32 $0xFFFFFFB0;
	(pc) =	sbr.rel .LBB2_4-.Ltmp3, $3  }
0x13c: {  	[tilespmem:s13], [sflag:$0x1] =	stream.indirect.gather [hbm4b:s21+s22], $0x80, s4, s22, $0xb8;
	[tilespmem:$0x1E420] =	vst v63  }
0x13d: {  	v1 =	vld [tilespmem:$0xA190]  }
0x13e: {  	[bflag:$0x0] =	sbarrier.arrive $0xFFFF;
	_ =	sdelay $0x1  }
.LBB2_15:
0x13f: {  	s4 =	sadd.s32 $0x1, s4  }
.LBB2_4:
0x140: {  	_ =	swait.ge [sflag:s30], $0x2800  }
0x141: {  	p0 =	sgt.u32 s4, $0x3D;
	[sflag:s30] =	ssyncset.done $0x0  }
0x142: {  	s5 =	simm.s32 @!p0 $0x4;
	[sflag:s30] =	ssyncadd.s32 $0xFFFFD800  }
0x143: {  	_ =	swait.ge @!p0 [sflag:s5], $0x50  }
0x144: {  	[sflag:s5] =	ssyncset.done @!p0 $0x0  }
0x145: {  	s6 =	simm.s32 @!p0 $0x2940;
	[sflag:s5] =	ssyncadd.s32 @!p0 $0xFFFFFFB0;
	s5 =	simm.s32 @!p0 $0x50  }
0x146: {  	[tilespmem:s6], [sflag:$0x2] =	stream.indirect.gather @!p0 [hbm4b:s21+s5], $0x80, s5, s5, $0xb8;
	[tilespmem:$0x1E420] =	vst v63  }
0x147: {  	_ =	swait.ge [sflag:s31], $0x50  }
0x148: {  	[sflag:s31] =	ssyncset.done $0x0  }
0x149: {  	s5 =	simm.s32 $0x0;
	[sflag:s31] =	ssyncadd.s32 $0xFFFFFFB0  }
0x14a: {  	v2 =	vld [tilespmem:s5+$0x0]  }
0x14b: {  	v3 =	vld [tilespmem:s5+$0xA0];
	_ =	sdelay $0x6  }
0x14c: {  	v2 =	vld.idx.msk [tilespmem:v2+s23+$0x0], $0xffff  }
0x14d: {  	v3 =	vld.idx.msk [tilespmem:v3+s12+$0x0], $0xffff;
	_ =	sdelay $0x1  }
0x14e: {  	s6 =	simm.s32 $0x10  }
0x14f: {  	v4 =	vld [tilespmem:s6+$0x0]  }
0x150: {  	v5 =	vld [tilespmem:s6+$0xA0]  }
0x151: {  	v6 =	vadd.f32 v3, v1;
	v2 =	vadd.f32 v3, v2;
	_ =	sdelay $0x1  }
0x152: {  	v3 =	vmul.f32 $2.000000030e-01, v6;
	v7 =	vmul.f32 $2.000000030e-01, v2  }
0x153: {  	vm0 =	vgt.f32 v6, $0.0e+00;
	vm1 =	vgt.f32 v2, $0.0e+00  }
0x154: {  	v3 =	vsel vm0, v6, v3;
	v2 =	vsel vm1, v2, v7  }
0x155: {  	v3 =	vsub.f32 v2, v3  }
0x156: {  	v2 =	vld.idx.msk [tilespmem:v4+s23+$0x0], $0xffff  }
0x157: {  	v6 =	vmul.f32 $1.442695020e+00, v3;
	v3 =	vld.idx.msk [tilespmem:v5+s12+$0x0], $0xffff  }
0x158: {  	s7 =	simm.s32 $0x20  }
0x159: {  	s8 =	simm.s32 $0xC0;
	v4 =	vld [tilespmem:s7+$0x0];
	(erf) = vpow2.f32 v6  }
.LBB2_5:
0x15a: {  	p1 =	sne.s32 s8, $0x100;
	v5 =	vld [tilespmem:s7+$0xA0];
	_ =	sdelay $0x1  }
0x15b: {  	v6 =	vadd.f32 v3, v1;
	v2 =	vadd.f32 v3, v2;
	_ =	sdelay $0x1  }
0x15c: {  	v3 =	vmul.f32 $2.000000030e-01, v6;
	v7 =	vmul.f32 $2.000000030e-01, v2  }
0x15d: {  	vm0 =	vgt.f32 v6, $0.0e+00;
	vm1 =	vgt.f32 v2, $0.0e+00  }
0x15e: {  	v3 =	vsel vm0, v6, v3;
	v6 =	vsel vm1, v2, v7  }
.Ltmp4:
0x15f: {  	v2 =	vld.idx.msk [tilespmem:v4+s23+$0x0], $0xffff;
	v4 =	vsub.f32 v6, v3;
	(pc) =	sbr.rel @p1 .LBB2_5-.Ltmp4, $4  }
0x160: {  	v3 =	vld.idx.msk [tilespmem:v5+s12+$0x0], $0xffff;
	v5 =	vpop (erf)  }
0x161: {  	v6 =	vmul.f32 $1.442695020e+00, v4;
	[tilespmem:s5+$0x5140] =	vst v5;
	s5 =	smov.u32 s6;
	s6 =	smov.u32 s7  }
0x162: {  	s7 =	sshra.s32 s8, $0x2  }
0x163: {  	s8 =	sadd.s32 $0x40, s8;
	v4 =	vld [tilespmem:s7+$0x0];
	(erf) = vpow2.f32 v6  }
0x164: {  	_ = 	snop  }
0x165: {  	v5 =	vld [tilespmem:s7+$0xA0];
	_ =	sdelay $0x6  }
0x166: {  	v4 =	vld.idx.msk [tilespmem:v4+s23+$0x0], $0xffff  }
0x167: {  	v5 =	vld.idx.msk [tilespmem:v5+s12+$0x0], $0xffff;
	_ =	sdelay $0x2  }
0x168: {  	v6 =	vadd.f32 v3, v1  }
0x169: {  	v2 =	vadd.f32 v3, v2  }
0x16a: {  	v3 =	vmul.f32 $2.000000030e-01, v6;
	v7 =	vadd.f32 v5, v1;
	v4 =	vadd.f32 v5, v4  }
0x16b: {  	vm0 =	vgt.f32 v6, $0.0e+00;
	vm1 =	vgt.f32 v2, $0.0e+00;
	v5 =	vmul.f32 $2.000000030e-01, v2  }
0x16c: {  	v3 =	vsel vm0, v6, v3;
	v6 =	vmul.f32 $2.000000030e-01, v7;
	v8 =	vmul.f32 $2.000000030e-01, v4  }
0x16d: {  	v2 =	vsel vm1, v2, v5;
	vm14 =	vgt.f32 v7, $0.0e+00;
	vm15 =	vgt.f32 v4, $0.0e+00  }
0x16e: {  	v2 =	vsub.f32 v2, v3;
	v3 =	vsel vm14, v7, v6;
	v4 =	vsel vm15, v4, v8  }
0x16f: {  	v3 =	vsub.f32 v4, v3  }
0x170: {  	v2 =	vmul.f32 $1.442695020e+00, v2  }
0x171: {  	v3 =	vmul.f32 $1.442695020e+00, v3  }
0x172: {  	(erf) = vpow2.f32 v2  }
0x173: {  	(erf) = vpow2.f32 v3;
	_ =	sdelay $0x4  }
0x174: {  	s8 =	simm.s32 $0x0  }
0x175: {  	v2 =	vmov s8  }
0x176: {  	v3 =	vpop (erf)  }
0x177: {  	[tilespmem:s5+$0x5140] =	vst v3;
	v4 =	vpop (erf)  }
0x178: {  	[tilespmem:s6+$0x5140] =	vst v4;
	v3 =	vpop (erf)  }
0x179: {  	[tilespmem:s7+$0x5140] =	vst v3  }
0x17a: {  	s6 =	simm.s32 $0x180;
	v9 =	vld.idx.msk [tilespmem:v2+s14+$0x0], $0xffff  }
0x17b: {  	v2 =	vld [tilespmem:s6+$0x30]  }
0x17c: {  	v3 =	vld [tilespmem:s6+$0xFFFFFFC0]  }
0x17d: {  	v4 =	vld [tilespmem:s6+$0xFFFFFFD0]  }
0x17e: {  	s9 =	simm.s32 $0x1;
	v5 =	vld [tilespmem:s6+$0xFFFFFFE0]  }
0x17f: {  	v6 =	vmov s9;
	v8 =	vld [tilespmem:s6+$0x0]  }
0x180: {  	v7 =	vld [tilespmem:s6+$0xFFFFFFF0];
	v2 =	vmul.f32 v2, v9  }
0x181: {  	v10 =	vld [tilespmem:s6+$0x10];
	v3 =	vmul.f32 v3, v9  }
0x182: {  	s5 =	simm.s32 $0x200;
	v11 =	vld [tilespmem:s6+$0x20];
	v12 =	vmul.f32 v4, v9;
	[tilespmem:s6+$0x30] =	vst v2  }
0x183: {  	v5 =	vmul.f32 v5, v9;
	v4 =	vld [tilespmem:s5+$0x30];
	[tilespmem:s6+$0xFFFFFFC0] =	vst v3  }
0x184: {  	v63 =	vmul.f32 v8, v9;
	v2 =	vld.idx.msk [tilespmem:v6+s14+$0x0], $0xffff;
	[tilespmem:s6+$0xFFFFFFD0] =	vst v12  }
0x185: {  	v6 =	vmul.f32 v7, v9;
	v3 =	vld [tilespmem:s5+$0xFFFFFFC0];
	[tilespmem:s6+$0xFFFFFFE0] =	vst v5  }
0x186: {  	s10 =	simm.s32 $0x2;
	v8 =	vmul.f32 v10, v9;
	v5 =	vld [tilespmem:s5+$0xFFFFFFD0];
	[tilespmem:s6+$0x0] =	vst v63  }
0x187: {  	s7 =	simm.s32 $0x3;
	v7 =	vmov s10;
	v9 =	vmul.f32 v11, v9;
	[tilespmem:s6+$0xFFFFFFF0] =	vst v6;
	v6 =	vld [tilespmem:s5+$0xFFFFFFE0]  }
.LBB2_7:
0x188: {  	p1 =	sne.s32 s7, $0x4F;
	v10 =	vld [tilespmem:s5+$0xFFFFFFF0];
	[tilespmem:s6+$0x10] =	vst v8  }
0x189: {  	v8 =	vld [tilespmem:s5+$0x0];
	v4 =	vmul.f32 v4, v2;
	[tilespmem:s6+$0x20] =	vst v9;
	v9 =	vmov v2;
	s6 =	smov.u32 s5  }
0x18a: {  	v3 =	vmul.f32 v3, v9;
	v11 =	vld [tilespmem:s5+$0x10]  }
0x18b: {  	v5 =	vmul.f32 v5, v9;
	v12 =	vld [tilespmem:s5+$0x20];
	[tilespmem:s5+$0x30] =	vst v4  }
.Ltmp5:
0x18c: {  	s5 =	sadd.s32 $0x80, s5;
	v2 =	vld.idx.msk [tilespmem:v7+s14+$0x0], $0xffff;
	[tilespmem:s6+$0xFFFFFFC0] =	vst v3;
	v6 =	vmul.f32 v6, v9;
	(pc) =	sbr.rel @p1 .LBB2_7-.Ltmp5, $4  }
0x18d: {  	v4 =	vld [tilespmem:s5+$0x30];
	[tilespmem:s6+$0xFFFFFFD0] =	vst v5;
	v7 =	vmul.f32 v10, v9  }
0x18e: {  	v3 =	vld [tilespmem:s5+$0xFFFFFFC0];
	[tilespmem:s6+$0xFFFFFFE0] =	vst v6;
	v10 =	vmul.f32 v8, v9  }
0x18f: {  	v5 =	vld [tilespmem:s5+$0xFFFFFFD0];
	[tilespmem:s6+$0xFFFFFFF0] =	vst v7;
	v8 =	vmul.f32 v11, v9  }
0x190: {  	v7 =	vmov s7;
	s7 =	sadd.s32 $0x1, s7;
	v6 =	vld [tilespmem:s5+$0xFFFFFFE0];
	[tilespmem:s6+$0x0] =	vst v10;
	v9 =	vmul.f32 v12, v9  }
0x191: {  	v10 =	vld [tilespmem:s5+$0xFFFFFFF0]  }
0x192: {  	v11 =	vld [tilespmem:s5+$0x0]  }
0x193: {  	[tilespmem:s6+$0x10] =	vst v8;
	v51 =	vld [tilespmem:s5+$0x10];
	v4 =	vmul.f32 v4, v2  }
0x194: {  	v52 =	vld [tilespmem:s5+$0x20];
	[tilespmem:s6+$0x20] =	vst v9;
	v3 =	vmul.f32 v3, v2  }
0x195: {  	v53 =	vld.idx.msk [tilespmem:v7+s14+$0x0], $0xffff;
	s10 =	sadd.s32 $0x80, s5;
	v5 =	vmul.f32 v5, v2;
	[tilespmem:s5+$0x30] =	vst v4  }
0x196: {  	v56 =	vld [tilespmem:s10+$0xFFFFFFC0];
	[tilespmem:s5+$0xFFFFFFC0] =	vst v3;
	v3 =	vmul.f32 v6, v2  }
0x197: {  	v54 =	vld [tilespmem:s10+$0x30];
	[tilespmem:s5+$0xFFFFFFD0] =	vst v5;
	v55 =	vmul.f32 v10, v2  }
0x198: {  	v59 =	vld [tilespmem:s10+$0xFFFFFFE0];
	[tilespmem:s5+$0xFFFFFFE0] =	vst v3;
	v3 =	vmul.f32 v11, v2  }
0x199: {  	v57 =	vld [tilespmem:s10+$0xFFFFFFD0];
	v58 =	vmul.f32 v51, v2;
	v2 =	vmul.f32 v52, v2;
	[tilespmem:s5+$0xFFFFFFF0] =	vst v55  }
0x19a: {  	v60 =	vld [tilespmem:s10+$0x0];
	[tilespmem:s5+$0x0] =	vst v3  }
0x19b: {  	v3 =	vld [tilespmem:s10+$0xFFFFFFF0];
	[tilespmem:s5+$0x20] =	vst v2;
	v2 =	vmul.f32 v56, v53  }
0x19c: {  	v63 =	vld [tilespmem:s10+$0x20];
	v6 =	vmul.f32 v54, v53;
	[tilespmem:s5+$0x10] =	vst v58  }
0x19d: {  	v61 =	vld [tilespmem:s10+$0x10];
	[tilespmem:s10+$0xFFFFFFC0] =	vst v2;
	v2 =	vmul.f32 v59, v53  }
0x19e: {  	v62 =	vmul.f32 v57, v53;
	[tilespmem:s10+$0x30] =	vst v6  }
0x19f: {  	[tilespmem:s10+$0xFFFFFFE0] =	vst v2;
	v2 =	vmul.f32 v60, v53  }
0x1a0: {  	[tilespmem:s10+$0xFFFFFFD0] =	vst v62;
	v3 =	vmul.f32 v3, v53  }
0x1a1: {  	[tilespmem:s10+$0x0] =	vst v2;
	v2 =	vmul.f32 v63, v53  }
0x1a2: {  	[tilespmem:s10+$0xFFFFFFF0] =	vst v3;
	v3 =	vmul.f32 v61, v53  }
0x1a3: {  	[tilespmem:s10+$0x20] =	vst v2  }
0x1a4: {  	[tilespmem:s10+$0x10] =	vst v3  }
0x1a5: {  	[spmem:s17] =	stream.indirect.scatter.add.f32 [tilespmem:s13], [sflag:$0x7], $0x80, s15, s22, $0xb8;
	[tilespmem:$0x1E420] =	vst v63  }
0x1a6: {  	_ =	swait.ge [sflag:s24], $0x2800  }
0x1a7: {  	p1 =	seq.s32 s4, $0x3E;
	[sflag:s24] =	ssyncset.done $0x0  }
.Ltmp6:
0x1a8: {  	[sflag:s24] =	ssyncadd.s32 $0xFFFFD800;
	(pc) =	sbr.rel @p1 .LBB2_16-.Ltmp6, $4  }
0x1a9: {  	[spmem:s18] =	stream.indirect.scatter.add.f32 [tilespmem:s14], [sflag:$0x7], $0x1, s15, s22, $0xb8;
	[tilespmem:$0x1E420] =	vst v63  }
0x1aa: {  	_ =	swait.ge [sflag:s24], $0x50  }
0x1ab: {  	[sflag:s24] =	ssyncset.done $0x0  }
0x1ac: {  	[sflag:s24] =	ssyncadd.s32 $0xFFFFFFB0  }
0x1ad: {  	s5 =	smul.u32 $0xA0, s4;
	_ =	sdelay $0x1  }
0x1ae: {  	s6 =	sadd.s32 s5, s19  }
.Ltmp7:
0x1af: {  	s6 =	sshrl.u32 s6, $0x3;
	(pc) =	sbr.rel @p0 .LBB2_15-.Ltmp7, $4  }
0x1b0: {  	s7 =	sadd.s32 s25, s6  }
0x1b1: {  	[tilespmem:s1], [sflag:$0x3] =	stream.linear.gather [hbm4b:s7+s1], $0x50, $0x38;
	[tilespmem:$0x1E420] =	vst v63  }
0x1b2: {  	s6 =	sadd.s32 s26, s6  }
0x1b3: {  	[tilespmem:s15], [sflag:$0x5] =	stream.linear.gather [hbm4b:s6+s1], $0x50, $0x38;
	[tilespmem:$0x1E420] =	vst v63  }
0x1b4: {  	_ =	swait.ge [sflag:s0], $0x2800  }
0x1b5: {  	[sflag:s0] =	ssyncset.done $0x0  }
0x1b6: {  	[sflag:s0] =	ssyncadd.s32 $0xFFFFD800  }
0x1b7: {  	_ =	swait.ge [sflag:s29], $0x50  }
0x1b8: {  	[sflag:s29] =	ssyncset.done $0x0  }
0x1b9: {  	s6 =	simm.s32 $0x0;
	[sflag:s29] =	ssyncadd.s32 $0xFFFFFFB0  }
0x1ba: {  	[tilespmem:s13], [sflag:$0x1] =	stream.indirect.gather [hbm4b:s21+s22], $0x80, s6, s22, $0xb8;
	[tilespmem:$0x1E420] =	vst v63  }
0x1bb: {  	_ =	swait.ge [sflag:s2], $0x50  }
0x1bc: {  	[sflag:s2] =	ssyncset.done $0x0  }
0x1bd: {  	s7 =	simm.s32 $0x0;
	[sflag:s2] =	ssyncadd.s32 $0xFFFFFFB0  }
0x1be: {  	v2 =	vld [tilespmem:s7+$0x50]  }
0x1bf: {  	v3 =	vld [tilespmem:s7+$0xF0];
	_ =	sdelay $0x6  }
0x1c0: {  	v2 =	vld.idx.msk [tilespmem:v2+s23+$0x0], $0xffff  }
0x1c1: {  	v3 =	vld.idx.msk [tilespmem:v3+s12+$0x0], $0xffff;
	_ =	sdelay $0x1  }
0x1c2: {  	s8 =	simm.s32 $0x10  }
0x1c3: {  	v4 =	vld [tilespmem:s8+$0x50]  }
0x1c4: {  	v5 =	vld [tilespmem:s8+$0xF0]  }
0x1c5: {  	v6 =	vadd.f32 v3, v1;
	v2 =	vadd.f32 v3, v2;
	_ =	sdelay $0x1  }
0x1c6: {  	v3 =	vmul.f32 $2.000000030e-01, v6;
	v7 =	vmul.f32 $2.000000030e-01, v2  }
0x1c7: {  	vm0 =	vgt.f32 v6, $0.0e+00;
	vm1 =	vgt.f32 v2, $0.0e+00  }
0x1c8: {  	v3 =	vsel vm0, v6, v3;
	v2 =	vsel vm1, v2, v7  }
0x1c9: {  	v3 =	vsub.f32 v2, v3  }
0x1ca: {  	v2 =	vld.idx.msk [tilespmem:v4+s23+$0x0], $0xffff  }
0x1cb: {  	v6 =	vmul.f32 $1.442695020e+00, v3;
	v3 =	vld.idx.msk [tilespmem:v5+s12+$0x0], $0xffff  }
0x1cc: {  	s9 =	simm.s32 $0x20  }
0x1cd: {  	s10 =	simm.s32 $0xC0;
	v4 =	vld [tilespmem:s9+$0x50];
	(erf) = vpow2.f32 v6  }
.LBB2_11:
0x1ce: {  	p0 =	sne.s32 s10, $0x100;
	v5 =	vld [tilespmem:s9+$0xF0];
	_ =	sdelay $0x1  }
0x1cf: {  	v6 =	vadd.f32 v3, v1;
	v2 =	vadd.f32 v3, v2;
	_ =	sdelay $0x1  }
0x1d0: {  	v3 =	vmul.f32 $2.000000030e-01, v6;
	v7 =	vmul.f32 $2.000000030e-01, v2  }
0x1d1: {  	vm0 =	vgt.f32 v6, $0.0e+00;
	vm1 =	vgt.f32 v2, $0.0e+00  }
0x1d2: {  	v3 =	vsel vm0, v6, v3;
	v6 =	vsel vm1, v2, v7  }
.Ltmp8:
0x1d3: {  	v2 =	vld.idx.msk [tilespmem:v4+s23+$0x0], $0xffff;
	v4 =	vsub.f32 v6, v3;
	(pc) =	sbr.rel @p0 .LBB2_11-.Ltmp8, $4  }
0x1d4: {  	v3 =	vld.idx.msk [tilespmem:v5+s12+$0x0], $0xffff;
	v5 =	vpop (erf)  }
0x1d5: {  	v6 =	vmul.f32 $1.442695020e+00, v4;
	[tilespmem:s7+$0x5140] =	vst v5;
	s7 =	smov.u32 s8;
	s8 =	smov.u32 s9  }
0x1d6: {  	s9 =	sshra.s32 s10, $0x2  }
0x1d7: {  	s10 =	sadd.s32 $0x40, s10;
	v4 =	vld [tilespmem:s9+$0x50];
	(erf) = vpow2.f32 v6  }
0x1d8: {  	_ = 	snop  }
0x1d9: {  	v5 =	vld [tilespmem:s9+$0xF0];
	_ =	sdelay $0x6  }
0x1da: {  	v4 =	vld.idx.msk [tilespmem:v4+s23+$0x0], $0xffff  }
0x1db: {  	v5 =	vld.idx.msk [tilespmem:v5+s12+$0x0], $0xffff;
	_ =	sdelay $0x2  }
0x1dc: {  	v6 =	vadd.f32 v3, v1  }
0x1dd: {  	v2 =	vadd.f32 v3, v2  }
0x1de: {  	v3 =	vmul.f32 $2.000000030e-01, v6;
	v7 =	vadd.f32 v5, v1;
	v4 =	vadd.f32 v5, v4  }
0x1df: {  	vm0 =	vgt.f32 v6, $0.0e+00;
	vm1 =	vgt.f32 v2, $0.0e+00;
	v5 =	vmul.f32 $2.000000030e-01, v2  }
0x1e0: {  	v3 =	vsel vm0, v6, v3;
	v6 =	vmul.f32 $2.000000030e-01, v7;
	v8 =	vmul.f32 $2.000000030e-01, v4  }
0x1e1: {  	v2 =	vsel vm1, v2, v5;
	vm14 =	vgt.f32 v7, $0.0e+00;
	vm15 =	vgt.f32 v4, $0.0e+00  }
0x1e2: {  	v2 =	vsub.f32 v2, v3;
	v3 =	vsel vm14, v7, v6;
	v4 =	vsel vm15, v4, v8  }
0x1e3: {  	v3 =	vsub.f32 v4, v3  }
0x1e4: {  	v2 =	vmul.f32 $1.442695020e+00, v2  }
0x1e5: {  	v3 =	vmul.f32 $1.442695020e+00, v3  }
0x1e6: {  	(erf) = vpow2.f32 v2  }
0x1e7: {  	(erf) = vpow2.f32 v3;
	_ =	sdelay $0x5  }
0x1e8: {  	v2 =	vmov s6  }
0x1e9: {  	v3 =	vpop (erf)  }
0x1ea: {  	[tilespmem:s7+$0x5140] =	vst v3;
	v4 =	vpop (erf)  }
0x1eb: {  	[tilespmem:s8+$0x5140] =	vst v4;
	v3 =	vpop (erf)  }
0x1ec: {  	[tilespmem:s9+$0x5140] =	vst v3  }
0x1ed: {  	s7 =	simm.s32 $0x2980;
	v9 =	vld.idx.msk [tilespmem:v2+s14+$0x0], $0xffff  }
0x1ee: {  	v2 =	vld [tilespmem:s7+$0x30]  }
0x1ef: {  	v3 =	vld [tilespmem:s7+$0xFFFFFFC0]  }
0x1f0: {  	v4 =	vld [tilespmem:s7+$0xFFFFFFD0]  }
0x1f1: {  	s9 =	simm.s32 $0x1;
	v5 =	vld [tilespmem:s7+$0xFFFFFFE0]  }
0x1f2: {  	v6 =	vmov s9;
	v8 =	vld [tilespmem:s7+$0x0]  }
0x1f3: {  	v7 =	vld [tilespmem:s7+$0xFFFFFFF0];
	v2 =	vmul.f32 v2, v9  }
0x1f4: {  	v10 =	vld [tilespmem:s7+$0x10];
	v3 =	vmul.f32 v3, v9  }
0x1f5: {  	s6 =	simm.s32 $0x2A00;
	v11 =	vld [tilespmem:s7+$0x20];
	v12 =	vmul.f32 v4, v9;
	[tilespmem:s7+$0x30] =	vst v2  }
0x1f6: {  	v5 =	vmul.f32 v5, v9;
	v4 =	vld [tilespmem:s6+$0x30];
	[tilespmem:s7+$0xFFFFFFC0] =	vst v3  }
0x1f7: {  	v63 =	vmul.f32 v8, v9;
	v2 =	vld.idx.msk [tilespmem:v6+s14+$0x0], $0xffff;
	[tilespmem:s7+$0xFFFFFFD0] =	vst v12  }
0x1f8: {  	v6 =	vmul.f32 v7, v9;
	v3 =	vld [tilespmem:s6+$0xFFFFFFC0];
	[tilespmem:s7+$0xFFFFFFE0] =	vst v5  }
0x1f9: {  	s10 =	simm.s32 $0x2;
	v8 =	vmul.f32 v10, v9;
	v5 =	vld [tilespmem:s6+$0xFFFFFFD0];
	[tilespmem:s7+$0x0] =	vst v63  }
0x1fa: {  	s8 =	simm.s32 $0x3;
	v7 =	vmov s10;
	v9 =	vmul.f32 v11, v9;
	[tilespmem:s7+$0xFFFFFFF0] =	vst v6;
	v6 =	vld [tilespmem:s6+$0xFFFFFFE0]  }
.LBB2_13:
0x1fb: {  	p0 =	sne.s32 s8, $0x4F;
	v10 =	vld [tilespmem:s6+$0xFFFFFFF0];
	[tilespmem:s7+$0x10] =	vst v8  }
0x1fc: {  	v8 =	vld [tilespmem:s6+$0x0];
	v4 =	vmul.f32 v4, v2;
	[tilespmem:s7+$0x20] =	vst v9;
	v9 =	vmov v2;
	s7 =	smov.u32 s6  }
0x1fd: {  	v3 =	vmul.f32 v3, v9;
	v11 =	vld [tilespmem:s6+$0x10]  }
0x1fe: {  	v5 =	vmul.f32 v5, v9;
	v12 =	vld [tilespmem:s6+$0x20];
	[tilespmem:s6+$0x30] =	vst v4  }
.Ltmp9:
0x1ff: {  	s6 =	sadd.s32 $0x80, s6;
	v2 =	vld.idx.msk [tilespmem:v7+s14+$0x0], $0xffff;
	[tilespmem:s7+$0xFFFFFFC0] =	vst v3;
	v6 =	vmul.f32 v6, v9;
	(pc) =	sbr.rel @p0 .LBB2_13-.Ltmp9, $4  }
0x200: {  	v4 =	vld [tilespmem:s6+$0x30];
	[tilespmem:s7+$0xFFFFFFD0] =	vst v5;
	v7 =	vmul.f32 v10, v9  }
0x201: {  	v3 =	vld [tilespmem:s6+$0xFFFFFFC0];
	[tilespmem:s7+$0xFFFFFFE0] =	vst v6;
	v10 =	vmul.f32 v8, v9  }
0x202: {  	v5 =	vld [tilespmem:s6+$0xFFFFFFD0];
	[tilespmem:s7+$0xFFFFFFF0] =	vst v7;
	v8 =	vmul.f32 v11, v9  }
0x203: {  	v7 =	vmov s8;
	s8 =	sadd.s32 $0x1, s8;
	v6 =	vld [tilespmem:s6+$0xFFFFFFE0];
	[tilespmem:s7+$0x0] =	vst v10;
	v9 =	vmul.f32 v12, v9  }
0x204: {  	v10 =	vld [tilespmem:s6+$0xFFFFFFF0]  }
0x205: {  	v11 =	vld [tilespmem:s6+$0x0]  }
0x206: {  	[tilespmem:s7+$0x10] =	vst v8;
	v51 =	vld [tilespmem:s6+$0x10];
	v4 =	vmul.f32 v4, v2  }
0x207: {  	v52 =	vld [tilespmem:s6+$0x20];
	[tilespmem:s7+$0x20] =	vst v9;
	v3 =	vmul.f32 v3, v2  }
0x208: {  	v53 =	vld.idx.msk [tilespmem:v7+s14+$0x0], $0xffff;
	s10 =	sadd.s32 $0x80, s6;
	v5 =	vmul.f32 v5, v2;
	[tilespmem:s6+$0x30] =	vst v4  }
0x209: {  	v56 =	vld [tilespmem:s10+$0xFFFFFFC0];
	[tilespmem:s6+$0xFFFFFFC0] =	vst v3;
	v3 =	vmul.f32 v6, v2  }
0x20a: {  	v54 =	vld [tilespmem:s10+$0x30];
	[tilespmem:s6+$0xFFFFFFD0] =	vst v5;
	v55 =	vmul.f32 v10, v2  }
0x20b: {  	v59 =	vld [tilespmem:s10+$0xFFFFFFE0];
	[tilespmem:s6+$0xFFFFFFE0] =	vst v3;
	v3 =	vmul.f32 v11, v2  }
0x20c: {  	v57 =	vld [tilespmem:s10+$0xFFFFFFD0];
	v58 =	vmul.f32 v51, v2;
	v2 =	vmul.f32 v52, v2;
	[tilespmem:s6+$0xFFFFFFF0] =	vst v55  }
0x20d: {  	v60 =	vld [tilespmem:s10+$0x0];
	[tilespmem:s6+$0x0] =	vst v3  }
0x20e: {  	v3 =	vld [tilespmem:s10+$0xFFFFFFF0];
	[tilespmem:s6+$0x20] =	vst v2;
	v2 =	vmul.f32 v56, v53  }
0x20f: {  	v63 =	vld [tilespmem:s10+$0x20];
	v6 =	vmul.f32 v54, v53;
	[tilespmem:s6+$0x10] =	vst v58  }
0x210: {  	v61 =	vld [tilespmem:s10+$0x10];
	[tilespmem:s10+$0xFFFFFFC0] =	vst v2;
	v2 =	vmul.f32 v59, v53  }
0x211: {  	v62 =	vmul.f32 v57, v53;
	[tilespmem:s10+$0x30] =	vst v6  }
0x212: {  	[tilespmem:s10+$0xFFFFFFE0] =	vst v2;
	v2 =	vmul.f32 v60, v53  }
0x213: {  	[tilespmem:s10+$0xFFFFFFD0] =	vst v62;
	v3 =	vmul.f32 v3, v53  }
0x214: {  	[tilespmem:s10+$0x0] =	vst v2;
	v2 =	vmul.f32 v63, v53  }
0x215: {  	[tilespmem:s10+$0xFFFFFFF0] =	vst v3;
	v3 =	vmul.f32 v61, v53  }
0x216: {  	[tilespmem:s10+$0x20] =	vst v2  }
0x217: {  	[tilespmem:s10+$0x10] =	vst v3  }
0x218: {  	[spmem:s17] =	stream.indirect.scatter.add.f32 [tilespmem:s16], [sflag:$0x7], $0x80, s28, s22, $0xb8;
	[tilespmem:$0x1E420] =	vst v63  }
0x219: {  	_ =	swait.ge [sflag:s24], $0x2800  }
0x21a: {  	[sflag:s24] =	ssyncset.done $0x0  }
0x21b: {  	p0 =	seq.s32 s4, $0x3D;
	[sflag:s24] =	ssyncadd.s32 $0xFFFFD800  }
0x21c: {  	[spmem:s18] =	stream.indirect.scatter.add.f32 [tilespmem:s14], [sflag:$0x7], $0x1, s28, s22, $0xb8;
	[tilespmem:$0x1E420] =	vst v63  }
0x21d: {  	s5 =	sadd.s32 @!p0 s5, s20;
	s7 =	simm.s32 @!p0 $0x0;
	_ =	swait.ge [sflag:s24], $0x50  }
.Ltmp10:
0x21e: {  	s5 =	sshrl.u32 @!p0 s5, $0x3;
	[sflag:s24] =	ssyncset.done $0x0;
	(pc) =	sbr.rel .LBB2_15-.Ltmp10, $4  }
0x21f: {  	s8 =	simm.s32 @!p0 $0x50;
	s6 =	sadd.s32 @!p0 s25, s5;
	[sflag:s24] =	ssyncadd.s32 $0xFFFFFFB0  }
0x220: {  	[tilespmem:s8], [sflag:$0x4] =	stream.linear.gather @!p0 [hbm4b:s6+s7], $0x50, $0x38;
	[tilespmem:$0x1E420] =	vst v63  }
0x221: {  	s5 =	sadd.s32 @!p0 s26, s5;
	s6 =	simm.s32 @!p0 $0xF0  }
0x222: {  	[tilespmem:s6], [sflag:$0x6] =	stream.linear.gather @!p0 [hbm4b:s5+s7], $0x50, $0x38;
	[tilespmem:$0x1E420] =	vst v63  }
.LBB2_17:
0x223: {  	_ =	sfence.sel $0x180000  }
0x224: {  	[bflag:$0x0] =	sbarrier.arrive $0xFFFF  }
0x225: {  	_ =	strace $0x90000047  }
0x226: {  	s0 =	stileid.u32;
	[bflag:$0x2] =	sbarrier.arrive $0xFFFF  }
0x227: {  	p0 =	sne.s32 s0, $0x0;
	s0 =	rddreg [dreg:$0x4]  }
0x228: {  	s0 =	sadd.s32 @!p0 $0x100000, s0  }
0x229: {  	[sflag:s0] =	ssyncadd.tile.s32 @!p0 $0x1;
	_ =	shalt  }
.Lfunc_end2:
_tile_overlayer_lowered:
.L_overlay_start_2:
0x22a: {  	(tag) =	ssettag $0x2  }
0x22b: {  	s0 =	rddreg [dreg:$0x0];
	s2 =	stileid.u32  }
0x22c: {  	s1 =	rddreg [dreg:$0x1];
	p0 =	sne.s32 s2, $0x0  }
0x22d: {  	s3 =	rddreg [dreg:$0x2];
	[bflag:$0x3] =	sbarrier.arrive $0xFFFF;
	s2 =	simm.s32 @!p0 $0x1C07  }
0x22e: {  	[timem:s3], [sflag:s2] =	dma.local @!p0 [hbm:s0], s1  }
0x22f: {  	s0 =	simm.s32 @!p0 $0x7  }
0x230: {  	_ =	swait.ge @!p0 [sflag:s0], s1  }
0x231: {  	s1 =	ssub.s32 @!p0 $0x0, s1;
	[sflag:s0] =	ssyncset.done @!p0 $0x0  }
0x232: {  	[sflag:s0] =	ssyncadd.s32 @!p0 s1  }
0x233: {  	[bflag:$0x3] =	sbarrier.arrive $0xFFFF  }
0x234: {  	_ =	shalt  }

</sc_bundles>
